<compile_context>
chip_gen: v7x
topology: tpu7x:2x2x1
jax: 0.10.2.dev20260603
libtpu: 0.0.44.dev20260713+nightly
codegen_flags: <defaults>
</compile_context>

<pallas_src>
import functools

import jax
import jax.numpy as jnp
from jax import lax
from jax.experimental import pallas as pl
from jax.experimental.pallas import tpu as pltpu
from jax.experimental.pallas import tpu_sc as plsc

NC = 2
NS = 16
NW = NC * NS
CHUNK = 112
LANES = 16
DEGW = 128


def _fill(ref, rows, cols, value):
    @pl.loop(0, rows)
    def _(r):
        for c0 in range(0, cols, LANES):
            ref[r, pl.ds(c0, LANES)] = jnp.full((LANES,), value, jnp.float32)


def _unpack_dst(pk, j, dbuf):
    for k in range(0, CHUNK, LANES):
        v = pk[j, pl.ds(k, LANES)]
        dbuf[pl.ds(k, LANES)] = lax.shift_right_logical(v, 16)


def _unpack_src(pk, j, sbuf):
    for k in range(0, CHUNK, LANES):
        v = pk[j, pl.ds(k, LANES)]
        sbuf[pl.ds(k, LANES)] = lax.bitwise_and(v, jnp.int32(0xFFFF))


def _make_deg_kernel(n_pad, cpw):
    rps = n_pad // NS
    mesh = plsc.VectorSubcoreMesh(core_axis_name="c", subcore_axis_name="s")

    @functools.partial(
        pl.kernel, mesh=mesh,
        out_type=jax.ShapeDtypeStruct((NC, n_pad, DEGW), jnp.float32),
        scratch_types=[
            pltpu.VMEM((cpw, CHUNK), jnp.int32),
            pltpu.VMEM((CHUNK,), jnp.int32),
            pltpu.VMEM((CHUNK, DEGW), jnp.float32),
            pltpu.VMEM_SHARED((n_pad, DEGW), jnp.float32),
        ],
    )
    def deg_kernel(pk_hbm, out_hbm, pk, dbuf, ones_v, acc):
        c = lax.axis_index("c")
        s = lax.axis_index("s")
        wid = s * NC + c
        _fill(ones_v, CHUNK, DEGW, 1.0)
        for k in range(rps // CHUNK):
            pltpu.sync_copy(ones_v, acc.at[pl.ds(s * rps + k * CHUNK, CHUNK)])
        if rps % CHUNK:
            zr = rps % CHUNK
            pltpu.sync_copy(ones_v.at[pl.ds(0, zr)],
                            acc.at[pl.ds(s * rps + (rps // CHUNK) * CHUNK, zr)])
        pltpu.sync_copy(pk_hbm.at[wid], pk)
        plsc.subcore_barrier()

        @pl.loop(0, cpw)
        def _(j):
            _unpack_dst(pk, j, dbuf)
            pltpu.sync_copy(ones_v, acc.at[dbuf], add=True)

        plsc.subcore_barrier()
        pltpu.sync_copy(acc.at[pl.ds(s * rps, rps)],
                        out_hbm.at[c].at[pl.ds(s * rps, rps)])

    return deg_kernel


def _make_seg_sum_kernel(n_pad, k0, k1, d):
    assert k0 % 8 == 0 and k1 % 8 == 0 and k0 >= k1 >= 8
    rps = n_pad // NS
    zr = rps % CHUNK
    mesh = plsc.VectorSubcoreMesh(core_axis_name="c", subcore_axis_name="s")

    @functools.partial(
        pl.kernel, mesh=mesh,
        out_type=jax.ShapeDtypeStruct((NC, n_pad, d), jnp.float32),
        scratch_types=[
            pltpu.VMEM((k0, CHUNK), jnp.int32),
            pltpu.VMEM((CHUNK,), jnp.int32),
            pltpu.VMEM((CHUNK,), jnp.int32),
            pltpu.VMEM((CHUNK,), jnp.int32),
            pltpu.VMEM((CHUNK,), jnp.int32),
            pltpu.VMEM((CHUNK, d), jnp.float32),
            pltpu.VMEM((CHUNK, d), jnp.float32),
            pltpu.VMEM_SHARED((n_pad, d), jnp.float32),
            pltpu.SemaphoreType.DMA,
            pltpu.SemaphoreType.DMA,
        ],
    )
    def seg_kernel(h_hbm, pk_hbm, out_hbm,
                   pk, sb0, sb1, db0, db1, rows0, rows1, acc, sem0, sem1):
        c = lax.axis_index("c")
        s = lax.axis_index("s")
        _fill(rows0, CHUNK, d, 0.0)
        for k in range(rps // CHUNK):
            pltpu.sync_copy(rows0, acc.at[pl.ds(s * rps + k * CHUNK, CHUNK)])
        if zr:
            pltpu.sync_copy(rows0.at[pl.ds(0, zr)],
                            acc.at[pl.ds(s * rps + (rps // CHUNK) * CHUNK, zr)])
        base = jnp.where(c == 0, s * k0, NS * k0 + s * k1)
        pltpu.sync_copy(pk_hbm.at[pl.ds(base, k0)], pk)
        plsc.subcore_barrier()

        @pl.when(c == 0)
        def _():
            _unpack_src(pk, 0, sb0)
            _unpack_dst(pk, 0, db0)
            pltpu.async_copy(h_hbm.at[sb0], rows0, sem0)
            _unpack_src(pk, 1, sb1)
            _unpack_dst(pk, 1, db1)
            pltpu.async_copy(h_hbm.at[sb1], rows1, sem1)

            @pl.loop(0, k0 // 2)
            def _(p):
                j = 2 * p
                pltpu.make_async_copy(h_hbm.at[sb0], rows0, sem0).wait()
                pltpu.sync_copy(rows0, acc.at[db0], add=True)

                @pl.when(j + 2 < k0)
                def _():
                    _unpack_src(pk, j + 2, sb0)
                    _unpack_dst(pk, j + 2, db0)
                    pltpu.async_copy(h_hbm.at[sb0], rows0, sem0)

                pltpu.make_async_copy(h_hbm.at[sb1], rows1, sem1).wait()
                pltpu.sync_copy(rows1, acc.at[db1], add=True)

                @pl.when(j + 3 < k0)
                def _():
                    _unpack_src(pk, j + 3, sb1)
                    _unpack_dst(pk, j + 3, db1)
                    pltpu.async_copy(h_hbm.at[sb1], rows1, sem1)

        @pl.when(c == 1)
        def _():
            @pl.loop(0, k1)
            def _(j):
                _unpack_src(pk, j, sb0)
                _unpack_dst(pk, j, db0)
                pltpu.async_copy(h_hbm.at[sb0], rows0, sem0).wait()
                pltpu.sync_copy(rows0, acc.at[db0], add=True)

        plsc.subcore_barrier()
        pltpu.sync_copy(acc.at[pl.ds(s * rps, rps)],
                        out_hbm.at[c].at[pl.ds(s * rps, rps)])

    return seg_kernel


def _dinv_block(deg_blk):
    deg = deg_blk[0, :, 0] + deg_blk[1, :, 0] - 1.0
    return lax.rsqrt(deg)


def _tc_scale_matmul(x, w, degp, bn=1000):
    n, f = x.shape
    hid = w.shape[1]

    def body(x_ref, w_ref, deg_ref, o_ref):
        dinv = _dinv_block(deg_ref[...])
        h = jnp.dot(x_ref[...], w_ref[...], preferred_element_type=jnp.float32)
        o_ref[...] = h * dinv[:, None]

    return pl.pallas_call(
        body,
        grid=(n // bn,),
        in_specs=[
            pl.BlockSpec((bn, f), lambda i: (i, 0)),
            pl.BlockSpec((f, hid), lambda i: (0, 0)),
            pl.BlockSpec((NC, bn, DEGW), lambda i: (0, i, 0)),
        ],
        out_specs=pl.BlockSpec((bn, hid), lambda i: (i, 0)),
        out_shape=jax.ShapeDtypeStruct((n, hid), jnp.float32),
    )(x, w, degp)


def _tc_mid(accp, h1p, degp, b1, w2p, bn=1000):
    n, hid = h1p.shape
    c_pad = w2p.shape[1]

    nacc = accp.shape[0]

    def body(a_ref, h_ref, deg_ref, b_ref, w_ref, o_ref):
        dinv = _dinv_block(deg_ref[...])
        a = jnp.sum(a_ref[...], axis=0)
        z = dinv[:, None] * (a + h_ref[...]) + b_ref[...]
        z = jnp.maximum(z, 0.0)
        o_ref[...] = jnp.dot(z, w_ref[...],
                             preferred_element_type=jnp.float32) * dinv[:, None]

    return pl.pallas_call(
        body,
        grid=(n // bn,),
        in_specs=[
            pl.BlockSpec((nacc, bn, hid), lambda i: (0, i, 0)),
            pl.BlockSpec((bn, hid), lambda i: (i, 0)),
            pl.BlockSpec((NC, bn, DEGW), lambda i: (0, i, 0)),
            pl.BlockSpec((1, hid), lambda i: (0, 0)),
            pl.BlockSpec((hid, c_pad), lambda i: (0, 0)),
        ],
        out_specs=pl.BlockSpec((bn, c_pad), lambda i: (i, 0)),
        out_shape=jax.ShapeDtypeStruct((n, c_pad), jnp.float32),
    )(accp, h1p, degp, b1, w2p)


def _tc_final(accp, h2p, degp, b2p, c_real, bn=1000):
    n, c_pad = h2p.shape

    nacc = accp.shape[0]

    def body(a_ref, h_ref, deg_ref, b_ref, o_ref):
        dinv = _dinv_block(deg_ref[...])
        a = jnp.sum(a_ref[...], axis=0)
        z = dinv[:, None] * (a + h_ref[...]) + b_ref[...]
        col = lax.broadcasted_iota(jnp.int32, (bn, c_pad), 1)
        mask = col < c_real
        zm = jnp.where(mask, z, -1e30)
        m = jnp.max(zm, axis=1, keepdims=True)
        e = jnp.where(mask, jnp.exp(zm - m), 0.0)
        lse = jnp.log(jnp.sum(e, axis=1, keepdims=True)) + m
        o_ref[...] = z - lse

    return pl.pallas_call(
        body,
        grid=(n // bn,),
        in_specs=[
            pl.BlockSpec((nacc, bn, c_pad), lambda i: (0, i, 0)),
            pl.BlockSpec((bn, c_pad), lambda i: (i, 0)),
            pl.BlockSpec((NC, bn, DEGW), lambda i: (0, i, 0)),
            pl.BlockSpec((1, c_pad), lambda i: (0, 0)),
        ],
        out_specs=pl.BlockSpec((bn, c_pad), lambda i: (i, 0)),
        out_shape=jax.ShapeDtypeStruct((n, c_pad), jnp.float32),
    )(accp, h2p, degp, b2p)


def kernel(x, edge_index, W1, b1, W2, b2):
    n, f_in = x.shape
    hid = W1.shape[1]
    c_real = W2.shape[1]
    e = edge_index.shape[1]

    cpw = -(-e // (NW * CHUNK))
    cpw = -(-cpw // 4) * 4
    e_pad = cpw * NW * CHUNK
    n_pad = -(-(n + 1) // (NS * 8)) * (NS * 8)
    c_pad = 128

    src = edge_index[0]
    dst = edge_index[1]
    pad = e_pad - e
    src_p = jnp.concatenate([src, jnp.zeros((pad,), jnp.int32)])
    dst_p = jnp.concatenate([dst, jnp.full((pad,), n, jnp.int32)])
    pk = src_p | (dst_p << 16)
    pk3 = pk.reshape(NW, cpw, CHUNK)
    ct = e_pad // CHUNK
    per_core = ct // NS
    k1 = 24
    k0 = per_core - k1
    pk2 = jnp.concatenate(
        [pk.reshape(ct, CHUNK),
         jnp.zeros((k0 - k1, CHUNK), jnp.int32)])

    w2p = jnp.zeros((hid, c_pad), jnp.float32).at[:, :c_real].set(W2)
    b1r = b1.reshape(1, hid)
    b2p = jnp.zeros((1, c_pad), jnp.float32).at[0, :c_real].set(b2)

    degp = _make_deg_kernel(n_pad, cpw)(pk3)

    h1p = _tc_scale_matmul(x, W1, degp)
    acc1 = _make_seg_sum_kernel(n_pad, k0, k1, hid)(h1p, pk2)
    h2p = _tc_mid(acc1, h1p, degp, b1r, w2p)
    acc2 = _make_seg_sum_kernel(n_pad, k0, k1, c_pad)(h2p, pk2)
    out = _tc_final(acc2, h2p, degp, b2p, c_real)
    return out[:, :c_real]

# --- scband reference (transcript-rebuilt; emitter-appended) ---
"""Pipeline reference for scband-gcn-10222022164972 (READ-ONLY COPY).

The authoritative reference and input builder live on the scoring server;
editing this copy changes nothing except your own understanding.
"""

import jax, jax.numpy as jnp
import numpy as np

N = 10000
E = 320000
F_IN = 128
HID = 128
C = 40


def setup_inputs(seed: int = 0) -> dict:
    key = jax.random.key(seed)
    k1, k2, k3, k4 = jax.random.split(key, 4)
    x = jax.random.normal(k1, (N, F_IN), dtype=jnp.float32)
    edge_index = jax.random.randint(k2, (2, E), 0, N, dtype=jnp.int32)
    W1 = jax.random.normal(k3, (F_IN, HID), dtype=jnp.float32) * (1.0 / np.sqrt(F_IN))
    b1 = jnp.zeros((HID,), dtype=jnp.float32)
    W2 = jax.random.normal(k4, (HID, C), dtype=jnp.float32) * (1.0 / np.sqrt(HID))
    b2 = jnp.zeros((C,), dtype=jnp.float32)
    return {"x": x, "edge_index": edge_index, "W1": W1, "b1": b1, "W2": W2, "b2": b2}


def _gcn_conv(x, src, dst, W, b):
    n = x.shape[0]
    # symmetric normalization with self-loops (PyG GCNConv default)
    deg = jnp.zeros((n,), dtype=x.dtype).at[dst].add(1.0)
    dinv = jnp.where(deg > 0, 1.0 / jnp.sqrt(deg), 0.0)
    norm = dinv[src] * dinv[dst]
    h = x @ W
    msg = h[src] * norm[:, None]
    out = jnp.zeros((n, h.shape[1]), dtype=x.dtype).at[dst].add(msg)
    return out + b


def reference(x, edge_index, W1, b1, W2, b2):
    n = x.shape[0]
    loop = jnp.arange(n, dtype=edge_index.dtype)
    src = jnp.concatenate([edge_index[0], loop])
    dst = jnp.concatenate([edge_index[1], loop])
    h = _gcn_conv(x, src, dst, W1, b1)
    h = jax.nn.relu(h)
    # dropout is identity in eval mode
    h = _gcn_conv(h, src, dst, W2, b2)
    return jax.nn.log_softmax(h, axis=1)

if __name__ == "__main__":
    import jax
    _d = setup_inputs()
    print(jax.jit(kernel)(*tuple(_d.values())))

</pallas_src>

<mosaic_0001>
#map = affine_map<(d0, d1) -> (0, 0)>
#map1 = affine_map<(d0, d1) -> (0, 0, 0)>
module attributes {stable_mosaic.version = 14 : i64} {
  func.func @seg_kernel(%arg0: i32, %arg1: i32, %arg2: memref<10000x128xf32, #tpu.memory_space<hbm>>, %arg3: memref<3080x112xi32, #tpu.memory_space<hbm>>, %arg4: memref<2x10112x128xf32, #tpu.memory_space<hbm>>, %arg5: memref<160x112xi32, #tpu.memory_space<vmem>>, %arg6: memref<112xi32, #tpu.memory_space<vmem>>, %arg7: memref<112xi32, #tpu.memory_space<vmem>>, %arg8: memref<112xi32, #tpu.memory_space<vmem>>, %arg9: memref<112xi32, #tpu.memory_space<vmem>>, %arg10: memref<112x128xf32, #tpu.memory_space<vmem>>, %arg11: memref<112x128xf32, #tpu.memory_space<vmem>>, %arg12: memref<10112x128xf32, #tpu.memory_space<vmem_shared>>, %arg13: memref<!tpu.dma_semaphore, #tpu.memory_space<semaphore_mem>>, %arg14: memref<!tpu.dma_semaphore, #tpu.memory_space<semaphore_mem>>) attributes {dimension_semantics = [#tpu.dimension_semantics<core_parallel>, #tpu.dimension_semantics<subcore_parallel>], iteration_bounds = array<i64: 2, 16>, scalar_prefetch = 0 : i64, scratch_operands = 10 : i64, tpu.core_type = #tpu.core_type<sc_vector_subcore>, window_params = [{transform_indices = #map}, {transform_indices = #map}, {transform_indices = #map1}]} {
    %scan3A = arith.constant 0 : i32
    %scan3A_0 = arith.constant 112 : i32
    %scan3A_1 = arith.addi %scan3A, %scan3A_0 : i32
    %scan3A_2 = arith.constant 1 : i32
    scf.for %scan3A_46 = %scan3A to %scan3A_1 step %scan3A_2  : i32 {
      %mul3A_47 = arith.constant 1 : i32
      %mul3A_48 = arith.muli %scan3A_46, %mul3A_47 : i32
      %add3A_49 = arith.constant 0 : i32
      %add3A_50 = arith.addi %add3A_49, %mul3A_48 : i32
      %broadcast_in_dim3A = arith.constant 0.000000e+00 : f32
      %broadcast_in_dim3A_51 = vector.broadcast %broadcast_in_dim3A : f32 to vector<16xf32>
      %swap3A = arith.index_cast %add3A_50 : i32 to index
      %swap3A_52 = arith.constant 0 : index
      %swap3A_53 = tpu.vector_load %arg10[%swap3A, %swap3A_52] {strides = array<i32>} : memref<112x128xf32, #tpu.memory_space<vmem>>, vector<1x16xf32>,
      %swap3A_54 = vector.shape_cast %swap3A_53 : vector<1x16xf32> to vector<16xf32>
      %swap3A_55 = vector.shape_cast %broadcast_in_dim3A_51 : vector<16xf32> to vector<1x16xf32>
      tpu.vector_store %arg10[%swap3A, %swap3A_52], %swap3A_55 {strides = array<i32>} : memref<112x128xf32, #tpu.memory_space<vmem>>, vector<1x16xf32>,
      %broadcast_in_dim3A_56 = arith.constant 0.000000e+00 : f32
      %broadcast_in_dim3A_57 = vector.broadcast %broadcast_in_dim3A_56 : f32 to vector<16xf32>
      %swap3A_58 = arith.index_cast %add3A_50 : i32 to index
      %swap3A_59 = arith.constant 16 : index
      %swap3A_60 = tpu.vector_load %arg10[%swap3A_58, %swap3A_59] {strides = array<i32>} : memref<112x128xf32, #tpu.memory_space<vmem>>, vector<1x16xf32>,
      %swap3A_61 = vector.shape_cast %swap3A_60 : vector<1x16xf32> to vector<16xf32>
      %swap3A_62 = vector.shape_cast %broadcast_in_dim3A_57 : vector<16xf32> to vector<1x16xf32>
      tpu.vector_store %arg10[%swap3A_58, %swap3A_59], %swap3A_62 {strides = array<i32>} : memref<112x128xf32, #tpu.memory_space<vmem>>, vector<1x16xf32>,
      %broadcast_in_dim3A_63 = arith.constant 0.000000e+00 : f32
      %broadcast_in_dim3A_64 = vector.broadcast %broadcast_in_dim3A_63 : f32 to vector<16xf32>
      %swap3A_65 = arith.index_cast %add3A_50 : i32 to index
      %swap3A_66 = arith.constant 32 : index
      %swap3A_67 = tpu.vector_load %arg10[%swap3A_65, %swap3A_66] {strides = array<i32>} : memref<112x128xf32, #tpu.memory_space<vmem>>, vector<1x16xf32>,
      %swap3A_68 = vector.shape_cast %swap3A_67 : vector<1x16xf32> to vector<16xf32>
      %swap3A_69 = vector.shape_cast %broadcast_in_dim3A_64 : vector<16xf32> to vector<1x16xf32>
      tpu.vector_store %arg10[%swap3A_65, %swap3A_66], %swap3A_69 {strides = array<i32>} : memref<112x128xf32, #tpu.memory_space<vmem>>, vector<1x16xf32>,
      %broadcast_in_dim3A_70 = arith.constant 0.000000e+00 : f32
      %broadcast_in_dim3A_71 = vector.broadcast %broadcast_in_dim3A_70 : f32 to vector<16xf32>
      %swap3A_72 = arith.index_cast %add3A_50 : i32 to index
      %swap3A_73 = arith.constant 48 : index
      %swap3A_74 = tpu.vector_load %arg10[%swap3A_72, %swap3A_73] {strides = array<i32>} : memref<112x128xf32, #tpu.memory_space<vmem>>, vector<1x16xf32>,
      %swap3A_75 = vector.shape_cast %swap3A_74 : vector<1x16xf32> to vector<16xf32>
      %swap3A_76 = vector.shape_cast %broadcast_in_dim3A_71 : vector<16xf32> to vector<1x16xf32>
      tpu.vector_store %arg10[%swap3A_72, %swap3A_73], %swap3A_76 {strides = array<i32>} : memref<112x128xf32, #tpu.memory_space<vmem>>, vector<1x16xf32>,
      %broadcast_in_dim3A_77 = arith.constant 0.000000e+00 : f32
      %broadcast_in_dim3A_78 = vector.broadcast %broadcast_in_dim3A_77 : f32 to vector<16xf32>
      %swap3A_79 = arith.index_cast %add3A_50 : i32 to index
      %swap3A_80 = arith.constant 64 : index
      %swap3A_81 = tpu.vector_load %arg10[%swap3A_79, %swap3A_80] {strides = array<i32>} : memref<112x128xf32, #tpu.memory_space<vmem>>, vector<1x16xf32>,
      %swap3A_82 = vector.shape_cast %swap3A_81 : vector<1x16xf32> to vector<16xf32>
      %swap3A_83 = vector.shape_cast %broadcast_in_dim3A_78 : vector<16xf32> to vector<1x16xf32>
      tpu.vector_store %arg10[%swap3A_79, %swap3A_80], %swap3A_83 {strides = array<i32>} : memref<112x128xf32, #tpu.memory_space<vmem>>, vector<1x16xf32>,
      %broadcast_in_dim3A_84 = arith.constant 0.000000e+00 : f32
      %broadcast_in_dim3A_85 = vector.broadcast %broadcast_in_dim3A_84 : f32 to vector<16xf32>
      %swap3A_86 = arith.index_cast %add3A_50 : i32 to index
      %swap3A_87 = arith.constant 80 : index
      %swap3A_88 = tpu.vector_load %arg10[%swap3A_86, %swap3A_87] {strides = array<i32>} : memref<112x128xf32, #tpu.memory_space<vmem>>, vector<1x16xf32>,
      %swap3A_89 = vector.shape_cast %swap3A_88 : vector<1x16xf32> to vector<16xf32>
      %swap3A_90 = vector.shape_cast %broadcast_in_dim3A_85 : vector<16xf32> to vector<1x16xf32>
      tpu.vector_store %arg10[%swap3A_86, %swap3A_87], %swap3A_90 {strides = array<i32>} : memref<112x128xf32, #tpu.memory_space<vmem>>, vector<1x16xf32>,
      %broadcast_in_dim3A_91 = arith.constant 0.000000e+00 : f32
      %broadcast_in_dim3A_92 = vector.broadcast %broadcast_in_dim3A_91 : f32 to vector<16xf32>
      %swap3A_93 = arith.index_cast %add3A_50 : i32 to index
      %swap3A_94 = arith.constant 96 : index
      %swap3A_95 = tpu.vector_load %arg10[%swap3A_93, %swap3A_94] {strides = array<i32>} : memref<112x128xf32, #tpu.memory_space<vmem>>, vector<1x16xf32>,
      %swap3A_96 = vector.shape_cast %swap3A_95 : vector<1x16xf32> to vector<16xf32>
      %swap3A_97 = vector.shape_cast %broadcast_in_dim3A_92 : vector<16xf32> to vector<1x16xf32>
      tpu.vector_store %arg10[%swap3A_93, %swap3A_94], %swap3A_97 {strides = array<i32>} : memref<112x128xf32, #tpu.memory_space<vmem>>, vector<1x16xf32>,
      %broadcast_in_dim3A_98 = arith.constant 0.000000e+00 : f32
      %broadcast_in_dim3A_99 = vector.broadcast %broadcast_in_dim3A_98 : f32 to vector<16xf32>
      %swap3A_100 = arith.index_cast %add3A_50 : i32 to index
      %swap3A_101 = arith.constant 112 : index
      %swap3A_102 = tpu.vector_load %arg10[%swap3A_100, %swap3A_101] {strides = array<i32>} : memref<112x128xf32, #tpu.memory_space<vmem>>, vector<1x16xf32>,
      %swap3A_103 = vector.shape_cast %swap3A_102 : vector<1x16xf32> to vector<16xf32>
      %swap3A_104 = vector.shape_cast %broadcast_in_dim3A_99 : vector<16xf32> to vector<1x16xf32>
      tpu.vector_store %arg10[%swap3A_100, %swap3A_101], %swap3A_104 {strides = array<i32>} : memref<112x128xf32, #tpu.memory_space<vmem>>, vector<1x16xf32>,
    }
    %scan3A_3 = arith.constant 112 : i32
    %mul3A = arith.constant 632 : i32
    %mul3A_4 = arith.muli %arg1, %mul3A : i32
    %add3A = arith.constant 0 : i32
    %add3A_5 = arith.addi %mul3A_4, %add3A : i32
    "tpu.region"() ({
      %run_scoped3A = tpu.sem_alloc : memref<!tpu.dma_semaphore, #tpu.memory_space<semaphore_mem>>
      %dma_start3A = arith.constant 0 : i32
      %dma_start3A_46 = tpu.memref_slice %arg12[%add3A_5, %dma_start3A] : memref<10112x128xf32, #tpu.memory_space<vmem_shared>> -> memref<112x128xf32, #tpu.memory_space<vmem_shared>>
      %dma_start3A_47 = arith.constant 0 : i32
      %dma_start3A_48 = tpu.memref_slice %arg12[%add3A_5, %dma_start3A_47] : memref<10112x128xf32, #tpu.memory_space<vmem_shared>> -> memref<112x128xf32, #tpu.memory_space<vmem_shared>>
      tpu.enqueue_dma source(%arg10 : memref<112x128xf32, #tpu.memory_space<vmem>>) target(%dma_start3A_48 : memref<112x128xf32, #tpu.memory_space<vmem_shared>>) target_semaphore(%run_scoped3A : memref<!tpu.dma_semaphore, #tpu.memory_space<semaphore_mem>>)
      %dma_wait3A = arith.constant 0 : i32
      %dma_wait3A_49 = tpu.memref_slice %arg12[%add3A_5, %dma_wait3A] : memref<10112x128xf32, #tpu.memory_space<vmem_shared>> -> memref<112x128xf32, #tpu.memory_space<vmem_shared>>
      %dma_wait3A_50 = arith.constant 0 : i32
      %dma_wait3A_51 = tpu.memref_slice %arg12[%add3A_5, %dma_wait3A_50] : memref<10112x128xf32, #tpu.memory_space<vmem_shared>> -> memref<112x128xf32, #tpu.memory_space<vmem_shared>>
      tpu.wait_dma2 semaphore(%run_scoped3A : memref<!tpu.dma_semaphore, #tpu.memory_space<semaphore_mem>>) src(%arg10 : memref<112x128xf32, #tpu.memory_space<vmem>>) dst(%dma_wait3A_51 : memref<112x128xf32, #tpu.memory_space<vmem_shared>>)
      tpu.yield
    }) : () -> ()
    %mul3A_6 = arith.constant 632 : i32
    %mul3A_7 = arith.muli %arg1, %mul3A_6 : i32
    %add3A_8 = arith.constant 112 : i32
    %add3A_9 = arith.addi %mul3A_7, %add3A_8 : i32
    "tpu.region"() ({
      %run_scoped3A = tpu.sem_alloc : memref<!tpu.dma_semaphore, #tpu.memory_space<semaphore_mem>>
      %dma_start3A = arith.constant 0 : i32
      %dma_start3A_46 = tpu.memref_slice %arg12[%add3A_9, %dma_start3A] : memref<10112x128xf32, #tpu.memory_space<vmem_shared>> -> memref<112x128xf32, #tpu.memory_space<vmem_shared>>
      %dma_start3A_47 = arith.constant 0 : i32
      %dma_start3A_48 = tpu.memref_slice %arg12[%add3A_9, %dma_start3A_47] : memref<10112x128xf32, #tpu.memory_space<vmem_shared>> -> memref<112x128xf32, #tpu.memory_space<vmem_shared>>
      tpu.enqueue_dma source(%arg10 : memref<112x128xf32, #tpu.memory_space<vmem>>) target(%dma_start3A_48 : memref<112x128xf32, #tpu.memory_space<vmem_shared>>) target_semaphore(%run_scoped3A : memref<!tpu.dma_semaphore, #tpu.memory_space<semaphore_mem>>)
      %dma_wait3A = arith.constant 0 : i32
      %dma_wait3A_49 = tpu.memref_slice %arg12[%add3A_9, %dma_wait3A] : memref<10112x128xf32, #tpu.memory_space<vmem_shared>> -> memref<112x128xf32, #tpu.memory_space<vmem_shared>>
      %dma_wait3A_50 = arith.constant 0 : i32
      %dma_wait3A_51 = tpu.memref_slice %arg12[%add3A_9, %dma_wait3A_50] : memref<10112x128xf32, #tpu.memory_space<vmem_shared>> -> memref<112x128xf32, #tpu.memory_space<vmem_shared>>
      tpu.wait_dma2 semaphore(%run_scoped3A : memref<!tpu.dma_semaphore, #tpu.memory_space<semaphore_mem>>) src(%arg10 : memref<112x128xf32, #tpu.memory_space<vmem>>) dst(%dma_wait3A_51 : memref<112x128xf32, #tpu.memory_space<vmem_shared>>)
      tpu.yield
    }) : () -> ()
    %mul3A_10 = arith.constant 632 : i32
    %mul3A_11 = arith.muli %arg1, %mul3A_10 : i32
    %add3A_12 = arith.constant 224 : i32
    %add3A_13 = arith.addi %mul3A_11, %add3A_12 : i32
    "tpu.region"() ({
      %run_scoped3A = tpu.sem_alloc : memref<!tpu.dma_semaphore, #tpu.memory_space<semaphore_mem>>
      %dma_start3A = arith.constant 0 : i32
      %dma_start3A_46 = tpu.memref_slice %arg12[%add3A_13, %dma_start3A] : memref<10112x128xf32, #tpu.memory_space<vmem_shared>> -> memref<112x128xf32, #tpu.memory_space<vmem_shared>>
      %dma_start3A_47 = arith.constant 0 : i32
      %dma_start3A_48 = tpu.memref_slice %arg12[%add3A_13, %dma_start3A_47] : memref<10112x128xf32, #tpu.memory_space<vmem_shared>> -> memref<112x128xf32, #tpu.memory_space<vmem_shared>>
      tpu.enqueue_dma source(%arg10 : memref<112x128xf32, #tpu.memory_space<vmem>>) target(%dma_start3A_48 : memref<112x128xf32, #tpu.memory_space<vmem_shared>>) target_semaphore(%run_scoped3A : memref<!tpu.dma_semaphore, #tpu.memory_space<semaphore_mem>>)
      %dma_wait3A = arith.constant 0 : i32
      %dma_wait3A_49 = tpu.memref_slice %arg12[%add3A_13, %dma_wait3A] : memref<10112x128xf32, #tpu.memory_space<vmem_shared>> -> memref<112x128xf32, #tpu.memory_space<vmem_shared>>
      %dma_wait3A_50 = arith.constant 0 : i32
      %dma_wait3A_51 = tpu.memref_slice %arg12[%add3A_13, %dma_wait3A_50] : memref<10112x128xf32, #tpu.memory_space<vmem_shared>> -> memref<112x128xf32, #tpu.memory_space<vmem_shared>>
      tpu.wait_dma2 semaphore(%run_scoped3A : memref<!tpu.dma_semaphore, #tpu.memory_space<semaphore_mem>>) src(%arg10 : memref<112x128xf32, #tpu.memory_space<vmem>>) dst(%dma_wait3A_51 : memref<112x128xf32, #tpu.memory_space<vmem_shared>>)
      tpu.yield
    }) : () -> ()
    %mul3A_14 = arith.constant 632 : i32
    %mul3A_15 = arith.muli %arg1, %mul3A_14 : i32
    %add3A_16 = arith.constant 336 : i32
    %add3A_17 = arith.addi %mul3A_15, %add3A_16 : i32
    "tpu.region"() ({
      %run_scoped3A = tpu.sem_alloc : memref<!tpu.dma_semaphore, #tpu.memory_space<semaphore_mem>>
      %dma_start3A = arith.constant 0 : i32
      %dma_start3A_46 = tpu.memref_slice %arg12[%add3A_17, %dma_start3A] : memref<10112x128xf32, #tpu.memory_space<vmem_shared>> -> memref<112x128xf32, #tpu.memory_space<vmem_shared>>
      %dma_start3A_47 = arith.constant 0 : i32
      %dma_start3A_48 = tpu.memref_slice %arg12[%add3A_17, %dma_start3A_47] : memref<10112x128xf32, #tpu.memory_space<vmem_shared>> -> memref<112x128xf32, #tpu.memory_space<vmem_shared>>
      tpu.enqueue_dma source(%arg10 : memref<112x128xf32, #tpu.memory_space<vmem>>) target(%dma_start3A_48 : memref<112x128xf32, #tpu.memory_space<vmem_shared>>) target_semaphore(%run_scoped3A : memref<!tpu.dma_semaphore, #tpu.memory_space<semaphore_mem>>)
      %dma_wait3A = arith.constant 0 : i32
      %dma_wait3A_49 = tpu.memref_slice %arg12[%add3A_17, %dma_wait3A] : memref<10112x128xf32, #tpu.memory_space<vmem_shared>> -> memref<112x128xf32, #tpu.memory_space<vmem_shared>>
      %dma_wait3A_50 = arith.constant 0 : i32
      %dma_wait3A_51 = tpu.memref_slice %arg12[%add3A_17, %dma_wait3A_50] : memref<10112x128xf32, #tpu.memory_space<vmem_shared>> -> memref<112x128xf32, #tpu.memory_space<vmem_shared>>
      tpu.wait_dma2 semaphore(%run_scoped3A : memref<!tpu.dma_semaphore, #tpu.memory_space<semaphore_mem>>) src(%arg10 : memref<112x128xf32, #tpu.memory_space<vmem>>) dst(%dma_wait3A_51 : memref<112x128xf32, #tpu.memory_space<vmem_shared>>)
      tpu.yield
    }) : () -> ()
    %mul3A_18 = arith.constant 632 : i32
    %mul3A_19 = arith.muli %arg1, %mul3A_18 : i32
    %add3A_20 = arith.constant 448 : i32
    %add3A_21 = arith.addi %mul3A_19, %add3A_20 : i32
    "tpu.region"() ({
      %run_scoped3A = tpu.sem_alloc : memref<!tpu.dma_semaphore, #tpu.memory_space<semaphore_mem>>
      %dma_start3A = arith.constant 0 : i32
      %dma_start3A_46 = tpu.memref_slice %arg12[%add3A_21, %dma_start3A] : memref<10112x128xf32, #tpu.memory_space<vmem_shared>> -> memref<112x128xf32, #tpu.memory_space<vmem_shared>>
      %dma_start3A_47 = arith.constant 0 : i32
      %dma_start3A_48 = tpu.memref_slice %arg12[%add3A_21, %dma_start3A_47] : memref<10112x128xf32, #tpu.memory_space<vmem_shared>> -> memref<112x128xf32, #tpu.memory_space<vmem_shared>>
      tpu.enqueue_dma source(%arg10 : memref<112x128xf32, #tpu.memory_space<vmem>>) target(%dma_start3A_48 : memref<112x128xf32, #tpu.memory_space<vmem_shared>>) target_semaphore(%run_scoped3A : memref<!tpu.dma_semaphore, #tpu.memory_space<semaphore_mem>>)
      %dma_wait3A = arith.constant 0 : i32
      %dma_wait3A_49 = tpu.memref_slice %arg12[%add3A_21, %dma_wait3A] : memref<10112x128xf32, #tpu.memory_space<vmem_shared>> -> memref<112x128xf32, #tpu.memory_space<vmem_shared>>
      %dma_wait3A_50 = arith.constant 0 : i32
      %dma_wait3A_51 = tpu.memref_slice %arg12[%add3A_21, %dma_wait3A_50] : memref<10112x128xf32, #tpu.memory_space<vmem_shared>> -> memref<112x128xf32, #tpu.memory_space<vmem_shared>>
      tpu.wait_dma2 semaphore(%run_scoped3A : memref<!tpu.dma_semaphore, #tpu.memory_space<semaphore_mem>>) src(%arg10 : memref<112x128xf32, #tpu.memory_space<vmem>>) dst(%dma_wait3A_51 : memref<112x128xf32, #tpu.memory_space<vmem_shared>>)
      tpu.yield
    }) : () -> ()
    %mul3A_22 = arith.constant 632 : i32
    %mul3A_23 = arith.muli %arg1, %mul3A_22 : i32
    %add3A_24 = arith.constant 560 : i32
    %add3A_25 = arith.addi %mul3A_23, %add3A_24 : i32
    "tpu.region"() ({
      %run_scoped3A = tpu.sem_alloc : memref<!tpu.dma_semaphore, #tpu.memory_space<semaphore_mem>>
      %dma_start3A = arith.constant 0 : i32
      %dma_start3A_46 = arith.constant 0 : i32
      %dma_start3A_47 = tpu.memref_slice %arg10[%dma_start3A, %dma_start3A_46] : memref<112x128xf32, #tpu.memory_space<vmem>> -> memref<72x128xf32, #tpu.memory_space<vmem>>
      %dma_start3A_48 = arith.constant 0 : i32
      %dma_start3A_49 = tpu.memref_slice %arg12[%add3A_25, %dma_start3A_48] : memref<10112x128xf32, #tpu.memory_space<vmem_shared>> -> memref<72x128xf32, #tpu.memory_space<vmem_shared>>
      %dma_start3A_50 = arith.constant 0 : i32
      %dma_start3A_51 = tpu.memref_slice %arg12[%add3A_25, %dma_start3A_50] : memref<10112x128xf32, #tpu.memory_space<vmem_shared>> -> memref<72x128xf32, #tpu.memory_space<vmem_shared>>
      %dma_start3A_52 = arith.constant 0 : i32
      %dma_start3A_53 = arith.constant 0 : i32
      %dma_start3A_54 = tpu.memref_slice %arg10[%dma_start3A_52, %dma_start3A_53] : memref<112x128xf32, #tpu.memory_space<vmem>> -> memref<72x128xf32, #tpu.memory_space<vmem>>
      tpu.enqueue_dma source(%dma_start3A_54 : memref<72x128xf32, #tpu.memory_space<vmem>>) target(%dma_start3A_51 : memref<72x128xf32, #tpu.memory_space<vmem_shared>>) target_semaphore(%run_scoped3A : memref<!tpu.dma_semaphore, #tpu.memory_space<semaphore_mem>>)
      %dma_wait3A = arith.constant 0 : i32
      %dma_wait3A_55 = arith.constant 0 : i32
      %dma_wait3A_56 = tpu.memref_slice %arg10[%dma_wait3A, %dma_wait3A_55] : memref<112x128xf32, #tpu.memory_space<vmem>> -> memref<72x128xf32, #tpu.memory_space<vmem>>
      %dma_wait3A_57 = arith.constant 0 : i32
      %dma_wait3A_58 = tpu.memref_slice %arg12[%add3A_25, %dma_wait3A_57] : memref<10112x128xf32, #tpu.memory_space<vmem_shared>> -> memref<72x128xf32, #tpu.memory_space<vmem_shared>>
      %dma_wait3A_59 = arith.constant 0 : i32
      %dma_wait3A_60 = tpu.memref_slice %arg12[%add3A_25, %dma_wait3A_59] : memref<10112x128xf32, #tpu.memory_space<vmem_shared>> -> memref<72x128xf32, #tpu.memory_space<vmem_shared>>
      %dma_wait3A_61 = arith.constant 0 : i32
      %dma_wait3A_62 = arith.constant 0 : i32
      %dma_wait3A_63 = tpu.memref_slice %arg10[%dma_wait3A_61, %dma_wait3A_62] : memref<112x128xf32, #tpu.memory_space<vmem>> -> memref<72x128xf32, #tpu.memory_space<vmem>>
      tpu.wait_dma2 semaphore(%run_scoped3A : memref<!tpu.dma_semaphore, #tpu.memory_space<semaphore_mem>>) src(%dma_wait3A_63 : memref<72x128xf32, #tpu.memory_space<vmem>>) dst(%dma_wait3A_60 : memref<72x128xf32, #tpu.memory_space<vmem_shared>>)
      tpu.yield
    }) : () -> ()
    %eq3A = arith.constant 0 : i32
    %eq3A_26 = arith.cmpi eq, %arg0, %eq3A : i32
    %mul3A_27 = arith.constant 160 : i32
    %mul3A_28 = arith.muli %arg1, %mul3A_27 : i32
    %mul3A_29 = arith.constant 24 : i32
    %mul3A_30 = arith.muli %arg1, %mul3A_29 : i32
    %add3A_31 = arith.constant 2560 : i32
    %add3A_32 = arith.addi %add3A_31, %mul3A_30 : i32
    %select_n3A = arith.select %eq3A_26, %mul3A_28, %add3A_32 : i32
    "tpu.region"() ({
      %run_scoped3A = tpu.sem_alloc : memref<!tpu.dma_semaphore, #tpu.memory_space<semaphore_mem>>
      %dma_start3A = arith.constant 0 : i32
      %dma_start3A_46 = tpu.memref_slice %arg3[%select_n3A, %dma_start3A] : memref<3080x112xi32, #tpu.memory_space<hbm>> -> memref<160x112xi32, #tpu.memory_space<hbm>>
      %dma_start3A_47 = arith.constant 0 : i32
      %dma_start3A_48 = tpu.memref_slice %arg3[%select_n3A, %dma_start3A_47] : memref<3080x112xi32, #tpu.memory_space<hbm>> -> memref<160x112xi32, #tpu.memory_space<hbm>>
      tpu.enqueue_dma source(%dma_start3A_48 : memref<160x112xi32, #tpu.memory_space<hbm>>) target(%arg5 : memref<160x112xi32, #tpu.memory_space<vmem>>) target_semaphore(%run_scoped3A : memref<!tpu.dma_semaphore, #tpu.memory_space<semaphore_mem>>)
      %dma_wait3A = arith.constant 0 : i32
      %dma_wait3A_49 = tpu.memref_slice %arg3[%select_n3A, %dma_wait3A] : memref<3080x112xi32, #tpu.memory_space<hbm>> -> memref<160x112xi32, #tpu.memory_space<hbm>>
      %dma_wait3A_50 = arith.constant 0 : i32
      %dma_wait3A_51 = tpu.memref_slice %arg3[%select_n3A, %dma_wait3A_50] : memref<3080x112xi32, #tpu.memory_space<hbm>> -> memref<160x112xi32, #tpu.memory_space<hbm>>
      tpu.wait_dma2 semaphore(%run_scoped3A : memref<!tpu.dma_semaphore, #tpu.memory_space<semaphore_mem>>) src(%dma_wait3A_51 : memref<160x112xi32, #tpu.memory_space<hbm>>) dst(%arg5 : memref<160x112xi32, #tpu.memory_space<vmem>>)
      tpu.yield
    }) : () -> ()
    %barrier3A = arith.constant 0 : index
    tpu.barrier barrier_id(%barrier3A)
    %eq3A_33 = arith.constant 0 : i32
    %eq3A_34 = arith.cmpi eq, %arg0, %eq3A_33 : i32
    %convert_element_type3A = arith.extui %eq3A_34 : i1 to i32
    %cond3A = arith.constant 0 : i32
    %cond3A_35 = arith.cmpi ne, %convert_element_type3A, %cond3A : i32
    scf.if %cond3A_35 {
      %get3A = arith.constant 0 : i32
      %get3A_46 = arith.index_cast %get3A : i32 to index
      %get3A_47 = arith.constant 0 : index
      %get3A_48 = tpu.vector_load %arg5[%get3A_46, %get3A_47] {strides = array<i32>} : memref<160x112xi32, #tpu.memory_space<vmem>>, vector<1x16xi32>,
      %get3A_49 = vector.shape_cast %get3A_48 : vector<1x16xi32> to vector<16xi32>
      %and3A = arith.constant 65535 : i32
      %and3A_50 = vector.broadcast %and3A : i32 to vector<16xi32>
      %and3A_51 = arith.andi %get3A_49, %and3A_50 : vector<16xi32>
      %swap3A = arith.constant 0 : index
      %swap3A_52 = tpu.vector_load %arg6[%swap3A] {strides = array<i32>} : memref<112xi32, #tpu.memory_space<vmem>>, vector<16xi32>,
      %swap3A_53 = vector.shape_cast %swap3A_52 : vector<16xi32> to vector<16xi32>
      %swap3A_54 = vector.shape_cast %and3A_51 : vector<16xi32> to vector<16xi32>
      tpu.vector_store %arg6[%swap3A], %swap3A_54 {strides = array<i32>} : memref<112xi32, #tpu.memory_space<vmem>>, vector<16xi32>,
      %get3A_55 = arith.constant 0 : i32
      %get3A_56 = arith.index_cast %get3A_55 : i32 to index
      %get3A_57 = arith.constant 16 : index
      %get3A_58 = tpu.vector_load %arg5[%get3A_56, %get3A_57] {strides = array<i32>} : memref<160x112xi32, #tpu.memory_space<vmem>>, vector<1x16xi32>,
      %get3A_59 = vector.shape_cast %get3A_58 : vector<1x16xi32> to vector<16xi32>
      %and3A_60 = arith.constant 65535 : i32
      %and3A_61 = vector.broadcast %and3A_60 : i32 to vector<16xi32>
      %and3A_62 = arith.andi %get3A_59, %and3A_61 : vector<16xi32>
      %swap3A_63 = arith.constant 16 : index
      %swap3A_64 = tpu.vector_load %arg6[%swap3A_63] {strides = array<i32>} : memref<112xi32, #tpu.memory_space<vmem>>, vector<16xi32>,
      %swap3A_65 = vector.shape_cast %swap3A_64 : vector<16xi32> to vector<16xi32>
      %swap3A_66 = vector.shape_cast %and3A_62 : vector<16xi32> to vector<16xi32>
      tpu.vector_store %arg6[%swap3A_63], %swap3A_66 {strides = array<i32>} : memref<112xi32, #tpu.memory_space<vmem>>, vector<16xi32>,
      %get3A_67 = arith.constant 0 : i32
      %get3A_68 = arith.index_cast %get3A_67 : i32 to index
      %get3A_69 = arith.constant 32 : index
      %get3A_70 = tpu.vector_load %arg5[%get3A_68, %get3A_69] {strides = array<i32>} : memref<160x112xi32, #tpu.memory_space<vmem>>, vector<1x16xi32>,
      %get3A_71 = vector.shape_cast %get3A_70 : vector<1x16xi32> to vector<16xi32>
      %and3A_72 = arith.constant 65535 : i32
      %and3A_73 = vector.broadcast %and3A_72 : i32 to vector<16xi32>
      %and3A_74 = arith.andi %get3A_71, %and3A_73 : vector<16xi32>
      %swap3A_75 = arith.constant 32 : index
      %swap3A_76 = tpu.vector_load %arg6[%swap3A_75] {strides = array<i32>} : memref<112xi32, #tpu.memory_space<vmem>>, vector<16xi32>,
      %swap3A_77 = vector.shape_cast %swap3A_76 : vector<16xi32> to vector<16xi32>
      %swap3A_78 = vector.shape_cast %and3A_74 : vector<16xi32> to vector<16xi32>
      tpu.vector_store %arg6[%swap3A_75], %swap3A_78 {strides = array<i32>} : memref<112xi32, #tpu.memory_space<vmem>>, vector<16xi32>,
      %get3A_79 = arith.constant 0 : i32
      %get3A_80 = arith.index_cast %get3A_79 : i32 to index
      %get3A_81 = arith.constant 48 : index
      %get3A_82 = tpu.vector_load %arg5[%get3A_80, %get3A_81] {strides = array<i32>} : memref<160x112xi32, #tpu.memory_space<vmem>>, vector<1x16xi32>,
      %get3A_83 = vector.shape_cast %get3A_82 : vector<1x16xi32> to vector<16xi32>
      %and3A_84 = arith.constant 65535 : i32
      %and3A_85 = vector.broadcast %and3A_84 : i32 to vector<16xi32>
      %and3A_86 = arith.andi %get3A_83, %and3A_85 : vector<16xi32>
      %swap3A_87 = arith.constant 48 : index
      %swap3A_88 = tpu.vector_load %arg6[%swap3A_87] {strides = array<i32>} : memref<112xi32, #tpu.memory_space<vmem>>, vector<16xi32>,
      %swap3A_89 = vector.shape_cast %swap3A_88 : vector<16xi32> to vector<16xi32>
      %swap3A_90 = vector.shape_cast %and3A_86 : vector<16xi32> to vector<16xi32>
      tpu.vector_store %arg6[%swap3A_87], %swap3A_90 {strides = array<i32>} : memref<112xi32, #tpu.memory_space<vmem>>, vector<16xi32>,
      %get3A_91 = arith.constant 0 : i32
      %get3A_92 = arith.index_cast %get3A_91 : i32 to index
      %get3A_93 = arith.constant 64 : index
      %get3A_94 = tpu.vector_load %arg5[%get3A_92, %get3A_93] {strides = array<i32>} : memref<160x112xi32, #tpu.memory_space<vmem>>, vector<1x16xi32>,
      %get3A_95 = vector.shape_cast %get3A_94 : vector<1x16xi32> to vector<16xi32>
      %and3A_96 = arith.constant 65535 : i32
      %and3A_97 = vector.broadcast %and3A_96 : i32 to vector<16xi32>
      %and3A_98 = arith.andi %get3A_95, %and3A_97 : vector<16xi32>
      %swap3A_99 = arith.constant 64 : index
      %swap3A_100 = tpu.vector_load %arg6[%swap3A_99] {strides = array<i32>} : memref<112xi32, #tpu.memory_space<vmem>>, vector<16xi32>,
      %swap3A_101 = vector.shape_cast %swap3A_100 : vector<16xi32> to vector<16xi32>
      %swap3A_102 = vector.shape_cast %and3A_98 : vector<16xi32> to vector<16xi32>
      tpu.vector_store %arg6[%swap3A_99], %swap3A_102 {strides = array<i32>} : memref<112xi32, #tpu.memory_space<vmem>>, vector<16xi32>,
      %get3A_103 = arith.constant 0 : i32
      %get3A_104 = arith.index_cast %get3A_103 : i32 to index
      %get3A_105 = arith.constant 80 : index
      %get3A_106 = tpu.vector_load %arg5[%get3A_104, %get3A_105] {strides = array<i32>} : memref<160x112xi32, #tpu.memory_space<vmem>>, vector<1x16xi32>,
      %get3A_107 = vector.shape_cast %get3A_106 : vector<1x16xi32> to vector<16xi32>
      %and3A_108 = arith.constant 65535 : i32
      %and3A_109 = vector.broadcast %and3A_108 : i32 to vector<16xi32>
      %and3A_110 = arith.andi %get3A_107, %and3A_109 : vector<16xi32>
      %swap3A_111 = arith.constant 80 : index
      %swap3A_112 = tpu.vector_load %arg6[%swap3A_111] {strides = array<i32>} : memref<112xi32, #tpu.memory_space<vmem>>, vector<16xi32>,
      %swap3A_113 = vector.shape_cast %swap3A_112 : vector<16xi32> to vector<16xi32>
      %swap3A_114 = vector.shape_cast %and3A_110 : vector<16xi32> to vector<16xi32>
      tpu.vector_store %arg6[%swap3A_111], %swap3A_114 {strides = array<i32>} : memref<112xi32, #tpu.memory_space<vmem>>, vector<16xi32>,
      %get3A_115 = arith.constant 0 : i32
      %get3A_116 = arith.index_cast %get3A_115 : i32 to index
      %get3A_117 = arith.constant 96 : index
      %get3A_118 = tpu.vector_load %arg5[%get3A_116, %get3A_117] {strides = array<i32>} : memref<160x112xi32, #tpu.memory_space<vmem>>, vector<1x16xi32>,
      %get3A_119 = vector.shape_cast %get3A_118 : vector<1x16xi32> to vector<16xi32>
      %and3A_120 = arith.constant 65535 : i32
      %and3A_121 = vector.broadcast %and3A_120 : i32 to vector<16xi32>
      %and3A_122 = arith.andi %get3A_119, %and3A_121 : vector<16xi32>
      %swap3A_123 = arith.constant 96 : index
      %swap3A_124 = tpu.vector_load %arg6[%swap3A_123] {strides = array<i32>} : memref<112xi32, #tpu.memory_space<vmem>>, vector<16xi32>,
      %swap3A_125 = vector.shape_cast %swap3A_124 : vector<16xi32> to vector<16xi32>
      %swap3A_126 = vector.shape_cast %and3A_122 : vector<16xi32> to vector<16xi32>
      tpu.vector_store %arg6[%swap3A_123], %swap3A_126 {strides = array<i32>} : memref<112xi32, #tpu.memory_space<vmem>>, vector<16xi32>,
      %get3A_127 = arith.constant 0 : i32
      %get3A_128 = arith.index_cast %get3A_127 : i32 to index
      %get3A_129 = arith.constant 0 : index
      %get3A_130 = tpu.vector_load %arg5[%get3A_128, %get3A_129] {strides = array<i32>} : memref<160x112xi32, #tpu.memory_space<vmem>>, vector<1x16xi32>,
      %get3A_131 = vector.shape_cast %get3A_130 : vector<1x16xi32> to vector<16xi32>
      %shift_right_logical3A = arith.constant 16 : i32
      %shift_right_logical3A_132 = vector.broadcast %shift_right_logical3A : i32 to vector<16xi32>
      %shift_right_logical3A_133 = arith.shrui %get3A_131, %shift_right_logical3A_132 : vector<16xi32>
      %swap3A_134 = arith.constant 0 : index
      %swap3A_135 = tpu.vector_load %arg8[%swap3A_134] {strides = array<i32>} : memref<112xi32, #tpu.memory_space<vmem>>, vector<16xi32>,
      %swap3A_136 = vector.shape_cast %swap3A_135 : vector<16xi32> to vector<16xi32>
      %swap3A_137 = vector.shape_cast %shift_right_logical3A_133 : vector<16xi32> to vector<16xi32>
      tpu.vector_store %arg8[%swap3A_134], %swap3A_137 {strides = array<i32>} : memref<112xi32, #tpu.memory_space<vmem>>, vector<16xi32>,
      %get3A_138 = arith.constant 0 : i32
      %get3A_139 = arith.index_cast %get3A_138 : i32 to index
      %get3A_140 = arith.constant 16 : index
      %get3A_141 = tpu.vector_load %arg5[%get3A_139, %get3A_140] {strides = array<i32>} : memref<160x112xi32, #tpu.memory_space<vmem>>, vector<1x16xi32>,
      %get3A_142 = vector.shape_cast %get3A_141 : vector<1x16xi32> to vector<16xi32>
      %shift_right_logical3A_143 = arith.constant 16 : i32
      %shift_right_logical3A_144 = vector.broadcast %shift_right_logical3A_143 : i32 to vector<16xi32>
      %shift_right_logical3A_145 = arith.shrui %get3A_142, %shift_right_logical3A_144 : vector<16xi32>
      %swap3A_146 = arith.constant 16 : index
      %swap3A_147 = tpu.vector_load %arg8[%swap3A_146] {strides = array<i32>} : memref<112xi32, #tpu.memory_space<vmem>>, vector<16xi32>,
      %swap3A_148 = vector.shape_cast %swap3A_147 : vector<16xi32> to vector<16xi32>
      %swap3A_149 = vector.shape_cast %shift_right_logical3A_145 : vector<16xi32> to vector<16xi32>
      tpu.vector_store %arg8[%swap3A_146], %swap3A_149 {strides = array<i32>} : memref<112xi32, #tpu.memory_space<vmem>>, vector<16xi32>,
      %get3A_150 = arith.constant 0 : i32
      %get3A_151 = arith.index_cast %get3A_150 : i32 to index
      %get3A_152 = arith.constant 32 : index
      %get3A_153 = tpu.vector_load %arg5[%get3A_151, %get3A_152] {strides = array<i32>} : memref<160x112xi32, #tpu.memory_space<vmem>>, vector<1x16xi32>,
      %get3A_154 = vector.shape_cast %get3A_153 : vector<1x16xi32> to vector<16xi32>
      %shift_right_logical3A_155 = arith.constant 16 : i32
      %shift_right_logical3A_156 = vector.broadcast %shift_right_logical3A_155 : i32 to vector<16xi32>
      %shift_right_logical3A_157 = arith.shrui %get3A_154, %shift_right_logical3A_156 : vector<16xi32>
      %swap3A_158 = arith.constant 32 : index
      %swap3A_159 = tpu.vector_load %arg8[%swap3A_158] {strides = array<i32>} : memref<112xi32, #tpu.memory_space<vmem>>, vector<16xi32>,
      %swap3A_160 = vector.shape_cast %swap3A_159 : vector<16xi32> to vector<16xi32>
      %swap3A_161 = vector.shape_cast %shift_right_logical3A_157 : vector<16xi32> to vector<16xi32>
      tpu.vector_store %arg8[%swap3A_158], %swap3A_161 {strides = array<i32>} : memref<112xi32, #tpu.memory_space<vmem>>, vector<16xi32>,
      %get3A_162 = arith.constant 0 : i32
      %get3A_163 = arith.index_cast %get3A_162 : i32 to index
      %get3A_164 = arith.constant 48 : index
      %get3A_165 = tpu.vector_load %arg5[%get3A_163, %get3A_164] {strides = array<i32>} : memref<160x112xi32, #tpu.memory_space<vmem>>, vector<1x16xi32>,
      %get3A_166 = vector.shape_cast %get3A_165 : vector<1x16xi32> to vector<16xi32>
      %shift_right_logical3A_167 = arith.constant 16 : i32
      %shift_right_logical3A_168 = vector.broadcast %shift_right_logical3A_167 : i32 to vector<16xi32>
      %shift_right_logical3A_169 = arith.shrui %get3A_166, %shift_right_logical3A_168 : vector<16xi32>
      %swap3A_170 = arith.constant 48 : index
      %swap3A_171 = tpu.vector_load %arg8[%swap3A_170] {strides = array<i32>} : memref<112xi32, #tpu.memory_space<vmem>>, vector<16xi32>,
      %swap3A_172 = vector.shape_cast %swap3A_171 : vector<16xi32> to vector<16xi32>
      %swap3A_173 = vector.shape_cast %shift_right_logical3A_169 : vector<16xi32> to vector<16xi32>
      tpu.vector_store %arg8[%swap3A_170], %swap3A_173 {strides = array<i32>} : memref<112xi32, #tpu.memory_space<vmem>>, vector<16xi32>,
      %get3A_174 = arith.constant 0 : i32
      %get3A_175 = arith.index_cast %get3A_174 : i32 to index
      %get3A_176 = arith.constant 64 : index
      %get3A_177 = tpu.vector_load %arg5[%get3A_175, %get3A_176] {strides = array<i32>} : memref<160x112xi32, #tpu.memory_space<vmem>>, vector<1x16xi32>,
      %get3A_178 = vector.shape_cast %get3A_177 : vector<1x16xi32> to vector<16xi32>
      %shift_right_logical3A_179 = arith.constant 16 : i32
      %shift_right_logical3A_180 = vector.broadcast %shift_right_logical3A_179 : i32 to vector<16xi32>
      %shift_right_logical3A_181 = arith.shrui %get3A_178, %shift_right_logical3A_180 : vector<16xi32>
      %swap3A_182 = arith.constant 64 : index
      %swap3A_183 = tpu.vector_load %arg8[%swap3A_182] {strides = array<i32>} : memref<112xi32, #tpu.memory_space<vmem>>, vector<16xi32>,
      %swap3A_184 = vector.shape_cast %swap3A_183 : vector<16xi32> to vector<16xi32>
      %swap3A_185 = vector.shape_cast %shift_right_logical3A_181 : vector<16xi32> to vector<16xi32>
      tpu.vector_store %arg8[%swap3A_182], %swap3A_185 {strides = array<i32>} : memref<112xi32, #tpu.memory_space<vmem>>, vector<16xi32>,
      %get3A_186 = arith.constant 0 : i32
      %get3A_187 = arith.index_cast %get3A_186 : i32 to index
      %get3A_188 = arith.constant 80 : index
      %get3A_189 = tpu.vector_load %arg5[%get3A_187, %get3A_188] {strides = array<i32>} : memref<160x112xi32, #tpu.memory_space<vmem>>, vector<1x16xi32>,
      %get3A_190 = vector.shape_cast %get3A_189 : vector<1x16xi32> to vector<16xi32>
      %shift_right_logical3A_191 = arith.constant 16 : i32
      %shift_right_logical3A_192 = vector.broadcast %shift_right_logical3A_191 : i32 to vector<16xi32>
      %shift_right_logical3A_193 = arith.shrui %get3A_190, %shift_right_logical3A_192 : vector<16xi32>
      %swap3A_194 = arith.constant 80 : index
      %swap3A_195 = tpu.vector_load %arg8[%swap3A_194] {strides = array<i32>} : memref<112xi32, #tpu.memory_space<vmem>>, vector<16xi32>,
      %swap3A_196 = vector.shape_cast %swap3A_195 : vector<16xi32> to vector<16xi32>
      %swap3A_197 = vector.shape_cast %shift_right_logical3A_193 : vector<16xi32> to vector<16xi32>
      tpu.vector_store %arg8[%swap3A_194], %swap3A_197 {strides = array<i32>} : memref<112xi32, #tpu.memory_space<vmem>>, vector<16xi32>,
      %get3A_198 = arith.constant 0 : i32
      %get3A_199 = arith.index_cast %get3A_198 : i32 to index
      %get3A_200 = arith.constant 96 : index
      %get3A_201 = tpu.vector_load %arg5[%get3A_199, %get3A_200] {strides = array<i32>} : memref<160x112xi32, #tpu.memory_space<vmem>>, vector<1x16xi32>,
      %get3A_202 = vector.shape_cast %get3A_201 : vector<1x16xi32> to vector<16xi32>
      %shift_right_logical3A_203 = arith.constant 16 : i32
      %shift_right_logical3A_204 = vector.broadcast %shift_right_logical3A_203 : i32 to vector<16xi32>
      %shift_right_logical3A_205 = arith.shrui %get3A_202, %shift_right_logical3A_204 : vector<16xi32>
      %swap3A_206 = arith.constant 96 : index
      %swap3A_207 = tpu.vector_load %arg8[%swap3A_206] {strides = array<i32>} : memref<112xi32, #tpu.memory_space<vmem>>, vector<16xi32>,
      %swap3A_208 = vector.shape_cast %swap3A_207 : vector<16xi32> to vector<16xi32>
      %swap3A_209 = vector.shape_cast %shift_right_logical3A_205 : vector<16xi32> to vector<16xi32>
      tpu.vector_store %arg8[%swap3A_206], %swap3A_209 {strides = array<i32>} : memref<112xi32, #tpu.memory_space<vmem>>, vector<16xi32>,
      %dma_start3A = arith.constant 0 : i32
      %dma_start3A_210 = arith.constant 0 : i32
      %dma_start3A_211 = tpu.memref_slice %arg2[%dma_start3A, %dma_start3A_210] : memref<10000x128xf32, #tpu.memory_space<hbm>> -> memref<10000x128xf32, #tpu.memory_space<hbm>>
      tpu.enqueue_indirect_dma source(%dma_start3A_211 : memref<10000x128xf32, #tpu.memory_space<hbm>>) target(%arg10 : memref<112x128xf32, #tpu.memory_space<vmem>>) offsets(%arg6 : memref<112xi32, #tpu.memory_space<vmem>>) semaphore(%arg13 : memref<!tpu.dma_semaphore, #tpu.memory_space<semaphore_mem>>)
      %get3A_212 = arith.constant 1 : i32
      %get3A_213 = arith.index_cast %get3A_212 : i32 to index
      %get3A_214 = arith.constant 0 : index
      %get3A_215 = tpu.vector_load %arg5[%get3A_213, %get3A_214] {strides = array<i32>} : memref<160x112xi32, #tpu.memory_space<vmem>>, vector<1x16xi32>,
      %get3A_216 = vector.shape_cast %get3A_215 : vector<1x16xi32> to vector<16xi32>
      %and3A_217 = arith.constant 65535 : i32
      %and3A_218 = vector.broadcast %and3A_217 : i32 to vector<16xi32>
      %and3A_219 = arith.andi %get3A_216, %and3A_218 : vector<16xi32>
      %swap3A_220 = arith.constant 0 : index
      %swap3A_221 = tpu.vector_load %arg7[%swap3A_220] {strides = array<i32>} : memref<112xi32, #tpu.memory_space<vmem>>, vector<16xi32>,
      %swap3A_222 = vector.shape_cast %swap3A_221 : vector<16xi32> to vector<16xi32>
      %swap3A_223 = vector.shape_cast %and3A_219 : vector<16xi32> to vector<16xi32>
      tpu.vector_store %arg7[%swap3A_220], %swap3A_223 {strides = array<i32>} : memref<112xi32, #tpu.memory_space<vmem>>, vector<16xi32>,
      %get3A_224 = arith.constant 1 : i32
      %get3A_225 = arith.index_cast %get3A_224 : i32 to index
      %get3A_226 = arith.constant 16 : index
      %get3A_227 = tpu.vector_load %arg5[%get3A_225, %get3A_226] {strides = array<i32>} : memref<160x112xi32, #tpu.memory_space<vmem>>, vector<1x16xi32>,
      %get3A_228 = vector.shape_cast %get3A_227 : vector<1x16xi32> to vector<16xi32>
      %and3A_229 = arith.constant 65535 : i32
      %and3A_230 = vector.broadcast %and3A_229 : i32 to vector<16xi32>
      %and3A_231 = arith.andi %get3A_228, %and3A_230 : vector<16xi32>
      %swap3A_232 = arith.constant 16 : index
      %swap3A_233 = tpu.vector_load %arg7[%swap3A_232] {strides = array<i32>} : memref<112xi32, #tpu.memory_space<vmem>>, vector<16xi32>,
      %swap3A_234 = vector.shape_cast %swap3A_233 : vector<16xi32> to vector<16xi32>
      %swap3A_235 = vector.shape_cast %and3A_231 : vector<16xi32> to vector<16xi32>
      tpu.vector_store %arg7[%swap3A_232], %swap3A_235 {strides = array<i32>} : memref<112xi32, #tpu.memory_space<vmem>>, vector<16xi32>,
      %get3A_236 = arith.constant 1 : i32
      %get3A_237 = arith.index_cast %get3A_236 : i32 to index
      %get3A_238 = arith.constant 32 : index
      %get3A_239 = tpu.vector_load %arg5[%get3A_237, %get3A_238] {strides = array<i32>} : memref<160x112xi32, #tpu.memory_space<vmem>>, vector<1x16xi32>,
      %get3A_240 = vector.shape_cast %get3A_239 : vector<1x16xi32> to vector<16xi32>
      %and3A_241 = arith.constant 65535 : i32
      %and3A_242 = vector.broadcast %and3A_241 : i32 to vector<16xi32>
      %and3A_243 = arith.andi %get3A_240, %and3A_242 : vector<16xi32>
      %swap3A_244 = arith.constant 32 : index
      %swap3A_245 = tpu.vector_load %arg7[%swap3A_244] {strides = array<i32>} : memref<112xi32, #tpu.memory_space<vmem>>, vector<16xi32>,
      %swap3A_246 = vector.shape_cast %swap3A_245 : vector<16xi32> to vector<16xi32>
      %swap3A_247 = vector.shape_cast %and3A_243 : vector<16xi32> to vector<16xi32>
      tpu.vector_store %arg7[%swap3A_244], %swap3A_247 {strides = array<i32>} : memref<112xi32, #tpu.memory_space<vmem>>, vector<16xi32>,
      %get3A_248 = arith.constant 1 : i32
      %get3A_249 = arith.index_cast %get3A_248 : i32 to index
      %get3A_250 = arith.constant 48 : index
      %get3A_251 = tpu.vector_load %arg5[%get3A_249, %get3A_250] {strides = array<i32>} : memref<160x112xi32, #tpu.memory_space<vmem>>, vector<1x16xi32>,
      %get3A_252 = vector.shape_cast %get3A_251 : vector<1x16xi32> to vector<16xi32>
      %and3A_253 = arith.constant 65535 : i32
      %and3A_254 = vector.broadcast %and3A_253 : i32 to vector<16xi32>
      %and3A_255 = arith.andi %get3A_252, %and3A_254 : vector<16xi32>
      %swap3A_256 = arith.constant 48 : index
      %swap3A_257 = tpu.vector_load %arg7[%swap3A_256] {strides = array<i32>} : memref<112xi32, #tpu.memory_space<vmem>>, vector<16xi32>,
      %swap3A_258 = vector.shape_cast %swap3A_257 : vector<16xi32> to vector<16xi32>
      %swap3A_259 = vector.shape_cast %and3A_255 : vector<16xi32> to vector<16xi32>
      tpu.vector_store %arg7[%swap3A_256], %swap3A_259 {strides = array<i32>} : memref<112xi32, #tpu.memory_space<vmem>>, vector<16xi32>,
      %get3A_260 = arith.constant 1 : i32
      %get3A_261 = arith.index_cast %get3A_260 : i32 to index
      %get3A_262 = arith.constant 64 : index
      %get3A_263 = tpu.vector_load %arg5[%get3A_261, %get3A_262] {strides = array<i32>} : memref<160x112xi32, #tpu.memory_space<vmem>>, vector<1x16xi32>,
      %get3A_264 = vector.shape_cast %get3A_263 : vector<1x16xi32> to vector<16xi32>
      %and3A_265 = arith.constant 65535 : i32
      %and3A_266 = vector.broadcast %and3A_265 : i32 to vector<16xi32>
      %and3A_267 = arith.andi %get3A_264, %and3A_266 : vector<16xi32>
      %swap3A_268 = arith.constant 64 : index
      %swap3A_269 = tpu.vector_load %arg7[%swap3A_268] {strides = array<i32>} : memref<112xi32, #tpu.memory_space<vmem>>, vector<16xi32>,
      %swap3A_270 = vector.shape_cast %swap3A_269 : vector<16xi32> to vector<16xi32>
      %swap3A_271 = vector.shape_cast %and3A_267 : vector<16xi32> to vector<16xi32>
      tpu.vector_store %arg7[%swap3A_268], %swap3A_271 {strides = array<i32>} : memref<112xi32, #tpu.memory_space<vmem>>, vector<16xi32>,
      %get3A_272 = arith.constant 1 : i32
      %get3A_273 = arith.index_cast %get3A_272 : i32 to index
      %get3A_274 = arith.constant 80 : index
      %get3A_275 = tpu.vector_load %arg5[%get3A_273, %get3A_274] {strides = array<i32>} : memref<160x112xi32, #tpu.memory_space<vmem>>, vector<1x16xi32>,
      %get3A_276 = vector.shape_cast %get3A_275 : vector<1x16xi32> to vector<16xi32>
      %and3A_277 = arith.constant 65535 : i32
      %and3A_278 = vector.broadcast %and3A_277 : i32 to vector<16xi32>
      %and3A_279 = arith.andi %get3A_276, %and3A_278 : vector<16xi32>
      %swap3A_280 = arith.constant 80 : index
      %swap3A_281 = tpu.vector_load %arg7[%swap3A_280] {strides = array<i32>} : memref<112xi32, #tpu.memory_space<vmem>>, vector<16xi32>,
      %swap3A_282 = vector.shape_cast %swap3A_281 : vector<16xi32> to vector<16xi32>
      %swap3A_283 = vector.shape_cast %and3A_279 : vector<16xi32> to vector<16xi32>
      tpu.vector_store %arg7[%swap3A_280], %swap3A_283 {strides = array<i32>} : memref<112xi32, #tpu.memory_space<vmem>>, vector<16xi32>,
      %get3A_284 = arith.constant 1 : i32
      %get3A_285 = arith.index_cast %get3A_284 : i32 to index
      %get3A_286 = arith.constant 96 : index
      %get3A_287 = tpu.vector_load %arg5[%get3A_285, %get3A_286] {strides = array<i32>} : memref<160x112xi32, #tpu.memory_space<vmem>>, vector<1x16xi32>,
      %get3A_288 = vector.shape_cast %get3A_287 : vector<1x16xi32> to vector<16xi32>
      %and3A_289 = arith.constant 65535 : i32
      %and3A_290 = vector.broadcast %and3A_289 : i32 to vector<16xi32>
      %and3A_291 = arith.andi %get3A_288, %and3A_290 : vector<16xi32>
      %swap3A_292 = arith.constant 96 : index
      %swap3A_293 = tpu.vector_load %arg7[%swap3A_292] {strides = array<i32>} : memref<112xi32, #tpu.memory_space<vmem>>, vector<16xi32>,
      %swap3A_294 = vector.shape_cast %swap3A_293 : vector<16xi32> to vector<16xi32>
      %swap3A_295 = vector.shape_cast %and3A_291 : vector<16xi32> to vector<16xi32>
      tpu.vector_store %arg7[%swap3A_292], %swap3A_295 {strides = array<i32>} : memref<112xi32, #tpu.memory_space<vmem>>, vector<16xi32>,
      %get3A_296 = arith.constant 1 : i32
      %get3A_297 = arith.index_cast %get3A_296 : i32 to index
      %get3A_298 = arith.constant 0 : index
      %get3A_299 = tpu.vector_load %arg5[%get3A_297, %get3A_298] {strides = array<i32>} : memref<160x112xi32, #tpu.memory_space<vmem>>, vector<1x16xi32>,
      %get3A_300 = vector.shape_cast %get3A_299 : vector<1x16xi32> to vector<16xi32>
      %shift_right_logical3A_301 = arith.constant 16 : i32
      %shift_right_logical3A_302 = vector.broadcast %shift_right_logical3A_301 : i32 to vector<16xi32>
      %shift_right_logical3A_303 = arith.shrui %get3A_300, %shift_right_logical3A_302 : vector<16xi32>
      %swap3A_304 = arith.constant 0 : index
      %swap3A_305 = tpu.vector_load %arg9[%swap3A_304] {strides = array<i32>} : memref<112xi32, #tpu.memory_space<vmem>>, vector<16xi32>,
      %swap3A_306 = vector.shape_cast %swap3A_305 : vector<16xi32> to vector<16xi32>
      %swap3A_307 = vector.shape_cast %shift_right_logical3A_303 : vector<16xi32> to vector<16xi32>
      tpu.vector_store %arg9[%swap3A_304], %swap3A_307 {strides = array<i32>} : memref<112xi32, #tpu.memory_space<vmem>>, vector<16xi32>,
      %get3A_308 = arith.constant 1 : i32
      %get3A_309 = arith.index_cast %get3A_308 : i32 to index
      %get3A_310 = arith.constant 16 : index
      %get3A_311 = tpu.vector_load %arg5[%get3A_309, %get3A_310] {strides = array<i32>} : memref<160x112xi32, #tpu.memory_space<vmem>>, vector<1x16xi32>,
      %get3A_312 = vector.shape_cast %get3A_311 : vector<1x16xi32> to vector<16xi32>
      %shift_right_logical3A_313 = arith.constant 16 : i32
      %shift_right_logical3A_314 = vector.broadcast %shift_right_logical3A_313 : i32 to vector<16xi32>
      %shift_right_logical3A_315 = arith.shrui %get3A_312, %shift_right_logical3A_314 : vector<16xi32>
      %swap3A_316 = arith.constant 16 : index
      %swap3A_317 = tpu.vector_load %arg9[%swap3A_316] {strides = array<i32>} : memref<112xi32, #tpu.memory_space<vmem>>, vector<16xi32>,
      %swap3A_318 = vector.shape_cast %swap3A_317 : vector<16xi32> to vector<16xi32>
      %swap3A_319 = vector.shape_cast %shift_right_logical3A_315 : vector<16xi32> to vector<16xi32>
      tpu.vector_store %arg9[%swap3A_316], %swap3A_319 {strides = array<i32>} : memref<112xi32, #tpu.memory_space<vmem>>, vector<16xi32>,
      %get3A_320 = arith.constant 1 : i32
      %get3A_321 = arith.index_cast %get3A_320 : i32 to index
      %get3A_322 = arith.constant 32 : index
      %get3A_323 = tpu.vector_load %arg5[%get3A_321, %get3A_322] {strides = array<i32>} : memref<160x112xi32, #tpu.memory_space<vmem>>, vector<1x16xi32>,
      %get3A_324 = vector.shape_cast %get3A_323 : vector<1x16xi32> to vector<16xi32>
      %shift_right_logical3A_325 = arith.constant 16 : i32
      %shift_right_logical3A_326 = vector.broadcast %shift_right_logical3A_325 : i32 to vector<16xi32>
      %shift_right_logical3A_327 = arith.shrui %get3A_324, %shift_right_logical3A_326 : vector<16xi32>
      %swap3A_328 = arith.constant 32 : index
      %swap3A_329 = tpu.vector_load %arg9[%swap3A_328] {strides = array<i32>} : memref<112xi32, #tpu.memory_space<vmem>>, vector<16xi32>,
      %swap3A_330 = vector.shape_cast %swap3A_329 : vector<16xi32> to vector<16xi32>
      %swap3A_331 = vector.shape_cast %shift_right_logical3A_327 : vector<16xi32> to vector<16xi32>
      tpu.vector_store %arg9[%swap3A_328], %swap3A_331 {strides = array<i32>} : memref<112xi32, #tpu.memory_space<vmem>>, vector<16xi32>,
      %get3A_332 = arith.constant 1 : i32
      %get3A_333 = arith.index_cast %get3A_332 : i32 to index
      %get3A_334 = arith.constant 48 : index
      %get3A_335 = tpu.vector_load %arg5[%get3A_333, %get3A_334] {strides = array<i32>} : memref<160x112xi32, #tpu.memory_space<vmem>>, vector<1x16xi32>,
      %get3A_336 = vector.shape_cast %get3A_335 : vector<1x16xi32> to vector<16xi32>
      %shift_right_logical3A_337 = arith.constant 16 : i32
      %shift_right_logical3A_338 = vector.broadcast %shift_right_logical3A_337 : i32 to vector<16xi32>
      %shift_right_logical3A_339 = arith.shrui %get3A_336, %shift_right_logical3A_338 : vector<16xi32>
      %swap3A_340 = arith.constant 48 : index
      %swap3A_341 = tpu.vector_load %arg9[%swap3A_340] {strides = array<i32>} : memref<112xi32, #tpu.memory_space<vmem>>, vector<16xi32>,
      %swap3A_342 = vector.shape_cast %swap3A_341 : vector<16xi32> to vector<16xi32>
      %swap3A_343 = vector.shape_cast %shift_right_logical3A_339 : vector<16xi32> to vector<16xi32>
      tpu.vector_store %arg9[%swap3A_340], %swap3A_343 {strides = array<i32>} : memref<112xi32, #tpu.memory_space<vmem>>, vector<16xi32>,
      %get3A_344 = arith.constant 1 : i32
      %get3A_345 = arith.index_cast %get3A_344 : i32 to index
      %get3A_346 = arith.constant 64 : index
      %get3A_347 = tpu.vector_load %arg5[%get3A_345, %get3A_346] {strides = array<i32>} : memref<160x112xi32, #tpu.memory_space<vmem>>, vector<1x16xi32>,
      %get3A_348 = vector.shape_cast %get3A_347 : vector<1x16xi32> to vector<16xi32>
      %shift_right_logical3A_349 = arith.constant 16 : i32
      %shift_right_logical3A_350 = vector.broadcast %shift_right_logical3A_349 : i32 to vector<16xi32>
      %shift_right_logical3A_351 = arith.shrui %get3A_348, %shift_right_logical3A_350 : vector<16xi32>
      %swap3A_352 = arith.constant 64 : index
      %swap3A_353 = tpu.vector_load %arg9[%swap3A_352] {strides = array<i32>} : memref<112xi32, #tpu.memory_space<vmem>>, vector<16xi32>,
      %swap3A_354 = vector.shape_cast %swap3A_353 : vector<16xi32> to vector<16xi32>
      %swap3A_355 = vector.shape_cast %shift_right_logical3A_351 : vector<16xi32> to vector<16xi32>
      tpu.vector_store %arg9[%swap3A_352], %swap3A_355 {strides = array<i32>} : memref<112xi32, #tpu.memory_space<vmem>>, vector<16xi32>,
      %get3A_356 = arith.constant 1 : i32
      %get3A_357 = arith.index_cast %get3A_356 : i32 to index
      %get3A_358 = arith.constant 80 : index
      %get3A_359 = tpu.vector_load %arg5[%get3A_357, %get3A_358] {strides = array<i32>} : memref<160x112xi32, #tpu.memory_space<vmem>>, vector<1x16xi32>,
      %get3A_360 = vector.shape_cast %get3A_359 : vector<1x16xi32> to vector<16xi32>
      %shift_right_logical3A_361 = arith.constant 16 : i32
      %shift_right_logical3A_362 = vector.broadcast %shift_right_logical3A_361 : i32 to vector<16xi32>
      %shift_right_logical3A_363 = arith.shrui %get3A_360, %shift_right_logical3A_362 : vector<16xi32>
      %swap3A_364 = arith.constant 80 : index
      %swap3A_365 = tpu.vector_load %arg9[%swap3A_364] {strides = array<i32>} : memref<112xi32, #tpu.memory_space<vmem>>, vector<16xi32>,
      %swap3A_366 = vector.shape_cast %swap3A_365 : vector<16xi32> to vector<16xi32>
      %swap3A_367 = vector.shape_cast %shift_right_logical3A_363 : vector<16xi32> to vector<16xi32>
      tpu.vector_store %arg9[%swap3A_364], %swap3A_367 {strides = array<i32>} : memref<112xi32, #tpu.memory_space<vmem>>, vector<16xi32>,
      %get3A_368 = arith.constant 1 : i32
      %get3A_369 = arith.index_cast %get3A_368 : i32 to index
      %get3A_370 = arith.constant 96 : index
      %get3A_371 = tpu.vector_load %arg5[%get3A_369, %get3A_370] {strides = array<i32>} : memref<160x112xi32, #tpu.memory_space<vmem>>, vector<1x16xi32>,
      %get3A_372 = vector.shape_cast %get3A_371 : vector<1x16xi32> to vector<16xi32>
      %shift_right_logical3A_373 = arith.constant 16 : i32
      %shift_right_logical3A_374 = vector.broadcast %shift_right_logical3A_373 : i32 to vector<16xi32>
      %shift_right_logical3A_375 = arith.shrui %get3A_372, %shift_right_logical3A_374 : vector<16xi32>
      %swap3A_376 = arith.constant 96 : index
      %swap3A_377 = tpu.vector_load %arg9[%swap3A_376] {strides = array<i32>} : memref<112xi32, #tpu.memory_space<vmem>>, vector<16xi32>,
      %swap3A_378 = vector.shape_cast %swap3A_377 : vector<16xi32> to vector<16xi32>
      %swap3A_379 = vector.shape_cast %shift_right_logical3A_375 : vector<16xi32> to vector<16xi32>
      tpu.vector_store %arg9[%swap3A_376], %swap3A_379 {strides = array<i32>} : memref<112xi32, #tpu.memory_space<vmem>>, vector<16xi32>,
      %dma_start3A_380 = arith.constant 0 : i32
      %dma_start3A_381 = arith.constant 0 : i32
      %dma_start3A_382 = tpu.memref_slice %arg2[%dma_start3A_380, %dma_start3A_381] : memref<10000x128xf32, #tpu.memory_space<hbm>> -> memref<10000x128xf32, #tpu.memory_space<hbm>>
      tpu.enqueue_indirect_dma source(%dma_start3A_382 : memref<10000x128xf32, #tpu.memory_space<hbm>>) target(%arg11 : memref<112x128xf32, #tpu.memory_space<vmem>>) offsets(%arg7 : memref<112xi32, #tpu.memory_space<vmem>>) semaphore(%arg14 : memref<!tpu.dma_semaphore, #tpu.memory_space<semaphore_mem>>)
      %scan3A_383 = arith.constant 0 : i32
      %scan3A_384 = arith.constant 80 : i32
      %scan3A_385 = arith.addi %scan3A_383, %scan3A_384 : i32
      %scan3A_386 = arith.constant 1 : i32
      scf.for %scan3A_388 = %scan3A_383 to %scan3A_385 step %scan3A_386  : i32 {
        %mul3A_389 = arith.constant 1 : i32
        %mul3A_390 = arith.muli %scan3A_388, %mul3A_389 : i32
        %add3A_391 = arith.constant 0 : i32
        %add3A_392 = arith.addi %add3A_391, %mul3A_390 : i32
        %mul3A_393 = arith.constant 2 : i32
        %mul3A_394 = arith.muli %mul3A_393, %add3A_392 : i32
        %dma_wait3A = arith.constant 0 : i32
        %dma_wait3A_395 = arith.constant 0 : i32
        %dma_wait3A_396 = tpu.memref_slice %arg2[%dma_wait3A, %dma_wait3A_395] : memref<10000x128xf32, #tpu.memory_space<hbm>> -> memref<10000x128xf32, #tpu.memory_space<hbm>>
        tpu.wait_indirect_dma semaphore(%arg13 : memref<!tpu.dma_semaphore, #tpu.memory_space<semaphore_mem>>) src(%dma_wait3A_396 : memref<10000x128xf32, #tpu.memory_space<hbm>>) dst(%arg10 : memref<112x128xf32, #tpu.memory_space<vmem>>)
        "tpu.region"() ({
          %run_scoped3A = tpu.sem_alloc : memref<!tpu.dma_semaphore, #tpu.memory_space<semaphore_mem>>
          %dma_start3A_413 = arith.constant 0 : i32
          %dma_start3A_414 = arith.constant 0 : i32
          %dma_start3A_415 = tpu.memref_slice %arg12[%dma_start3A_413, %dma_start3A_414] : memref<10112x128xf32, #tpu.memory_space<vmem_shared>> -> memref<10112x128xf32, #tpu.memory_space<vmem_shared>>
          tpu.enqueue_indirect_dma source(%arg10 : memref<112x128xf32, #tpu.memory_space<vmem>>) target(%dma_start3A_415 : memref<10112x128xf32, #tpu.memory_space<vmem_shared>>) offsets(%arg8 : memref<112xi32, #tpu.memory_space<vmem>>) semaphore(%run_scoped3A : memref<!tpu.dma_semaphore, #tpu.memory_space<semaphore_mem>>) {add = true}
          %dma_wait3A_416 = arith.constant 0 : i32
          %dma_wait3A_417 = arith.constant 0 : i32
          %dma_wait3A_418 = tpu.memref_slice %arg12[%dma_wait3A_416, %dma_wait3A_417] : memref<10112x128xf32, #tpu.memory_space<vmem_shared>> -> memref<10112x128xf32, #tpu.memory_space<vmem_shared>>
          tpu.wait_indirect_dma semaphore(%run_scoped3A : memref<!tpu.dma_semaphore, #tpu.memory_space<semaphore_mem>>) src(%arg10 : memref<112x128xf32, #tpu.memory_space<vmem>>) dst(%dma_wait3A_418 : memref<10112x128xf32, #tpu.memory_space<vmem_shared>>)
          tpu.yield
        }) : () -> ()
        %add3A_397 = arith.constant 2 : i32
        %add3A_398 = arith.addi %mul3A_394, %add3A_397 : i32
        %lt3A = arith.constant 160 : i32
        %lt3A_399 = arith.cmpi slt, %add3A_398, %lt3A : i32
        %convert_element_type3A_400 = arith.extui %lt3A_399 : i1 to i32
        %cond3A_401 = arith.constant 0 : i32
        %cond3A_402 = arith.cmpi ne, %convert_element_type3A_400, %cond3A_401 : i32
        scf.if %cond3A_402 {
          %add3A_413 = arith.constant 2 : i32
          %add3A_414 = arith.addi %mul3A_394, %add3A_413 : i32
          %get3A_415 = arith.index_cast %add3A_414 : i32 to index
          %get3A_416 = arith.constant 0 : index
          %get3A_417 = tpu.vector_load %arg5[%get3A_415, %get3A_416] {strides = array<i32>} : memref<160x112xi32, #tpu.memory_space<vmem>>, vector<1x16xi32>,
          %get3A_418 = vector.shape_cast %get3A_417 : vector<1x16xi32> to vector<16xi32>
          %and3A_419 = arith.constant 65535 : i32
          %and3A_420 = vector.broadcast %and3A_419 : i32 to vector<16xi32>
          %and3A_421 = arith.andi %get3A_418, %and3A_420 : vector<16xi32>
          %swap3A_422 = arith.constant 0 : index
          %swap3A_423 = tpu.vector_load %arg6[%swap3A_422] {strides = array<i32>} : memref<112xi32, #tpu.memory_space<vmem>>, vector<16xi32>,
          %swap3A_424 = vector.shape_cast %swap3A_423 : vector<16xi32> to vector<16xi32>
          %swap3A_425 = vector.shape_cast %and3A_421 : vector<16xi32> to vector<16xi32>
          tpu.vector_store %arg6[%swap3A_422], %swap3A_425 {strides = array<i32>} : memref<112xi32, #tpu.memory_space<vmem>>, vector<16xi32>,
          %get3A_426 = arith.index_cast %add3A_414 : i32 to index
          %get3A_427 = arith.constant 16 : index
          %get3A_428 = tpu.vector_load %arg5[%get3A_426, %get3A_427] {strides = array<i32>} : memref<160x112xi32, #tpu.memory_space<vmem>>, vector<1x16xi32>,
          %get3A_429 = vector.shape_cast %get3A_428 : vector<1x16xi32> to vector<16xi32>
          %and3A_430 = arith.constant 65535 : i32
          %and3A_431 = vector.broadcast %and3A_430 : i32 to vector<16xi32>
          %and3A_432 = arith.andi %get3A_429, %and3A_431 : vector<16xi32>
          %swap3A_433 = arith.constant 16 : index
          %swap3A_434 = tpu.vector_load %arg6[%swap3A_433] {strides = array<i32>} : memref<112xi32, #tpu.memory_space<vmem>>, vector<16xi32>,
          %swap3A_435 = vector.shape_cast %swap3A_434 : vector<16xi32> to vector<16xi32>
          %swap3A_436 = vector.shape_cast %and3A_432 : vector<16xi32> to vector<16xi32>
          tpu.vector_store %arg6[%swap3A_433], %swap3A_436 {strides = array<i32>} : memref<112xi32, #tpu.memory_space<vmem>>, vector<16xi32>,
          %get3A_437 = arith.index_cast %add3A_414 : i32 to index
          %get3A_438 = arith.constant 32 : index
          %get3A_439 = tpu.vector_load %arg5[%get3A_437, %get3A_438] {strides = array<i32>} : memref<160x112xi32, #tpu.memory_space<vmem>>, vector<1x16xi32>,
          %get3A_440 = vector.shape_cast %get3A_439 : vector<1x16xi32> to vector<16xi32>
          %and3A_441 = arith.constant 65535 : i32
          %and3A_442 = vector.broadcast %and3A_441 : i32 to vector<16xi32>
          %and3A_443 = arith.andi %get3A_440, %and3A_442 : vector<16xi32>
          %swap3A_444 = arith.constant 32 : index
          %swap3A_445 = tpu.vector_load %arg6[%swap3A_444] {strides = array<i32>} : memref<112xi32, #tpu.memory_space<vmem>>, vector<16xi32>,
          %swap3A_446 = vector.shape_cast %swap3A_445 : vector<16xi32> to vector<16xi32>
          %swap3A_447 = vector.shape_cast %and3A_443 : vector<16xi32> to vector<16xi32>
          tpu.vector_store %arg6[%swap3A_444], %swap3A_447 {strides = array<i32>} : memref<112xi32, #tpu.memory_space<vmem>>, vector<16xi32>,
          %get3A_448 = arith.index_cast %add3A_414 : i32 to index
          %get3A_449 = arith.constant 48 : index
          %get3A_450 = tpu.vector_load %arg5[%get3A_448, %get3A_449] {strides = array<i32>} : memref<160x112xi32, #tpu.memory_space<vmem>>, vector<1x16xi32>,
          %get3A_451 = vector.shape_cast %get3A_450 : vector<1x16xi32> to vector<16xi32>
          %and3A_452 = arith.constant 65535 : i32
          %and3A_453 = vector.broadcast %and3A_452 : i32 to vector<16xi32>
          %and3A_454 = arith.andi %get3A_451, %and3A_453 : vector<16xi32>
          %swap3A_455 = arith.constant 48 : index
          %swap3A_456 = tpu.vector_load %arg6[%swap3A_455] {strides = array<i32>} : memref<112xi32, #tpu.memory_space<vmem>>, vector<16xi32>,
          %swap3A_457 = vector.shape_cast %swap3A_456 : vector<16xi32> to vector<16xi32>
          %swap3A_458 = vector.shape_cast %and3A_454 : vector<16xi32> to vector<16xi32>
          tpu.vector_store %arg6[%swap3A_455], %swap3A_458 {strides = array<i32>} : memref<112xi32, #tpu.memory_space<vmem>>, vector<16xi32>,
          %get3A_459 = arith.index_cast %add3A_414 : i32 to index
          %get3A_460 = arith.constant 64 : index
          %get3A_461 = tpu.vector_load %arg5[%get3A_459, %get3A_460] {strides = array<i32>} : memref<160x112xi32, #tpu.memory_space<vmem>>, vector<1x16xi32>,
          %get3A_462 = vector.shape_cast %get3A_461 : vector<1x16xi32> to vector<16xi32>
          %and3A_463 = arith.constant 65535 : i32
          %and3A_464 = vector.broadcast %and3A_463 : i32 to vector<16xi32>
          %and3A_465 = arith.andi %get3A_462, %and3A_464 : vector<16xi32>
          %swap3A_466 = arith.constant 64 : index
          %swap3A_467 = tpu.vector_load %arg6[%swap3A_466] {strides = array<i32>} : memref<112xi32, #tpu.memory_space<vmem>>, vector<16xi32>,
          %swap3A_468 = vector.shape_cast %swap3A_467 : vector<16xi32> to vector<16xi32>
          %swap3A_469 = vector.shape_cast %and3A_465 : vector<16xi32> to vector<16xi32>
          tpu.vector_store %arg6[%swap3A_466], %swap3A_469 {strides = array<i32>} : memref<112xi32, #tpu.memory_space<vmem>>, vector<16xi32>,
          %get3A_470 = arith.index_cast %add3A_414 : i32 to index
          %get3A_471 = arith.constant 80 : index
          %get3A_472 = tpu.vector_load %arg5[%get3A_470, %get3A_471] {strides = array<i32>} : memref<160x112xi32, #tpu.memory_space<vmem>>, vector<1x16xi32>,
          %get3A_473 = vector.shape_cast %get3A_472 : vector<1x16xi32> to vector<16xi32>
          %and3A_474 = arith.constant 65535 : i32
          %and3A_475 = vector.broadcast %and3A_474 : i32 to vector<16xi32>
          %and3A_476 = arith.andi %get3A_473, %and3A_475 : vector<16xi32>
          %swap3A_477 = arith.constant 80 : index
          %swap3A_478 = tpu.vector_load %arg6[%swap3A_477] {strides = array<i32>} : memref<112xi32, #tpu.memory_space<vmem>>, vector<16xi32>,
          %swap3A_479 = vector.shape_cast %swap3A_478 : vector<16xi32> to vector<16xi32>
          %swap3A_480 = vector.shape_cast %and3A_476 : vector<16xi32> to vector<16xi32>
          tpu.vector_store %arg6[%swap3A_477], %swap3A_480 {strides = array<i32>} : memref<112xi32, #tpu.memory_space<vmem>>, vector<16xi32>,
          %get3A_481 = arith.index_cast %add3A_414 : i32 to index
          %get3A_482 = arith.constant 96 : index
          %get3A_483 = tpu.vector_load %arg5[%get3A_481, %get3A_482] {strides = array<i32>} : memref<160x112xi32, #tpu.memory_space<vmem>>, vector<1x16xi32>,
          %get3A_484 = vector.shape_cast %get3A_483 : vector<1x16xi32> to vector<16xi32>
          %and3A_485 = arith.constant 65535 : i32
          %and3A_486 = vector.broadcast %and3A_485 : i32 to vector<16xi32>
          %and3A_487 = arith.andi %get3A_484, %and3A_486 : vector<16xi32>
          %swap3A_488 = arith.constant 96 : index
          %swap3A_489 = tpu.vector_load %arg6[%swap3A_488] {strides = array<i32>} : memref<112xi32, #tpu.memory_space<vmem>>, vector<16xi32>,
          %swap3A_490 = vector.shape_cast %swap3A_489 : vector<16xi32> to vector<16xi32>
          %swap3A_491 = vector.shape_cast %and3A_487 : vector<16xi32> to vector<16xi32>
          tpu.vector_store %arg6[%swap3A_488], %swap3A_491 {strides = array<i32>} : memref<112xi32, #tpu.memory_space<vmem>>, vector<16xi32>,
          %add3A_492 = arith.constant 2 : i32
          %add3A_493 = arith.addi %mul3A_394, %add3A_492 : i32
          %get3A_494 = arith.index_cast %add3A_493 : i32 to index
          %get3A_495 = arith.constant 0 : index
          %get3A_496 = tpu.vector_load %arg5[%get3A_494, %get3A_495] {strides = array<i32>} : memref<160x112xi32, #tpu.memory_space<vmem>>, vector<1x16xi32>,
          %get3A_497 = vector.shape_cast %get3A_496 : vector<1x16xi32> to vector<16xi32>
          %shift_right_logical3A_498 = arith.constant 16 : i32
          %shift_right_logical3A_499 = vector.broadcast %shift_right_logical3A_498 : i32 to vector<16xi32>
          %shift_right_logical3A_500 = arith.shrui %get3A_497, %shift_right_logical3A_499 : vector<16xi32>
          %swap3A_501 = arith.constant 0 : index
          %swap3A_502 = tpu.vector_load %arg8[%swap3A_501] {strides = array<i32>} : memref<112xi32, #tpu.memory_space<vmem>>, vector<16xi32>,
          %swap3A_503 = vector.shape_cast %swap3A_502 : vector<16xi32> to vector<16xi32>
          %swap3A_504 = vector.shape_cast %shift_right_logical3A_500 : vector<16xi32> to vector<16xi32>
          tpu.vector_store %arg8[%swap3A_501], %swap3A_504 {strides = array<i32>} : memref<112xi32, #tpu.memory_space<vmem>>, vector<16xi32>,
          %get3A_505 = arith.index_cast %add3A_493 : i32 to index
          %get3A_506 = arith.constant 16 : index
          %get3A_507 = tpu.vector_load %arg5[%get3A_505, %get3A_506] {strides = array<i32>} : memref<160x112xi32, #tpu.memory_space<vmem>>, vector<1x16xi32>,
          %get3A_508 = vector.shape_cast %get3A_507 : vector<1x16xi32> to vector<16xi32>
          %shift_right_logical3A_509 = arith.constant 16 : i32
          %shift_right_logical3A_510 = vector.broadcast %shift_right_logical3A_509 : i32 to vector<16xi32>
          %shift_right_logical3A_511 = arith.shrui %get3A_508, %shift_right_logical3A_510 : vector<16xi32>
          %swap3A_512 = arith.constant 16 : index
          %swap3A_513 = tpu.vector_load %arg8[%swap3A_512] {strides = array<i32>} : memref<112xi32, #tpu.memory_space<vmem>>, vector<16xi32>,
          %swap3A_514 = vector.shape_cast %swap3A_513 : vector<16xi32> to vector<16xi32>
          %swap3A_515 = vector.shape_cast %shift_right_logical3A_511 : vector<16xi32> to vector<16xi32>
          tpu.vector_store %arg8[%swap3A_512], %swap3A_515 {strides = array<i32>} : memref<112xi32, #tpu.memory_space<vmem>>, vector<16xi32>,
          %get3A_516 = arith.index_cast %add3A_493 : i32 to index
          %get3A_517 = arith.constant 32 : index
          %get3A_518 = tpu.vector_load %arg5[%get3A_516, %get3A_517] {strides = array<i32>} : memref<160x112xi32, #tpu.memory_space<vmem>>, vector<1x16xi32>,
          %get3A_519 = vector.shape_cast %get3A_518 : vector<1x16xi32> to vector<16xi32>
          %shift_right_logical3A_520 = arith.constant 16 : i32
          %shift_right_logical3A_521 = vector.broadcast %shift_right_logical3A_520 : i32 to vector<16xi32>
          %shift_right_logical3A_522 = arith.shrui %get3A_519, %shift_right_logical3A_521 : vector<16xi32>
          %swap3A_523 = arith.constant 32 : index
          %swap3A_524 = tpu.vector_load %arg8[%swap3A_523] {strides = array<i32>} : memref<112xi32, #tpu.memory_space<vmem>>, vector<16xi32>,
          %swap3A_525 = vector.shape_cast %swap3A_524 : vector<16xi32> to vector<16xi32>
          %swap3A_526 = vector.shape_cast %shift_right_logical3A_522 : vector<16xi32> to vector<16xi32>
          tpu.vector_store %arg8[%swap3A_523], %swap3A_526 {strides = array<i32>} : memref<112xi32, #tpu.memory_space<vmem>>, vector<16xi32>,
          %get3A_527 = arith.index_cast %add3A_493 : i32 to index
          %get3A_528 = arith.constant 48 : index
          %get3A_529 = tpu.vector_load %arg5[%get3A_527, %get3A_528] {strides = array<i32>} : memref<160x112xi32, #tpu.memory_space<vmem>>, vector<1x16xi32>,
          %get3A_530 = vector.shape_cast %get3A_529 : vector<1x16xi32> to vector<16xi32>
          %shift_right_logical3A_531 = arith.constant 16 : i32
          %shift_right_logical3A_532 = vector.broadcast %shift_right_logical3A_531 : i32 to vector<16xi32>
          %shift_right_logical3A_533 = arith.shrui %get3A_530, %shift_right_logical3A_532 : vector<16xi32>
          %swap3A_534 = arith.constant 48 : index
          %swap3A_535 = tpu.vector_load %arg8[%swap3A_534] {strides = array<i32>} : memref<112xi32, #tpu.memory_space<vmem>>, vector<16xi32>,
          %swap3A_536 = vector.shape_cast %swap3A_535 : vector<16xi32> to vector<16xi32>
          %swap3A_537 = vector.shape_cast %shift_right_logical3A_533 : vector<16xi32> to vector<16xi32>
          tpu.vector_store %arg8[%swap3A_534], %swap3A_537 {strides = array<i32>} : memref<112xi32, #tpu.memory_space<vmem>>, vector<16xi32>,
          %get3A_538 = arith.index_cast %add3A_493 : i32 to index
          %get3A_539 = arith.constant 64 : index
          %get3A_540 = tpu.vector_load %arg5[%get3A_538, %get3A_539] {strides = array<i32>} : memref<160x112xi32, #tpu.memory_space<vmem>>, vector<1x16xi32>,
          %get3A_541 = vector.shape_cast %get3A_540 : vector<1x16xi32> to vector<16xi32>
          %shift_right_logical3A_542 = arith.constant 16 : i32
          %shift_right_logical3A_543 = vector.broadcast %shift_right_logical3A_542 : i32 to vector<16xi32>
          %shift_right_logical3A_544 = arith.shrui %get3A_541, %shift_right_logical3A_543 : vector<16xi32>
          %swap3A_545 = arith.constant 64 : index
          %swap3A_546 = tpu.vector_load %arg8[%swap3A_545] {strides = array<i32>} : memref<112xi32, #tpu.memory_space<vmem>>, vector<16xi32>,
          %swap3A_547 = vector.shape_cast %swap3A_546 : vector<16xi32> to vector<16xi32>
          %swap3A_548 = vector.shape_cast %shift_right_logical3A_544 : vector<16xi32> to vector<16xi32>
          tpu.vector_store %arg8[%swap3A_545], %swap3A_548 {strides = array<i32>} : memref<112xi32, #tpu.memory_space<vmem>>, vector<16xi32>,
          %get3A_549 = arith.index_cast %add3A_493 : i32 to index
          %get3A_550 = arith.constant 80 : index
          %get3A_551 = tpu.vector_load %arg5[%get3A_549, %get3A_550] {strides = array<i32>} : memref<160x112xi32, #tpu.memory_space<vmem>>, vector<1x16xi32>,
          %get3A_552 = vector.shape_cast %get3A_551 : vector<1x16xi32> to vector<16xi32>
          %shift_right_logical3A_553 = arith.constant 16 : i32
          %shift_right_logical3A_554 = vector.broadcast %shift_right_logical3A_553 : i32 to vector<16xi32>
          %shift_right_logical3A_555 = arith.shrui %get3A_552, %shift_right_logical3A_554 : vector<16xi32>
          %swap3A_556 = arith.constant 80 : index
          %swap3A_557 = tpu.vector_load %arg8[%swap3A_556] {strides = array<i32>} : memref<112xi32, #tpu.memory_space<vmem>>, vector<16xi32>,
          %swap3A_558 = vector.shape_cast %swap3A_557 : vector<16xi32> to vector<16xi32>
          %swap3A_559 = vector.shape_cast %shift_right_logical3A_555 : vector<16xi32> to vector<16xi32>
          tpu.vector_store %arg8[%swap3A_556], %swap3A_559 {strides = array<i32>} : memref<112xi32, #tpu.memory_space<vmem>>, vector<16xi32>,
          %get3A_560 = arith.index_cast %add3A_493 : i32 to index
          %get3A_561 = arith.constant 96 : index
          %get3A_562 = tpu.vector_load %arg5[%get3A_560, %get3A_561] {strides = array<i32>} : memref<160x112xi32, #tpu.memory_space<vmem>>, vector<1x16xi32>,
          %get3A_563 = vector.shape_cast %get3A_562 : vector<1x16xi32> to vector<16xi32>
          %shift_right_logical3A_564 = arith.constant 16 : i32
          %shift_right_logical3A_565 = vector.broadcast %shift_right_logical3A_564 : i32 to vector<16xi32>
          %shift_right_logical3A_566 = arith.shrui %get3A_563, %shift_right_logical3A_565 : vector<16xi32>
          %swap3A_567 = arith.constant 96 : index
          %swap3A_568 = tpu.vector_load %arg8[%swap3A_567] {strides = array<i32>} : memref<112xi32, #tpu.memory_space<vmem>>, vector<16xi32>,
          %swap3A_569 = vector.shape_cast %swap3A_568 : vector<16xi32> to vector<16xi32>
          %swap3A_570 = vector.shape_cast %shift_right_logical3A_566 : vector<16xi32> to vector<16xi32>
          tpu.vector_store %arg8[%swap3A_567], %swap3A_570 {strides = array<i32>} : memref<112xi32, #tpu.memory_space<vmem>>, vector<16xi32>,
          %dma_start3A_571 = arith.constant 0 : i32
          %dma_start3A_572 = arith.constant 0 : i32
          %dma_start3A_573 = tpu.memref_slice %arg2[%dma_start3A_571, %dma_start3A_572] : memref<10000x128xf32, #tpu.memory_space<hbm>> -> memref<10000x128xf32, #tpu.memory_space<hbm>>
          tpu.enqueue_indirect_dma source(%dma_start3A_573 : memref<10000x128xf32, #tpu.memory_space<hbm>>) target(%arg10 : memref<112x128xf32, #tpu.memory_space<vmem>>) offsets(%arg6 : memref<112xi32, #tpu.memory_space<vmem>>) semaphore(%arg13 : memref<!tpu.dma_semaphore, #tpu.memory_space<semaphore_mem>>)
        } else {
        }
        %dma_wait3A_403 = arith.constant 0 : i32
        %dma_wait3A_404 = arith.constant 0 : i32
        %dma_wait3A_405 = tpu.memref_slice %arg2[%dma_wait3A_403, %dma_wait3A_404] : memref<10000x128xf32, #tpu.memory_space<hbm>> -> memref<10000x128xf32, #tpu.memory_space<hbm>>
        tpu.wait_indirect_dma semaphore(%arg14 : memref<!tpu.dma_semaphore, #tpu.memory_space<semaphore_mem>>) src(%dma_wait3A_405 : memref<10000x128xf32, #tpu.memory_space<hbm>>) dst(%arg11 : memref<112x128xf32, #tpu.memory_space<vmem>>)
        "tpu.region"() ({
          %run_scoped3A = tpu.sem_alloc : memref<!tpu.dma_semaphore, #tpu.memory_space<semaphore_mem>>
          %dma_start3A_413 = arith.constant 0 : i32
          %dma_start3A_414 = arith.constant 0 : i32
          %dma_start3A_415 = tpu.memref_slice %arg12[%dma_start3A_413, %dma_start3A_414] : memref<10112x128xf32, #tpu.memory_space<vmem_shared>> -> memref<10112x128xf32, #tpu.memory_space<vmem_shared>>
          tpu.enqueue_indirect_dma source(%arg11 : memref<112x128xf32, #tpu.memory_space<vmem>>) target(%dma_start3A_415 : memref<10112x128xf32, #tpu.memory_space<vmem_shared>>) offsets(%arg9 : memref<112xi32, #tpu.memory_space<vmem>>) semaphore(%run_scoped3A : memref<!tpu.dma_semaphore, #tpu.memory_space<semaphore_mem>>) {add = true}
          %dma_wait3A_416 = arith.constant 0 : i32
          %dma_wait3A_417 = arith.constant 0 : i32
          %dma_wait3A_418 = tpu.memref_slice %arg12[%dma_wait3A_416, %dma_wait3A_417] : memref<10112x128xf32, #tpu.memory_space<vmem_shared>> -> memref<10112x128xf32, #tpu.memory_space<vmem_shared>>
          tpu.wait_indirect_dma semaphore(%run_scoped3A : memref<!tpu.dma_semaphore, #tpu.memory_space<semaphore_mem>>) src(%arg11 : memref<112x128xf32, #tpu.memory_space<vmem>>) dst(%dma_wait3A_418 : memref<10112x128xf32, #tpu.memory_space<vmem_shared>>)
          tpu.yield
        }) : () -> ()
        %add3A_406 = arith.constant 3 : i32
        %add3A_407 = arith.addi %mul3A_394, %add3A_406 : i32
        %lt3A_408 = arith.constant 160 : i32
        %lt3A_409 = arith.cmpi slt, %add3A_407, %lt3A_408 : i32
        %convert_element_type3A_410 = arith.extui %lt3A_409 : i1 to i32
        %cond3A_411 = arith.constant 0 : i32
        %cond3A_412 = arith.cmpi ne, %convert_element_type3A_410, %cond3A_411 : i32
        scf.if %cond3A_412 {
          %add3A_413 = arith.constant 3 : i32
          %add3A_414 = arith.addi %mul3A_394, %add3A_413 : i32
          %get3A_415 = arith.index_cast %add3A_414 : i32 to index
          %get3A_416 = arith.constant 0 : index
          %get3A_417 = tpu.vector_load %arg5[%get3A_415, %get3A_416] {strides = array<i32>} : memref<160x112xi32, #tpu.memory_space<vmem>>, vector<1x16xi32>,
          %get3A_418 = vector.shape_cast %get3A_417 : vector<1x16xi32> to vector<16xi32>
          %and3A_419 = arith.constant 65535 : i32
          %and3A_420 = vector.broadcast %and3A_419 : i32 to vector<16xi32>
          %and3A_421 = arith.andi %get3A_418, %and3A_420 : vector<16xi32>
          %swap3A_422 = arith.constant 0 : index
          %swap3A_423 = tpu.vector_load %arg7[%swap3A_422] {strides = array<i32>} : memref<112xi32, #tpu.memory_space<vmem>>, vector<16xi32>,
          %swap3A_424 = vector.shape_cast %swap3A_423 : vector<16xi32> to vector<16xi32>
          %swap3A_425 = vector.shape_cast %and3A_421 : vector<16xi32> to vector<16xi32>
          tpu.vector_store %arg7[%swap3A_422], %swap3A_425 {strides = array<i32>} : memref<112xi32, #tpu.memory_space<vmem>>, vector<16xi32>,
          %get3A_426 = arith.index_cast %add3A_414 : i32 to index
          %get3A_427 = arith.constant 16 : index
          %get3A_428 = tpu.vector_load %arg5[%get3A_426, %get3A_427] {strides = array<i32>} : memref<160x112xi32, #tpu.memory_space<vmem>>, vector<1x16xi32>,
          %get3A_429 = vector.shape_cast %get3A_428 : vector<1x16xi32> to vector<16xi32>
          %and3A_430 = arith.constant 65535 : i32
          %and3A_431 = vector.broadcast %and3A_430 : i32 to vector<16xi32>
          %and3A_432 = arith.andi %get3A_429, %and3A_431 : vector<16xi32>
          %swap3A_433 = arith.constant 16 : index
          %swap3A_434 = tpu.vector_load %arg7[%swap3A_433] {strides = array<i32>} : memref<112xi32, #tpu.memory_space<vmem>>, vector<16xi32>,
          %swap3A_435 = vector.shape_cast %swap3A_434 : vector<16xi32> to vector<16xi32>
          %swap3A_436 = vector.shape_cast %and3A_432 : vector<16xi32> to vector<16xi32>
          tpu.vector_store %arg7[%swap3A_433], %swap3A_436 {strides = array<i32>} : memref<112xi32, #tpu.memory_space<vmem>>, vector<16xi32>,
          %get3A_437 = arith.index_cast %add3A_414 : i32 to index
          %get3A_438 = arith.constant 32 : index
          %get3A_439 = tpu.vector_load %arg5[%get3A_437, %get3A_438] {strides = array<i32>} : memref<160x112xi32, #tpu.memory_space<vmem>>, vector<1x16xi32>,
          %get3A_440 = vector.shape_cast %get3A_439 : vector<1x16xi32> to vector<16xi32>
          %and3A_441 = arith.constant 65535 : i32
          %and3A_442 = vector.broadcast %and3A_441 : i32 to vector<16xi32>
          %and3A_443 = arith.andi %get3A_440, %and3A_442 : vector<16xi32>
          %swap3A_444 = arith.constant 32 : index
          %swap3A_445 = tpu.vector_load %arg7[%swap3A_444] {strides = array<i32>} : memref<112xi32, #tpu.memory_space<vmem>>, vector<16xi32>,
          %swap3A_446 = vector.shape_cast %swap3A_445 : vector<16xi32> to vector<16xi32>
          %swap3A_447 = vector.shape_cast %and3A_443 : vector<16xi32> to vector<16xi32>
          tpu.vector_store %arg7[%swap3A_444], %swap3A_447 {strides = array<i32>} : memref<112xi32, #tpu.memory_space<vmem>>, vector<16xi32>,
          %get3A_448 = arith.index_cast %add3A_414 : i32 to index
          %get3A_449 = arith.constant 48 : index
          %get3A_450 = tpu.vector_load %arg5[%get3A_448, %get3A_449] {strides = array<i32>} : memref<160x112xi32, #tpu.memory_space<vmem>>, vector<1x16xi32>,
          %get3A_451 = vector.shape_cast %get3A_450 : vector<1x16xi32> to vector<16xi32>
          %and3A_452 = arith.constant 65535 : i32
          %and3A_453 = vector.broadcast %and3A_452 : i32 to vector<16xi32>
          %and3A_454 = arith.andi %get3A_451, %and3A_453 : vector<16xi32>
          %swap3A_455 = arith.constant 48 : index
          %swap3A_456 = tpu.vector_load %arg7[%swap3A_455] {strides = array<i32>} : memref<112xi32, #tpu.memory_space<vmem>>, vector<16xi32>,
          %swap3A_457 = vector.shape_cast %swap3A_456 : vector<16xi32> to vector<16xi32>
          %swap3A_458 = vector.shape_cast %and3A_454 : vector<16xi32> to vector<16xi32>
          tpu.vector_store %arg7[%swap3A_455], %swap3A_458 {strides = array<i32>} : memref<112xi32, #tpu.memory_space<vmem>>, vector<16xi32>,
          %get3A_459 = arith.index_cast %add3A_414 : i32 to index
          %get3A_460 = arith.constant 64 : index
          %get3A_461 = tpu.vector_load %arg5[%get3A_459, %get3A_460] {strides = array<i32>} : memref<160x112xi32, #tpu.memory_space<vmem>>, vector<1x16xi32>,
          %get3A_462 = vector.shape_cast %get3A_461 : vector<1x16xi32> to vector<16xi32>
          %and3A_463 = arith.constant 65535 : i32
          %and3A_464 = vector.broadcast %and3A_463 : i32 to vector<16xi32>
          %and3A_465 = arith.andi %get3A_462, %and3A_464 : vector<16xi32>
          %swap3A_466 = arith.constant 64 : index
          %swap3A_467 = tpu.vector_load %arg7[%swap3A_466] {strides = array<i32>} : memref<112xi32, #tpu.memory_space<vmem>>, vector<16xi32>,
          %swap3A_468 = vector.shape_cast %swap3A_467 : vector<16xi32> to vector<16xi32>
          %swap3A_469 = vector.shape_cast %and3A_465 : vector<16xi32> to vector<16xi32>
          tpu.vector_store %arg7[%swap3A_466], %swap3A_469 {strides = array<i32>} : memref<112xi32, #tpu.memory_space<vmem>>, vector<16xi32>,
          %get3A_470 = arith.index_cast %add3A_414 : i32 to index
          %get3A_471 = arith.constant 80 : index
          %get3A_472 = tpu.vector_load %arg5[%get3A_470, %get3A_471] {strides = array<i32>} : memref<160x112xi32, #tpu.memory_space<vmem>>, vector<1x16xi32>,
          %get3A_473 = vector.shape_cast %get3A_472 : vector<1x16xi32> to vector<16xi32>
          %and3A_474 = arith.constant 65535 : i32
          %and3A_475 = vector.broadcast %and3A_474 : i32 to vector<16xi32>
          %and3A_476 = arith.andi %get3A_473, %and3A_475 : vector<16xi32>
          %swap3A_477 = arith.constant 80 : index
          %swap3A_478 = tpu.vector_load %arg7[%swap3A_477] {strides = array<i32>} : memref<112xi32, #tpu.memory_space<vmem>>, vector<16xi32>,
          %swap3A_479 = vector.shape_cast %swap3A_478 : vector<16xi32> to vector<16xi32>
          %swap3A_480 = vector.shape_cast %and3A_476 : vector<16xi32> to vector<16xi32>
          tpu.vector_store %arg7[%swap3A_477], %swap3A_480 {strides = array<i32>} : memref<112xi32, #tpu.memory_space<vmem>>, vector<16xi32>,
          %get3A_481 = arith.index_cast %add3A_414 : i32 to index
          %get3A_482 = arith.constant 96 : index
          %get3A_483 = tpu.vector_load %arg5[%get3A_481, %get3A_482] {strides = array<i32>} : memref<160x112xi32, #tpu.memory_space<vmem>>, vector<1x16xi32>,
          %get3A_484 = vector.shape_cast %get3A_483 : vector<1x16xi32> to vector<16xi32>
          %and3A_485 = arith.constant 65535 : i32
          %and3A_486 = vector.broadcast %and3A_485 : i32 to vector<16xi32>
          %and3A_487 = arith.andi %get3A_484, %and3A_486 : vector<16xi32>
          %swap3A_488 = arith.constant 96 : index
          %swap3A_489 = tpu.vector_load %arg7[%swap3A_488] {strides = array<i32>} : memref<112xi32, #tpu.memory_space<vmem>>, vector<16xi32>,
          %swap3A_490 = vector.shape_cast %swap3A_489 : vector<16xi32> to vector<16xi32>
          %swap3A_491 = vector.shape_cast %and3A_487 : vector<16xi32> to vector<16xi32>
          tpu.vector_store %arg7[%swap3A_488], %swap3A_491 {strides = array<i32>} : memref<112xi32, #tpu.memory_space<vmem>>, vector<16xi32>,
          %add3A_492 = arith.constant 3 : i32
          %add3A_493 = arith.addi %mul3A_394, %add3A_492 : i32
          %get3A_494 = arith.index_cast %add3A_493 : i32 to index
          %get3A_495 = arith.constant 0 : index
          %get3A_496 = tpu.vector_load %arg5[%get3A_494, %get3A_495] {strides = array<i32>} : memref<160x112xi32, #tpu.memory_space<vmem>>, vector<1x16xi32>,
          %get3A_497 = vector.shape_cast %get3A_496 : vector<1x16xi32> to vector<16xi32>
          %shift_right_logical3A_498 = arith.constant 16 : i32
          %shift_right_logical3A_499 = vector.broadcast %shift_right_logical3A_498 : i32 to vector<16xi32>
          %shift_right_logical3A_500 = arith.shrui %get3A_497, %shift_right_logical3A_499 : vector<16xi32>
          %swap3A_501 = arith.constant 0 : index
          %swap3A_502 = tpu.vector_load %arg9[%swap3A_501] {strides = array<i32>} : memref<112xi32, #tpu.memory_space<vmem>>, vector<16xi32>,
          %swap3A_503 = vector.shape_cast %swap3A_502 : vector<16xi32> to vector<16xi32>
          %swap3A_504 = vector.shape_cast %shift_right_logical3A_500 : vector<16xi32> to vector<16xi32>
          tpu.vector_store %arg9[%swap3A_501], %swap3A_504 {strides = array<i32>} : memref<112xi32, #tpu.memory_space<vmem>>, vector<16xi32>,
          %get3A_505 = arith.index_cast %add3A_493 : i32 to index
          %get3A_506 = arith.constant 16 : index
          %get3A_507 = tpu.vector_load %arg5[%get3A_505, %get3A_506] {strides = array<i32>} : memref<160x112xi32, #tpu.memory_space<vmem>>, vector<1x16xi32>,
          %get3A_508 = vector.shape_cast %get3A_507 : vector<1x16xi32> to vector<16xi32>
          %shift_right_logical3A_509 = arith.constant 16 : i32
          %shift_right_logical3A_510 = vector.broadcast %shift_right_logical3A_509 : i32 to vector<16xi32>
          %shift_right_logical3A_511 = arith.shrui %get3A_508, %shift_right_logical3A_510 : vector<16xi32>
          %swap3A_512 = arith.constant 16 : index
          %swap3A_513 = tpu.vector_load %arg9[%swap3A_512] {strides = array<i32>} : memref<112xi32, #tpu.memory_space<vmem>>, vector<16xi32>,
          %swap3A_514 = vector.shape_cast %swap3A_513 : vector<16xi32> to vector<16xi32>
          %swap3A_515 = vector.shape_cast %shift_right_logical3A_511 : vector<16xi32> to vector<16xi32>
          tpu.vector_store %arg9[%swap3A_512], %swap3A_515 {strides = array<i32>} : memref<112xi32, #tpu.memory_space<vmem>>, vector<16xi32>,
          %get3A_516 = arith.index_cast %add3A_493 : i32 to index
          %get3A_517 = arith.constant 32 : index
          %get3A_518 = tpu.vector_load %arg5[%get3A_516, %get3A_517] {strides = array<i32>} : memref<160x112xi32, #tpu.memory_space<vmem>>, vector<1x16xi32>,
          %get3A_519 = vector.shape_cast %get3A_518 : vector<1x16xi32> to vector<16xi32>
          %shift_right_logical3A_520 = arith.constant 16 : i32
          %shift_right_logical3A_521 = vector.broadcast %shift_right_logical3A_520 : i32 to vector<16xi32>
          %shift_right_logical3A_522 = arith.shrui %get3A_519, %shift_right_logical3A_521 : vector<16xi32>
          %swap3A_523 = arith.constant 32 : index
          %swap3A_524 = tpu.vector_load %arg9[%swap3A_523] {strides = array<i32>} : memref<112xi32, #tpu.memory_space<vmem>>, vector<16xi32>,
          %swap3A_525 = vector.shape_cast %swap3A_524 : vector<16xi32> to vector<16xi32>
          %swap3A_526 = vector.shape_cast %shift_right_logical3A_522 : vector<16xi32> to vector<16xi32>
          tpu.vector_store %arg9[%swap3A_523], %swap3A_526 {strides = array<i32>} : memref<112xi32, #tpu.memory_space<vmem>>, vector<16xi32>,
          %get3A_527 = arith.index_cast %add3A_493 : i32 to index
          %get3A_528 = arith.constant 48 : index
          %get3A_529 = tpu.vector_load %arg5[%get3A_527, %get3A_528] {strides = array<i32>} : memref<160x112xi32, #tpu.memory_space<vmem>>, vector<1x16xi32>,
          %get3A_530 = vector.shape_cast %get3A_529 : vector<1x16xi32> to vector<16xi32>
          %shift_right_logical3A_531 = arith.constant 16 : i32
          %shift_right_logical3A_532 = vector.broadcast %shift_right_logical3A_531 : i32 to vector<16xi32>
          %shift_right_logical3A_533 = arith.shrui %get3A_530, %shift_right_logical3A_532 : vector<16xi32>
          %swap3A_534 = arith.constant 48 : index
          %swap3A_535 = tpu.vector_load %arg9[%swap3A_534] {strides = array<i32>} : memref<112xi32, #tpu.memory_space<vmem>>, vector<16xi32>,
          %swap3A_536 = vector.shape_cast %swap3A_535 : vector<16xi32> to vector<16xi32>
          %swap3A_537 = vector.shape_cast %shift_right_logical3A_533 : vector<16xi32> to vector<16xi32>
          tpu.vector_store %arg9[%swap3A_534], %swap3A_537 {strides = array<i32>} : memref<112xi32, #tpu.memory_space<vmem>>, vector<16xi32>,
          %get3A_538 = arith.index_cast %add3A_493 : i32 to index
          %get3A_539 = arith.constant 64 : index
          %get3A_540 = tpu.vector_load %arg5[%get3A_538, %get3A_539] {strides = array<i32>} : memref<160x112xi32, #tpu.memory_space<vmem>>, vector<1x16xi32>,
          %get3A_541 = vector.shape_cast %get3A_540 : vector<1x16xi32> to vector<16xi32>
          %shift_right_logical3A_542 = arith.constant 16 : i32
          %shift_right_logical3A_543 = vector.broadcast %shift_right_logical3A_542 : i32 to vector<16xi32>
          %shift_right_logical3A_544 = arith.shrui %get3A_541, %shift_right_logical3A_543 : vector<16xi32>
          %swap3A_545 = arith.constant 64 : index
          %swap3A_546 = tpu.vector_load %arg9[%swap3A_545] {strides = array<i32>} : memref<112xi32, #tpu.memory_space<vmem>>, vector<16xi32>,
          %swap3A_547 = vector.shape_cast %swap3A_546 : vector<16xi32> to vector<16xi32>
          %swap3A_548 = vector.shape_cast %shift_right_logical3A_544 : vector<16xi32> to vector<16xi32>
          tpu.vector_store %arg9[%swap3A_545], %swap3A_548 {strides = array<i32>} : memref<112xi32, #tpu.memory_space<vmem>>, vector<16xi32>,
          %get3A_549 = arith.index_cast %add3A_493 : i32 to index
          %get3A_550 = arith.constant 80 : index
          %get3A_551 = tpu.vector_load %arg5[%get3A_549, %get3A_550] {strides = array<i32>} : memref<160x112xi32, #tpu.memory_space<vmem>>, vector<1x16xi32>,
          %get3A_552 = vector.shape_cast %get3A_551 : vector<1x16xi32> to vector<16xi32>
          %shift_right_logical3A_553 = arith.constant 16 : i32
          %shift_right_logical3A_554 = vector.broadcast %shift_right_logical3A_553 : i32 to vector<16xi32>
          %shift_right_logical3A_555 = arith.shrui %get3A_552, %shift_right_logical3A_554 : vector<16xi32>
          %swap3A_556 = arith.constant 80 : index
          %swap3A_557 = tpu.vector_load %arg9[%swap3A_556] {strides = array<i32>} : memref<112xi32, #tpu.memory_space<vmem>>, vector<16xi32>,
          %swap3A_558 = vector.shape_cast %swap3A_557 : vector<16xi32> to vector<16xi32>
          %swap3A_559 = vector.shape_cast %shift_right_logical3A_555 : vector<16xi32> to vector<16xi32>
          tpu.vector_store %arg9[%swap3A_556], %swap3A_559 {strides = array<i32>} : memref<112xi32, #tpu.memory_space<vmem>>, vector<16xi32>,
          %get3A_560 = arith.index_cast %add3A_493 : i32 to index
          %get3A_561 = arith.constant 96 : index
          %get3A_562 = tpu.vector_load %arg5[%get3A_560, %get3A_561] {strides = array<i32>} : memref<160x112xi32, #tpu.memory_space<vmem>>, vector<1x16xi32>,
          %get3A_563 = vector.shape_cast %get3A_562 : vector<1x16xi32> to vector<16xi32>
          %shift_right_logical3A_564 = arith.constant 16 : i32
          %shift_right_logical3A_565 = vector.broadcast %shift_right_logical3A_564 : i32 to vector<16xi32>
          %shift_right_logical3A_566 = arith.shrui %get3A_563, %shift_right_logical3A_565 : vector<16xi32>
          %swap3A_567 = arith.constant 96 : index
          %swap3A_568 = tpu.vector_load %arg9[%swap3A_567] {strides = array<i32>} : memref<112xi32, #tpu.memory_space<vmem>>, vector<16xi32>,
          %swap3A_569 = vector.shape_cast %swap3A_568 : vector<16xi32> to vector<16xi32>
          %swap3A_570 = vector.shape_cast %shift_right_logical3A_566 : vector<16xi32> to vector<16xi32>
          tpu.vector_store %arg9[%swap3A_567], %swap3A_570 {strides = array<i32>} : memref<112xi32, #tpu.memory_space<vmem>>, vector<16xi32>,
          %dma_start3A_571 = arith.constant 0 : i32
          %dma_start3A_572 = arith.constant 0 : i32
          %dma_start3A_573 = tpu.memref_slice %arg2[%dma_start3A_571, %dma_start3A_572] : memref<10000x128xf32, #tpu.memory_space<hbm>> -> memref<10000x128xf32, #tpu.memory_space<hbm>>
          tpu.enqueue_indirect_dma source(%dma_start3A_573 : memref<10000x128xf32, #tpu.memory_space<hbm>>) target(%arg11 : memref<112x128xf32, #tpu.memory_space<vmem>>) offsets(%arg7 : memref<112xi32, #tpu.memory_space<vmem>>) semaphore(%arg14 : memref<!tpu.dma_semaphore, #tpu.memory_space<semaphore_mem>>)
        } else {
        }
      }
      %scan3A_387 = arith.constant 80 : i32
    } else {
    }
    %eq3A_36 = arith.constant 1 : i32
    %eq3A_37 = arith.cmpi eq, %arg0, %eq3A_36 : i32
    %convert_element_type3A_38 = arith.extui %eq3A_37 : i1 to i32
    %cond3A_39 = arith.constant 0 : i32
    %cond3A_40 = arith.cmpi ne, %convert_element_type3A_38, %cond3A_39 : i32
    scf.if %cond3A_40 {
      %scan3A_46 = arith.constant 0 : i32
      %scan3A_47 = arith.constant 24 : i32
      %scan3A_48 = arith.addi %scan3A_46, %scan3A_47 : i32
      %scan3A_49 = arith.constant 1 : i32
      scf.for %scan3A_51 = %scan3A_46 to %scan3A_48 step %scan3A_49  : i32 {
        %mul3A_52 = arith.constant 1 : i32
        %mul3A_53 = arith.muli %scan3A_51, %mul3A_52 : i32
        %add3A_54 = arith.constant 0 : i32
        %add3A_55 = arith.addi %add3A_54, %mul3A_53 : i32
        %get3A = arith.index_cast %add3A_55 : i32 to index
        %get3A_56 = arith.constant 0 : index
        %get3A_57 = tpu.vector_load %arg5[%get3A, %get3A_56] {strides = array<i32>} : memref<160x112xi32, #tpu.memory_space<vmem>>, vector<1x16xi32>,
        %get3A_58 = vector.shape_cast %get3A_57 : vector<1x16xi32> to vector<16xi32>
        %and3A = arith.constant 65535 : i32
        %and3A_59 = vector.broadcast %and3A : i32 to vector<16xi32>
        %and3A_60 = arith.andi %get3A_58, %and3A_59 : vector<16xi32>
        %swap3A = arith.constant 0 : index
        %swap3A_61 = tpu.vector_load %arg6[%swap3A] {strides = array<i32>} : memref<112xi32, #tpu.memory_space<vmem>>, vector<16xi32>,
        %swap3A_62 = vector.shape_cast %swap3A_61 : vector<16xi32> to vector<16xi32>
        %swap3A_63 = vector.shape_cast %and3A_60 : vector<16xi32> to vector<16xi32>
        tpu.vector_store %arg6[%swap3A], %swap3A_63 {strides = array<i32>} : memref<112xi32, #tpu.memory_space<vmem>>, vector<16xi32>,
        %get3A_64 = arith.index_cast %add3A_55 : i32 to index
        %get3A_65 = arith.constant 16 : index
        %get3A_66 = tpu.vector_load %arg5[%get3A_64, %get3A_65] {strides = array<i32>} : memref<160x112xi32, #tpu.memory_space<vmem>>, vector<1x16xi32>,
        %get3A_67 = vector.shape_cast %get3A_66 : vector<1x16xi32> to vector<16xi32>
        %and3A_68 = arith.constant 65535 : i32
        %and3A_69 = vector.broadcast %and3A_68 : i32 to vector<16xi32>
        %and3A_70 = arith.andi %get3A_67, %and3A_69 : vector<16xi32>
        %swap3A_71 = arith.constant 16 : index
        %swap3A_72 = tpu.vector_load %arg6[%swap3A_71] {strides = array<i32>} : memref<112xi32, #tpu.memory_space<vmem>>, vector<16xi32>,
        %swap3A_73 = vector.shape_cast %swap3A_72 : vector<16xi32> to vector<16xi32>
        %swap3A_74 = vector.shape_cast %and3A_70 : vector<16xi32> to vector<16xi32>
        tpu.vector_store %arg6[%swap3A_71], %swap3A_74 {strides = array<i32>} : memref<112xi32, #tpu.memory_space<vmem>>, vector<16xi32>,
        %get3A_75 = arith.index_cast %add3A_55 : i32 to index
        %get3A_76 = arith.constant 32 : index
        %get3A_77 = tpu.vector_load %arg5[%get3A_75, %get3A_76] {strides = array<i32>} : memref<160x112xi32, #tpu.memory_space<vmem>>, vector<1x16xi32>,
        %get3A_78 = vector.shape_cast %get3A_77 : vector<1x16xi32> to vector<16xi32>
        %and3A_79 = arith.constant 65535 : i32
        %and3A_80 = vector.broadcast %and3A_79 : i32 to vector<16xi32>
        %and3A_81 = arith.andi %get3A_78, %and3A_80 : vector<16xi32>
        %swap3A_82 = arith.constant 32 : index
        %swap3A_83 = tpu.vector_load %arg6[%swap3A_82] {strides = array<i32>} : memref<112xi32, #tpu.memory_space<vmem>>, vector<16xi32>,
        %swap3A_84 = vector.shape_cast %swap3A_83 : vector<16xi32> to vector<16xi32>
        %swap3A_85 = vector.shape_cast %and3A_81 : vector<16xi32> to vector<16xi32>
        tpu.vector_store %arg6[%swap3A_82], %swap3A_85 {strides = array<i32>} : memref<112xi32, #tpu.memory_space<vmem>>, vector<16xi32>,
        %get3A_86 = arith.index_cast %add3A_55 : i32 to index
        %get3A_87 = arith.constant 48 : index
        %get3A_88 = tpu.vector_load %arg5[%get3A_86, %get3A_87] {strides = array<i32>} : memref<160x112xi32, #tpu.memory_space<vmem>>, vector<1x16xi32>,
        %get3A_89 = vector.shape_cast %get3A_88 : vector<1x16xi32> to vector<16xi32>
        %and3A_90 = arith.constant 65535 : i32
        %and3A_91 = vector.broadcast %and3A_90 : i32 to vector<16xi32>
        %and3A_92 = arith.andi %get3A_89, %and3A_91 : vector<16xi32>
        %swap3A_93 = arith.constant 48 : index
        %swap3A_94 = tpu.vector_load %arg6[%swap3A_93] {strides = array<i32>} : memref<112xi32, #tpu.memory_space<vmem>>, vector<16xi32>,
        %swap3A_95 = vector.shape_cast %swap3A_94 : vector<16xi32> to vector<16xi32>
        %swap3A_96 = vector.shape_cast %and3A_92 : vector<16xi32> to vector<16xi32>
        tpu.vector_store %arg6[%swap3A_93], %swap3A_96 {strides = array<i32>} : memref<112xi32, #tpu.memory_space<vmem>>, vector<16xi32>,
        %get3A_97 = arith.index_cast %add3A_55 : i32 to index
        %get3A_98 = arith.constant 64 : index
        %get3A_99 = tpu.vector_load %arg5[%get3A_97, %get3A_98] {strides = array<i32>} : memref<160x112xi32, #tpu.memory_space<vmem>>, vector<1x16xi32>,
        %get3A_100 = vector.shape_cast %get3A_99 : vector<1x16xi32> to vector<16xi32>
        %and3A_101 = arith.constant 65535 : i32
        %and3A_102 = vector.broadcast %and3A_101 : i32 to vector<16xi32>
        %and3A_103 = arith.andi %get3A_100, %and3A_102 : vector<16xi32>
        %swap3A_104 = arith.constant 64 : index
        %swap3A_105 = tpu.vector_load %arg6[%swap3A_104] {strides = array<i32>} : memref<112xi32, #tpu.memory_space<vmem>>, vector<16xi32>,
        %swap3A_106 = vector.shape_cast %swap3A_105 : vector<16xi32> to vector<16xi32>
        %swap3A_107 = vector.shape_cast %and3A_103 : vector<16xi32> to vector<16xi32>
        tpu.vector_store %arg6[%swap3A_104], %swap3A_107 {strides = array<i32>} : memref<112xi32, #tpu.memory_space<vmem>>, vector<16xi32>,
        %get3A_108 = arith.index_cast %add3A_55 : i32 to index
        %get3A_109 = arith.constant 80 : index
        %get3A_110 = tpu.vector_load %arg5[%get3A_108, %get3A_109] {strides = array<i32>} : memref<160x112xi32, #tpu.memory_space<vmem>>, vector<1x16xi32>,
        %get3A_111 = vector.shape_cast %get3A_110 : vector<1x16xi32> to vector<16xi32>
        %and3A_112 = arith.constant 65535 : i32
        %and3A_113 = vector.broadcast %and3A_112 : i32 to vector<16xi32>
        %and3A_114 = arith.andi %get3A_111, %and3A_113 : vector<16xi32>
        %swap3A_115 = arith.constant 80 : index
        %swap3A_116 = tpu.vector_load %arg6[%swap3A_115] {strides = array<i32>} : memref<112xi32, #tpu.memory_space<vmem>>, vector<16xi32>,
        %swap3A_117 = vector.shape_cast %swap3A_116 : vector<16xi32> to vector<16xi32>
        %swap3A_118 = vector.shape_cast %and3A_114 : vector<16xi32> to vector<16xi32>
        tpu.vector_store %arg6[%swap3A_115], %swap3A_118 {strides = array<i32>} : memref<112xi32, #tpu.memory_space<vmem>>, vector<16xi32>,
        %get3A_119 = arith.index_cast %add3A_55 : i32 to index
        %get3A_120 = arith.constant 96 : index
        %get3A_121 = tpu.vector_load %arg5[%get3A_119, %get3A_120] {strides = array<i32>} : memref<160x112xi32, #tpu.memory_space<vmem>>, vector<1x16xi32>,
        %get3A_122 = vector.shape_cast %get3A_121 : vector<1x16xi32> to vector<16xi32>
        %and3A_123 = arith.constant 65535 : i32
        %and3A_124 = vector.broadcast %and3A_123 : i32 to vector<16xi32>
        %and3A_125 = arith.andi %get3A_122, %and3A_124 : vector<16xi32>
        %swap3A_126 = arith.constant 96 : index
        %swap3A_127 = tpu.vector_load %arg6[%swap3A_126] {strides = array<i32>} : memref<112xi32, #tpu.memory_space<vmem>>, vector<16xi32>,
        %swap3A_128 = vector.shape_cast %swap3A_127 : vector<16xi32> to vector<16xi32>
        %swap3A_129 = vector.shape_cast %and3A_125 : vector<16xi32> to vector<16xi32>
        tpu.vector_store %arg6[%swap3A_126], %swap3A_129 {strides = array<i32>} : memref<112xi32, #tpu.memory_space<vmem>>, vector<16xi32>,
        %get3A_130 = arith.index_cast %add3A_55 : i32 to index
        %get3A_131 = arith.constant 0 : index
        %get3A_132 = tpu.vector_load %arg5[%get3A_130, %get3A_131] {strides = array<i32>} : memref<160x112xi32, #tpu.memory_space<vmem>>, vector<1x16xi32>,
        %get3A_133 = vector.shape_cast %get3A_132 : vector<1x16xi32> to vector<16xi32>
        %shift_right_logical3A = arith.constant 16 : i32
        %shift_right_logical3A_134 = vector.broadcast %shift_right_logical3A : i32 to vector<16xi32>
        %shift_right_logical3A_135 = arith.shrui %get3A_133, %shift_right_logical3A_134 : vector<16xi32>
        %swap3A_136 = arith.constant 0 : index
        %swap3A_137 = tpu.vector_load %arg8[%swap3A_136] {strides = array<i32>} : memref<112xi32, #tpu.memory_space<vmem>>, vector<16xi32>,
        %swap3A_138 = vector.shape_cast %swap3A_137 : vector<16xi32> to vector<16xi32>
        %swap3A_139 = vector.shape_cast %shift_right_logical3A_135 : vector<16xi32> to vector<16xi32>
        tpu.vector_store %arg8[%swap3A_136], %swap3A_139 {strides = array<i32>} : memref<112xi32, #tpu.memory_space<vmem>>, vector<16xi32>,
        %get3A_140 = arith.index_cast %add3A_55 : i32 to index
        %get3A_141 = arith.constant 16 : index
        %get3A_142 = tpu.vector_load %arg5[%get3A_140, %get3A_141] {strides = array<i32>} : memref<160x112xi32, #tpu.memory_space<vmem>>, vector<1x16xi32>,
        %get3A_143 = vector.shape_cast %get3A_142 : vector<1x16xi32> to vector<16xi32>
        %shift_right_logical3A_144 = arith.constant 16 : i32
        %shift_right_logical3A_145 = vector.broadcast %shift_right_logical3A_144 : i32 to vector<16xi32>
        %shift_right_logical3A_146 = arith.shrui %get3A_143, %shift_right_logical3A_145 : vector<16xi32>
        %swap3A_147 = arith.constant 16 : index
        %swap3A_148 = tpu.vector_load %arg8[%swap3A_147] {strides = array<i32>} : memref<112xi32, #tpu.memory_space<vmem>>, vector<16xi32>,
        %swap3A_149 = vector.shape_cast %swap3A_148 : vector<16xi32> to vector<16xi32>
        %swap3A_150 = vector.shape_cast %shift_right_logical3A_146 : vector<16xi32> to vector<16xi32>
        tpu.vector_store %arg8[%swap3A_147], %swap3A_150 {strides = array<i32>} : memref<112xi32, #tpu.memory_space<vmem>>, vector<16xi32>,
        %get3A_151 = arith.index_cast %add3A_55 : i32 to index
        %get3A_152 = arith.constant 32 : index
        %get3A_153 = tpu.vector_load %arg5[%get3A_151, %get3A_152] {strides = array<i32>} : memref<160x112xi32, #tpu.memory_space<vmem>>, vector<1x16xi32>,
        %get3A_154 = vector.shape_cast %get3A_153 : vector<1x16xi32> to vector<16xi32>
        %shift_right_logical3A_155 = arith.constant 16 : i32
        %shift_right_logical3A_156 = vector.broadcast %shift_right_logical3A_155 : i32 to vector<16xi32>
        %shift_right_logical3A_157 = arith.shrui %get3A_154, %shift_right_logical3A_156 : vector<16xi32>
        %swap3A_158 = arith.constant 32 : index
        %swap3A_159 = tpu.vector_load %arg8[%swap3A_158] {strides = array<i32>} : memref<112xi32, #tpu.memory_space<vmem>>, vector<16xi32>,
        %swap3A_160 = vector.shape_cast %swap3A_159 : vector<16xi32> to vector<16xi32>
        %swap3A_161 = vector.shape_cast %shift_right_logical3A_157 : vector<16xi32> to vector<16xi32>
        tpu.vector_store %arg8[%swap3A_158], %swap3A_161 {strides = array<i32>} : memref<112xi32, #tpu.memory_space<vmem>>, vector<16xi32>,
        %get3A_162 = arith.index_cast %add3A_55 : i32 to index
        %get3A_163 = arith.constant 48 : index
        %get3A_164 = tpu.vector_load %arg5[%get3A_162, %get3A_163] {strides = array<i32>} : memref<160x112xi32, #tpu.memory_space<vmem>>, vector<1x16xi32>,
        %get3A_165 = vector.shape_cast %get3A_164 : vector<1x16xi32> to vector<16xi32>
        %shift_right_logical3A_166 = arith.constant 16 : i32
        %shift_right_logical3A_167 = vector.broadcast %shift_right_logical3A_166 : i32 to vector<16xi32>
        %shift_right_logical3A_168 = arith.shrui %get3A_165, %shift_right_logical3A_167 : vector<16xi32>
        %swap3A_169 = arith.constant 48 : index
        %swap3A_170 = tpu.vector_load %arg8[%swap3A_169] {strides = array<i32>} : memref<112xi32, #tpu.memory_space<vmem>>, vector<16xi32>,
        %swap3A_171 = vector.shape_cast %swap3A_170 : vector<16xi32> to vector<16xi32>
        %swap3A_172 = vector.shape_cast %shift_right_logical3A_168 : vector<16xi32> to vector<16xi32>
        tpu.vector_store %arg8[%swap3A_169], %swap3A_172 {strides = array<i32>} : memref<112xi32, #tpu.memory_space<vmem>>, vector<16xi32>,
        %get3A_173 = arith.index_cast %add3A_55 : i32 to index
        %get3A_174 = arith.constant 64 : index
        %get3A_175 = tpu.vector_load %arg5[%get3A_173, %get3A_174] {strides = array<i32>} : memref<160x112xi32, #tpu.memory_space<vmem>>, vector<1x16xi32>,
        %get3A_176 = vector.shape_cast %get3A_175 : vector<1x16xi32> to vector<16xi32>
        %shift_right_logical3A_177 = arith.constant 16 : i32
        %shift_right_logical3A_178 = vector.broadcast %shift_right_logical3A_177 : i32 to vector<16xi32>
        %shift_right_logical3A_179 = arith.shrui %get3A_176, %shift_right_logical3A_178 : vector<16xi32>
        %swap3A_180 = arith.constant 64 : index
        %swap3A_181 = tpu.vector_load %arg8[%swap3A_180] {strides = array<i32>} : memref<112xi32, #tpu.memory_space<vmem>>, vector<16xi32>,
        %swap3A_182 = vector.shape_cast %swap3A_181 : vector<16xi32> to vector<16xi32>
        %swap3A_183 = vector.shape_cast %shift_right_logical3A_179 : vector<16xi32> to vector<16xi32>
        tpu.vector_store %arg8[%swap3A_180], %swap3A_183 {strides = array<i32>} : memref<112xi32, #tpu.memory_space<vmem>>, vector<16xi32>,
        %get3A_184 = arith.index_cast %add3A_55 : i32 to index
        %get3A_185 = arith.constant 80 : index
        %get3A_186 = tpu.vector_load %arg5[%get3A_184, %get3A_185] {strides = array<i32>} : memref<160x112xi32, #tpu.memory_space<vmem>>, vector<1x16xi32>,
        %get3A_187 = vector.shape_cast %get3A_186 : vector<1x16xi32> to vector<16xi32>
        %shift_right_logical3A_188 = arith.constant 16 : i32
        %shift_right_logical3A_189 = vector.broadcast %shift_right_logical3A_188 : i32 to vector<16xi32>
        %shift_right_logical3A_190 = arith.shrui %get3A_187, %shift_right_logical3A_189 : vector<16xi32>
        %swap3A_191 = arith.constant 80 : index
        %swap3A_192 = tpu.vector_load %arg8[%swap3A_191] {strides = array<i32>} : memref<112xi32, #tpu.memory_space<vmem>>, vector<16xi32>,
        %swap3A_193 = vector.shape_cast %swap3A_192 : vector<16xi32> to vector<16xi32>
        %swap3A_194 = vector.shape_cast %shift_right_logical3A_190 : vector<16xi32> to vector<16xi32>
        tpu.vector_store %arg8[%swap3A_191], %swap3A_194 {strides = array<i32>} : memref<112xi32, #tpu.memory_space<vmem>>, vector<16xi32>,
        %get3A_195 = arith.index_cast %add3A_55 : i32 to index
        %get3A_196 = arith.constant 96 : index
        %get3A_197 = tpu.vector_load %arg5[%get3A_195, %get3A_196] {strides = array<i32>} : memref<160x112xi32, #tpu.memory_space<vmem>>, vector<1x16xi32>,
        %get3A_198 = vector.shape_cast %get3A_197 : vector<1x16xi32> to vector<16xi32>
        %shift_right_logical3A_199 = arith.constant 16 : i32
        %shift_right_logical3A_200 = vector.broadcast %shift_right_logical3A_199 : i32 to vector<16xi32>
        %shift_right_logical3A_201 = arith.shrui %get3A_198, %shift_right_logical3A_200 : vector<16xi32>
        %swap3A_202 = arith.constant 96 : index
        %swap3A_203 = tpu.vector_load %arg8[%swap3A_202] {strides = array<i32>} : memref<112xi32, #tpu.memory_space<vmem>>, vector<16xi32>,
        %swap3A_204 = vector.shape_cast %swap3A_203 : vector<16xi32> to vector<16xi32>
        %swap3A_205 = vector.shape_cast %shift_right_logical3A_201 : vector<16xi32> to vector<16xi32>
        tpu.vector_store %arg8[%swap3A_202], %swap3A_205 {strides = array<i32>} : memref<112xi32, #tpu.memory_space<vmem>>, vector<16xi32>,
        %dma_start3A = arith.constant 0 : i32
        %dma_start3A_206 = arith.constant 0 : i32
        %dma_start3A_207 = tpu.memref_slice %arg2[%dma_start3A, %dma_start3A_206] : memref<10000x128xf32, #tpu.memory_space<hbm>> -> memref<10000x128xf32, #tpu.memory_space<hbm>>
        tpu.enqueue_indirect_dma source(%dma_start3A_207 : memref<10000x128xf32, #tpu.memory_space<hbm>>) target(%arg10 : memref<112x128xf32, #tpu.memory_space<vmem>>) offsets(%arg6 : memref<112xi32, #tpu.memory_space<vmem>>) semaphore(%arg13 : memref<!tpu.dma_semaphore, #tpu.memory_space<semaphore_mem>>)
        %dma_wait3A = arith.constant 0 : i32
        %dma_wait3A_208 = arith.constant 0 : i32
        %dma_wait3A_209 = tpu.memref_slice %arg2[%dma_wait3A, %dma_wait3A_208] : memref<10000x128xf32, #tpu.memory_space<hbm>> -> memref<10000x128xf32, #tpu.memory_space<hbm>>
        tpu.wait_indirect_dma semaphore(%arg13 : memref<!tpu.dma_semaphore, #tpu.memory_space<semaphore_mem>>) src(%dma_wait3A_209 : memref<10000x128xf32, #tpu.memory_space<hbm>>) dst(%arg10 : memref<112x128xf32, #tpu.memory_space<vmem>>)
        "tpu.region"() ({
          %run_scoped3A = tpu.sem_alloc : memref<!tpu.dma_semaphore, #tpu.memory_space<semaphore_mem>>
          %dma_start3A_210 = arith.constant 0 : i32
          %dma_start3A_211 = arith.constant 0 : i32
          %dma_start3A_212 = tpu.memref_slice %arg12[%dma_start3A_210, %dma_start3A_211] : memref<10112x128xf32, #tpu.memory_space<vmem_shared>> -> memref<10112x128xf32, #tpu.memory_space<vmem_shared>>
          tpu.enqueue_indirect_dma source(%arg10 : memref<112x128xf32, #tpu.memory_space<vmem>>) target(%dma_start3A_212 : memref<10112x128xf32, #tpu.memory_space<vmem_shared>>) offsets(%arg8 : memref<112xi32, #tpu.memory_space<vmem>>) semaphore(%run_scoped3A : memref<!tpu.dma_semaphore, #tpu.memory_space<semaphore_mem>>) {add = true}
          %dma_wait3A_213 = arith.constant 0 : i32
          %dma_wait3A_214 = arith.constant 0 : i32
          %dma_wait3A_215 = tpu.memref_slice %arg12[%dma_wait3A_213, %dma_wait3A_214] : memref<10112x128xf32, #tpu.memory_space<vmem_shared>> -> memref<10112x128xf32, #tpu.memory_space<vmem_shared>>
          tpu.wait_indirect_dma semaphore(%run_scoped3A : memref<!tpu.dma_semaphore, #tpu.memory_space<semaphore_mem>>) src(%arg10 : memref<112x128xf32, #tpu.memory_space<vmem>>) dst(%dma_wait3A_215 : memref<10112x128xf32, #tpu.memory_space<vmem_shared>>)
          tpu.yield
        }) : () -> ()
      }
      %scan3A_50 = arith.constant 24 : i32
    } else {
    }
    %barrier3A_41 = arith.constant 0 : index
    tpu.barrier barrier_id(%barrier3A_41)
    %mul3A_42 = arith.constant 632 : i32
    %mul3A_43 = arith.muli %arg1, %mul3A_42 : i32
    %mul3A_44 = arith.constant 632 : i32
    %mul3A_45 = arith.muli %arg1, %mul3A_44 : i32
    "tpu.region"() ({
      %run_scoped3A = tpu.sem_alloc : memref<!tpu.dma_semaphore, #tpu.memory_space<semaphore_mem>>
      %dma_start3A = arith.constant 0 : i32
      %dma_start3A_46 = arith.constant 0 : i32
      %dma_start3A_47 = tpu.memref_slice %arg4[%arg0, %dma_start3A, %dma_start3A_46] : memref<2x10112x128xf32, #tpu.memory_space<hbm>> -> memref<1x10112x128xf32, #tpu.memory_space<hbm>>
      %dma_start3A_48 = tpu.memref_squeeze %dma_start3A_47 : memref<1x10112x128xf32, #tpu.memory_space<hbm>> -> memref<10112x128xf32, #tpu.memory_space<hbm>>
      %dma_start3A_49 = arith.constant 0 : i32
      %dma_start3A_50 = tpu.memref_slice %dma_start3A_48[%mul3A_45, %dma_start3A_49] : memref<10112x128xf32, #tpu.memory_space<hbm>> -> memref<632x128xf32, #tpu.memory_space<hbm>>
      %dma_start3A_51 = arith.constant 0 : i32
      %dma_start3A_52 = tpu.memref_slice %arg12[%mul3A_43, %dma_start3A_51] : memref<10112x128xf32, #tpu.memory_space<vmem_shared>> -> memref<632x128xf32, #tpu.memory_space<vmem_shared>>
      tpu.enqueue_dma source(%dma_start3A_52 : memref<632x128xf32, #tpu.memory_space<vmem_shared>>) target(%dma_start3A_50 : memref<632x128xf32, #tpu.memory_space<hbm>>) target_semaphore(%run_scoped3A : memref<!tpu.dma_semaphore, #tpu.memory_space<semaphore_mem>>)
      %dma_wait3A = arith.constant 0 : i32
      %dma_wait3A_53 = arith.constant 0 : i32
      %dma_wait3A_54 = tpu.memref_slice %arg4[%arg0, %dma_wait3A, %dma_wait3A_53] : memref<2x10112x128xf32, #tpu.memory_space<hbm>> -> memref<1x10112x128xf32, #tpu.memory_space<hbm>>
      %dma_wait3A_55 = tpu.memref_squeeze %dma_wait3A_54 : memref<1x10112x128xf32, #tpu.memory_space<hbm>> -> memref<10112x128xf32, #tpu.memory_space<hbm>>
      %dma_wait3A_56 = arith.constant 0 : i32
      %dma_wait3A_57 = tpu.memref_slice %dma_wait3A_55[%mul3A_45, %dma_wait3A_56] : memref<10112x128xf32, #tpu.memory_space<hbm>> -> memref<632x128xf32, #tpu.memory_space<hbm>>
      %dma_wait3A_58 = arith.constant 0 : i32
      %dma_wait3A_59 = tpu.memref_slice %arg12[%mul3A_43, %dma_wait3A_58] : memref<10112x128xf32, #tpu.memory_space<vmem_shared>> -> memref<632x128xf32, #tpu.memory_space<vmem_shared>>
      tpu.wait_dma2 semaphore(%run_scoped3A : memref<!tpu.dma_semaphore, #tpu.memory_space<semaphore_mem>>) src(%dma_wait3A_59 : memref<632x128xf32, #tpu.memory_space<vmem_shared>>) dst(%dma_wait3A_57 : memref<632x128xf32, #tpu.memory_space<hbm>>)
      tpu.yield
    }) : () -> ()
    return
  }
}

#map = affine_map<(d0, d1) -> (0, 0, 0)>
module attributes {stable_mosaic.version = 14 : i64} {
  func.func @deg_kernel(%arg0: i32, %arg1: i32, %arg2: memref<32x92x112xi32, #tpu.memory_space<hbm>>, %arg3: memref<2x10112x128xf32, #tpu.memory_space<hbm>>, %arg4: memref<92x112xi32, #tpu.memory_space<vmem>>, %arg5: memref<112xi32, #tpu.memory_space<vmem>>, %arg6: memref<112x128xf32, #tpu.memory_space<vmem>>, %arg7: memref<10112x128xf32, #tpu.memory_space<vmem_shared>>) attributes {dimension_semantics = [#tpu.dimension_semantics<core_parallel>, #tpu.dimension_semantics<subcore_parallel>], iteration_bounds = array<i64: 2, 16>, scalar_prefetch = 0 : i64, scratch_operands = 4 : i64, tpu.core_type = #tpu.core_type<sc_vector_subcore>, window_params = [{transform_indices = #map}, {transform_indices = #map}]} {
    %mul3A = arith.constant 2 : i32
    %mul3A_0 = arith.muli %arg1, %mul3A : i32
    %add3A = arith.addi %mul3A_0, %arg0 : i32
    %scan3A = arith.constant 0 : i32
    %scan3A_1 = arith.constant 112 : i32
    %scan3A_2 = arith.addi %scan3A, %scan3A_1 : i32
    %scan3A_3 = arith.constant 1 : i32
    scf.for %scan3A_39 = %scan3A to %scan3A_2 step %scan3A_3  : i32 {
      %mul3A_40 = arith.constant 1 : i32
      %mul3A_41 = arith.muli %scan3A_39, %mul3A_40 : i32
      %add3A_42 = arith.constant 0 : i32
      %add3A_43 = arith.addi %add3A_42, %mul3A_41 : i32
      %broadcast_in_dim3A = arith.constant 1.000000e+00 : f32
      %broadcast_in_dim3A_44 = vector.broadcast %broadcast_in_dim3A : f32 to vector<16xf32>
      %swap3A = arith.index_cast %add3A_43 : i32 to index
      %swap3A_45 = arith.constant 0 : index
      %swap3A_46 = tpu.vector_load %arg6[%swap3A, %swap3A_45] {strides = array<i32>} : memref<112x128xf32, #tpu.memory_space<vmem>>, vector<1x16xf32>,
      %swap3A_47 = vector.shape_cast %swap3A_46 : vector<1x16xf32> to vector<16xf32>
      %swap3A_48 = vector.shape_cast %broadcast_in_dim3A_44 : vector<16xf32> to vector<1x16xf32>
      tpu.vector_store %arg6[%swap3A, %swap3A_45], %swap3A_48 {strides = array<i32>} : memref<112x128xf32, #tpu.memory_space<vmem>>, vector<1x16xf32>,
      %broadcast_in_dim3A_49 = arith.constant 1.000000e+00 : f32
      %broadcast_in_dim3A_50 = vector.broadcast %broadcast_in_dim3A_49 : f32 to vector<16xf32>
      %swap3A_51 = arith.index_cast %add3A_43 : i32 to index
      %swap3A_52 = arith.constant 16 : index
      %swap3A_53 = tpu.vector_load %arg6[%swap3A_51, %swap3A_52] {strides = array<i32>} : memref<112x128xf32, #tpu.memory_space<vmem>>, vector<1x16xf32>,
      %swap3A_54 = vector.shape_cast %swap3A_53 : vector<1x16xf32> to vector<16xf32>
      %swap3A_55 = vector.shape_cast %broadcast_in_dim3A_50 : vector<16xf32> to vector<1x16xf32>
      tpu.vector_store %arg6[%swap3A_51, %swap3A_52], %swap3A_55 {strides = array<i32>} : memref<112x128xf32, #tpu.memory_space<vmem>>, vector<1x16xf32>,
      %broadcast_in_dim3A_56 = arith.constant 1.000000e+00 : f32
      %broadcast_in_dim3A_57 = vector.broadcast %broadcast_in_dim3A_56 : f32 to vector<16xf32>
      %swap3A_58 = arith.index_cast %add3A_43 : i32 to index
      %swap3A_59 = arith.constant 32 : index
      %swap3A_60 = tpu.vector_load %arg6[%swap3A_58, %swap3A_59] {strides = array<i32>} : memref<112x128xf32, #tpu.memory_space<vmem>>, vector<1x16xf32>,
      %swap3A_61 = vector.shape_cast %swap3A_60 : vector<1x16xf32> to vector<16xf32>
      %swap3A_62 = vector.shape_cast %broadcast_in_dim3A_57 : vector<16xf32> to vector<1x16xf32>
      tpu.vector_store %arg6[%swap3A_58, %swap3A_59], %swap3A_62 {strides = array<i32>} : memref<112x128xf32, #tpu.memory_space<vmem>>, vector<1x16xf32>,
      %broadcast_in_dim3A_63 = arith.constant 1.000000e+00 : f32
      %broadcast_in_dim3A_64 = vector.broadcast %broadcast_in_dim3A_63 : f32 to vector<16xf32>
      %swap3A_65 = arith.index_cast %add3A_43 : i32 to index
      %swap3A_66 = arith.constant 48 : index
      %swap3A_67 = tpu.vector_load %arg6[%swap3A_65, %swap3A_66] {strides = array<i32>} : memref<112x128xf32, #tpu.memory_space<vmem>>, vector<1x16xf32>,
      %swap3A_68 = vector.shape_cast %swap3A_67 : vector<1x16xf32> to vector<16xf32>
      %swap3A_69 = vector.shape_cast %broadcast_in_dim3A_64 : vector<16xf32> to vector<1x16xf32>
      tpu.vector_store %arg6[%swap3A_65, %swap3A_66], %swap3A_69 {strides = array<i32>} : memref<112x128xf32, #tpu.memory_space<vmem>>, vector<1x16xf32>,
      %broadcast_in_dim3A_70 = arith.constant 1.000000e+00 : f32
      %broadcast_in_dim3A_71 = vector.broadcast %broadcast_in_dim3A_70 : f32 to vector<16xf32>
      %swap3A_72 = arith.index_cast %add3A_43 : i32 to index
      %swap3A_73 = arith.constant 64 : index
      %swap3A_74 = tpu.vector_load %arg6[%swap3A_72, %swap3A_73] {strides = array<i32>} : memref<112x128xf32, #tpu.memory_space<vmem>>, vector<1x16xf32>,
      %swap3A_75 = vector.shape_cast %swap3A_74 : vector<1x16xf32> to vector<16xf32>
      %swap3A_76 = vector.shape_cast %broadcast_in_dim3A_71 : vector<16xf32> to vector<1x16xf32>
      tpu.vector_store %arg6[%swap3A_72, %swap3A_73], %swap3A_76 {strides = array<i32>} : memref<112x128xf32, #tpu.memory_space<vmem>>, vector<1x16xf32>,
      %broadcast_in_dim3A_77 = arith.constant 1.000000e+00 : f32
      %broadcast_in_dim3A_78 = vector.broadcast %broadcast_in_dim3A_77 : f32 to vector<16xf32>
      %swap3A_79 = arith.index_cast %add3A_43 : i32 to index
      %swap3A_80 = arith.constant 80 : index
      %swap3A_81 = tpu.vector_load %arg6[%swap3A_79, %swap3A_80] {strides = array<i32>} : memref<112x128xf32, #tpu.memory_space<vmem>>, vector<1x16xf32>,
      %swap3A_82 = vector.shape_cast %swap3A_81 : vector<1x16xf32> to vector<16xf32>
      %swap3A_83 = vector.shape_cast %broadcast_in_dim3A_78 : vector<16xf32> to vector<1x16xf32>
      tpu.vector_store %arg6[%swap3A_79, %swap3A_80], %swap3A_83 {strides = array<i32>} : memref<112x128xf32, #tpu.memory_space<vmem>>, vector<1x16xf32>,
      %broadcast_in_dim3A_84 = arith.constant 1.000000e+00 : f32
      %broadcast_in_dim3A_85 = vector.broadcast %broadcast_in_dim3A_84 : f32 to vector<16xf32>
      %swap3A_86 = arith.index_cast %add3A_43 : i32 to index
      %swap3A_87 = arith.constant 96 : index
      %swap3A_88 = tpu.vector_load %arg6[%swap3A_86, %swap3A_87] {strides = array<i32>} : memref<112x128xf32, #tpu.memory_space<vmem>>, vector<1x16xf32>,
      %swap3A_89 = vector.shape_cast %swap3A_88 : vector<1x16xf32> to vector<16xf32>
      %swap3A_90 = vector.shape_cast %broadcast_in_dim3A_85 : vector<16xf32> to vector<1x16xf32>
      tpu.vector_store %arg6[%swap3A_86, %swap3A_87], %swap3A_90 {strides = array<i32>} : memref<112x128xf32, #tpu.memory_space<vmem>>, vector<1x16xf32>,
      %broadcast_in_dim3A_91 = arith.constant 1.000000e+00 : f32
      %broadcast_in_dim3A_92 = vector.broadcast %broadcast_in_dim3A_91 : f32 to vector<16xf32>
      %swap3A_93 = arith.index_cast %add3A_43 : i32 to index
      %swap3A_94 = arith.constant 112 : index
      %swap3A_95 = tpu.vector_load %arg6[%swap3A_93, %swap3A_94] {strides = array<i32>} : memref<112x128xf32, #tpu.memory_space<vmem>>, vector<1x16xf32>,
      %swap3A_96 = vector.shape_cast %swap3A_95 : vector<1x16xf32> to vector<16xf32>
      %swap3A_97 = vector.shape_cast %broadcast_in_dim3A_92 : vector<16xf32> to vector<1x16xf32>
      tpu.vector_store %arg6[%swap3A_93, %swap3A_94], %swap3A_97 {strides = array<i32>} : memref<112x128xf32, #tpu.memory_space<vmem>>, vector<1x16xf32>,
    }
    %scan3A_4 = arith.constant 112 : i32
    %mul3A_5 = arith.constant 632 : i32
    %mul3A_6 = arith.muli %arg1, %mul3A_5 : i32
    %add3A_7 = arith.constant 0 : i32
    %add3A_8 = arith.addi %mul3A_6, %add3A_7 : i32
    "tpu.region"() ({
      %run_scoped3A = tpu.sem_alloc : memref<!tpu.dma_semaphore, #tpu.memory_space<semaphore_mem>>
      %dma_start3A = arith.constant 0 : i32
      %dma_start3A_39 = tpu.memref_slice %arg7[%add3A_8, %dma_start3A] : memref<10112x128xf32, #tpu.memory_space<vmem_shared>> -> memref<112x128xf32, #tpu.memory_space<vmem_shared>>
      %dma_start3A_40 = arith.constant 0 : i32
      %dma_start3A_41 = tpu.memref_slice %arg7[%add3A_8, %dma_start3A_40] : memref<10112x128xf32, #tpu.memory_space<vmem_shared>> -> memref<112x128xf32, #tpu.memory_space<vmem_shared>>
      tpu.enqueue_dma source(%arg6 : memref<112x128xf32, #tpu.memory_space<vmem>>) target(%dma_start3A_41 : memref<112x128xf32, #tpu.memory_space<vmem_shared>>) target_semaphore(%run_scoped3A : memref<!tpu.dma_semaphore, #tpu.memory_space<semaphore_mem>>)
      %dma_wait3A = arith.constant 0 : i32
      %dma_wait3A_42 = tpu.memref_slice %arg7[%add3A_8, %dma_wait3A] : memref<10112x128xf32, #tpu.memory_space<vmem_shared>> -> memref<112x128xf32, #tpu.memory_space<vmem_shared>>
      %dma_wait3A_43 = arith.constant 0 : i32
      %dma_wait3A_44 = tpu.memref_slice %arg7[%add3A_8, %dma_wait3A_43] : memref<10112x128xf32, #tpu.memory_space<vmem_shared>> -> memref<112x128xf32, #tpu.memory_space<vmem_shared>>
      tpu.wait_dma2 semaphore(%run_scoped3A : memref<!tpu.dma_semaphore, #tpu.memory_space<semaphore_mem>>) src(%arg6 : memref<112x128xf32, #tpu.memory_space<vmem>>) dst(%dma_wait3A_44 : memref<112x128xf32, #tpu.memory_space<vmem_shared>>)
      tpu.yield
    }) : () -> ()
    %mul3A_9 = arith.constant 632 : i32
    %mul3A_10 = arith.muli %arg1, %mul3A_9 : i32
    %add3A_11 = arith.constant 112 : i32
    %add3A_12 = arith.addi %mul3A_10, %add3A_11 : i32
    "tpu.region"() ({
      %run_scoped3A = tpu.sem_alloc : memref<!tpu.dma_semaphore, #tpu.memory_space<semaphore_mem>>
      %dma_start3A = arith.constant 0 : i32
      %dma_start3A_39 = tpu.memref_slice %arg7[%add3A_12, %dma_start3A] : memref<10112x128xf32, #tpu.memory_space<vmem_shared>> -> memref<112x128xf32, #tpu.memory_space<vmem_shared>>
      %dma_start3A_40 = arith.constant 0 : i32
      %dma_start3A_41 = tpu.memref_slice %arg7[%add3A_12, %dma_start3A_40] : memref<10112x128xf32, #tpu.memory_space<vmem_shared>> -> memref<112x128xf32, #tpu.memory_space<vmem_shared>>
      tpu.enqueue_dma source(%arg6 : memref<112x128xf32, #tpu.memory_space<vmem>>) target(%dma_start3A_41 : memref<112x128xf32, #tpu.memory_space<vmem_shared>>) target_semaphore(%run_scoped3A : memref<!tpu.dma_semaphore, #tpu.memory_space<semaphore_mem>>)
      %dma_wait3A = arith.constant 0 : i32
      %dma_wait3A_42 = tpu.memref_slice %arg7[%add3A_12, %dma_wait3A] : memref<10112x128xf32, #tpu.memory_space<vmem_shared>> -> memref<112x128xf32, #tpu.memory_space<vmem_shared>>
      %dma_wait3A_43 = arith.constant 0 : i32
      %dma_wait3A_44 = tpu.memref_slice %arg7[%add3A_12, %dma_wait3A_43] : memref<10112x128xf32, #tpu.memory_space<vmem_shared>> -> memref<112x128xf32, #tpu.memory_space<vmem_shared>>
      tpu.wait_dma2 semaphore(%run_scoped3A : memref<!tpu.dma_semaphore, #tpu.memory_space<semaphore_mem>>) src(%arg6 : memref<112x128xf32, #tpu.memory_space<vmem>>) dst(%dma_wait3A_44 : memref<112x128xf32, #tpu.memory_space<vmem_shared>>)
      tpu.yield
    }) : () -> ()
    %mul3A_13 = arith.constant 632 : i32
    %mul3A_14 = arith.muli %arg1, %mul3A_13 : i32
    %add3A_15 = arith.constant 224 : i32
    %add3A_16 = arith.addi %mul3A_14, %add3A_15 : i32
    "tpu.region"() ({
      %run_scoped3A = tpu.sem_alloc : memref<!tpu.dma_semaphore, #tpu.memory_space<semaphore_mem>>
      %dma_start3A = arith.constant 0 : i32
      %dma_start3A_39 = tpu.memref_slice %arg7[%add3A_16, %dma_start3A] : memref<10112x128xf32, #tpu.memory_space<vmem_shared>> -> memref<112x128xf32, #tpu.memory_space<vmem_shared>>
      %dma_start3A_40 = arith.constant 0 : i32
      %dma_start3A_41 = tpu.memref_slice %arg7[%add3A_16, %dma_start3A_40] : memref<10112x128xf32, #tpu.memory_space<vmem_shared>> -> memref<112x128xf32, #tpu.memory_space<vmem_shared>>
      tpu.enqueue_dma source(%arg6 : memref<112x128xf32, #tpu.memory_space<vmem>>) target(%dma_start3A_41 : memref<112x128xf32, #tpu.memory_space<vmem_shared>>) target_semaphore(%run_scoped3A : memref<!tpu.dma_semaphore, #tpu.memory_space<semaphore_mem>>)
      %dma_wait3A = arith.constant 0 : i32
      %dma_wait3A_42 = tpu.memref_slice %arg7[%add3A_16, %dma_wait3A] : memref<10112x128xf32, #tpu.memory_space<vmem_shared>> -> memref<112x128xf32, #tpu.memory_space<vmem_shared>>
      %dma_wait3A_43 = arith.constant 0 : i32
      %dma_wait3A_44 = tpu.memref_slice %arg7[%add3A_16, %dma_wait3A_43] : memref<10112x128xf32, #tpu.memory_space<vmem_shared>> -> memref<112x128xf32, #tpu.memory_space<vmem_shared>>
      tpu.wait_dma2 semaphore(%run_scoped3A : memref<!tpu.dma_semaphore, #tpu.memory_space<semaphore_mem>>) src(%arg6 : memref<112x128xf32, #tpu.memory_space<vmem>>) dst(%dma_wait3A_44 : memref<112x128xf32, #tpu.memory_space<vmem_shared>>)
      tpu.yield
    }) : () -> ()
    %mul3A_17 = arith.constant 632 : i32
    %mul3A_18 = arith.muli %arg1, %mul3A_17 : i32
    %add3A_19 = arith.constant 336 : i32
    %add3A_20 = arith.addi %mul3A_18, %add3A_19 : i32
    "tpu.region"() ({
      %run_scoped3A = tpu.sem_alloc : memref<!tpu.dma_semaphore, #tpu.memory_space<semaphore_mem>>
      %dma_start3A = arith.constant 0 : i32
      %dma_start3A_39 = tpu.memref_slice %arg7[%add3A_20, %dma_start3A] : memref<10112x128xf32, #tpu.memory_space<vmem_shared>> -> memref<112x128xf32, #tpu.memory_space<vmem_shared>>
      %dma_start3A_40 = arith.constant 0 : i32
      %dma_start3A_41 = tpu.memref_slice %arg7[%add3A_20, %dma_start3A_40] : memref<10112x128xf32, #tpu.memory_space<vmem_shared>> -> memref<112x128xf32, #tpu.memory_space<vmem_shared>>
      tpu.enqueue_dma source(%arg6 : memref<112x128xf32, #tpu.memory_space<vmem>>) target(%dma_start3A_41 : memref<112x128xf32, #tpu.memory_space<vmem_shared>>) target_semaphore(%run_scoped3A : memref<!tpu.dma_semaphore, #tpu.memory_space<semaphore_mem>>)
      %dma_wait3A = arith.constant 0 : i32
      %dma_wait3A_42 = tpu.memref_slice %arg7[%add3A_20, %dma_wait3A] : memref<10112x128xf32, #tpu.memory_space<vmem_shared>> -> memref<112x128xf32, #tpu.memory_space<vmem_shared>>
      %dma_wait3A_43 = arith.constant 0 : i32
      %dma_wait3A_44 = tpu.memref_slice %arg7[%add3A_20, %dma_wait3A_43] : memref<10112x128xf32, #tpu.memory_space<vmem_shared>> -> memref<112x128xf32, #tpu.memory_space<vmem_shared>>
      tpu.wait_dma2 semaphore(%run_scoped3A : memref<!tpu.dma_semaphore, #tpu.memory_space<semaphore_mem>>) src(%arg6 : memref<112x128xf32, #tpu.memory_space<vmem>>) dst(%dma_wait3A_44 : memref<112x128xf32, #tpu.memory_space<vmem_shared>>)
      tpu.yield
    }) : () -> ()
    %mul3A_21 = arith.constant 632 : i32
    %mul3A_22 = arith.muli %arg1, %mul3A_21 : i32
    %add3A_23 = arith.constant 448 : i32
    %add3A_24 = arith.addi %mul3A_22, %add3A_23 : i32
    "tpu.region"() ({
      %run_scoped3A = tpu.sem_alloc : memref<!tpu.dma_semaphore, #tpu.memory_space<semaphore_mem>>
      %dma_start3A = arith.constant 0 : i32
      %dma_start3A_39 = tpu.memref_slice %arg7[%add3A_24, %dma_start3A] : memref<10112x128xf32, #tpu.memory_space<vmem_shared>> -> memref<112x128xf32, #tpu.memory_space<vmem_shared>>
      %dma_start3A_40 = arith.constant 0 : i32
      %dma_start3A_41 = tpu.memref_slice %arg7[%add3A_24, %dma_start3A_40] : memref<10112x128xf32, #tpu.memory_space<vmem_shared>> -> memref<112x128xf32, #tpu.memory_space<vmem_shared>>
      tpu.enqueue_dma source(%arg6 : memref<112x128xf32, #tpu.memory_space<vmem>>) target(%dma_start3A_41 : memref<112x128xf32, #tpu.memory_space<vmem_shared>>) target_semaphore(%run_scoped3A : memref<!tpu.dma_semaphore, #tpu.memory_space<semaphore_mem>>)
      %dma_wait3A = arith.constant 0 : i32
      %dma_wait3A_42 = tpu.memref_slice %arg7[%add3A_24, %dma_wait3A] : memref<10112x128xf32, #tpu.memory_space<vmem_shared>> -> memref<112x128xf32, #tpu.memory_space<vmem_shared>>
      %dma_wait3A_43 = arith.constant 0 : i32
      %dma_wait3A_44 = tpu.memref_slice %arg7[%add3A_24, %dma_wait3A_43] : memref<10112x128xf32, #tpu.memory_space<vmem_shared>> -> memref<112x128xf32, #tpu.memory_space<vmem_shared>>
      tpu.wait_dma2 semaphore(%run_scoped3A : memref<!tpu.dma_semaphore, #tpu.memory_space<semaphore_mem>>) src(%arg6 : memref<112x128xf32, #tpu.memory_space<vmem>>) dst(%dma_wait3A_44 : memref<112x128xf32, #tpu.memory_space<vmem_shared>>)
      tpu.yield
    }) : () -> ()
    %mul3A_25 = arith.constant 632 : i32
    %mul3A_26 = arith.muli %arg1, %mul3A_25 : i32
    %add3A_27 = arith.constant 560 : i32
    %add3A_28 = arith.addi %mul3A_26, %add3A_27 : i32
    "tpu.region"() ({
      %run_scoped3A = tpu.sem_alloc : memref<!tpu.dma_semaphore, #tpu.memory_space<semaphore_mem>>
      %dma_start3A = arith.constant 0 : i32
      %dma_start3A_39 = arith.constant 0 : i32
      %dma_start3A_40 = tpu.memref_slice %arg6[%dma_start3A, %dma_start3A_39] : memref<112x128xf32, #tpu.memory_space<vmem>> -> memref<72x128xf32, #tpu.memory_space<vmem>>
      %dma_start3A_41 = arith.constant 0 : i32
      %dma_start3A_42 = tpu.memref_slice %arg7[%add3A_28, %dma_start3A_41] : memref<10112x128xf32, #tpu.memory_space<vmem_shared>> -> memref<72x128xf32, #tpu.memory_space<vmem_shared>>
      %dma_start3A_43 = arith.constant 0 : i32
      %dma_start3A_44 = tpu.memref_slice %arg7[%add3A_28, %dma_start3A_43] : memref<10112x128xf32, #tpu.memory_space<vmem_shared>> -> memref<72x128xf32, #tpu.memory_space<vmem_shared>>
      %dma_start3A_45 = arith.constant 0 : i32
      %dma_start3A_46 = arith.constant 0 : i32
      %dma_start3A_47 = tpu.memref_slice %arg6[%dma_start3A_45, %dma_start3A_46] : memref<112x128xf32, #tpu.memory_space<vmem>> -> memref<72x128xf32, #tpu.memory_space<vmem>>
      tpu.enqueue_dma source(%dma_start3A_47 : memref<72x128xf32, #tpu.memory_space<vmem>>) target(%dma_start3A_44 : memref<72x128xf32, #tpu.memory_space<vmem_shared>>) target_semaphore(%run_scoped3A : memref<!tpu.dma_semaphore, #tpu.memory_space<semaphore_mem>>)
      %dma_wait3A = arith.constant 0 : i32
      %dma_wait3A_48 = arith.constant 0 : i32
      %dma_wait3A_49 = tpu.memref_slice %arg6[%dma_wait3A, %dma_wait3A_48] : memref<112x128xf32, #tpu.memory_space<vmem>> -> memref<72x128xf32, #tpu.memory_space<vmem>>
      %dma_wait3A_50 = arith.constant 0 : i32
      %dma_wait3A_51 = tpu.memref_slice %arg7[%add3A_28, %dma_wait3A_50] : memref<10112x128xf32, #tpu.memory_space<vmem_shared>> -> memref<72x128xf32, #tpu.memory_space<vmem_shared>>
      %dma_wait3A_52 = arith.constant 0 : i32
      %dma_wait3A_53 = tpu.memref_slice %arg7[%add3A_28, %dma_wait3A_52] : memref<10112x128xf32, #tpu.memory_space<vmem_shared>> -> memref<72x128xf32, #tpu.memory_space<vmem_shared>>
      %dma_wait3A_54 = arith.constant 0 : i32
      %dma_wait3A_55 = arith.constant 0 : i32
      %dma_wait3A_56 = tpu.memref_slice %arg6[%dma_wait3A_54, %dma_wait3A_55] : memref<112x128xf32, #tpu.memory_space<vmem>> -> memref<72x128xf32, #tpu.memory_space<vmem>>
      tpu.wait_dma2 semaphore(%run_scoped3A : memref<!tpu.dma_semaphore, #tpu.memory_space<semaphore_mem>>) src(%dma_wait3A_56 : memref<72x128xf32, #tpu.memory_space<vmem>>) dst(%dma_wait3A_53 : memref<72x128xf32, #tpu.memory_space<vmem_shared>>)
      tpu.yield
    }) : () -> ()
    "tpu.region"() ({
      %run_scoped3A = tpu.sem_alloc : memref<!tpu.dma_semaphore, #tpu.memory_space<semaphore_mem>>
      %dma_start3A = arith.constant 0 : i32
      %dma_start3A_39 = arith.constant 0 : i32
      %dma_start3A_40 = tpu.memref_slice %arg2[%add3A, %dma_start3A, %dma_start3A_39] : memref<32x92x112xi32, #tpu.memory_space<hbm>> -> memref<1x92x112xi32, #tpu.memory_space<hbm>>
      %dma_start3A_41 = tpu.memref_squeeze %dma_start3A_40 : memref<1x92x112xi32, #tpu.memory_space<hbm>> -> memref<92x112xi32, #tpu.memory_space<hbm>>
      %dma_start3A_42 = arith.constant 0 : i32
      %dma_start3A_43 = arith.constant 0 : i32
      %dma_start3A_44 = tpu.memref_slice %arg2[%add3A, %dma_start3A_42, %dma_start3A_43] : memref<32x92x112xi32, #tpu.memory_space<hbm>> -> memref<1x92x112xi32, #tpu.memory_space<hbm>>
      %dma_start3A_45 = tpu.memref_squeeze %dma_start3A_44 : memref<1x92x112xi32, #tpu.memory_space<hbm>> -> memref<92x112xi32, #tpu.memory_space<hbm>>
      tpu.enqueue_dma source(%dma_start3A_45 : memref<92x112xi32, #tpu.memory_space<hbm>>) target(%arg4 : memref<92x112xi32, #tpu.memory_space<vmem>>) target_semaphore(%run_scoped3A : memref<!tpu.dma_semaphore, #tpu.memory_space<semaphore_mem>>)
      %dma_wait3A = arith.constant 0 : i32
      %dma_wait3A_46 = arith.constant 0 : i32
      %dma_wait3A_47 = tpu.memref_slice %arg2[%add3A, %dma_wait3A, %dma_wait3A_46] : memref<32x92x112xi32, #tpu.memory_space<hbm>> -> memref<1x92x112xi32, #tpu.memory_space<hbm>>
      %dma_wait3A_48 = tpu.memref_squeeze %dma_wait3A_47 : memref<1x92x112xi32, #tpu.memory_space<hbm>> -> memref<92x112xi32, #tpu.memory_space<hbm>>
      %dma_wait3A_49 = arith.constant 0 : i32
      %dma_wait3A_50 = arith.constant 0 : i32
      %dma_wait3A_51 = tpu.memref_slice %arg2[%add3A, %dma_wait3A_49, %dma_wait3A_50] : memref<32x92x112xi32, #tpu.memory_space<hbm>> -> memref<1x92x112xi32, #tpu.memory_space<hbm>>
      %dma_wait3A_52 = tpu.memref_squeeze %dma_wait3A_51 : memref<1x92x112xi32, #tpu.memory_space<hbm>> -> memref<92x112xi32, #tpu.memory_space<hbm>>
      tpu.wait_dma2 semaphore(%run_scoped3A : memref<!tpu.dma_semaphore, #tpu.memory_space<semaphore_mem>>) src(%dma_wait3A_52 : memref<92x112xi32, #tpu.memory_space<hbm>>) dst(%arg4 : memref<92x112xi32, #tpu.memory_space<vmem>>)
      tpu.yield
    }) : () -> ()
    %barrier3A = arith.constant 0 : index
    tpu.barrier barrier_id(%barrier3A)
    %scan3A_29 = arith.constant 0 : i32
    %scan3A_30 = arith.constant 92 : i32
    %scan3A_31 = arith.addi %scan3A_29, %scan3A_30 : i32
    %scan3A_32 = arith.constant 1 : i32
    scf.for %scan3A_39 = %scan3A_29 to %scan3A_31 step %scan3A_32  : i32 {
      %mul3A_40 = arith.constant 1 : i32
      %mul3A_41 = arith.muli %scan3A_39, %mul3A_40 : i32
      %add3A_42 = arith.constant 0 : i32
      %add3A_43 = arith.addi %add3A_42, %mul3A_41 : i32
      %get3A = arith.index_cast %add3A_43 : i32 to index
      %get3A_44 = arith.constant 0 : index
      %get3A_45 = tpu.vector_load %arg4[%get3A, %get3A_44] {strides = array<i32>} : memref<92x112xi32, #tpu.memory_space<vmem>>, vector<1x16xi32>,
      %get3A_46 = vector.shape_cast %get3A_45 : vector<1x16xi32> to vector<16xi32>
      %shift_right_logical3A = arith.constant 16 : i32
      %shift_right_logical3A_47 = vector.broadcast %shift_right_logical3A : i32 to vector<16xi32>
      %shift_right_logical3A_48 = arith.shrui %get3A_46, %shift_right_logical3A_47 : vector<16xi32>
      %swap3A = arith.constant 0 : index
      %swap3A_49 = tpu.vector_load %arg5[%swap3A] {strides = array<i32>} : memref<112xi32, #tpu.memory_space<vmem>>, vector<16xi32>,
      %swap3A_50 = vector.shape_cast %swap3A_49 : vector<16xi32> to vector<16xi32>
      %swap3A_51 = vector.shape_cast %shift_right_logical3A_48 : vector<16xi32> to vector<16xi32>
      tpu.vector_store %arg5[%swap3A], %swap3A_51 {strides = array<i32>} : memref<112xi32, #tpu.memory_space<vmem>>, vector<16xi32>,
      %get3A_52 = arith.index_cast %add3A_43 : i32 to index
      %get3A_53 = arith.constant 16 : index
      %get3A_54 = tpu.vector_load %arg4[%get3A_52, %get3A_53] {strides = array<i32>} : memref<92x112xi32, #tpu.memory_space<vmem>>, vector<1x16xi32>,
      %get3A_55 = vector.shape_cast %get3A_54 : vector<1x16xi32> to vector<16xi32>
      %shift_right_logical3A_56 = arith.constant 16 : i32
      %shift_right_logical3A_57 = vector.broadcast %shift_right_logical3A_56 : i32 to vector<16xi32>
      %shift_right_logical3A_58 = arith.shrui %get3A_55, %shift_right_logical3A_57 : vector<16xi32>
      %swap3A_59 = arith.constant 16 : index
      %swap3A_60 = tpu.vector_load %arg5[%swap3A_59] {strides = array<i32>} : memref<112xi32, #tpu.memory_space<vmem>>, vector<16xi32>,
      %swap3A_61 = vector.shape_cast %swap3A_60 : vector<16xi32> to vector<16xi32>
      %swap3A_62 = vector.shape_cast %shift_right_logical3A_58 : vector<16xi32> to vector<16xi32>
      tpu.vector_store %arg5[%swap3A_59], %swap3A_62 {strides = array<i32>} : memref<112xi32, #tpu.memory_space<vmem>>, vector<16xi32>,
      %get3A_63 = arith.index_cast %add3A_43 : i32 to index
      %get3A_64 = arith.constant 32 : index
      %get3A_65 = tpu.vector_load %arg4[%get3A_63, %get3A_64] {strides = array<i32>} : memref<92x112xi32, #tpu.memory_space<vmem>>, vector<1x16xi32>,
      %get3A_66 = vector.shape_cast %get3A_65 : vector<1x16xi32> to vector<16xi32>
      %shift_right_logical3A_67 = arith.constant 16 : i32
      %shift_right_logical3A_68 = vector.broadcast %shift_right_logical3A_67 : i32 to vector<16xi32>
      %shift_right_logical3A_69 = arith.shrui %get3A_66, %shift_right_logical3A_68 : vector<16xi32>
      %swap3A_70 = arith.constant 32 : index
      %swap3A_71 = tpu.vector_load %arg5[%swap3A_70] {strides = array<i32>} : memref<112xi32, #tpu.memory_space<vmem>>, vector<16xi32>,
      %swap3A_72 = vector.shape_cast %swap3A_71 : vector<16xi32> to vector<16xi32>
      %swap3A_73 = vector.shape_cast %shift_right_logical3A_69 : vector<16xi32> to vector<16xi32>
      tpu.vector_store %arg5[%swap3A_70], %swap3A_73 {strides = array<i32>} : memref<112xi32, #tpu.memory_space<vmem>>, vector<16xi32>,
      %get3A_74 = arith.index_cast %add3A_43 : i32 to index
      %get3A_75 = arith.constant 48 : index
      %get3A_76 = tpu.vector_load %arg4[%get3A_74, %get3A_75] {strides = array<i32>} : memref<92x112xi32, #tpu.memory_space<vmem>>, vector<1x16xi32>,
      %get3A_77 = vector.shape_cast %get3A_76 : vector<1x16xi32> to vector<16xi32>
      %shift_right_logical3A_78 = arith.constant 16 : i32
      %shift_right_logical3A_79 = vector.broadcast %shift_right_logical3A_78 : i32 to vector<16xi32>
      %shift_right_logical3A_80 = arith.shrui %get3A_77, %shift_right_logical3A_79 : vector<16xi32>
      %swap3A_81 = arith.constant 48 : index
      %swap3A_82 = tpu.vector_load %arg5[%swap3A_81] {strides = array<i32>} : memref<112xi32, #tpu.memory_space<vmem>>, vector<16xi32>,
      %swap3A_83 = vector.shape_cast %swap3A_82 : vector<16xi32> to vector<16xi32>
      %swap3A_84 = vector.shape_cast %shift_right_logical3A_80 : vector<16xi32> to vector<16xi32>
      tpu.vector_store %arg5[%swap3A_81], %swap3A_84 {strides = array<i32>} : memref<112xi32, #tpu.memory_space<vmem>>, vector<16xi32>,
      %get3A_85 = arith.index_cast %add3A_43 : i32 to index
      %get3A_86 = arith.constant 64 : index
      %get3A_87 = tpu.vector_load %arg4[%get3A_85, %get3A_86] {strides = array<i32>} : memref<92x112xi32, #tpu.memory_space<vmem>>, vector<1x16xi32>,
      %get3A_88 = vector.shape_cast %get3A_87 : vector<1x16xi32> to vector<16xi32>
      %shift_right_logical3A_89 = arith.constant 16 : i32
      %shift_right_logical3A_90 = vector.broadcast %shift_right_logical3A_89 : i32 to vector<16xi32>
      %shift_right_logical3A_91 = arith.shrui %get3A_88, %shift_right_logical3A_90 : vector<16xi32>
      %swap3A_92 = arith.constant 64 : index
      %swap3A_93 = tpu.vector_load %arg5[%swap3A_92] {strides = array<i32>} : memref<112xi32, #tpu.memory_space<vmem>>, vector<16xi32>,
      %swap3A_94 = vector.shape_cast %swap3A_93 : vector<16xi32> to vector<16xi32>
      %swap3A_95 = vector.shape_cast %shift_right_logical3A_91 : vector<16xi32> to vector<16xi32>
      tpu.vector_store %arg5[%swap3A_92], %swap3A_95 {strides = array<i32>} : memref<112xi32, #tpu.memory_space<vmem>>, vector<16xi32>,
      %get3A_96 = arith.index_cast %add3A_43 : i32 to index
      %get3A_97 = arith.constant 80 : index
      %get3A_98 = tpu.vector_load %arg4[%get3A_96, %get3A_97] {strides = array<i32>} : memref<92x112xi32, #tpu.memory_space<vmem>>, vector<1x16xi32>,
      %get3A_99 = vector.shape_cast %get3A_98 : vector<1x16xi32> to vector<16xi32>
      %shift_right_logical3A_100 = arith.constant 16 : i32
      %shift_right_logical3A_101 = vector.broadcast %shift_right_logical3A_100 : i32 to vector<16xi32>
      %shift_right_logical3A_102 = arith.shrui %get3A_99, %shift_right_logical3A_101 : vector<16xi32>
      %swap3A_103 = arith.constant 80 : index
      %swap3A_104 = tpu.vector_load %arg5[%swap3A_103] {strides = array<i32>} : memref<112xi32, #tpu.memory_space<vmem>>, vector<16xi32>,
      %swap3A_105 = vector.shape_cast %swap3A_104 : vector<16xi32> to vector<16xi32>
      %swap3A_106 = vector.shape_cast %shift_right_logical3A_102 : vector<16xi32> to vector<16xi32>
      tpu.vector_store %arg5[%swap3A_103], %swap3A_106 {strides = array<i32>} : memref<112xi32, #tpu.memory_space<vmem>>, vector<16xi32>,
      %get3A_107 = arith.index_cast %add3A_43 : i32 to index
      %get3A_108 = arith.constant 96 : index
      %get3A_109 = tpu.vector_load %arg4[%get3A_107, %get3A_108] {strides = array<i32>} : memref<92x112xi32, #tpu.memory_space<vmem>>, vector<1x16xi32>,
      %get3A_110 = vector.shape_cast %get3A_109 : vector<1x16xi32> to vector<16xi32>
      %shift_right_logical3A_111 = arith.constant 16 : i32
      %shift_right_logical3A_112 = vector.broadcast %shift_right_logical3A_111 : i32 to vector<16xi32>
      %shift_right_logical3A_113 = arith.shrui %get3A_110, %shift_right_logical3A_112 : vector<16xi32>
      %swap3A_114 = arith.constant 96 : index
      %swap3A_115 = tpu.vector_load %arg5[%swap3A_114] {strides = array<i32>} : memref<112xi32, #tpu.memory_space<vmem>>, vector<16xi32>,
      %swap3A_116 = vector.shape_cast %swap3A_115 : vector<16xi32> to vector<16xi32>
      %swap3A_117 = vector.shape_cast %shift_right_logical3A_113 : vector<16xi32> to vector<16xi32>
      tpu.vector_store %arg5[%swap3A_114], %swap3A_117 {strides = array<i32>} : memref<112xi32, #tpu.memory_space<vmem>>, vector<16xi32>,
      "tpu.region"() ({
        %run_scoped3A = tpu.sem_alloc : memref<!tpu.dma_semaphore, #tpu.memory_space<semaphore_mem>>
        %dma_start3A = arith.constant 0 : i32
        %dma_start3A_118 = arith.constant 0 : i32
        %dma_start3A_119 = tpu.memref_slice %arg7[%dma_start3A, %dma_start3A_118] : memref<10112x128xf32, #tpu.memory_space<vmem_shared>> -> memref<10112x128xf32, #tpu.memory_space<vmem_shared>>
        tpu.enqueue_indirect_dma source(%arg6 : memref<112x128xf32, #tpu.memory_space<vmem>>) target(%dma_start3A_119 : memref<10112x128xf32, #tpu.memory_space<vmem_shared>>) offsets(%arg5 : memref<112xi32, #tpu.memory_space<vmem>>) semaphore(%run_scoped3A : memref<!tpu.dma_semaphore, #tpu.memory_space<semaphore_mem>>) {add = true}
        %dma_wait3A = arith.constant 0 : i32
        %dma_wait3A_120 = arith.constant 0 : i32
        %dma_wait3A_121 = tpu.memref_slice %arg7[%dma_wait3A, %dma_wait3A_120] : memref<10112x128xf32, #tpu.memory_space<vmem_shared>> -> memref<10112x128xf32, #tpu.memory_space<vmem_shared>>
        tpu.wait_indirect_dma semaphore(%run_scoped3A : memref<!tpu.dma_semaphore, #tpu.memory_space<semaphore_mem>>) src(%arg6 : memref<112x128xf32, #tpu.memory_space<vmem>>) dst(%dma_wait3A_121 : memref<10112x128xf32, #tpu.memory_space<vmem_shared>>)
        tpu.yield
      }) : () -> ()
    }
    %scan3A_33 = arith.constant 92 : i32
    %barrier3A_34 = arith.constant 0 : index
    tpu.barrier barrier_id(%barrier3A_34)
    %mul3A_35 = arith.constant 632 : i32
    %mul3A_36 = arith.muli %arg1, %mul3A_35 : i32
    %mul3A_37 = arith.constant 632 : i32
    %mul3A_38 = arith.muli %arg1, %mul3A_37 : i32
    "tpu.region"() ({
      %run_scoped3A = tpu.sem_alloc : memref<!tpu.dma_semaphore, #tpu.memory_space<semaphore_mem>>
      %dma_start3A = arith.constant 0 : i32
      %dma_start3A_39 = arith.constant 0 : i32
      %dma_start3A_40 = tpu.memref_slice %arg3[%arg0, %dma_start3A, %dma_start3A_39] : memref<2x10112x128xf32, #tpu.memory_space<hbm>> -> memref<1x10112x128xf32, #tpu.memory_space<hbm>>
      %dma_start3A_41 = tpu.memref_squeeze %dma_start3A_40 : memref<1x10112x128xf32, #tpu.memory_space<hbm>> -> memref<10112x128xf32, #tpu.memory_space<hbm>>
      %dma_start3A_42 = arith.constant 0 : i32
      %dma_start3A_43 = tpu.memref_slice %dma_start3A_41[%mul3A_38, %dma_start3A_42] : memref<10112x128xf32, #tpu.memory_space<hbm>> -> memref<632x128xf32, #tpu.memory_space<hbm>>
      %dma_start3A_44 = arith.constant 0 : i32
      %dma_start3A_45 = tpu.memref_slice %arg7[%mul3A_36, %dma_start3A_44] : memref<10112x128xf32, #tpu.memory_space<vmem_shared>> -> memref<632x128xf32, #tpu.memory_space<vmem_shared>>
      tpu.enqueue_dma source(%dma_start3A_45 : memref<632x128xf32, #tpu.memory_space<vmem_shared>>) target(%dma_start3A_43 : memref<632x128xf32, #tpu.memory_space<hbm>>) target_semaphore(%run_scoped3A : memref<!tpu.dma_semaphore, #tpu.memory_space<semaphore_mem>>)
      %dma_wait3A = arith.constant 0 : i32
      %dma_wait3A_46 = arith.constant 0 : i32
      %dma_wait3A_47 = tpu.memref_slice %arg3[%arg0, %dma_wait3A, %dma_wait3A_46] : memref<2x10112x128xf32, #tpu.memory_space<hbm>> -> memref<1x10112x128xf32, #tpu.memory_space<hbm>>
      %dma_wait3A_48 = tpu.memref_squeeze %dma_wait3A_47 : memref<1x10112x128xf32, #tpu.memory_space<hbm>> -> memref<10112x128xf32, #tpu.memory_space<hbm>>
      %dma_wait3A_49 = arith.constant 0 : i32
      %dma_wait3A_50 = tpu.memref_slice %dma_wait3A_48[%mul3A_38, %dma_wait3A_49] : memref<10112x128xf32, #tpu.memory_space<hbm>> -> memref<632x128xf32, #tpu.memory_space<hbm>>
      %dma_wait3A_51 = arith.constant 0 : i32
      %dma_wait3A_52 = tpu.memref_slice %arg7[%mul3A_36, %dma_wait3A_51] : memref<10112x128xf32, #tpu.memory_space<vmem_shared>> -> memref<632x128xf32, #tpu.memory_space<vmem_shared>>
      tpu.wait_dma2 semaphore(%run_scoped3A : memref<!tpu.dma_semaphore, #tpu.memory_space<semaphore_mem>>) src(%dma_wait3A_52 : memref<632x128xf32, #tpu.memory_space<vmem_shared>>) dst(%dma_wait3A_50 : memref<632x128xf32, #tpu.memory_space<hbm>>)
      tpu.yield
    }) : () -> ()
    return
  }
}

#map = affine_map<(d0, d1) -> (0, 0)>
#map1 = affine_map<(d0, d1) -> (0, 0, 0)>
module attributes {stable_mosaic.version = 14 : i64} {
  func.func @seg_kernel(%arg0: i32, %arg1: i32, %arg2: memref<10000x128xf32, #tpu.memory_space<hbm>>, %arg3: memref<3080x112xi32, #tpu.memory_space<hbm>>, %arg4: memref<2x10112x128xf32, #tpu.memory_space<hbm>>, %arg5: memref<160x112xi32, #tpu.memory_space<vmem>>, %arg6: memref<112xi32, #tpu.memory_space<vmem>>, %arg7: memref<112xi32, #tpu.memory_space<vmem>>, %arg8: memref<112xi32, #tpu.memory_space<vmem>>, %arg9: memref<112xi32, #tpu.memory_space<vmem>>, %arg10: memref<112x128xf32, #tpu.memory_space<vmem>>, %arg11: memref<112x128xf32, #tpu.memory_space<vmem>>, %arg12: memref<10112x128xf32, #tpu.memory_space<vmem_shared>>, %arg13: memref<!tpu.dma_semaphore, #tpu.memory_space<semaphore_mem>>, %arg14: memref<!tpu.dma_semaphore, #tpu.memory_space<semaphore_mem>>) attributes {dimension_semantics = [#tpu.dimension_semantics<core_parallel>, #tpu.dimension_semantics<subcore_parallel>], iteration_bounds = array<i64: 2, 16>, scalar_prefetch = 0 : i64, scratch_operands = 10 : i64, tpu.core_type = #tpu.core_type<sc_vector_subcore>, window_params = [{transform_indices = #map}, {transform_indices = #map}, {transform_indices = #map1}]} {
    %scan3A = arith.constant 0 : i32
    %scan3A_0 = arith.constant 112 : i32
    %scan3A_1 = arith.addi %scan3A, %scan3A_0 : i32
    %scan3A_2 = arith.constant 1 : i32
    scf.for %scan3A_46 = %scan3A to %scan3A_1 step %scan3A_2  : i32 {
      %mul3A_47 = arith.constant 1 : i32
      %mul3A_48 = arith.muli %scan3A_46, %mul3A_47 : i32
      %add3A_49 = arith.constant 0 : i32
      %add3A_50 = arith.addi %add3A_49, %mul3A_48 : i32
      %broadcast_in_dim3A = arith.constant 0.000000e+00 : f32
      %broadcast_in_dim3A_51 = vector.broadcast %broadcast_in_dim3A : f32 to vector<16xf32>
      %swap3A = arith.index_cast %add3A_50 : i32 to index
      %swap3A_52 = arith.constant 0 : index
      %swap3A_53 = tpu.vector_load %arg10[%swap3A, %swap3A_52] {strides = array<i32>} : memref<112x128xf32, #tpu.memory_space<vmem>>, vector<1x16xf32>,
      %swap3A_54 = vector.shape_cast %swap3A_53 : vector<1x16xf32> to vector<16xf32>
      %swap3A_55 = vector.shape_cast %broadcast_in_dim3A_51 : vector<16xf32> to vector<1x16xf32>
      tpu.vector_store %arg10[%swap3A, %swap3A_52], %swap3A_55 {strides = array<i32>} : memref<112x128xf32, #tpu.memory_space<vmem>>, vector<1x16xf32>,
      %broadcast_in_dim3A_56 = arith.constant 0.000000e+00 : f32
      %broadcast_in_dim3A_57 = vector.broadcast %broadcast_in_dim3A_56 : f32 to vector<16xf32>
      %swap3A_58 = arith.index_cast %add3A_50 : i32 to index
      %swap3A_59 = arith.constant 16 : index
      %swap3A_60 = tpu.vector_load %arg10[%swap3A_58, %swap3A_59] {strides = array<i32>} : memref<112x128xf32, #tpu.memory_space<vmem>>, vector<1x16xf32>,
      %swap3A_61 = vector.shape_cast %swap3A_60 : vector<1x16xf32> to vector<16xf32>
      %swap3A_62 = vector.shape_cast %broadcast_in_dim3A_57 : vector<16xf32> to vector<1x16xf32>
      tpu.vector_store %arg10[%swap3A_58, %swap3A_59], %swap3A_62 {strides = array<i32>} : memref<112x128xf32, #tpu.memory_space<vmem>>, vector<1x16xf32>,
      %broadcast_in_dim3A_63 = arith.constant 0.000000e+00 : f32
      %broadcast_in_dim3A_64 = vector.broadcast %broadcast_in_dim3A_63 : f32 to vector<16xf32>
      %swap3A_65 = arith.index_cast %add3A_50 : i32 to index
      %swap3A_66 = arith.constant 32 : index
      %swap3A_67 = tpu.vector_load %arg10[%swap3A_65, %swap3A_66] {strides = array<i32>} : memref<112x128xf32, #tpu.memory_space<vmem>>, vector<1x16xf32>,
      %swap3A_68 = vector.shape_cast %swap3A_67 : vector<1x16xf32> to vector<16xf32>
      %swap3A_69 = vector.shape_cast %broadcast_in_dim3A_64 : vector<16xf32> to vector<1x16xf32>
      tpu.vector_store %arg10[%swap3A_65, %swap3A_66], %swap3A_69 {strides = array<i32>} : memref<112x128xf32, #tpu.memory_space<vmem>>, vector<1x16xf32>,
      %broadcast_in_dim3A_70 = arith.constant 0.000000e+00 : f32
      %broadcast_in_dim3A_71 = vector.broadcast %broadcast_in_dim3A_70 : f32 to vector<16xf32>
      %swap3A_72 = arith.index_cast %add3A_50 : i32 to index
      %swap3A_73 = arith.constant 48 : index
      %swap3A_74 = tpu.vector_load %arg10[%swap3A_72, %swap3A_73] {strides = array<i32>} : memref<112x128xf32, #tpu.memory_space<vmem>>, vector<1x16xf32>,
      %swap3A_75 = vector.shape_cast %swap3A_74 : vector<1x16xf32> to vector<16xf32>
      %swap3A_76 = vector.shape_cast %broadcast_in_dim3A_71 : vector<16xf32> to vector<1x16xf32>
      tpu.vector_store %arg10[%swap3A_72, %swap3A_73], %swap3A_76 {strides = array<i32>} : memref<112x128xf32, #tpu.memory_space<vmem>>, vector<1x16xf32>,
      %broadcast_in_dim3A_77 = arith.constant 0.000000e+00 : f32
      %broadcast_in_dim3A_78 = vector.broadcast %broadcast_in_dim3A_77 : f32 to vector<16xf32>
      %swap3A_79 = arith.index_cast %add3A_50 : i32 to index
      %swap3A_80 = arith.constant 64 : index
      %swap3A_81 = tpu.vector_load %arg10[%swap3A_79, %swap3A_80] {strides = array<i32>} : memref<112x128xf32, #tpu.memory_space<vmem>>, vector<1x16xf32>,
      %swap3A_82 = vector.shape_cast %swap3A_81 : vector<1x16xf32> to vector<16xf32>
      %swap3A_83 = vector.shape_cast %broadcast_in_dim3A_78 : vector<16xf32> to vector<1x16xf32>
      tpu.vector_store %arg10[%swap3A_79, %swap3A_80], %swap3A_83 {strides = array<i32>} : memref<112x128xf32, #tpu.memory_space<vmem>>, vector<1x16xf32>,
      %broadcast_in_dim3A_84 = arith.constant 0.000000e+00 : f32
      %broadcast_in_dim3A_85 = vector.broadcast %broadcast_in_dim3A_84 : f32 to vector<16xf32>
      %swap3A_86 = arith.index_cast %add3A_50 : i32 to index
      %swap3A_87 = arith.constant 80 : index
      %swap3A_88 = tpu.vector_load %arg10[%swap3A_86, %swap3A_87] {strides = array<i32>} : memref<112x128xf32, #tpu.memory_space<vmem>>, vector<1x16xf32>,
      %swap3A_89 = vector.shape_cast %swap3A_88 : vector<1x16xf32> to vector<16xf32>
      %swap3A_90 = vector.shape_cast %broadcast_in_dim3A_85 : vector<16xf32> to vector<1x16xf32>
      tpu.vector_store %arg10[%swap3A_86, %swap3A_87], %swap3A_90 {strides = array<i32>} : memref<112x128xf32, #tpu.memory_space<vmem>>, vector<1x16xf32>,
      %broadcast_in_dim3A_91 = arith.constant 0.000000e+00 : f32
      %broadcast_in_dim3A_92 = vector.broadcast %broadcast_in_dim3A_91 : f32 to vector<16xf32>
      %swap3A_93 = arith.index_cast %add3A_50 : i32 to index
      %swap3A_94 = arith.constant 96 : index
      %swap3A_95 = tpu.vector_load %arg10[%swap3A_93, %swap3A_94] {strides = array<i32>} : memref<112x128xf32, #tpu.memory_space<vmem>>, vector<1x16xf32>,
      %swap3A_96 = vector.shape_cast %swap3A_95 : vector<1x16xf32> to vector<16xf32>
      %swap3A_97 = vector.shape_cast %broadcast_in_dim3A_92 : vector<16xf32> to vector<1x16xf32>
      tpu.vector_store %arg10[%swap3A_93, %swap3A_94], %swap3A_97 {strides = array<i32>} : memref<112x128xf32, #tpu.memory_space<vmem>>, vector<1x16xf32>,
      %broadcast_in_dim3A_98 = arith.constant 0.000000e+00 : f32
      %broadcast_in_dim3A_99 = vector.broadcast %broadcast_in_dim3A_98 : f32 to vector<16xf32>
      %swap3A_100 = arith.index_cast %add3A_50 : i32 to index
      %swap3A_101 = arith.constant 112 : index
      %swap3A_102 = tpu.vector_load %arg10[%swap3A_100, %swap3A_101] {strides = array<i32>} : memref<112x128xf32, #tpu.memory_space<vmem>>, vector<1x16xf32>,
      %swap3A_103 = vector.shape_cast %swap3A_102 : vector<1x16xf32> to vector<16xf32>
      %swap3A_104 = vector.shape_cast %broadcast_in_dim3A_99 : vector<16xf32> to vector<1x16xf32>
      tpu.vector_store %arg10[%swap3A_100, %swap3A_101], %swap3A_104 {strides = array<i32>} : memref<112x128xf32, #tpu.memory_space<vmem>>, vector<1x16xf32>,
    }
    %scan3A_3 = arith.constant 112 : i32
    %mul3A = arith.constant 632 : i32
    %mul3A_4 = arith.muli %arg1, %mul3A : i32
    %add3A = arith.constant 0 : i32
    %add3A_5 = arith.addi %mul3A_4, %add3A : i32
    "tpu.region"() ({
      %run_scoped3A = tpu.sem_alloc : memref<!tpu.dma_semaphore, #tpu.memory_space<semaphore_mem>>
      %dma_start3A = arith.constant 0 : i32
      %dma_start3A_46 = tpu.memref_slice %arg12[%add3A_5, %dma_start3A] : memref<10112x128xf32, #tpu.memory_space<vmem_shared>> -> memref<112x128xf32, #tpu.memory_space<vmem_shared>>
      %dma_start3A_47 = arith.constant 0 : i32
      %dma_start3A_48 = tpu.memref_slice %arg12[%add3A_5, %dma_start3A_47] : memref<10112x128xf32, #tpu.memory_space<vmem_shared>> -> memref<112x128xf32, #tpu.memory_space<vmem_shared>>
      tpu.enqueue_dma source(%arg10 : memref<112x128xf32, #tpu.memory_space<vmem>>) target(%dma_start3A_48 : memref<112x128xf32, #tpu.memory_space<vmem_shared>>) target_semaphore(%run_scoped3A : memref<!tpu.dma_semaphore, #tpu.memory_space<semaphore_mem>>)
      %dma_wait3A = arith.constant 0 : i32
      %dma_wait3A_49 = tpu.memref_slice %arg12[%add3A_5, %dma_wait3A] : memref<10112x128xf32, #tpu.memory_space<vmem_shared>> -> memref<112x128xf32, #tpu.memory_space<vmem_shared>>
      %dma_wait3A_50 = arith.constant 0 : i32
      %dma_wait3A_51 = tpu.memref_slice %arg12[%add3A_5, %dma_wait3A_50] : memref<10112x128xf32, #tpu.memory_space<vmem_shared>> -> memref<112x128xf32, #tpu.memory_space<vmem_shared>>
      tpu.wait_dma2 semaphore(%run_scoped3A : memref<!tpu.dma_semaphore, #tpu.memory_space<semaphore_mem>>) src(%arg10 : memref<112x128xf32, #tpu.memory_space<vmem>>) dst(%dma_wait3A_51 : memref<112x128xf32, #tpu.memory_space<vmem_shared>>)
      tpu.yield
    }) : () -> ()
    %mul3A_6 = arith.constant 632 : i32
    %mul3A_7 = arith.muli %arg1, %mul3A_6 : i32
    %add3A_8 = arith.constant 112 : i32
    %add3A_9 = arith.addi %mul3A_7, %add3A_8 : i32
    "tpu.region"() ({
      %run_scoped3A = tpu.sem_alloc : memref<!tpu.dma_semaphore, #tpu.memory_space<semaphore_mem>>
      %dma_start3A = arith.constant 0 : i32
      %dma_start3A_46 = tpu.memref_slice %arg12[%add3A_9, %dma_start3A] : memref<10112x128xf32, #tpu.memory_space<vmem_shared>> -> memref<112x128xf32, #tpu.memory_space<vmem_shared>>
      %dma_start3A_47 = arith.constant 0 : i32
      %dma_start3A_48 = tpu.memref_slice %arg12[%add3A_9, %dma_start3A_47] : memref<10112x128xf32, #tpu.memory_space<vmem_shared>> -> memref<112x128xf32, #tpu.memory_space<vmem_shared>>
      tpu.enqueue_dma source(%arg10 : memref<112x128xf32, #tpu.memory_space<vmem>>) target(%dma_start3A_48 : memref<112x128xf32, #tpu.memory_space<vmem_shared>>) target_semaphore(%run_scoped3A : memref<!tpu.dma_semaphore, #tpu.memory_space<semaphore_mem>>)
      %dma_wait3A = arith.constant 0 : i32
      %dma_wait3A_49 = tpu.memref_slice %arg12[%add3A_9, %dma_wait3A] : memref<10112x128xf32, #tpu.memory_space<vmem_shared>> -> memref<112x128xf32, #tpu.memory_space<vmem_shared>>
      %dma_wait3A_50 = arith.constant 0 : i32
      %dma_wait3A_51 = tpu.memref_slice %arg12[%add3A_9, %dma_wait3A_50] : memref<10112x128xf32, #tpu.memory_space<vmem_shared>> -> memref<112x128xf32, #tpu.memory_space<vmem_shared>>
      tpu.wait_dma2 semaphore(%run_scoped3A : memref<!tpu.dma_semaphore, #tpu.memory_space<semaphore_mem>>) src(%arg10 : memref<112x128xf32, #tpu.memory_space<vmem>>) dst(%dma_wait3A_51 : memref<112x128xf32, #tpu.memory_space<vmem_shared>>)
      tpu.yield
    }) : () -> ()
    %mul3A_10 = arith.constant 632 : i32
    %mul3A_11 = arith.muli %arg1, %mul3A_10 : i32
    %add3A_12 = arith.constant 224 : i32
    %add3A_13 = arith.addi %mul3A_11, %add3A_12 : i32
    "tpu.region"() ({
      %run_scoped3A = tpu.sem_alloc : memref<!tpu.dma_semaphore, #tpu.memory_space<semaphore_mem>>
      %dma_start3A = arith.constant 0 : i32
      %dma_start3A_46 = tpu.memref_slice %arg12[%add3A_13, %dma_start3A] : memref<10112x128xf32, #tpu.memory_space<vmem_shared>> -> memref<112x128xf32, #tpu.memory_space<vmem_shared>>
      %dma_start3A_47 = arith.constant 0 : i32
      %dma_start3A_48 = tpu.memref_slice %arg12[%add3A_13, %dma_start3A_47] : memref<10112x128xf32, #tpu.memory_space<vmem_shared>> -> memref<112x128xf32, #tpu.memory_space<vmem_shared>>
      tpu.enqueue_dma source(%arg10 : memref<112x128xf32, #tpu.memory_space<vmem>>) target(%dma_start3A_48 : memref<112x128xf32, #tpu.memory_space<vmem_shared>>) target_semaphore(%run_scoped3A : memref<!tpu.dma_semaphore, #tpu.memory_space<semaphore_mem>>)
      %dma_wait3A = arith.constant 0 : i32
      %dma_wait3A_49 = tpu.memref_slice %arg12[%add3A_13, %dma_wait3A] : memref<10112x128xf32, #tpu.memory_space<vmem_shared>> -> memref<112x128xf32, #tpu.memory_space<vmem_shared>>
      %dma_wait3A_50 = arith.constant 0 : i32
      %dma_wait3A_51 = tpu.memref_slice %arg12[%add3A_13, %dma_wait3A_50] : memref<10112x128xf32, #tpu.memory_space<vmem_shared>> -> memref<112x128xf32, #tpu.memory_space<vmem_shared>>
      tpu.wait_dma2 semaphore(%run_scoped3A : memref<!tpu.dma_semaphore, #tpu.memory_space<semaphore_mem>>) src(%arg10 : memref<112x128xf32, #tpu.memory_space<vmem>>) dst(%dma_wait3A_51 : memref<112x128xf32, #tpu.memory_space<vmem_shared>>)
      tpu.yield
    }) : () -> ()
    %mul3A_14 = arith.constant 632 : i32
    %mul3A_15 = arith.muli %arg1, %mul3A_14 : i32
    %add3A_16 = arith.constant 336 : i32
    %add3A_17 = arith.addi %mul3A_15, %add3A_16 : i32
    "tpu.region"() ({
      %run_scoped3A = tpu.sem_alloc : memref<!tpu.dma_semaphore, #tpu.memory_space<semaphore_mem>>
      %dma_start3A = arith.constant 0 : i32
      %dma_start3A_46 = tpu.memref_slice %arg12[%add3A_17, %dma_start3A] : memref<10112x128xf32, #tpu.memory_space<vmem_shared>> -> memref<112x128xf32, #tpu.memory_space<vmem_shared>>
      %dma_start3A_47 = arith.constant 0 : i32
      %dma_start3A_48 = tpu.memref_slice %arg12[%add3A_17, %dma_start3A_47] : memref<10112x128xf32, #tpu.memory_space<vmem_shared>> -> memref<112x128xf32, #tpu.memory_space<vmem_shared>>
      tpu.enqueue_dma source(%arg10 : memref<112x128xf32, #tpu.memory_space<vmem>>) target(%dma_start3A_48 : memref<112x128xf32, #tpu.memory_space<vmem_shared>>) target_semaphore(%run_scoped3A : memref<!tpu.dma_semaphore, #tpu.memory_space<semaphore_mem>>)
      %dma_wait3A = arith.constant 0 : i32
      %dma_wait3A_49 = tpu.memref_slice %arg12[%add3A_17, %dma_wait3A] : memref<10112x128xf32, #tpu.memory_space<vmem_shared>> -> memref<112x128xf32, #tpu.memory_space<vmem_shared>>
      %dma_wait3A_50 = arith.constant 0 : i32
      %dma_wait3A_51 = tpu.memref_slice %arg12[%add3A_17, %dma_wait3A_50] : memref<10112x128xf32, #tpu.memory_space<vmem_shared>> -> memref<112x128xf32, #tpu.memory_space<vmem_shared>>
      tpu.wait_dma2 semaphore(%run_scoped3A : memref<!tpu.dma_semaphore, #tpu.memory_space<semaphore_mem>>) src(%arg10 : memref<112x128xf32, #tpu.memory_space<vmem>>) dst(%dma_wait3A_51 : memref<112x128xf32, #tpu.memory_space<vmem_shared>>)
      tpu.yield
    }) : () -> ()
    %mul3A_18 = arith.constant 632 : i32
    %mul3A_19 = arith.muli %arg1, %mul3A_18 : i32
    %add3A_20 = arith.constant 448 : i32
    %add3A_21 = arith.addi %mul3A_19, %add3A_20 : i32
    "tpu.region"() ({
      %run_scoped3A = tpu.sem_alloc : memref<!tpu.dma_semaphore, #tpu.memory_space<semaphore_mem>>
      %dma_start3A = arith.constant 0 : i32
      %dma_start3A_46 = tpu.memref_slice %arg12[%add3A_21, %dma_start3A] : memref<10112x128xf32, #tpu.memory_space<vmem_shared>> -> memref<112x128xf32, #tpu.memory_space<vmem_shared>>
      %dma_start3A_47 = arith.constant 0 : i32
      %dma_start3A_48 = tpu.memref_slice %arg12[%add3A_21, %dma_start3A_47] : memref<10112x128xf32, #tpu.memory_space<vmem_shared>> -> memref<112x128xf32, #tpu.memory_space<vmem_shared>>
      tpu.enqueue_dma source(%arg10 : memref<112x128xf32, #tpu.memory_space<vmem>>) target(%dma_start3A_48 : memref<112x128xf32, #tpu.memory_space<vmem_shared>>) target_semaphore(%run_scoped3A : memref<!tpu.dma_semaphore, #tpu.memory_space<semaphore_mem>>)
      %dma_wait3A = arith.constant 0 : i32
      %dma_wait3A_49 = tpu.memref_slice %arg12[%add3A_21, %dma_wait3A] : memref<10112x128xf32, #tpu.memory_space<vmem_shared>> -> memref<112x128xf32, #tpu.memory_space<vmem_shared>>
      %dma_wait3A_50 = arith.constant 0 : i32
      %dma_wait3A_51 = tpu.memref_slice %arg12[%add3A_21, %dma_wait3A_50] : memref<10112x128xf32, #tpu.memory_space<vmem_shared>> -> memref<112x128xf32, #tpu.memory_space<vmem_shared>>
      tpu.wait_dma2 semaphore(%run_scoped3A : memref<!tpu.dma_semaphore, #tpu.memory_space<semaphore_mem>>) src(%arg10 : memref<112x128xf32, #tpu.memory_space<vmem>>) dst(%dma_wait3A_51 : memref<112x128xf32, #tpu.memory_space<vmem_shared>>)
      tpu.yield
    }) : () -> ()
    %mul3A_22 = arith.constant 632 : i32
    %mul3A_23 = arith.muli %arg1, %mul3A_22 : i32
    %add3A_24 = arith.constant 560 : i32
    %add3A_25 = arith.addi %mul3A_23, %add3A_24 : i32
    "tpu.region"() ({
      %run_scoped3A = tpu.sem_alloc : memref<!tpu.dma_semaphore, #tpu.memory_space<semaphore_mem>>
      %dma_start3A = arith.constant 0 : i32
      %dma_start3A_46 = arith.constant 0 : i32
      %dma_start3A_47 = tpu.memref_slice %arg10[%dma_start3A, %dma_start3A_46] : memref<112x128xf32, #tpu.memory_space<vmem>> -> memref<72x128xf32, #tpu.memory_space<vmem>>
      %dma_start3A_48 = arith.constant 0 : i32
      %dma_start3A_49 = tpu.memref_slice %arg12[%add3A_25, %dma_start3A_48] : memref<10112x128xf32, #tpu.memory_space<vmem_shared>> -> memref<72x128xf32, #tpu.memory_space<vmem_shared>>
      %dma_start3A_50 = arith.constant 0 : i32
      %dma_start3A_51 = tpu.memref_slice %arg12[%add3A_25, %dma_start3A_50] : memref<10112x128xf32, #tpu.memory_space<vmem_shared>> -> memref<72x128xf32, #tpu.memory_space<vmem_shared>>
      %dma_start3A_52 = arith.constant 0 : i32
      %dma_start3A_53 = arith.constant 0 : i32
      %dma_start3A_54 = tpu.memref_slice %arg10[%dma_start3A_52, %dma_start3A_53] : memref<112x128xf32, #tpu.memory_space<vmem>> -> memref<72x128xf32, #tpu.memory_space<vmem>>
      tpu.enqueue_dma source(%dma_start3A_54 : memref<72x128xf32, #tpu.memory_space<vmem>>) target(%dma_start3A_51 : memref<72x128xf32, #tpu.memory_space<vmem_shared>>) target_semaphore(%run_scoped3A : memref<!tpu.dma_semaphore, #tpu.memory_space<semaphore_mem>>)
      %dma_wait3A = arith.constant 0 : i32
      %dma_wait3A_55 = arith.constant 0 : i32
      %dma_wait3A_56 = tpu.memref_slice %arg10[%dma_wait3A, %dma_wait3A_55] : memref<112x128xf32, #tpu.memory_space<vmem>> -> memref<72x128xf32, #tpu.memory_space<vmem>>
      %dma_wait3A_57 = arith.constant 0 : i32
      %dma_wait3A_58 = tpu.memref_slice %arg12[%add3A_25, %dma_wait3A_57] : memref<10112x128xf32, #tpu.memory_space<vmem_shared>> -> memref<72x128xf32, #tpu.memory_space<vmem_shared>>
      %dma_wait3A_59 = arith.constant 0 : i32
      %dma_wait3A_60 = tpu.memref_slice %arg12[%add3A_25, %dma_wait3A_59] : memref<10112x128xf32, #tpu.memory_space<vmem_shared>> -> memref<72x128xf32, #tpu.memory_space<vmem_shared>>
      %dma_wait3A_61 = arith.constant 0 : i32
      %dma_wait3A_62 = arith.constant 0 : i32
      %dma_wait3A_63 = tpu.memref_slice %arg10[%dma_wait3A_61, %dma_wait3A_62] : memref<112x128xf32, #tpu.memory_space<vmem>> -> memref<72x128xf32, #tpu.memory_space<vmem>>
      tpu.wait_dma2 semaphore(%run_scoped3A : memref<!tpu.dma_semaphore, #tpu.memory_space<semaphore_mem>>) src(%dma_wait3A_63 : memref<72x128xf32, #tpu.memory_space<vmem>>) dst(%dma_wait3A_60 : memref<72x128xf32, #tpu.memory_space<vmem_shared>>)
      tpu.yield
    }) : () -> ()
    %eq3A = arith.constant 0 : i32
    %eq3A_26 = arith.cmpi eq, %arg0, %eq3A : i32
    %mul3A_27 = arith.constant 160 : i32
    %mul3A_28 = arith.muli %arg1, %mul3A_27 : i32
    %mul3A_29 = arith.constant 24 : i32
    %mul3A_30 = arith.muli %arg1, %mul3A_29 : i32
    %add3A_31 = arith.constant 2560 : i32
    %add3A_32 = arith.addi %add3A_31, %mul3A_30 : i32
    %select_n3A = arith.select %eq3A_26, %mul3A_28, %add3A_32 : i32
    "tpu.region"() ({
      %run_scoped3A = tpu.sem_alloc : memref<!tpu.dma_semaphore, #tpu.memory_space<semaphore_mem>>
      %dma_start3A = arith.constant 0 : i32
      %dma_start3A_46 = tpu.memref_slice %arg3[%select_n3A, %dma_start3A] : memref<3080x112xi32, #tpu.memory_space<hbm>> -> memref<160x112xi32, #tpu.memory_space<hbm>>
      %dma_start3A_47 = arith.constant 0 : i32
      %dma_start3A_48 = tpu.memref_slice %arg3[%select_n3A, %dma_start3A_47] : memref<3080x112xi32, #tpu.memory_space<hbm>> -> memref<160x112xi32, #tpu.memory_space<hbm>>
      tpu.enqueue_dma source(%dma_start3A_48 : memref<160x112xi32, #tpu.memory_space<hbm>>) target(%arg5 : memref<160x112xi32, #tpu.memory_space<vmem>>) target_semaphore(%run_scoped3A : memref<!tpu.dma_semaphore, #tpu.memory_space<semaphore_mem>>)
      %dma_wait3A = arith.constant 0 : i32
      %dma_wait3A_49 = tpu.memref_slice %arg3[%select_n3A, %dma_wait3A] : memref<3080x112xi32, #tpu.memory_space<hbm>> -> memref<160x112xi32, #tpu.memory_space<hbm>>
      %dma_wait3A_50 = arith.constant 0 : i32
      %dma_wait3A_51 = tpu.memref_slice %arg3[%select_n3A, %dma_wait3A_50] : memref<3080x112xi32, #tpu.memory_space<hbm>> -> memref<160x112xi32, #tpu.memory_space<hbm>>
      tpu.wait_dma2 semaphore(%run_scoped3A : memref<!tpu.dma_semaphore, #tpu.memory_space<semaphore_mem>>) src(%dma_wait3A_51 : memref<160x112xi32, #tpu.memory_space<hbm>>) dst(%arg5 : memref<160x112xi32, #tpu.memory_space<vmem>>)
      tpu.yield
    }) : () -> ()
    %barrier3A = arith.constant 0 : index
    tpu.barrier barrier_id(%barrier3A)
    %eq3A_33 = arith.constant 0 : i32
    %eq3A_34 = arith.cmpi eq, %arg0, %eq3A_33 : i32
    %convert_element_type3A = arith.extui %eq3A_34 : i1 to i32
    %cond3A = arith.constant 0 : i32
    %cond3A_35 = arith.cmpi ne, %convert_element_type3A, %cond3A : i32
    scf.if %cond3A_35 {
      %get3A = arith.constant 0 : i32
      %get3A_46 = arith.index_cast %get3A : i32 to index
      %get3A_47 = arith.constant 0 : index
      %get3A_48 = tpu.vector_load %arg5[%get3A_46, %get3A_47] {strides = array<i32>} : memref<160x112xi32, #tpu.memory_space<vmem>>, vector<1x16xi32>,
      %get3A_49 = vector.shape_cast %get3A_48 : vector<1x16xi32> to vector<16xi32>
      %and3A = arith.constant 65535 : i32
      %and3A_50 = vector.broadcast %and3A : i32 to vector<16xi32>
      %and3A_51 = arith.andi %get3A_49, %and3A_50 : vector<16xi32>
      %swap3A = arith.constant 0 : index
      %swap3A_52 = tpu.vector_load %arg6[%swap3A] {strides = array<i32>} : memref<112xi32, #tpu.memory_space<vmem>>, vector<16xi32>,
      %swap3A_53 = vector.shape_cast %swap3A_52 : vector<16xi32> to vector<16xi32>
      %swap3A_54 = vector.shape_cast %and3A_51 : vector<16xi32> to vector<16xi32>
      tpu.vector_store %arg6[%swap3A], %swap3A_54 {strides = array<i32>} : memref<112xi32, #tpu.memory_space<vmem>>, vector<16xi32>,
      %get3A_55 = arith.constant 0 : i32
      %get3A_56 = arith.index_cast %get3A_55 : i32 to index
      %get3A_57 = arith.constant 16 : index
      %get3A_58 = tpu.vector_load %arg5[%get3A_56, %get3A_57] {strides = array<i32>} : memref<160x112xi32, #tpu.memory_space<vmem>>, vector<1x16xi32>,
      %get3A_59 = vector.shape_cast %get3A_58 : vector<1x16xi32> to vector<16xi32>
      %and3A_60 = arith.constant 65535 : i32
      %and3A_61 = vector.broadcast %and3A_60 : i32 to vector<16xi32>
      %and3A_62 = arith.andi %get3A_59, %and3A_61 : vector<16xi32>
      %swap3A_63 = arith.constant 16 : index
      %swap3A_64 = tpu.vector_load %arg6[%swap3A_63] {strides = array<i32>} : memref<112xi32, #tpu.memory_space<vmem>>, vector<16xi32>,
      %swap3A_65 = vector.shape_cast %swap3A_64 : vector<16xi32> to vector<16xi32>
      %swap3A_66 = vector.shape_cast %and3A_62 : vector<16xi32> to vector<16xi32>
      tpu.vector_store %arg6[%swap3A_63], %swap3A_66 {strides = array<i32>} : memref<112xi32, #tpu.memory_space<vmem>>, vector<16xi32>,
      %get3A_67 = arith.constant 0 : i32
      %get3A_68 = arith.index_cast %get3A_67 : i32 to index
      %get3A_69 = arith.constant 32 : index
      %get3A_70 = tpu.vector_load %arg5[%get3A_68, %get3A_69] {strides = array<i32>} : memref<160x112xi32, #tpu.memory_space<vmem>>, vector<1x16xi32>,
      %get3A_71 = vector.shape_cast %get3A_70 : vector<1x16xi32> to vector<16xi32>
      %and3A_72 = arith.constant 65535 : i32
      %and3A_73 = vector.broadcast %and3A_72 : i32 to vector<16xi32>
      %and3A_74 = arith.andi %get3A_71, %and3A_73 : vector<16xi32>
      %swap3A_75 = arith.constant 32 : index
      %swap3A_76 = tpu.vector_load %arg6[%swap3A_75] {strides = array<i32>} : memref<112xi32, #tpu.memory_space<vmem>>, vector<16xi32>,
      %swap3A_77 = vector.shape_cast %swap3A_76 : vector<16xi32> to vector<16xi32>
      %swap3A_78 = vector.shape_cast %and3A_74 : vector<16xi32> to vector<16xi32>
      tpu.vector_store %arg6[%swap3A_75], %swap3A_78 {strides = array<i32>} : memref<112xi32, #tpu.memory_space<vmem>>, vector<16xi32>,
      %get3A_79 = arith.constant 0 : i32
      %get3A_80 = arith.index_cast %get3A_79 : i32 to index
      %get3A_81 = arith.constant 48 : index
      %get3A_82 = tpu.vector_load %arg5[%get3A_80, %get3A_81] {strides = array<i32>} : memref<160x112xi32, #tpu.memory_space<vmem>>, vector<1x16xi32>,
      %get3A_83 = vector.shape_cast %get3A_82 : vector<1x16xi32> to vector<16xi32>
      %and3A_84 = arith.constant 65535 : i32
      %and3A_85 = vector.broadcast %and3A_84 : i32 to vector<16xi32>
      %and3A_86 = arith.andi %get3A_83, %and3A_85 : vector<16xi32>
      %swap3A_87 = arith.constant 48 : index
      %swap3A_88 = tpu.vector_load %arg6[%swap3A_87] {strides = array<i32>} : memref<112xi32, #tpu.memory_space<vmem>>, vector<16xi32>,
      %swap3A_89 = vector.shape_cast %swap3A_88 : vector<16xi32> to vector<16xi32>
      %swap3A_90 = vector.shape_cast %and3A_86 : vector<16xi32> to vector<16xi32>
      tpu.vector_store %arg6[%swap3A_87], %swap3A_90 {strides = array<i32>} : memref<112xi32, #tpu.memory_space<vmem>>, vector<16xi32>,
      %get3A_91 = arith.constant 0 : i32
      %get3A_92 = arith.index_cast %get3A_91 : i32 to index
      %get3A_93 = arith.constant 64 : index
      %get3A_94 = tpu.vector_load %arg5[%get3A_92, %get3A_93] {strides = array<i32>} : memref<160x112xi32, #tpu.memory_space<vmem>>, vector<1x16xi32>,
      %get3A_95 = vector.shape_cast %get3A_94 : vector<1x16xi32> to vector<16xi32>
      %and3A_96 = arith.constant 65535 : i32
      %and3A_97 = vector.broadcast %and3A_96 : i32 to vector<16xi32>
      %and3A_98 = arith.andi %get3A_95, %and3A_97 : vector<16xi32>
      %swap3A_99 = arith.constant 64 : index
      %swap3A_100 = tpu.vector_load %arg6[%swap3A_99] {strides = array<i32>} : memref<112xi32, #tpu.memory_space<vmem>>, vector<16xi32>,
      %swap3A_101 = vector.shape_cast %swap3A_100 : vector<16xi32> to vector<16xi32>
      %swap3A_102 = vector.shape_cast %and3A_98 : vector<16xi32> to vector<16xi32>
      tpu.vector_store %arg6[%swap3A_99], %swap3A_102 {strides = array<i32>} : memref<112xi32, #tpu.memory_space<vmem>>, vector<16xi32>,
      %get3A_103 = arith.constant 0 : i32
      %get3A_104 = arith.index_cast %get3A_103 : i32 to index
      %get3A_105 = arith.constant 80 : index
      %get3A_106 = tpu.vector_load %arg5[%get3A_104, %get3A_105] {strides = array<i32>} : memref<160x112xi32, #tpu.memory_space<vmem>>, vector<1x16xi32>,
      %get3A_107 = vector.shape_cast %get3A_106 : vector<1x16xi32> to vector<16xi32>
      %and3A_108 = arith.constant 65535 : i32
      %and3A_109 = vector.broadcast %and3A_108 : i32 to vector<16xi32>
      %and3A_110 = arith.andi %get3A_107, %and3A_109 : vector<16xi32>
      %swap3A_111 = arith.constant 80 : index
      %swap3A_112 = tpu.vector_load %arg6[%swap3A_111] {strides = array<i32>} : memref<112xi32, #tpu.memory_space<vmem>>, vector<16xi32>,
      %swap3A_113 = vector.shape_cast %swap3A_112 : vector<16xi32> to vector<16xi32>
      %swap3A_114 = vector.shape_cast %and3A_110 : vector<16xi32> to vector<16xi32>
      tpu.vector_store %arg6[%swap3A_111], %swap3A_114 {strides = array<i32>} : memref<112xi32, #tpu.memory_space<vmem>>, vector<16xi32>,
      %get3A_115 = arith.constant 0 : i32
      %get3A_116 = arith.index_cast %get3A_115 : i32 to index
      %get3A_117 = arith.constant 96 : index
      %get3A_118 = tpu.vector_load %arg5[%get3A_116, %get3A_117] {strides = array<i32>} : memref<160x112xi32, #tpu.memory_space<vmem>>, vector<1x16xi32>,
      %get3A_119 = vector.shape_cast %get3A_118 : vector<1x16xi32> to vector<16xi32>
      %and3A_120 = arith.constant 65535 : i32
      %and3A_121 = vector.broadcast %and3A_120 : i32 to vector<16xi32>
      %and3A_122 = arith.andi %get3A_119, %and3A_121 : vector<16xi32>
      %swap3A_123 = arith.constant 96 : index
      %swap3A_124 = tpu.vector_load %arg6[%swap3A_123] {strides = array<i32>} : memref<112xi32, #tpu.memory_space<vmem>>, vector<16xi32>,
      %swap3A_125 = vector.shape_cast %swap3A_124 : vector<16xi32> to vector<16xi32>
      %swap3A_126 = vector.shape_cast %and3A_122 : vector<16xi32> to vector<16xi32>
      tpu.vector_store %arg6[%swap3A_123], %swap3A_126 {strides = array<i32>} : memref<112xi32, #tpu.memory_space<vmem>>, vector<16xi32>,
      %get3A_127 = arith.constant 0 : i32
      %get3A_128 = arith.index_cast %get3A_127 : i32 to index
      %get3A_129 = arith.constant 0 : index
      %get3A_130 = tpu.vector_load %arg5[%get3A_128, %get3A_129] {strides = array<i32>} : memref<160x112xi32, #tpu.memory_space<vmem>>, vector<1x16xi32>,
      %get3A_131 = vector.shape_cast %get3A_130 : vector<1x16xi32> to vector<16xi32>
      %shift_right_logical3A = arith.constant 16 : i32
      %shift_right_logical3A_132 = vector.broadcast %shift_right_logical3A : i32 to vector<16xi32>
      %shift_right_logical3A_133 = arith.shrui %get3A_131, %shift_right_logical3A_132 : vector<16xi32>
      %swap3A_134 = arith.constant 0 : index
      %swap3A_135 = tpu.vector_load %arg8[%swap3A_134] {strides = array<i32>} : memref<112xi32, #tpu.memory_space<vmem>>, vector<16xi32>,
      %swap3A_136 = vector.shape_cast %swap3A_135 : vector<16xi32> to vector<16xi32>
      %swap3A_137 = vector.shape_cast %shift_right_logical3A_133 : vector<16xi32> to vector<16xi32>
      tpu.vector_store %arg8[%swap3A_134], %swap3A_137 {strides = array<i32>} : memref<112xi32, #tpu.memory_space<vmem>>, vector<16xi32>,
      %get3A_138 = arith.constant 0 : i32
      %get3A_139 = arith.index_cast %get3A_138 : i32 to index
      %get3A_140 = arith.constant 16 : index
      %get3A_141 = tpu.vector_load %arg5[%get3A_139, %get3A_140] {strides = array<i32>} : memref<160x112xi32, #tpu.memory_space<vmem>>, vector<1x16xi32>,
      %get3A_142 = vector.shape_cast %get3A_141 : vector<1x16xi32> to vector<16xi32>
      %shift_right_logical3A_143 = arith.constant 16 : i32
      %shift_right_logical3A_144 = vector.broadcast %shift_right_logical3A_143 : i32 to vector<16xi32>
      %shift_right_logical3A_145 = arith.shrui %get3A_142, %shift_right_logical3A_144 : vector<16xi32>
      %swap3A_146 = arith.constant 16 : index
      %swap3A_147 = tpu.vector_load %arg8[%swap3A_146] {strides = array<i32>} : memref<112xi32, #tpu.memory_space<vmem>>, vector<16xi32>,
      %swap3A_148 = vector.shape_cast %swap3A_147 : vector<16xi32> to vector<16xi32>
      %swap3A_149 = vector.shape_cast %shift_right_logical3A_145 : vector<16xi32> to vector<16xi32>
      tpu.vector_store %arg8[%swap3A_146], %swap3A_149 {strides = array<i32>} : memref<112xi32, #tpu.memory_space<vmem>>, vector<16xi32>,
      %get3A_150 = arith.constant 0 : i32
      %get3A_151 = arith.index_cast %get3A_150 : i32 to index
      %get3A_152 = arith.constant 32 : index
      %get3A_153 = tpu.vector_load %arg5[%get3A_151, %get3A_152] {strides = array<i32>} : memref<160x112xi32, #tpu.memory_space<vmem>>, vector<1x16xi32>,
      %get3A_154 = vector.shape_cast %get3A_153 : vector<1x16xi32> to vector<16xi32>
      %shift_right_logical3A_155 = arith.constant 16 : i32
      %shift_right_logical3A_156 = vector.broadcast %shift_right_logical3A_155 : i32 to vector<16xi32>
      %shift_right_logical3A_157 = arith.shrui %get3A_154, %shift_right_logical3A_156 : vector<16xi32>
      %swap3A_158 = arith.constant 32 : index
      %swap3A_159 = tpu.vector_load %arg8[%swap3A_158] {strides = array<i32>} : memref<112xi32, #tpu.memory_space<vmem>>, vector<16xi32>,
      %swap3A_160 = vector.shape_cast %swap3A_159 : vector<16xi32> to vector<16xi32>
      %swap3A_161 = vector.shape_cast %shift_right_logical3A_157 : vector<16xi32> to vector<16xi32>
      tpu.vector_store %arg8[%swap3A_158], %swap3A_161 {strides = array<i32>} : memref<112xi32, #tpu.memory_space<vmem>>, vector<16xi32>,
      %get3A_162 = arith.constant 0 : i32
      %get3A_163 = arith.index_cast %get3A_162 : i32 to index
      %get3A_164 = arith.constant 48 : index
      %get3A_165 = tpu.vector_load %arg5[%get3A_163, %get3A_164] {strides = array<i32>} : memref<160x112xi32, #tpu.memory_space<vmem>>, vector<1x16xi32>,
      %get3A_166 = vector.shape_cast %get3A_165 : vector<1x16xi32> to vector<16xi32>
      %shift_right_logical3A_167 = arith.constant 16 : i32
      %shift_right_logical3A_168 = vector.broadcast %shift_right_logical3A_167 : i32 to vector<16xi32>
      %shift_right_logical3A_169 = arith.shrui %get3A_166, %shift_right_logical3A_168 : vector<16xi32>
      %swap3A_170 = arith.constant 48 : index
      %swap3A_171 = tpu.vector_load %arg8[%swap3A_170] {strides = array<i32>} : memref<112xi32, #tpu.memory_space<vmem>>, vector<16xi32>,
      %swap3A_172 = vector.shape_cast %swap3A_171 : vector<16xi32> to vector<16xi32>
      %swap3A_173 = vector.shape_cast %shift_right_logical3A_169 : vector<16xi32> to vector<16xi32>
      tpu.vector_store %arg8[%swap3A_170], %swap3A_173 {strides = array<i32>} : memref<112xi32, #tpu.memory_space<vmem>>, vector<16xi32>,
      %get3A_174 = arith.constant 0 : i32
      %get3A_175 = arith.index_cast %get3A_174 : i32 to index
      %get3A_176 = arith.constant 64 : index
      %get3A_177 = tpu.vector_load %arg5[%get3A_175, %get3A_176] {strides = array<i32>} : memref<160x112xi32, #tpu.memory_space<vmem>>, vector<1x16xi32>,
      %get3A_178 = vector.shape_cast %get3A_177 : vector<1x16xi32> to vector<16xi32>
      %shift_right_logical3A_179 = arith.constant 16 : i32
      %shift_right_logical3A_180 = vector.broadcast %shift_right_logical3A_179 : i32 to vector<16xi32>
      %shift_right_logical3A_181 = arith.shrui %get3A_178, %shift_right_logical3A_180 : vector<16xi32>
      %swap3A_182 = arith.constant 64 : index
      %swap3A_183 = tpu.vector_load %arg8[%swap3A_182] {strides = array<i32>} : memref<112xi32, #tpu.memory_space<vmem>>, vector<16xi32>,
      %swap3A_184 = vector.shape_cast %swap3A_183 : vector<16xi32> to vector<16xi32>
      %swap3A_185 = vector.shape_cast %shift_right_logical3A_181 : vector<16xi32> to vector<16xi32>
      tpu.vector_store %arg8[%swap3A_182], %swap3A_185 {strides = array<i32>} : memref<112xi32, #tpu.memory_space<vmem>>, vector<16xi32>,
      %get3A_186 = arith.constant 0 : i32
      %get3A_187 = arith.index_cast %get3A_186 : i32 to index
      %get3A_188 = arith.constant 80 : index
      %get3A_189 = tpu.vector_load %arg5[%get3A_187, %get3A_188] {strides = array<i32>} : memref<160x112xi32, #tpu.memory_space<vmem>>, vector<1x16xi32>,
      %get3A_190 = vector.shape_cast %get3A_189 : vector<1x16xi32> to vector<16xi32>
      %shift_right_logical3A_191 = arith.constant 16 : i32
      %shift_right_logical3A_192 = vector.broadcast %shift_right_logical3A_191 : i32 to vector<16xi32>
      %shift_right_logical3A_193 = arith.shrui %get3A_190, %shift_right_logical3A_192 : vector<16xi32>
      %swap3A_194 = arith.constant 80 : index
      %swap3A_195 = tpu.vector_load %arg8[%swap3A_194] {strides = array<i32>} : memref<112xi32, #tpu.memory_space<vmem>>, vector<16xi32>,
      %swap3A_196 = vector.shape_cast %swap3A_195 : vector<16xi32> to vector<16xi32>
      %swap3A_197 = vector.shape_cast %shift_right_logical3A_193 : vector<16xi32> to vector<16xi32>
      tpu.vector_store %arg8[%swap3A_194], %swap3A_197 {strides = array<i32>} : memref<112xi32, #tpu.memory_space<vmem>>, vector<16xi32>,
      %get3A_198 = arith.constant 0 : i32
      %get3A_199 = arith.index_cast %get3A_198 : i32 to index
      %get3A_200 = arith.constant 96 : index
      %get3A_201 = tpu.vector_load %arg5[%get3A_199, %get3A_200] {strides = array<i32>} : memref<160x112xi32, #tpu.memory_space<vmem>>, vector<1x16xi32>,
      %get3A_202 = vector.shape_cast %get3A_201 : vector<1x16xi32> to vector<16xi32>
      %shift_right_logical3A_203 = arith.constant 16 : i32
      %shift_right_logical3A_204 = vector.broadcast %shift_right_logical3A_203 : i32 to vector<16xi32>
      %shift_right_logical3A_205 = arith.shrui %get3A_202, %shift_right_logical3A_204 : vector<16xi32>
      %swap3A_206 = arith.constant 96 : index
      %swap3A_207 = tpu.vector_load %arg8[%swap3A_206] {strides = array<i32>} : memref<112xi32, #tpu.memory_space<vmem>>, vector<16xi32>,
      %swap3A_208 = vector.shape_cast %swap3A_207 : vector<16xi32> to vector<16xi32>
      %swap3A_209 = vector.shape_cast %shift_right_logical3A_205 : vector<16xi32> to vector<16xi32>
      tpu.vector_store %arg8[%swap3A_206], %swap3A_209 {strides = array<i32>} : memref<112xi32, #tpu.memory_space<vmem>>, vector<16xi32>,
      %dma_start3A = arith.constant 0 : i32
      %dma_start3A_210 = arith.constant 0 : i32
      %dma_start3A_211 = tpu.memref_slice %arg2[%dma_start3A, %dma_start3A_210] : memref<10000x128xf32, #tpu.memory_space<hbm>> -> memref<10000x128xf32, #tpu.memory_space<hbm>>
      tpu.enqueue_indirect_dma source(%dma_start3A_211 : memref<10000x128xf32, #tpu.memory_space<hbm>>) target(%arg10 : memref<112x128xf32, #tpu.memory_space<vmem>>) offsets(%arg6 : memref<112xi32, #tpu.memory_space<vmem>>) semaphore(%arg13 : memref<!tpu.dma_semaphore, #tpu.memory_space<semaphore_mem>>)
      %get3A_212 = arith.constant 1 : i32
      %get3A_213 = arith.index_cast %get3A_212 : i32 to index
      %get3A_214 = arith.constant 0 : index
      %get3A_215 = tpu.vector_load %arg5[%get3A_213, %get3A_214] {strides = array<i32>} : memref<160x112xi32, #tpu.memory_space<vmem>>, vector<1x16xi32>,
      %get3A_216 = vector.shape_cast %get3A_215 : vector<1x16xi32> to vector<16xi32>
      %and3A_217 = arith.constant 65535 : i32
      %and3A_218 = vector.broadcast %and3A_217 : i32 to vector<16xi32>
      %and3A_219 = arith.andi %get3A_216, %and3A_218 : vector<16xi32>
      %swap3A_220 = arith.constant 0 : index
      %swap3A_221 = tpu.vector_load %arg7[%swap3A_220] {strides = array<i32>} : memref<112xi32, #tpu.memory_space<vmem>>, vector<16xi32>,
      %swap3A_222 = vector.shape_cast %swap3A_221 : vector<16xi32> to vector<16xi32>
      %swap3A_223 = vector.shape_cast %and3A_219 : vector<16xi32> to vector<16xi32>
      tpu.vector_store %arg7[%swap3A_220], %swap3A_223 {strides = array<i32>} : memref<112xi32, #tpu.memory_space<vmem>>, vector<16xi32>,
      %get3A_224 = arith.constant 1 : i32
      %get3A_225 = arith.index_cast %get3A_224 : i32 to index
      %get3A_226 = arith.constant 16 : index
      %get3A_227 = tpu.vector_load %arg5[%get3A_225, %get3A_226] {strides = array<i32>} : memref<160x112xi32, #tpu.memory_space<vmem>>, vector<1x16xi32>,
      %get3A_228 = vector.shape_cast %get3A_227 : vector<1x16xi32> to vector<16xi32>
      %and3A_229 = arith.constant 65535 : i32
      %and3A_230 = vector.broadcast %and3A_229 : i32 to vector<16xi32>
      %and3A_231 = arith.andi %get3A_228, %and3A_230 : vector<16xi32>
      %swap3A_232 = arith.constant 16 : index
      %swap3A_233 = tpu.vector_load %arg7[%swap3A_232] {strides = array<i32>} : memref<112xi32, #tpu.memory_space<vmem>>, vector<16xi32>,
      %swap3A_234 = vector.shape_cast %swap3A_233 : vector<16xi32> to vector<16xi32>
      %swap3A_235 = vector.shape_cast %and3A_231 : vector<16xi32> to vector<16xi32>
      tpu.vector_store %arg7[%swap3A_232], %swap3A_235 {strides = array<i32>} : memref<112xi32, #tpu.memory_space<vmem>>, vector<16xi32>,
      %get3A_236 = arith.constant 1 : i32
      %get3A_237 = arith.index_cast %get3A_236 : i32 to index
      %get3A_238 = arith.constant 32 : index
      %get3A_239 = tpu.vector_load %arg5[%get3A_237, %get3A_238] {strides = array<i32>} : memref<160x112xi32, #tpu.memory_space<vmem>>, vector<1x16xi32>,
      %get3A_240 = vector.shape_cast %get3A_239 : vector<1x16xi32> to vector<16xi32>
      %and3A_241 = arith.constant 65535 : i32
      %and3A_242 = vector.broadcast %and3A_241 : i32 to vector<16xi32>
      %and3A_243 = arith.andi %get3A_240, %and3A_242 : vector<16xi32>
      %swap3A_244 = arith.constant 32 : index
      %swap3A_245 = tpu.vector_load %arg7[%swap3A_244] {strides = array<i32>} : memref<112xi32, #tpu.memory_space<vmem>>, vector<16xi32>,
      %swap3A_246 = vector.shape_cast %swap3A_245 : vector<16xi32> to vector<16xi32>
      %swap3A_247 = vector.shape_cast %and3A_243 : vector<16xi32> to vector<16xi32>
      tpu.vector_store %arg7[%swap3A_244], %swap3A_247 {strides = array<i32>} : memref<112xi32, #tpu.memory_space<vmem>>, vector<16xi32>,
      %get3A_248 = arith.constant 1 : i32
      %get3A_249 = arith.index_cast %get3A_248 : i32 to index
      %get3A_250 = arith.constant 48 : index
      %get3A_251 = tpu.vector_load %arg5[%get3A_249, %get3A_250] {strides = array<i32>} : memref<160x112xi32, #tpu.memory_space<vmem>>, vector<1x16xi32>,
      %get3A_252 = vector.shape_cast %get3A_251 : vector<1x16xi32> to vector<16xi32>
      %and3A_253 = arith.constant 65535 : i32
      %and3A_254 = vector.broadcast %and3A_253 : i32 to vector<16xi32>
      %and3A_255 = arith.andi %get3A_252, %and3A_254 : vector<16xi32>
      %swap3A_256 = arith.constant 48 : index
      %swap3A_257 = tpu.vector_load %arg7[%swap3A_256] {strides = array<i32>} : memref<112xi32, #tpu.memory_space<vmem>>, vector<16xi32>,
      %swap3A_258 = vector.shape_cast %swap3A_257 : vector<16xi32> to vector<16xi32>
      %swap3A_259 = vector.shape_cast %and3A_255 : vector<16xi32> to vector<16xi32>
      tpu.vector_store %arg7[%swap3A_256], %swap3A_259 {strides = array<i32>} : memref<112xi32, #tpu.memory_space<vmem>>, vector<16xi32>,
      %get3A_260 = arith.constant 1 : i32
      %get3A_261 = arith.index_cast %get3A_260 : i32 to index
      %get3A_262 = arith.constant 64 : index
      %get3A_263 = tpu.vector_load %arg5[%get3A_261, %get3A_262] {strides = array<i32>} : memref<160x112xi32, #tpu.memory_space<vmem>>, vector<1x16xi32>,
      %get3A_264 = vector.shape_cast %get3A_263 : vector<1x16xi32> to vector<16xi32>
      %and3A_265 = arith.constant 65535 : i32
      %and3A_266 = vector.broadcast %and3A_265 : i32 to vector<16xi32>
      %and3A_267 = arith.andi %get3A_264, %and3A_266 : vector<16xi32>
      %swap3A_268 = arith.constant 64 : index
      %swap3A_269 = tpu.vector_load %arg7[%swap3A_268] {strides = array<i32>} : memref<112xi32, #tpu.memory_space<vmem>>, vector<16xi32>,
      %swap3A_270 = vector.shape_cast %swap3A_269 : vector<16xi32> to vector<16xi32>
      %swap3A_271 = vector.shape_cast %and3A_267 : vector<16xi32> to vector<16xi32>
      tpu.vector_store %arg7[%swap3A_268], %swap3A_271 {strides = array<i32>} : memref<112xi32, #tpu.memory_space<vmem>>, vector<16xi32>,
      %get3A_272 = arith.constant 1 : i32
      %get3A_273 = arith.index_cast %get3A_272 : i32 to index
      %get3A_274 = arith.constant 80 : index
      %get3A_275 = tpu.vector_load %arg5[%get3A_273, %get3A_274] {strides = array<i32>} : memref<160x112xi32, #tpu.memory_space<vmem>>, vector<1x16xi32>,
      %get3A_276 = vector.shape_cast %get3A_275 : vector<1x16xi32> to vector<16xi32>
      %and3A_277 = arith.constant 65535 : i32
      %and3A_278 = vector.broadcast %and3A_277 : i32 to vector<16xi32>
      %and3A_279 = arith.andi %get3A_276, %and3A_278 : vector<16xi32>
      %swap3A_280 = arith.constant 80 : index
      %swap3A_281 = tpu.vector_load %arg7[%swap3A_280] {strides = array<i32>} : memref<112xi32, #tpu.memory_space<vmem>>, vector<16xi32>,
      %swap3A_282 = vector.shape_cast %swap3A_281 : vector<16xi32> to vector<16xi32>
      %swap3A_283 = vector.shape_cast %and3A_279 : vector<16xi32> to vector<16xi32>
      tpu.vector_store %arg7[%swap3A_280], %swap3A_283 {strides = array<i32>} : memref<112xi32, #tpu.memory_space<vmem>>, vector<16xi32>,
      %get3A_284 = arith.constant 1 : i32
      %get3A_285 = arith.index_cast %get3A_284 : i32 to index
      %get3A_286 = arith.constant 96 : index
      %get3A_287 = tpu.vector_load %arg5[%get3A_285, %get3A_286] {strides = array<i32>} : memref<160x112xi32, #tpu.memory_space<vmem>>, vector<1x16xi32>,
      %get3A_288 = vector.shape_cast %get3A_287 : vector<1x16xi32> to vector<16xi32>
      %and3A_289 = arith.constant 65535 : i32
      %and3A_290 = vector.broadcast %and3A_289 : i32 to vector<16xi32>
      %and3A_291 = arith.andi %get3A_288, %and3A_290 : vector<16xi32>
      %swap3A_292 = arith.constant 96 : index
      %swap3A_293 = tpu.vector_load %arg7[%swap3A_292] {strides = array<i32>} : memref<112xi32, #tpu.memory_space<vmem>>, vector<16xi32>,
      %swap3A_294 = vector.shape_cast %swap3A_293 : vector<16xi32> to vector<16xi32>
      %swap3A_295 = vector.shape_cast %and3A_291 : vector<16xi32> to vector<16xi32>
      tpu.vector_store %arg7[%swap3A_292], %swap3A_295 {strides = array<i32>} : memref<112xi32, #tpu.memory_space<vmem>>, vector<16xi32>,
      %get3A_296 = arith.constant 1 : i32
      %get3A_297 = arith.index_cast %get3A_296 : i32 to index
      %get3A_298 = arith.constant 0 : index
      %get3A_299 = tpu.vector_load %arg5[%get3A_297, %get3A_298] {strides = array<i32>} : memref<160x112xi32, #tpu.memory_space<vmem>>, vector<1x16xi32>,
      %get3A_300 = vector.shape_cast %get3A_299 : vector<1x16xi32> to vector<16xi32>
      %shift_right_logical3A_301 = arith.constant 16 : i32
      %shift_right_logical3A_302 = vector.broadcast %shift_right_logical3A_301 : i32 to vector<16xi32>
      %shift_right_logical3A_303 = arith.shrui %get3A_300, %shift_right_logical3A_302 : vector<16xi32>
      %swap3A_304 = arith.constant 0 : index
      %swap3A_305 = tpu.vector_load %arg9[%swap3A_304] {strides = array<i32>} : memref<112xi32, #tpu.memory_space<vmem>>, vector<16xi32>,
      %swap3A_306 = vector.shape_cast %swap3A_305 : vector<16xi32> to vector<16xi32>
      %swap3A_307 = vector.shape_cast %shift_right_logical3A_303 : vector<16xi32> to vector<16xi32>
      tpu.vector_store %arg9[%swap3A_304], %swap3A_307 {strides = array<i32>} : memref<112xi32, #tpu.memory_space<vmem>>, vector<16xi32>,
      %get3A_308 = arith.constant 1 : i32
      %get3A_309 = arith.index_cast %get3A_308 : i32 to index
      %get3A_310 = arith.constant 16 : index
      %get3A_311 = tpu.vector_load %arg5[%get3A_309, %get3A_310] {strides = array<i32>} : memref<160x112xi32, #tpu.memory_space<vmem>>, vector<1x16xi32>,
      %get3A_312 = vector.shape_cast %get3A_311 : vector<1x16xi32> to vector<16xi32>
      %shift_right_logical3A_313 = arith.constant 16 : i32
      %shift_right_logical3A_314 = vector.broadcast %shift_right_logical3A_313 : i32 to vector<16xi32>
      %shift_right_logical3A_315 = arith.shrui %get3A_312, %shift_right_logical3A_314 : vector<16xi32>
      %swap3A_316 = arith.constant 16 : index
      %swap3A_317 = tpu.vector_load %arg9[%swap3A_316] {strides = array<i32>} : memref<112xi32, #tpu.memory_space<vmem>>, vector<16xi32>,
      %swap3A_318 = vector.shape_cast %swap3A_317 : vector<16xi32> to vector<16xi32>
      %swap3A_319 = vector.shape_cast %shift_right_logical3A_315 : vector<16xi32> to vector<16xi32>
      tpu.vector_store %arg9[%swap3A_316], %swap3A_319 {strides = array<i32>} : memref<112xi32, #tpu.memory_space<vmem>>, vector<16xi32>,
      %get3A_320 = arith.constant 1 : i32
      %get3A_321 = arith.index_cast %get3A_320 : i32 to index
      %get3A_322 = arith.constant 32 : index
      %get3A_323 = tpu.vector_load %arg5[%get3A_321, %get3A_322] {strides = array<i32>} : memref<160x112xi32, #tpu.memory_space<vmem>>, vector<1x16xi32>,
      %get3A_324 = vector.shape_cast %get3A_323 : vector<1x16xi32> to vector<16xi32>
      %shift_right_logical3A_325 = arith.constant 16 : i32
      %shift_right_logical3A_326 = vector.broadcast %shift_right_logical3A_325 : i32 to vector<16xi32>
      %shift_right_logical3A_327 = arith.shrui %get3A_324, %shift_right_logical3A_326 : vector<16xi32>
      %swap3A_328 = arith.constant 32 : index
      %swap3A_329 = tpu.vector_load %arg9[%swap3A_328] {strides = array<i32>} : memref<112xi32, #tpu.memory_space<vmem>>, vector<16xi32>,
      %swap3A_330 = vector.shape_cast %swap3A_329 : vector<16xi32> to vector<16xi32>
      %swap3A_331 = vector.shape_cast %shift_right_logical3A_327 : vector<16xi32> to vector<16xi32>
      tpu.vector_store %arg9[%swap3A_328], %swap3A_331 {strides = array<i32>} : memref<112xi32, #tpu.memory_space<vmem>>, vector<16xi32>,
      %get3A_332 = arith.constant 1 : i32
      %get3A_333 = arith.index_cast %get3A_332 : i32 to index
      %get3A_334 = arith.constant 48 : index
      %get3A_335 = tpu.vector_load %arg5[%get3A_333, %get3A_334] {strides = array<i32>} : memref<160x112xi32, #tpu.memory_space<vmem>>, vector<1x16xi32>,
      %get3A_336 = vector.shape_cast %get3A_335 : vector<1x16xi32> to vector<16xi32>
      %shift_right_logical3A_337 = arith.constant 16 : i32
      %shift_right_logical3A_338 = vector.broadcast %shift_right_logical3A_337 : i32 to vector<16xi32>
      %shift_right_logical3A_339 = arith.shrui %get3A_336, %shift_right_logical3A_338 : vector<16xi32>
      %swap3A_340 = arith.constant 48 : index
      %swap3A_341 = tpu.vector_load %arg9[%swap3A_340] {strides = array<i32>} : memref<112xi32, #tpu.memory_space<vmem>>, vector<16xi32>,
      %swap3A_342 = vector.shape_cast %swap3A_341 : vector<16xi32> to vector<16xi32>
      %swap3A_343 = vector.shape_cast %shift_right_logical3A_339 : vector<16xi32> to vector<16xi32>
      tpu.vector_store %arg9[%swap3A_340], %swap3A_343 {strides = array<i32>} : memref<112xi32, #tpu.memory_space<vmem>>, vector<16xi32>,
      %get3A_344 = arith.constant 1 : i32
      %get3A_345 = arith.index_cast %get3A_344 : i32 to index
      %get3A_346 = arith.constant 64 : index
      %get3A_347 = tpu.vector_load %arg5[%get3A_345, %get3A_346] {strides = array<i32>} : memref<160x112xi32, #tpu.memory_space<vmem>>, vector<1x16xi32>,
      %get3A_348 = vector.shape_cast %get3A_347 : vector<1x16xi32> to vector<16xi32>
      %shift_right_logical3A_349 = arith.constant 16 : i32
      %shift_right_logical3A_350 = vector.broadcast %shift_right_logical3A_349 : i32 to vector<16xi32>
      %shift_right_logical3A_351 = arith.shrui %get3A_348, %shift_right_logical3A_350 : vector<16xi32>
      %swap3A_352 = arith.constant 64 : index
      %swap3A_353 = tpu.vector_load %arg9[%swap3A_352] {strides = array<i32>} : memref<112xi32, #tpu.memory_space<vmem>>, vector<16xi32>,
      %swap3A_354 = vector.shape_cast %swap3A_353 : vector<16xi32> to vector<16xi32>
      %swap3A_355 = vector.shape_cast %shift_right_logical3A_351 : vector<16xi32> to vector<16xi32>
      tpu.vector_store %arg9[%swap3A_352], %swap3A_355 {strides = array<i32>} : memref<112xi32, #tpu.memory_space<vmem>>, vector<16xi32>,
      %get3A_356 = arith.constant 1 : i32
      %get3A_357 = arith.index_cast %get3A_356 : i32 to index
      %get3A_358 = arith.constant 80 : index
      %get3A_359 = tpu.vector_load %arg5[%get3A_357, %get3A_358] {strides = array<i32>} : memref<160x112xi32, #tpu.memory_space<vmem>>, vector<1x16xi32>,
      %get3A_360 = vector.shape_cast %get3A_359 : vector<1x16xi32> to vector<16xi32>
      %shift_right_logical3A_361 = arith.constant 16 : i32
      %shift_right_logical3A_362 = vector.broadcast %shift_right_logical3A_361 : i32 to vector<16xi32>
      %shift_right_logical3A_363 = arith.shrui %get3A_360, %shift_right_logical3A_362 : vector<16xi32>
      %swap3A_364 = arith.constant 80 : index
      %swap3A_365 = tpu.vector_load %arg9[%swap3A_364] {strides = array<i32>} : memref<112xi32, #tpu.memory_space<vmem>>, vector<16xi32>,
      %swap3A_366 = vector.shape_cast %swap3A_365 : vector<16xi32> to vector<16xi32>
      %swap3A_367 = vector.shape_cast %shift_right_logical3A_363 : vector<16xi32> to vector<16xi32>
      tpu.vector_store %arg9[%swap3A_364], %swap3A_367 {strides = array<i32>} : memref<112xi32, #tpu.memory_space<vmem>>, vector<16xi32>,
      %get3A_368 = arith.constant 1 : i32
      %get3A_369 = arith.index_cast %get3A_368 : i32 to index
      %get3A_370 = arith.constant 96 : index
      %get3A_371 = tpu.vector_load %arg5[%get3A_369, %get3A_370] {strides = array<i32>} : memref<160x112xi32, #tpu.memory_space<vmem>>, vector<1x16xi32>,
      %get3A_372 = vector.shape_cast %get3A_371 : vector<1x16xi32> to vector<16xi32>
      %shift_right_logical3A_373 = arith.constant 16 : i32
      %shift_right_logical3A_374 = vector.broadcast %shift_right_logical3A_373 : i32 to vector<16xi32>
      %shift_right_logical3A_375 = arith.shrui %get3A_372, %shift_right_logical3A_374 : vector<16xi32>
      %swap3A_376 = arith.constant 96 : index
      %swap3A_377 = tpu.vector_load %arg9[%swap3A_376] {strides = array<i32>} : memref<112xi32, #tpu.memory_space<vmem>>, vector<16xi32>,
      %swap3A_378 = vector.shape_cast %swap3A_377 : vector<16xi32> to vector<16xi32>
      %swap3A_379 = vector.shape_cast %shift_right_logical3A_375 : vector<16xi32> to vector<16xi32>
      tpu.vector_store %arg9[%swap3A_376], %swap3A_379 {strides = array<i32>} : memref<112xi32, #tpu.memory_space<vmem>>, vector<16xi32>,
      %dma_start3A_380 = arith.constant 0 : i32
      %dma_start3A_381 = arith.constant 0 : i32
      %dma_start3A_382 = tpu.memref_slice %arg2[%dma_start3A_380, %dma_start3A_381] : memref<10000x128xf32, #tpu.memory_space<hbm>> -> memref<10000x128xf32, #tpu.memory_space<hbm>>
      tpu.enqueue_indirect_dma source(%dma_start3A_382 : memref<10000x128xf32, #tpu.memory_space<hbm>>) target(%arg11 : memref<112x128xf32, #tpu.memory_space<vmem>>) offsets(%arg7 : memref<112xi32, #tpu.memory_space<vmem>>) semaphore(%arg14 : memref<!tpu.dma_semaphore, #tpu.memory_space<semaphore_mem>>)
      %scan3A_383 = arith.constant 0 : i32
      %scan3A_384 = arith.constant 80 : i32
      %scan3A_385 = arith.addi %scan3A_383, %scan3A_384 : i32
      %scan3A_386 = arith.constant 1 : i32
      scf.for %scan3A_388 = %scan3A_383 to %scan3A_385 step %scan3A_386  : i32 {
        %mul3A_389 = arith.constant 1 : i32
        %mul3A_390 = arith.muli %scan3A_388, %mul3A_389 : i32
        %add3A_391 = arith.constant 0 : i32
        %add3A_392 = arith.addi %add3A_391, %mul3A_390 : i32
        %mul3A_393 = arith.constant 2 : i32
        %mul3A_394 = arith.muli %mul3A_393, %add3A_392 : i32
        %dma_wait3A = arith.constant 0 : i32
        %dma_wait3A_395 = arith.constant 0 : i32
        %dma_wait3A_396 = tpu.memref_slice %arg2[%dma_wait3A, %dma_wait3A_395] : memref<10000x128xf32, #tpu.memory_space<hbm>> -> memref<10000x128xf32, #tpu.memory_space<hbm>>
        tpu.wait_indirect_dma semaphore(%arg13 : memref<!tpu.dma_semaphore, #tpu.memory_space<semaphore_mem>>) src(%dma_wait3A_396 : memref<10000x128xf32, #tpu.memory_space<hbm>>) dst(%arg10 : memref<112x128xf32, #tpu.memory_space<vmem>>)
        "tpu.region"() ({
          %run_scoped3A = tpu.sem_alloc : memref<!tpu.dma_semaphore, #tpu.memory_space<semaphore_mem>>
          %dma_start3A_413 = arith.constant 0 : i32
          %dma_start3A_414 = arith.constant 0 : i32
          %dma_start3A_415 = tpu.memref_slice %arg12[%dma_start3A_413, %dma_start3A_414] : memref<10112x128xf32, #tpu.memory_space<vmem_shared>> -> memref<10112x128xf32, #tpu.memory_space<vmem_shared>>
          tpu.enqueue_indirect_dma source(%arg10 : memref<112x128xf32, #tpu.memory_space<vmem>>) target(%dma_start3A_415 : memref<10112x128xf32, #tpu.memory_space<vmem_shared>>) offsets(%arg8 : memref<112xi32, #tpu.memory_space<vmem>>) semaphore(%run_scoped3A : memref<!tpu.dma_semaphore, #tpu.memory_space<semaphore_mem>>) {add = true}
          %dma_wait3A_416 = arith.constant 0 : i32
          %dma_wait3A_417 = arith.constant 0 : i32
          %dma_wait3A_418 = tpu.memref_slice %arg12[%dma_wait3A_416, %dma_wait3A_417] : memref<10112x128xf32, #tpu.memory_space<vmem_shared>> -> memref<10112x128xf32, #tpu.memory_space<vmem_shared>>
          tpu.wait_indirect_dma semaphore(%run_scoped3A : memref<!tpu.dma_semaphore, #tpu.memory_space<semaphore_mem>>) src(%arg10 : memref<112x128xf32, #tpu.memory_space<vmem>>) dst(%dma_wait3A_418 : memref<10112x128xf32, #tpu.memory_space<vmem_shared>>)
          tpu.yield
        }) : () -> ()
        %add3A_397 = arith.constant 2 : i32
        %add3A_398 = arith.addi %mul3A_394, %add3A_397 : i32
        %lt3A = arith.constant 160 : i32
        %lt3A_399 = arith.cmpi slt, %add3A_398, %lt3A : i32
        %convert_element_type3A_400 = arith.extui %lt3A_399 : i1 to i32
        %cond3A_401 = arith.constant 0 : i32
        %cond3A_402 = arith.cmpi ne, %convert_element_type3A_400, %cond3A_401 : i32
        scf.if %cond3A_402 {
          %add3A_413 = arith.constant 2 : i32
          %add3A_414 = arith.addi %mul3A_394, %add3A_413 : i32
          %get3A_415 = arith.index_cast %add3A_414 : i32 to index
          %get3A_416 = arith.constant 0 : index
          %get3A_417 = tpu.vector_load %arg5[%get3A_415, %get3A_416] {strides = array<i32>} : memref<160x112xi32, #tpu.memory_space<vmem>>, vector<1x16xi32>,
          %get3A_418 = vector.shape_cast %get3A_417 : vector<1x16xi32> to vector<16xi32>
          %and3A_419 = arith.constant 65535 : i32
          %and3A_420 = vector.broadcast %and3A_419 : i32 to vector<16xi32>
          %and3A_421 = arith.andi %get3A_418, %and3A_420 : vector<16xi32>
          %swap3A_422 = arith.constant 0 : index
          %swap3A_423 = tpu.vector_load %arg6[%swap3A_422] {strides = array<i32>} : memref<112xi32, #tpu.memory_space<vmem>>, vector<16xi32>,
          %swap3A_424 = vector.shape_cast %swap3A_423 : vector<16xi32> to vector<16xi32>
          %swap3A_425 = vector.shape_cast %and3A_421 : vector<16xi32> to vector<16xi32>
          tpu.vector_store %arg6[%swap3A_422], %swap3A_425 {strides = array<i32>} : memref<112xi32, #tpu.memory_space<vmem>>, vector<16xi32>,
          %get3A_426 = arith.index_cast %add3A_414 : i32 to index
          %get3A_427 = arith.constant 16 : index
          %get3A_428 = tpu.vector_load %arg5[%get3A_426, %get3A_427] {strides = array<i32>} : memref<160x112xi32, #tpu.memory_space<vmem>>, vector<1x16xi32>,
          %get3A_429 = vector.shape_cast %get3A_428 : vector<1x16xi32> to vector<16xi32>
          %and3A_430 = arith.constant 65535 : i32
          %and3A_431 = vector.broadcast %and3A_430 : i32 to vector<16xi32>
          %and3A_432 = arith.andi %get3A_429, %and3A_431 : vector<16xi32>
          %swap3A_433 = arith.constant 16 : index
          %swap3A_434 = tpu.vector_load %arg6[%swap3A_433] {strides = array<i32>} : memref<112xi32, #tpu.memory_space<vmem>>, vector<16xi32>,
          %swap3A_435 = vector.shape_cast %swap3A_434 : vector<16xi32> to vector<16xi32>
          %swap3A_436 = vector.shape_cast %and3A_432 : vector<16xi32> to vector<16xi32>
          tpu.vector_store %arg6[%swap3A_433], %swap3A_436 {strides = array<i32>} : memref<112xi32, #tpu.memory_space<vmem>>, vector<16xi32>,
          %get3A_437 = arith.index_cast %add3A_414 : i32 to index
          %get3A_438 = arith.constant 32 : index
          %get3A_439 = tpu.vector_load %arg5[%get3A_437, %get3A_438] {strides = array<i32>} : memref<160x112xi32, #tpu.memory_space<vmem>>, vector<1x16xi32>,
          %get3A_440 = vector.shape_cast %get3A_439 : vector<1x16xi32> to vector<16xi32>
          %and3A_441 = arith.constant 65535 : i32
          %and3A_442 = vector.broadcast %and3A_441 : i32 to vector<16xi32>
          %and3A_443 = arith.andi %get3A_440, %and3A_442 : vector<16xi32>
          %swap3A_444 = arith.constant 32 : index
          %swap3A_445 = tpu.vector_load %arg6[%swap3A_444] {strides = array<i32>} : memref<112xi32, #tpu.memory_space<vmem>>, vector<16xi32>,
          %swap3A_446 = vector.shape_cast %swap3A_445 : vector<16xi32> to vector<16xi32>
          %swap3A_447 = vector.shape_cast %and3A_443 : vector<16xi32> to vector<16xi32>
          tpu.vector_store %arg6[%swap3A_444], %swap3A_447 {strides = array<i32>} : memref<112xi32, #tpu.memory_space<vmem>>, vector<16xi32>,
          %get3A_448 = arith.index_cast %add3A_414 : i32 to index
          %get3A_449 = arith.constant 48 : index
          %get3A_450 = tpu.vector_load %arg5[%get3A_448, %get3A_449] {strides = array<i32>} : memref<160x112xi32, #tpu.memory_space<vmem>>, vector<1x16xi32>,
          %get3A_451 = vector.shape_cast %get3A_450 : vector<1x16xi32> to vector<16xi32>
          %and3A_452 = arith.constant 65535 : i32
          %and3A_453 = vector.broadcast %and3A_452 : i32 to vector<16xi32>
          %and3A_454 = arith.andi %get3A_451, %and3A_453 : vector<16xi32>
          %swap3A_455 = arith.constant 48 : index
          %swap3A_456 = tpu.vector_load %arg6[%swap3A_455] {strides = array<i32>} : memref<112xi32, #tpu.memory_space<vmem>>, vector<16xi32>,
          %swap3A_457 = vector.shape_cast %swap3A_456 : vector<16xi32> to vector<16xi32>
          %swap3A_458 = vector.shape_cast %and3A_454 : vector<16xi32> to vector<16xi32>
          tpu.vector_store %arg6[%swap3A_455], %swap3A_458 {strides = array<i32>} : memref<112xi32, #tpu.memory_space<vmem>>, vector<16xi32>,
          %get3A_459 = arith.index_cast %add3A_414 : i32 to index
          %get3A_460 = arith.constant 64 : index
          %get3A_461 = tpu.vector_load %arg5[%get3A_459, %get3A_460] {strides = array<i32>} : memref<160x112xi32, #tpu.memory_space<vmem>>, vector<1x16xi32>,
          %get3A_462 = vector.shape_cast %get3A_461 : vector<1x16xi32> to vector<16xi32>
          %and3A_463 = arith.constant 65535 : i32
          %and3A_464 = vector.broadcast %and3A_463 : i32 to vector<16xi32>
          %and3A_465 = arith.andi %get3A_462, %and3A_464 : vector<16xi32>
          %swap3A_466 = arith.constant 64 : index
          %swap3A_467 = tpu.vector_load %arg6[%swap3A_466] {strides = array<i32>} : memref<112xi32, #tpu.memory_space<vmem>>, vector<16xi32>,
          %swap3A_468 = vector.shape_cast %swap3A_467 : vector<16xi32> to vector<16xi32>
          %swap3A_469 = vector.shape_cast %and3A_465 : vector<16xi32> to vector<16xi32>
          tpu.vector_store %arg6[%swap3A_466], %swap3A_469 {strides = array<i32>} : memref<112xi32, #tpu.memory_space<vmem>>, vector<16xi32>,
          %get3A_470 = arith.index_cast %add3A_414 : i32 to index
          %get3A_471 = arith.constant 80 : index
          %get3A_472 = tpu.vector_load %arg5[%get3A_470, %get3A_471] {strides = array<i32>} : memref<160x112xi32, #tpu.memory_space<vmem>>, vector<1x16xi32>,
          %get3A_473 = vector.shape_cast %get3A_472 : vector<1x16xi32> to vector<16xi32>
          %and3A_474 = arith.constant 65535 : i32
          %and3A_475 = vector.broadcast %and3A_474 : i32 to vector<16xi32>
          %and3A_476 = arith.andi %get3A_473, %and3A_475 : vector<16xi32>
          %swap3A_477 = arith.constant 80 : index
          %swap3A_478 = tpu.vector_load %arg6[%swap3A_477] {strides = array<i32>} : memref<112xi32, #tpu.memory_space<vmem>>, vector<16xi32>,
          %swap3A_479 = vector.shape_cast %swap3A_478 : vector<16xi32> to vector<16xi32>
          %swap3A_480 = vector.shape_cast %and3A_476 : vector<16xi32> to vector<16xi32>
          tpu.vector_store %arg6[%swap3A_477], %swap3A_480 {strides = array<i32>} : memref<112xi32, #tpu.memory_space<vmem>>, vector<16xi32>,
          %get3A_481 = arith.index_cast %add3A_414 : i32 to index
          %get3A_482 = arith.constant 96 : index
          %get3A_483 = tpu.vector_load %arg5[%get3A_481, %get3A_482] {strides = array<i32>} : memref<160x112xi32, #tpu.memory_space<vmem>>, vector<1x16xi32>,
          %get3A_484 = vector.shape_cast %get3A_483 : vector<1x16xi32> to vector<16xi32>
          %and3A_485 = arith.constant 65535 : i32
          %and3A_486 = vector.broadcast %and3A_485 : i32 to vector<16xi32>
          %and3A_487 = arith.andi %get3A_484, %and3A_486 : vector<16xi32>
          %swap3A_488 = arith.constant 96 : index
          %swap3A_489 = tpu.vector_load %arg6[%swap3A_488] {strides = array<i32>} : memref<112xi32, #tpu.memory_space<vmem>>, vector<16xi32>,
          %swap3A_490 = vector.shape_cast %swap3A_489 : vector<16xi32> to vector<16xi32>
          %swap3A_491 = vector.shape_cast %and3A_487 : vector<16xi32> to vector<16xi32>
          tpu.vector_store %arg6[%swap3A_488], %swap3A_491 {strides = array<i32>} : memref<112xi32, #tpu.memory_space<vmem>>, vector<16xi32>,
          %add3A_492 = arith.constant 2 : i32
          %add3A_493 = arith.addi %mul3A_394, %add3A_492 : i32
          %get3A_494 = arith.index_cast %add3A_493 : i32 to index
          %get3A_495 = arith.constant 0 : index
          %get3A_496 = tpu.vector_load %arg5[%get3A_494, %get3A_495] {strides = array<i32>} : memref<160x112xi32, #tpu.memory_space<vmem>>, vector<1x16xi32>,
          %get3A_497 = vector.shape_cast %get3A_496 : vector<1x16xi32> to vector<16xi32>
          %shift_right_logical3A_498 = arith.constant 16 : i32
          %shift_right_logical3A_499 = vector.broadcast %shift_right_logical3A_498 : i32 to vector<16xi32>
          %shift_right_logical3A_500 = arith.shrui %get3A_497, %shift_right_logical3A_499 : vector<16xi32>
          %swap3A_501 = arith.constant 0 : index
          %swap3A_502 = tpu.vector_load %arg8[%swap3A_501] {strides = array<i32>} : memref<112xi32, #tpu.memory_space<vmem>>, vector<16xi32>,
          %swap3A_503 = vector.shape_cast %swap3A_502 : vector<16xi32> to vector<16xi32>
          %swap3A_504 = vector.shape_cast %shift_right_logical3A_500 : vector<16xi32> to vector<16xi32>
          tpu.vector_store %arg8[%swap3A_501], %swap3A_504 {strides = array<i32>} : memref<112xi32, #tpu.memory_space<vmem>>, vector<16xi32>,
          %get3A_505 = arith.index_cast %add3A_493 : i32 to index
          %get3A_506 = arith.constant 16 : index
          %get3A_507 = tpu.vector_load %arg5[%get3A_505, %get3A_506] {strides = array<i32>} : memref<160x112xi32, #tpu.memory_space<vmem>>, vector<1x16xi32>,
          %get3A_508 = vector.shape_cast %get3A_507 : vector<1x16xi32> to vector<16xi32>
          %shift_right_logical3A_509 = arith.constant 16 : i32
          %shift_right_logical3A_510 = vector.broadcast %shift_right_logical3A_509 : i32 to vector<16xi32>
          %shift_right_logical3A_511 = arith.shrui %get3A_508, %shift_right_logical3A_510 : vector<16xi32>
          %swap3A_512 = arith.constant 16 : index
          %swap3A_513 = tpu.vector_load %arg8[%swap3A_512] {strides = array<i32>} : memref<112xi32, #tpu.memory_space<vmem>>, vector<16xi32>,
          %swap3A_514 = vector.shape_cast %swap3A_513 : vector<16xi32> to vector<16xi32>
          %swap3A_515 = vector.shape_cast %shift_right_logical3A_511 : vector<16xi32> to vector<16xi32>
          tpu.vector_store %arg8[%swap3A_512], %swap3A_515 {strides = array<i32>} : memref<112xi32, #tpu.memory_space<vmem>>, vector<16xi32>,
          %get3A_516 = arith.index_cast %add3A_493 : i32 to index
          %get3A_517 = arith.constant 32 : index
          %get3A_518 = tpu.vector_load %arg5[%get3A_516, %get3A_517] {strides = array<i32>} : memref<160x112xi32, #tpu.memory_space<vmem>>, vector<1x16xi32>,
          %get3A_519 = vector.shape_cast %get3A_518 : vector<1x16xi32> to vector<16xi32>
          %shift_right_logical3A_520 = arith.constant 16 : i32
          %shift_right_logical3A_521 = vector.broadcast %shift_right_logical3A_520 : i32 to vector<16xi32>
          %shift_right_logical3A_522 = arith.shrui %get3A_519, %shift_right_logical3A_521 : vector<16xi32>
          %swap3A_523 = arith.constant 32 : index
          %swap3A_524 = tpu.vector_load %arg8[%swap3A_523] {strides = array<i32>} : memref<112xi32, #tpu.memory_space<vmem>>, vector<16xi32>,
          %swap3A_525 = vector.shape_cast %swap3A_524 : vector<16xi32> to vector<16xi32>
          %swap3A_526 = vector.shape_cast %shift_right_logical3A_522 : vector<16xi32> to vector<16xi32>
          tpu.vector_store %arg8[%swap3A_523], %swap3A_526 {strides = array<i32>} : memref<112xi32, #tpu.memory_space<vmem>>, vector<16xi32>,
          %get3A_527 = arith.index_cast %add3A_493 : i32 to index
          %get3A_528 = arith.constant 48 : index
          %get3A_529 = tpu.vector_load %arg5[%get3A_527, %get3A_528] {strides = array<i32>} : memref<160x112xi32, #tpu.memory_space<vmem>>, vector<1x16xi32>,
          %get3A_530 = vector.shape_cast %get3A_529 : vector<1x16xi32> to vector<16xi32>
          %shift_right_logical3A_531 = arith.constant 16 : i32
          %shift_right_logical3A_532 = vector.broadcast %shift_right_logical3A_531 : i32 to vector<16xi32>
          %shift_right_logical3A_533 = arith.shrui %get3A_530, %shift_right_logical3A_532 : vector<16xi32>
          %swap3A_534 = arith.constant 48 : index
          %swap3A_535 = tpu.vector_load %arg8[%swap3A_534] {strides = array<i32>} : memref<112xi32, #tpu.memory_space<vmem>>, vector<16xi32>,
          %swap3A_536 = vector.shape_cast %swap3A_535 : vector<16xi32> to vector<16xi32>
          %swap3A_537 = vector.shape_cast %shift_right_logical3A_533 : vector<16xi32> to vector<16xi32>
          tpu.vector_store %arg8[%swap3A_534], %swap3A_537 {strides = array<i32>} : memref<112xi32, #tpu.memory_space<vmem>>, vector<16xi32>,
          %get3A_538 = arith.index_cast %add3A_493 : i32 to index
          %get3A_539 = arith.constant 64 : index
          %get3A_540 = tpu.vector_load %arg5[%get3A_538, %get3A_539] {strides = array<i32>} : memref<160x112xi32, #tpu.memory_space<vmem>>, vector<1x16xi32>,
          %get3A_541 = vector.shape_cast %get3A_540 : vector<1x16xi32> to vector<16xi32>
          %shift_right_logical3A_542 = arith.constant 16 : i32
          %shift_right_logical3A_543 = vector.broadcast %shift_right_logical3A_542 : i32 to vector<16xi32>
          %shift_right_logical3A_544 = arith.shrui %get3A_541, %shift_right_logical3A_543 : vector<16xi32>
          %swap3A_545 = arith.constant 64 : index
          %swap3A_546 = tpu.vector_load %arg8[%swap3A_545] {strides = array<i32>} : memref<112xi32, #tpu.memory_space<vmem>>, vector<16xi32>,
          %swap3A_547 = vector.shape_cast %swap3A_546 : vector<16xi32> to vector<16xi32>
          %swap3A_548 = vector.shape_cast %shift_right_logical3A_544 : vector<16xi32> to vector<16xi32>
          tpu.vector_store %arg8[%swap3A_545], %swap3A_548 {strides = array<i32>} : memref<112xi32, #tpu.memory_space<vmem>>, vector<16xi32>,
          %get3A_549 = arith.index_cast %add3A_493 : i32 to index
          %get3A_550 = arith.constant 80 : index
          %get3A_551 = tpu.vector_load %arg5[%get3A_549, %get3A_550] {strides = array<i32>} : memref<160x112xi32, #tpu.memory_space<vmem>>, vector<1x16xi32>,
          %get3A_552 = vector.shape_cast %get3A_551 : vector<1x16xi32> to vector<16xi32>
          %shift_right_logical3A_553 = arith.constant 16 : i32
          %shift_right_logical3A_554 = vector.broadcast %shift_right_logical3A_553 : i32 to vector<16xi32>
          %shift_right_logical3A_555 = arith.shrui %get3A_552, %shift_right_logical3A_554 : vector<16xi32>
          %swap3A_556 = arith.constant 80 : index
          %swap3A_557 = tpu.vector_load %arg8[%swap3A_556] {strides = array<i32>} : memref<112xi32, #tpu.memory_space<vmem>>, vector<16xi32>,
          %swap3A_558 = vector.shape_cast %swap3A_557 : vector<16xi32> to vector<16xi32>
          %swap3A_559 = vector.shape_cast %shift_right_logical3A_555 : vector<16xi32> to vector<16xi32>
          tpu.vector_store %arg8[%swap3A_556], %swap3A_559 {strides = array<i32>} : memref<112xi32, #tpu.memory_space<vmem>>, vector<16xi32>,
          %get3A_560 = arith.index_cast %add3A_493 : i32 to index
          %get3A_561 = arith.constant 96 : index
          %get3A_562 = tpu.vector_load %arg5[%get3A_560, %get3A_561] {strides = array<i32>} : memref<160x112xi32, #tpu.memory_space<vmem>>, vector<1x16xi32>,
          %get3A_563 = vector.shape_cast %get3A_562 : vector<1x16xi32> to vector<16xi32>
          %shift_right_logical3A_564 = arith.constant 16 : i32
          %shift_right_logical3A_565 = vector.broadcast %shift_right_logical3A_564 : i32 to vector<16xi32>
          %shift_right_logical3A_566 = arith.shrui %get3A_563, %shift_right_logical3A_565 : vector<16xi32>
          %swap3A_567 = arith.constant 96 : index
          %swap3A_568 = tpu.vector_load %arg8[%swap3A_567] {strides = array<i32>} : memref<112xi32, #tpu.memory_space<vmem>>, vector<16xi32>,
          %swap3A_569 = vector.shape_cast %swap3A_568 : vector<16xi32> to vector<16xi32>
          %swap3A_570 = vector.shape_cast %shift_right_logical3A_566 : vector<16xi32> to vector<16xi32>
          tpu.vector_store %arg8[%swap3A_567], %swap3A_570 {strides = array<i32>} : memref<112xi32, #tpu.memory_space<vmem>>, vector<16xi32>,
          %dma_start3A_571 = arith.constant 0 : i32
          %dma_start3A_572 = arith.constant 0 : i32
          %dma_start3A_573 = tpu.memref_slice %arg2[%dma_start3A_571, %dma_start3A_572] : memref<10000x128xf32, #tpu.memory_space<hbm>> -> memref<10000x128xf32, #tpu.memory_space<hbm>>
          tpu.enqueue_indirect_dma source(%dma_start3A_573 : memref<10000x128xf32, #tpu.memory_space<hbm>>) target(%arg10 : memref<112x128xf32, #tpu.memory_space<vmem>>) offsets(%arg6 : memref<112xi32, #tpu.memory_space<vmem>>) semaphore(%arg13 : memref<!tpu.dma_semaphore, #tpu.memory_space<semaphore_mem>>)
        } else {
        }
        %dma_wait3A_403 = arith.constant 0 : i32
        %dma_wait3A_404 = arith.constant 0 : i32
        %dma_wait3A_405 = tpu.memref_slice %arg2[%dma_wait3A_403, %dma_wait3A_404] : memref<10000x128xf32, #tpu.memory_space<hbm>> -> memref<10000x128xf32, #tpu.memory_space<hbm>>
        tpu.wait_indirect_dma semaphore(%arg14 : memref<!tpu.dma_semaphore, #tpu.memory_space<semaphore_mem>>) src(%dma_wait3A_405 : memref<10000x128xf32, #tpu.memory_space<hbm>>) dst(%arg11 : memref<112x128xf32, #tpu.memory_space<vmem>>)
        "tpu.region"() ({
          %run_scoped3A = tpu.sem_alloc : memref<!tpu.dma_semaphore, #tpu.memory_space<semaphore_mem>>
          %dma_start3A_413 = arith.constant 0 : i32
          %dma_start3A_414 = arith.constant 0 : i32
          %dma_start3A_415 = tpu.memref_slice %arg12[%dma_start3A_413, %dma_start3A_414] : memref<10112x128xf32, #tpu.memory_space<vmem_shared>> -> memref<10112x128xf32, #tpu.memory_space<vmem_shared>>
          tpu.enqueue_indirect_dma source(%arg11 : memref<112x128xf32, #tpu.memory_space<vmem>>) target(%dma_start3A_415 : memref<10112x128xf32, #tpu.memory_space<vmem_shared>>) offsets(%arg9 : memref<112xi32, #tpu.memory_space<vmem>>) semaphore(%run_scoped3A : memref<!tpu.dma_semaphore, #tpu.memory_space<semaphore_mem>>) {add = true}
          %dma_wait3A_416 = arith.constant 0 : i32
          %dma_wait3A_417 = arith.constant 0 : i32
          %dma_wait3A_418 = tpu.memref_slice %arg12[%dma_wait3A_416, %dma_wait3A_417] : memref<10112x128xf32, #tpu.memory_space<vmem_shared>> -> memref<10112x128xf32, #tpu.memory_space<vmem_shared>>
          tpu.wait_indirect_dma semaphore(%run_scoped3A : memref<!tpu.dma_semaphore, #tpu.memory_space<semaphore_mem>>) src(%arg11 : memref<112x128xf32, #tpu.memory_space<vmem>>) dst(%dma_wait3A_418 : memref<10112x128xf32, #tpu.memory_space<vmem_shared>>)
          tpu.yield
        }) : () -> ()
        %add3A_406 = arith.constant 3 : i32
        %add3A_407 = arith.addi %mul3A_394, %add3A_406 : i32
        %lt3A_408 = arith.constant 160 : i32
        %lt3A_409 = arith.cmpi slt, %add3A_407, %lt3A_408 : i32
        %convert_element_type3A_410 = arith.extui %lt3A_409 : i1 to i32
        %cond3A_411 = arith.constant 0 : i32
        %cond3A_412 = arith.cmpi ne, %convert_element_type3A_410, %cond3A_411 : i32
        scf.if %cond3A_412 {
          %add3A_413 = arith.constant 3 : i32
          %add3A_414 = arith.addi %mul3A_394, %add3A_413 : i32
          %get3A_415 = arith.index_cast %add3A_414 : i32 to index
          %get3A_416 = arith.constant 0 : index
          %get3A_417 = tpu.vector_load %arg5[%get3A_415, %get3A_416] {strides = array<i32>} : memref<160x112xi32, #tpu.memory_space<vmem>>, vector<1x16xi32>,
          %get3A_418 = vector.shape_cast %get3A_417 : vector<1x16xi32> to vector<16xi32>
          %and3A_419 = arith.constant 65535 : i32
          %and3A_420 = vector.broadcast %and3A_419 : i32 to vector<16xi32>
          %and3A_421 = arith.andi %get3A_418, %and3A_420 : vector<16xi32>
          %swap3A_422 = arith.constant 0 : index
          %swap3A_423 = tpu.vector_load %arg7[%swap3A_422] {strides = array<i32>} : memref<112xi32, #tpu.memory_space<vmem>>, vector<16xi32>,
          %swap3A_424 = vector.shape_cast %swap3A_423 : vector<16xi32> to vector<16xi32>
          %swap3A_425 = vector.shape_cast %and3A_421 : vector<16xi32> to vector<16xi32>
          tpu.vector_store %arg7[%swap3A_422], %swap3A_425 {strides = array<i32>} : memref<112xi32, #tpu.memory_space<vmem>>, vector<16xi32>,
          %get3A_426 = arith.index_cast %add3A_414 : i32 to index
          %get3A_427 = arith.constant 16 : index
          %get3A_428 = tpu.vector_load %arg5[%get3A_426, %get3A_427] {strides = array<i32>} : memref<160x112xi32, #tpu.memory_space<vmem>>, vector<1x16xi32>,
          %get3A_429 = vector.shape_cast %get3A_428 : vector<1x16xi32> to vector<16xi32>
          %and3A_430 = arith.constant 65535 : i32
          %and3A_431 = vector.broadcast %and3A_430 : i32 to vector<16xi32>
          %and3A_432 = arith.andi %get3A_429, %and3A_431 : vector<16xi32>
          %swap3A_433 = arith.constant 16 : index
          %swap3A_434 = tpu.vector_load %arg7[%swap3A_433] {strides = array<i32>} : memref<112xi32, #tpu.memory_space<vmem>>, vector<16xi32>,
          %swap3A_435 = vector.shape_cast %swap3A_434 : vector<16xi32> to vector<16xi32>
          %swap3A_436 = vector.shape_cast %and3A_432 : vector<16xi32> to vector<16xi32>
          tpu.vector_store %arg7[%swap3A_433], %swap3A_436 {strides = array<i32>} : memref<112xi32, #tpu.memory_space<vmem>>, vector<16xi32>,
          %get3A_437 = arith.index_cast %add3A_414 : i32 to index
          %get3A_438 = arith.constant 32 : index
          %get3A_439 = tpu.vector_load %arg5[%get3A_437, %get3A_438] {strides = array<i32>} : memref<160x112xi32, #tpu.memory_space<vmem>>, vector<1x16xi32>,
          %get3A_440 = vector.shape_cast %get3A_439 : vector<1x16xi32> to vector<16xi32>
          %and3A_441 = arith.constant 65535 : i32
          %and3A_442 = vector.broadcast %and3A_441 : i32 to vector<16xi32>
          %and3A_443 = arith.andi %get3A_440, %and3A_442 : vector<16xi32>
          %swap3A_444 = arith.constant 32 : index
          %swap3A_445 = tpu.vector_load %arg7[%swap3A_444] {strides = array<i32>} : memref<112xi32, #tpu.memory_space<vmem>>, vector<16xi32>,
          %swap3A_446 = vector.shape_cast %swap3A_445 : vector<16xi32> to vector<16xi32>
          %swap3A_447 = vector.shape_cast %and3A_443 : vector<16xi32> to vector<16xi32>
          tpu.vector_store %arg7[%swap3A_444], %swap3A_447 {strides = array<i32>} : memref<112xi32, #tpu.memory_space<vmem>>, vector<16xi32>,
          %get3A_448 = arith.index_cast %add3A_414 : i32 to index
          %get3A_449 = arith.constant 48 : index
          %get3A_450 = tpu.vector_load %arg5[%get3A_448, %get3A_449] {strides = array<i32>} : memref<160x112xi32, #tpu.memory_space<vmem>>, vector<1x16xi32>,
          %get3A_451 = vector.shape_cast %get3A_450 : vector<1x16xi32> to vector<16xi32>
          %and3A_452 = arith.constant 65535 : i32
          %and3A_453 = vector.broadcast %and3A_452 : i32 to vector<16xi32>
          %and3A_454 = arith.andi %get3A_451, %and3A_453 : vector<16xi32>
          %swap3A_455 = arith.constant 48 : index
          %swap3A_456 = tpu.vector_load %arg7[%swap3A_455] {strides = array<i32>} : memref<112xi32, #tpu.memory_space<vmem>>, vector<16xi32>,
          %swap3A_457 = vector.shape_cast %swap3A_456 : vector<16xi32> to vector<16xi32>
          %swap3A_458 = vector.shape_cast %and3A_454 : vector<16xi32> to vector<16xi32>
          tpu.vector_store %arg7[%swap3A_455], %swap3A_458 {strides = array<i32>} : memref<112xi32, #tpu.memory_space<vmem>>, vector<16xi32>,
          %get3A_459 = arith.index_cast %add3A_414 : i32 to index
          %get3A_460 = arith.constant 64 : index
          %get3A_461 = tpu.vector_load %arg5[%get3A_459, %get3A_460] {strides = array<i32>} : memref<160x112xi32, #tpu.memory_space<vmem>>, vector<1x16xi32>,
          %get3A_462 = vector.shape_cast %get3A_461 : vector<1x16xi32> to vector<16xi32>
          %and3A_463 = arith.constant 65535 : i32
          %and3A_464 = vector.broadcast %and3A_463 : i32 to vector<16xi32>
          %and3A_465 = arith.andi %get3A_462, %and3A_464 : vector<16xi32>
          %swap3A_466 = arith.constant 64 : index
          %swap3A_467 = tpu.vector_load %arg7[%swap3A_466] {strides = array<i32>} : memref<112xi32, #tpu.memory_space<vmem>>, vector<16xi32>,
          %swap3A_468 = vector.shape_cast %swap3A_467 : vector<16xi32> to vector<16xi32>
          %swap3A_469 = vector.shape_cast %and3A_465 : vector<16xi32> to vector<16xi32>
          tpu.vector_store %arg7[%swap3A_466], %swap3A_469 {strides = array<i32>} : memref<112xi32, #tpu.memory_space<vmem>>, vector<16xi32>,
          %get3A_470 = arith.index_cast %add3A_414 : i32 to index
          %get3A_471 = arith.constant 80 : index
          %get3A_472 = tpu.vector_load %arg5[%get3A_470, %get3A_471] {strides = array<i32>} : memref<160x112xi32, #tpu.memory_space<vmem>>, vector<1x16xi32>,
          %get3A_473 = vector.shape_cast %get3A_472 : vector<1x16xi32> to vector<16xi32>
          %and3A_474 = arith.constant 65535 : i32
          %and3A_475 = vector.broadcast %and3A_474 : i32 to vector<16xi32>
          %and3A_476 = arith.andi %get3A_473, %and3A_475 : vector<16xi32>
          %swap3A_477 = arith.constant 80 : index
          %swap3A_478 = tpu.vector_load %arg7[%swap3A_477] {strides = array<i32>} : memref<112xi32, #tpu.memory_space<vmem>>, vector<16xi32>,
          %swap3A_479 = vector.shape_cast %swap3A_478 : vector<16xi32> to vector<16xi32>
          %swap3A_480 = vector.shape_cast %and3A_476 : vector<16xi32> to vector<16xi32>
          tpu.vector_store %arg7[%swap3A_477], %swap3A_480 {strides = array<i32>} : memref<112xi32, #tpu.memory_space<vmem>>, vector<16xi32>,
          %get3A_481 = arith.index_cast %add3A_414 : i32 to index
          %get3A_482 = arith.constant 96 : index
          %get3A_483 = tpu.vector_load %arg5[%get3A_481, %get3A_482] {strides = array<i32>} : memref<160x112xi32, #tpu.memory_space<vmem>>, vector<1x16xi32>,
          %get3A_484 = vector.shape_cast %get3A_483 : vector<1x16xi32> to vector<16xi32>
          %and3A_485 = arith.constant 65535 : i32
          %and3A_486 = vector.broadcast %and3A_485 : i32 to vector<16xi32>
          %and3A_487 = arith.andi %get3A_484, %and3A_486 : vector<16xi32>
          %swap3A_488 = arith.constant 96 : index
          %swap3A_489 = tpu.vector_load %arg7[%swap3A_488] {strides = array<i32>} : memref<112xi32, #tpu.memory_space<vmem>>, vector<16xi32>,
          %swap3A_490 = vector.shape_cast %swap3A_489 : vector<16xi32> to vector<16xi32>
          %swap3A_491 = vector.shape_cast %and3A_487 : vector<16xi32> to vector<16xi32>
          tpu.vector_store %arg7[%swap3A_488], %swap3A_491 {strides = array<i32>} : memref<112xi32, #tpu.memory_space<vmem>>, vector<16xi32>,
          %add3A_492 = arith.constant 3 : i32
          %add3A_493 = arith.addi %mul3A_394, %add3A_492 : i32
          %get3A_494 = arith.index_cast %add3A_493 : i32 to index
          %get3A_495 = arith.constant 0 : index
          %get3A_496 = tpu.vector_load %arg5[%get3A_494, %get3A_495] {strides = array<i32>} : memref<160x112xi32, #tpu.memory_space<vmem>>, vector<1x16xi32>,
          %get3A_497 = vector.shape_cast %get3A_496 : vector<1x16xi32> to vector<16xi32>
          %shift_right_logical3A_498 = arith.constant 16 : i32
          %shift_right_logical3A_499 = vector.broadcast %shift_right_logical3A_498 : i32 to vector<16xi32>
          %shift_right_logical3A_500 = arith.shrui %get3A_497, %shift_right_logical3A_499 : vector<16xi32>
          %swap3A_501 = arith.constant 0 : index
          %swap3A_502 = tpu.vector_load %arg9[%swap3A_501] {strides = array<i32>} : memref<112xi32, #tpu.memory_space<vmem>>, vector<16xi32>,
          %swap3A_503 = vector.shape_cast %swap3A_502 : vector<16xi32> to vector<16xi32>
          %swap3A_504 = vector.shape_cast %shift_right_logical3A_500 : vector<16xi32> to vector<16xi32>
          tpu.vector_store %arg9[%swap3A_501], %swap3A_504 {strides = array<i32>} : memref<112xi32, #tpu.memory_space<vmem>>, vector<16xi32>,
          %get3A_505 = arith.index_cast %add3A_493 : i32 to index
          %get3A_506 = arith.constant 16 : index
          %get3A_507 = tpu.vector_load %arg5[%get3A_505, %get3A_506] {strides = array<i32>} : memref<160x112xi32, #tpu.memory_space<vmem>>, vector<1x16xi32>,
          %get3A_508 = vector.shape_cast %get3A_507 : vector<1x16xi32> to vector<16xi32>
          %shift_right_logical3A_509 = arith.constant 16 : i32
          %shift_right_logical3A_510 = vector.broadcast %shift_right_logical3A_509 : i32 to vector<16xi32>
          %shift_right_logical3A_511 = arith.shrui %get3A_508, %shift_right_logical3A_510 : vector<16xi32>
          %swap3A_512 = arith.constant 16 : index
          %swap3A_513 = tpu.vector_load %arg9[%swap3A_512] {strides = array<i32>} : memref<112xi32, #tpu.memory_space<vmem>>, vector<16xi32>,
          %swap3A_514 = vector.shape_cast %swap3A_513 : vector<16xi32> to vector<16xi32>
          %swap3A_515 = vector.shape_cast %shift_right_logical3A_511 : vector<16xi32> to vector<16xi32>
          tpu.vector_store %arg9[%swap3A_512], %swap3A_515 {strides = array<i32>} : memref<112xi32, #tpu.memory_space<vmem>>, vector<16xi32>,
          %get3A_516 = arith.index_cast %add3A_493 : i32 to index
          %get3A_517 = arith.constant 32 : index
          %get3A_518 = tpu.vector_load %arg5[%get3A_516, %get3A_517] {strides = array<i32>} : memref<160x112xi32, #tpu.memory_space<vmem>>, vector<1x16xi32>,
          %get3A_519 = vector.shape_cast %get3A_518 : vector<1x16xi32> to vector<16xi32>
          %shift_right_logical3A_520 = arith.constant 16 : i32
          %shift_right_logical3A_521 = vector.broadcast %shift_right_logical3A_520 : i32 to vector<16xi32>
          %shift_right_logical3A_522 = arith.shrui %get3A_519, %shift_right_logical3A_521 : vector<16xi32>
          %swap3A_523 = arith.constant 32 : index
          %swap3A_524 = tpu.vector_load %arg9[%swap3A_523] {strides = array<i32>} : memref<112xi32, #tpu.memory_space<vmem>>, vector<16xi32>,
          %swap3A_525 = vector.shape_cast %swap3A_524 : vector<16xi32> to vector<16xi32>
          %swap3A_526 = vector.shape_cast %shift_right_logical3A_522 : vector<16xi32> to vector<16xi32>
          tpu.vector_store %arg9[%swap3A_523], %swap3A_526 {strides = array<i32>} : memref<112xi32, #tpu.memory_space<vmem>>, vector<16xi32>,
          %get3A_527 = arith.index_cast %add3A_493 : i32 to index
          %get3A_528 = arith.constant 48 : index
          %get3A_529 = tpu.vector_load %arg5[%get3A_527, %get3A_528] {strides = array<i32>} : memref<160x112xi32, #tpu.memory_space<vmem>>, vector<1x16xi32>,
          %get3A_530 = vector.shape_cast %get3A_529 : vector<1x16xi32> to vector<16xi32>
          %shift_right_logical3A_531 = arith.constant 16 : i32
          %shift_right_logical3A_532 = vector.broadcast %shift_right_logical3A_531 : i32 to vector<16xi32>
          %shift_right_logical3A_533 = arith.shrui %get3A_530, %shift_right_logical3A_532 : vector<16xi32>
          %swap3A_534 = arith.constant 48 : index
          %swap3A_535 = tpu.vector_load %arg9[%swap3A_534] {strides = array<i32>} : memref<112xi32, #tpu.memory_space<vmem>>, vector<16xi32>,
          %swap3A_536 = vector.shape_cast %swap3A_535 : vector<16xi32> to vector<16xi32>
          %swap3A_537 = vector.shape_cast %shift_right_logical3A_533 : vector<16xi32> to vector<16xi32>
          tpu.vector_store %arg9[%swap3A_534], %swap3A_537 {strides = array<i32>} : memref<112xi32, #tpu.memory_space<vmem>>, vector<16xi32>,
          %get3A_538 = arith.index_cast %add3A_493 : i32 to index
          %get3A_539 = arith.constant 64 : index
          %get3A_540 = tpu.vector_load %arg5[%get3A_538, %get3A_539] {strides = array<i32>} : memref<160x112xi32, #tpu.memory_space<vmem>>, vector<1x16xi32>,
          %get3A_541 = vector.shape_cast %get3A_540 : vector<1x16xi32> to vector<16xi32>
          %shift_right_logical3A_542 = arith.constant 16 : i32
          %shift_right_logical3A_543 = vector.broadcast %shift_right_logical3A_542 : i32 to vector<16xi32>
          %shift_right_logical3A_544 = arith.shrui %get3A_541, %shift_right_logical3A_543 : vector<16xi32>
          %swap3A_545 = arith.constant 64 : index
          %swap3A_546 = tpu.vector_load %arg9[%swap3A_545] {strides = array<i32>} : memref<112xi32, #tpu.memory_space<vmem>>, vector<16xi32>,
          %swap3A_547 = vector.shape_cast %swap3A_546 : vector<16xi32> to vector<16xi32>
          %swap3A_548 = vector.shape_cast %shift_right_logical3A_544 : vector<16xi32> to vector<16xi32>
          tpu.vector_store %arg9[%swap3A_545], %swap3A_548 {strides = array<i32>} : memref<112xi32, #tpu.memory_space<vmem>>, vector<16xi32>,
          %get3A_549 = arith.index_cast %add3A_493 : i32 to index
          %get3A_550 = arith.constant 80 : index
          %get3A_551 = tpu.vector_load %arg5[%get3A_549, %get3A_550] {strides = array<i32>} : memref<160x112xi32, #tpu.memory_space<vmem>>, vector<1x16xi32>,
          %get3A_552 = vector.shape_cast %get3A_551 : vector<1x16xi32> to vector<16xi32>
          %shift_right_logical3A_553 = arith.constant 16 : i32
          %shift_right_logical3A_554 = vector.broadcast %shift_right_logical3A_553 : i32 to vector<16xi32>
          %shift_right_logical3A_555 = arith.shrui %get3A_552, %shift_right_logical3A_554 : vector<16xi32>
          %swap3A_556 = arith.constant 80 : index
          %swap3A_557 = tpu.vector_load %arg9[%swap3A_556] {strides = array<i32>} : memref<112xi32, #tpu.memory_space<vmem>>, vector<16xi32>,
          %swap3A_558 = vector.shape_cast %swap3A_557 : vector<16xi32> to vector<16xi32>
          %swap3A_559 = vector.shape_cast %shift_right_logical3A_555 : vector<16xi32> to vector<16xi32>
          tpu.vector_store %arg9[%swap3A_556], %swap3A_559 {strides = array<i32>} : memref<112xi32, #tpu.memory_space<vmem>>, vector<16xi32>,
          %get3A_560 = arith.index_cast %add3A_493 : i32 to index
          %get3A_561 = arith.constant 96 : index
          %get3A_562 = tpu.vector_load %arg5[%get3A_560, %get3A_561] {strides = array<i32>} : memref<160x112xi32, #tpu.memory_space<vmem>>, vector<1x16xi32>,
          %get3A_563 = vector.shape_cast %get3A_562 : vector<1x16xi32> to vector<16xi32>
          %shift_right_logical3A_564 = arith.constant 16 : i32
          %shift_right_logical3A_565 = vector.broadcast %shift_right_logical3A_564 : i32 to vector<16xi32>
          %shift_right_logical3A_566 = arith.shrui %get3A_563, %shift_right_logical3A_565 : vector<16xi32>
          %swap3A_567 = arith.constant 96 : index
          %swap3A_568 = tpu.vector_load %arg9[%swap3A_567] {strides = array<i32>} : memref<112xi32, #tpu.memory_space<vmem>>, vector<16xi32>,
          %swap3A_569 = vector.shape_cast %swap3A_568 : vector<16xi32> to vector<16xi32>
          %swap3A_570 = vector.shape_cast %shift_right_logical3A_566 : vector<16xi32> to vector<16xi32>
          tpu.vector_store %arg9[%swap3A_567], %swap3A_570 {strides = array<i32>} : memref<112xi32, #tpu.memory_space<vmem>>, vector<16xi32>,
          %dma_start3A_571 = arith.constant 0 : i32
          %dma_start3A_572 = arith.constant 0 : i32
          %dma_start3A_573 = tpu.memref_slice %arg2[%dma_start3A_571, %dma_start3A_572] : memref<10000x128xf32, #tpu.memory_space<hbm>> -> memref<10000x128xf32, #tpu.memory_space<hbm>>
          tpu.enqueue_indirect_dma source(%dma_start3A_573 : memref<10000x128xf32, #tpu.memory_space<hbm>>) target(%arg11 : memref<112x128xf32, #tpu.memory_space<vmem>>) offsets(%arg7 : memref<112xi32, #tpu.memory_space<vmem>>) semaphore(%arg14 : memref<!tpu.dma_semaphore, #tpu.memory_space<semaphore_mem>>)
        } else {
        }
      }
      %scan3A_387 = arith.constant 80 : i32
    } else {
    }
    %eq3A_36 = arith.constant 1 : i32
    %eq3A_37 = arith.cmpi eq, %arg0, %eq3A_36 : i32
    %convert_element_type3A_38 = arith.extui %eq3A_37 : i1 to i32
    %cond3A_39 = arith.constant 0 : i32
    %cond3A_40 = arith.cmpi ne, %convert_element_type3A_38, %cond3A_39 : i32
    scf.if %cond3A_40 {
      %scan3A_46 = arith.constant 0 : i32
      %scan3A_47 = arith.constant 24 : i32
      %scan3A_48 = arith.addi %scan3A_46, %scan3A_47 : i32
      %scan3A_49 = arith.constant 1 : i32
      scf.for %scan3A_51 = %scan3A_46 to %scan3A_48 step %scan3A_49  : i32 {
        %mul3A_52 = arith.constant 1 : i32
        %mul3A_53 = arith.muli %scan3A_51, %mul3A_52 : i32
        %add3A_54 = arith.constant 0 : i32
        %add3A_55 = arith.addi %add3A_54, %mul3A_53 : i32
        %get3A = arith.index_cast %add3A_55 : i32 to index
        %get3A_56 = arith.constant 0 : index
        %get3A_57 = tpu.vector_load %arg5[%get3A, %get3A_56] {strides = array<i32>} : memref<160x112xi32, #tpu.memory_space<vmem>>, vector<1x16xi32>,
        %get3A_58 = vector.shape_cast %get3A_57 : vector<1x16xi32> to vector<16xi32>
        %and3A = arith.constant 65535 : i32
        %and3A_59 = vector.broadcast %and3A : i32 to vector<16xi32>
        %and3A_60 = arith.andi %get3A_58, %and3A_59 : vector<16xi32>
        %swap3A = arith.constant 0 : index
        %swap3A_61 = tpu.vector_load %arg6[%swap3A] {strides = array<i32>} : memref<112xi32, #tpu.memory_space<vmem>>, vector<16xi32>,
        %swap3A_62 = vector.shape_cast %swap3A_61 : vector<16xi32> to vector<16xi32>
        %swap3A_63 = vector.shape_cast %and3A_60 : vector<16xi32> to vector<16xi32>
        tpu.vector_store %arg6[%swap3A], %swap3A_63 {strides = array<i32>} : memref<112xi32, #tpu.memory_space<vmem>>, vector<16xi32>,
        %get3A_64 = arith.index_cast %add3A_55 : i32 to index
        %get3A_65 = arith.constant 16 : index
        %get3A_66 = tpu.vector_load %arg5[%get3A_64, %get3A_65] {strides = array<i32>} : memref<160x112xi32, #tpu.memory_space<vmem>>, vector<1x16xi32>,
        %get3A_67 = vector.shape_cast %get3A_66 : vector<1x16xi32> to vector<16xi32>
        %and3A_68 = arith.constant 65535 : i32
        %and3A_69 = vector.broadcast %and3A_68 : i32 to vector<16xi32>
        %and3A_70 = arith.andi %get3A_67, %and3A_69 : vector<16xi32>
        %swap3A_71 = arith.constant 16 : index
        %swap3A_72 = tpu.vector_load %arg6[%swap3A_71] {strides = array<i32>} : memref<112xi32, #tpu.memory_space<vmem>>, vector<16xi32>,
        %swap3A_73 = vector.shape_cast %swap3A_72 : vector<16xi32> to vector<16xi32>
        %swap3A_74 = vector.shape_cast %and3A_70 : vector<16xi32> to vector<16xi32>
        tpu.vector_store %arg6[%swap3A_71], %swap3A_74 {strides = array<i32>} : memref<112xi32, #tpu.memory_space<vmem>>, vector<16xi32>,
        %get3A_75 = arith.index_cast %add3A_55 : i32 to index
        %get3A_76 = arith.constant 32 : index
        %get3A_77 = tpu.vector_load %arg5[%get3A_75, %get3A_76] {strides = array<i32>} : memref<160x112xi32, #tpu.memory_space<vmem>>, vector<1x16xi32>,
        %get3A_78 = vector.shape_cast %get3A_77 : vector<1x16xi32> to vector<16xi32>
        %and3A_79 = arith.constant 65535 : i32
        %and3A_80 = vector.broadcast %and3A_79 : i32 to vector<16xi32>
        %and3A_81 = arith.andi %get3A_78, %and3A_80 : vector<16xi32>
        %swap3A_82 = arith.constant 32 : index
        %swap3A_83 = tpu.vector_load %arg6[%swap3A_82] {strides = array<i32>} : memref<112xi32, #tpu.memory_space<vmem>>, vector<16xi32>,
        %swap3A_84 = vector.shape_cast %swap3A_83 : vector<16xi32> to vector<16xi32>
        %swap3A_85 = vector.shape_cast %and3A_81 : vector<16xi32> to vector<16xi32>
        tpu.vector_store %arg6[%swap3A_82], %swap3A_85 {strides = array<i32>} : memref<112xi32, #tpu.memory_space<vmem>>, vector<16xi32>,
        %get3A_86 = arith.index_cast %add3A_55 : i32 to index
        %get3A_87 = arith.constant 48 : index
        %get3A_88 = tpu.vector_load %arg5[%get3A_86, %get3A_87] {strides = array<i32>} : memref<160x112xi32, #tpu.memory_space<vmem>>, vector<1x16xi32>,
        %get3A_89 = vector.shape_cast %get3A_88 : vector<1x16xi32> to vector<16xi32>
        %and3A_90 = arith.constant 65535 : i32
        %and3A_91 = vector.broadcast %and3A_90 : i32 to vector<16xi32>
        %and3A_92 = arith.andi %get3A_89, %and3A_91 : vector<16xi32>
        %swap3A_93 = arith.constant 48 : index
        %swap3A_94 = tpu.vector_load %arg6[%swap3A_93] {strides = array<i32>} : memref<112xi32, #tpu.memory_space<vmem>>, vector<16xi32>,
        %swap3A_95 = vector.shape_cast %swap3A_94 : vector<16xi32> to vector<16xi32>
        %swap3A_96 = vector.shape_cast %and3A_92 : vector<16xi32> to vector<16xi32>
        tpu.vector_store %arg6[%swap3A_93], %swap3A_96 {strides = array<i32>} : memref<112xi32, #tpu.memory_space<vmem>>, vector<16xi32>,
        %get3A_97 = arith.index_cast %add3A_55 : i32 to index
        %get3A_98 = arith.constant 64 : index
        %get3A_99 = tpu.vector_load %arg5[%get3A_97, %get3A_98] {strides = array<i32>} : memref<160x112xi32, #tpu.memory_space<vmem>>, vector<1x16xi32>,
        %get3A_100 = vector.shape_cast %get3A_99 : vector<1x16xi32> to vector<16xi32>
        %and3A_101 = arith.constant 65535 : i32
        %and3A_102 = vector.broadcast %and3A_101 : i32 to vector<16xi32>
        %and3A_103 = arith.andi %get3A_100, %and3A_102 : vector<16xi32>
        %swap3A_104 = arith.constant 64 : index
        %swap3A_105 = tpu.vector_load %arg6[%swap3A_104] {strides = array<i32>} : memref<112xi32, #tpu.memory_space<vmem>>, vector<16xi32>,
        %swap3A_106 = vector.shape_cast %swap3A_105 : vector<16xi32> to vector<16xi32>
        %swap3A_107 = vector.shape_cast %and3A_103 : vector<16xi32> to vector<16xi32>
        tpu.vector_store %arg6[%swap3A_104], %swap3A_107 {strides = array<i32>} : memref<112xi32, #tpu.memory_space<vmem>>, vector<16xi32>,
        %get3A_108 = arith.index_cast %add3A_55 : i32 to index
        %get3A_109 = arith.constant 80 : index
        %get3A_110 = tpu.vector_load %arg5[%get3A_108, %get3A_109] {strides = array<i32>} : memref<160x112xi32, #tpu.memory_space<vmem>>, vector<1x16xi32>,
        %get3A_111 = vector.shape_cast %get3A_110 : vector<1x16xi32> to vector<16xi32>
        %and3A_112 = arith.constant 65535 : i32
        %and3A_113 = vector.broadcast %and3A_112 : i32 to vector<16xi32>
        %and3A_114 = arith.andi %get3A_111, %and3A_113 : vector<16xi32>
        %swap3A_115 = arith.constant 80 : index
        %swap3A_116 = tpu.vector_load %arg6[%swap3A_115] {strides = array<i32>} : memref<112xi32, #tpu.memory_space<vmem>>, vector<16xi32>,
        %swap3A_117 = vector.shape_cast %swap3A_116 : vector<16xi32> to vector<16xi32>
        %swap3A_118 = vector.shape_cast %and3A_114 : vector<16xi32> to vector<16xi32>
        tpu.vector_store %arg6[%swap3A_115], %swap3A_118 {strides = array<i32>} : memref<112xi32, #tpu.memory_space<vmem>>, vector<16xi32>,
        %get3A_119 = arith.index_cast %add3A_55 : i32 to index
        %get3A_120 = arith.constant 96 : index
        %get3A_121 = tpu.vector_load %arg5[%get3A_119, %get3A_120] {strides = array<i32>} : memref<160x112xi32, #tpu.memory_space<vmem>>, vector<1x16xi32>,
        %get3A_122 = vector.shape_cast %get3A_121 : vector<1x16xi32> to vector<16xi32>
        %and3A_123 = arith.constant 65535 : i32
        %and3A_124 = vector.broadcast %and3A_123 : i32 to vector<16xi32>
        %and3A_125 = arith.andi %get3A_122, %and3A_124 : vector<16xi32>
        %swap3A_126 = arith.constant 96 : index
        %swap3A_127 = tpu.vector_load %arg6[%swap3A_126] {strides = array<i32>} : memref<112xi32, #tpu.memory_space<vmem>>, vector<16xi32>,
        %swap3A_128 = vector.shape_cast %swap3A_127 : vector<16xi32> to vector<16xi32>
        %swap3A_129 = vector.shape_cast %and3A_125 : vector<16xi32> to vector<16xi32>
        tpu.vector_store %arg6[%swap3A_126], %swap3A_129 {strides = array<i32>} : memref<112xi32, #tpu.memory_space<vmem>>, vector<16xi32>,
        %get3A_130 = arith.index_cast %add3A_55 : i32 to index
        %get3A_131 = arith.constant 0 : index
        %get3A_132 = tpu.vector_load %arg5[%get3A_130, %get3A_131] {strides = array<i32>} : memref<160x112xi32, #tpu.memory_space<vmem>>, vector<1x16xi32>,
        %get3A_133 = vector.shape_cast %get3A_132 : vector<1x16xi32> to vector<16xi32>
        %shift_right_logical3A = arith.constant 16 : i32
        %shift_right_logical3A_134 = vector.broadcast %shift_right_logical3A : i32 to vector<16xi32>
        %shift_right_logical3A_135 = arith.shrui %get3A_133, %shift_right_logical3A_134 : vector<16xi32>
        %swap3A_136 = arith.constant 0 : index
        %swap3A_137 = tpu.vector_load %arg8[%swap3A_136] {strides = array<i32>} : memref<112xi32, #tpu.memory_space<vmem>>, vector<16xi32>,
        %swap3A_138 = vector.shape_cast %swap3A_137 : vector<16xi32> to vector<16xi32>
        %swap3A_139 = vector.shape_cast %shift_right_logical3A_135 : vector<16xi32> to vector<16xi32>
        tpu.vector_store %arg8[%swap3A_136], %swap3A_139 {strides = array<i32>} : memref<112xi32, #tpu.memory_space<vmem>>, vector<16xi32>,
        %get3A_140 = arith.index_cast %add3A_55 : i32 to index
        %get3A_141 = arith.constant 16 : index
        %get3A_142 = tpu.vector_load %arg5[%get3A_140, %get3A_141] {strides = array<i32>} : memref<160x112xi32, #tpu.memory_space<vmem>>, vector<1x16xi32>,
        %get3A_143 = vector.shape_cast %get3A_142 : vector<1x16xi32> to vector<16xi32>
        %shift_right_logical3A_144 = arith.constant 16 : i32
        %shift_right_logical3A_145 = vector.broadcast %shift_right_logical3A_144 : i32 to vector<16xi32>
        %shift_right_logical3A_146 = arith.shrui %get3A_143, %shift_right_logical3A_145 : vector<16xi32>
        %swap3A_147 = arith.constant 16 : index
        %swap3A_148 = tpu.vector_load %arg8[%swap3A_147] {strides = array<i32>} : memref<112xi32, #tpu.memory_space<vmem>>, vector<16xi32>,
        %swap3A_149 = vector.shape_cast %swap3A_148 : vector<16xi32> to vector<16xi32>
        %swap3A_150 = vector.shape_cast %shift_right_logical3A_146 : vector<16xi32> to vector<16xi32>
        tpu.vector_store %arg8[%swap3A_147], %swap3A_150 {strides = array<i32>} : memref<112xi32, #tpu.memory_space<vmem>>, vector<16xi32>,
        %get3A_151 = arith.index_cast %add3A_55 : i32 to index
        %get3A_152 = arith.constant 32 : index
        %get3A_153 = tpu.vector_load %arg5[%get3A_151, %get3A_152] {strides = array<i32>} : memref<160x112xi32, #tpu.memory_space<vmem>>, vector<1x16xi32>,
        %get3A_154 = vector.shape_cast %get3A_153 : vector<1x16xi32> to vector<16xi32>
        %shift_right_logical3A_155 = arith.constant 16 : i32
        %shift_right_logical3A_156 = vector.broadcast %shift_right_logical3A_155 : i32 to vector<16xi32>
        %shift_right_logical3A_157 = arith.shrui %get3A_154, %shift_right_logical3A_156 : vector<16xi32>
        %swap3A_158 = arith.constant 32 : index
        %swap3A_159 = tpu.vector_load %arg8[%swap3A_158] {strides = array<i32>} : memref<112xi32, #tpu.memory_space<vmem>>, vector<16xi32>,
        %swap3A_160 = vector.shape_cast %swap3A_159 : vector<16xi32> to vector<16xi32>
        %swap3A_161 = vector.shape_cast %shift_right_logical3A_157 : vector<16xi32> to vector<16xi32>
        tpu.vector_store %arg8[%swap3A_158], %swap3A_161 {strides = array<i32>} : memref<112xi32, #tpu.memory_space<vmem>>, vector<16xi32>,
        %get3A_162 = arith.index_cast %add3A_55 : i32 to index
        %get3A_163 = arith.constant 48 : index
        %get3A_164 = tpu.vector_load %arg5[%get3A_162, %get3A_163] {strides = array<i32>} : memref<160x112xi32, #tpu.memory_space<vmem>>, vector<1x16xi32>,
        %get3A_165 = vector.shape_cast %get3A_164 : vector<1x16xi32> to vector<16xi32>
        %shift_right_logical3A_166 = arith.constant 16 : i32
        %shift_right_logical3A_167 = vector.broadcast %shift_right_logical3A_166 : i32 to vector<16xi32>
        %shift_right_logical3A_168 = arith.shrui %get3A_165, %shift_right_logical3A_167 : vector<16xi32>
        %swap3A_169 = arith.constant 48 : index
        %swap3A_170 = tpu.vector_load %arg8[%swap3A_169] {strides = array<i32>} : memref<112xi32, #tpu.memory_space<vmem>>, vector<16xi32>,
        %swap3A_171 = vector.shape_cast %swap3A_170 : vector<16xi32> to vector<16xi32>
        %swap3A_172 = vector.shape_cast %shift_right_logical3A_168 : vector<16xi32> to vector<16xi32>
        tpu.vector_store %arg8[%swap3A_169], %swap3A_172 {strides = array<i32>} : memref<112xi32, #tpu.memory_space<vmem>>, vector<16xi32>,
        %get3A_173 = arith.index_cast %add3A_55 : i32 to index
        %get3A_174 = arith.constant 64 : index
        %get3A_175 = tpu.vector_load %arg5[%get3A_173, %get3A_174] {strides = array<i32>} : memref<160x112xi32, #tpu.memory_space<vmem>>, vector<1x16xi32>,
        %get3A_176 = vector.shape_cast %get3A_175 : vector<1x16xi32> to vector<16xi32>
        %shift_right_logical3A_177 = arith.constant 16 : i32
        %shift_right_logical3A_178 = vector.broadcast %shift_right_logical3A_177 : i32 to vector<16xi32>
        %shift_right_logical3A_179 = arith.shrui %get3A_176, %shift_right_logical3A_178 : vector<16xi32>
        %swap3A_180 = arith.constant 64 : index
        %swap3A_181 = tpu.vector_load %arg8[%swap3A_180] {strides = array<i32>} : memref<112xi32, #tpu.memory_space<vmem>>, vector<16xi32>,
        %swap3A_182 = vector.shape_cast %swap3A_181 : vector<16xi32> to vector<16xi32>
        %swap3A_183 = vector.shape_cast %shift_right_logical3A_179 : vector<16xi32> to vector<16xi32>
        tpu.vector_store %arg8[%swap3A_180], %swap3A_183 {strides = array<i32>} : memref<112xi32, #tpu.memory_space<vmem>>, vector<16xi32>,
        %get3A_184 = arith.index_cast %add3A_55 : i32 to index
        %get3A_185 = arith.constant 80 : index
        %get3A_186 = tpu.vector_load %arg5[%get3A_184, %get3A_185] {strides = array<i32>} : memref<160x112xi32, #tpu.memory_space<vmem>>, vector<1x16xi32>,
        %get3A_187 = vector.shape_cast %get3A_186 : vector<1x16xi32> to vector<16xi32>
        %shift_right_logical3A_188 = arith.constant 16 : i32
        %shift_right_logical3A_189 = vector.broadcast %shift_right_logical3A_188 : i32 to vector<16xi32>
        %shift_right_logical3A_190 = arith.shrui %get3A_187, %shift_right_logical3A_189 : vector<16xi32>
        %swap3A_191 = arith.constant 80 : index
        %swap3A_192 = tpu.vector_load %arg8[%swap3A_191] {strides = array<i32>} : memref<112xi32, #tpu.memory_space<vmem>>, vector<16xi32>,
        %swap3A_193 = vector.shape_cast %swap3A_192 : vector<16xi32> to vector<16xi32>
        %swap3A_194 = vector.shape_cast %shift_right_logical3A_190 : vector<16xi32> to vector<16xi32>
        tpu.vector_store %arg8[%swap3A_191], %swap3A_194 {strides = array<i32>} : memref<112xi32, #tpu.memory_space<vmem>>, vector<16xi32>,
        %get3A_195 = arith.index_cast %add3A_55 : i32 to index
        %get3A_196 = arith.constant 96 : index
        %get3A_197 = tpu.vector_load %arg5[%get3A_195, %get3A_196] {strides = array<i32>} : memref<160x112xi32, #tpu.memory_space<vmem>>, vector<1x16xi32>,
        %get3A_198 = vector.shape_cast %get3A_197 : vector<1x16xi32> to vector<16xi32>
        %shift_right_logical3A_199 = arith.constant 16 : i32
        %shift_right_logical3A_200 = vector.broadcast %shift_right_logical3A_199 : i32 to vector<16xi32>
        %shift_right_logical3A_201 = arith.shrui %get3A_198, %shift_right_logical3A_200 : vector<16xi32>
        %swap3A_202 = arith.constant 96 : index
        %swap3A_203 = tpu.vector_load %arg8[%swap3A_202] {strides = array<i32>} : memref<112xi32, #tpu.memory_space<vmem>>, vector<16xi32>,
        %swap3A_204 = vector.shape_cast %swap3A_203 : vector<16xi32> to vector<16xi32>
        %swap3A_205 = vector.shape_cast %shift_right_logical3A_201 : vector<16xi32> to vector<16xi32>
        tpu.vector_store %arg8[%swap3A_202], %swap3A_205 {strides = array<i32>} : memref<112xi32, #tpu.memory_space<vmem>>, vector<16xi32>,
        %dma_start3A = arith.constant 0 : i32
        %dma_start3A_206 = arith.constant 0 : i32
        %dma_start3A_207 = tpu.memref_slice %arg2[%dma_start3A, %dma_start3A_206] : memref<10000x128xf32, #tpu.memory_space<hbm>> -> memref<10000x128xf32, #tpu.memory_space<hbm>>
        tpu.enqueue_indirect_dma source(%dma_start3A_207 : memref<10000x128xf32, #tpu.memory_space<hbm>>) target(%arg10 : memref<112x128xf32, #tpu.memory_space<vmem>>) offsets(%arg6 : memref<112xi32, #tpu.memory_space<vmem>>) semaphore(%arg13 : memref<!tpu.dma_semaphore, #tpu.memory_space<semaphore_mem>>)
        %dma_wait3A = arith.constant 0 : i32
        %dma_wait3A_208 = arith.constant 0 : i32
        %dma_wait3A_209 = tpu.memref_slice %arg2[%dma_wait3A, %dma_wait3A_208] : memref<10000x128xf32, #tpu.memory_space<hbm>> -> memref<10000x128xf32, #tpu.memory_space<hbm>>
        tpu.wait_indirect_dma semaphore(%arg13 : memref<!tpu.dma_semaphore, #tpu.memory_space<semaphore_mem>>) src(%dma_wait3A_209 : memref<10000x128xf32, #tpu.memory_space<hbm>>) dst(%arg10 : memref<112x128xf32, #tpu.memory_space<vmem>>)
        "tpu.region"() ({
          %run_scoped3A = tpu.sem_alloc : memref<!tpu.dma_semaphore, #tpu.memory_space<semaphore_mem>>
          %dma_start3A_210 = arith.constant 0 : i32
          %dma_start3A_211 = arith.constant 0 : i32
          %dma_start3A_212 = tpu.memref_slice %arg12[%dma_start3A_210, %dma_start3A_211] : memref<10112x128xf32, #tpu.memory_space<vmem_shared>> -> memref<10112x128xf32, #tpu.memory_space<vmem_shared>>
          tpu.enqueue_indirect_dma source(%arg10 : memref<112x128xf32, #tpu.memory_space<vmem>>) target(%dma_start3A_212 : memref<10112x128xf32, #tpu.memory_space<vmem_shared>>) offsets(%arg8 : memref<112xi32, #tpu.memory_space<vmem>>) semaphore(%run_scoped3A : memref<!tpu.dma_semaphore, #tpu.memory_space<semaphore_mem>>) {add = true}
          %dma_wait3A_213 = arith.constant 0 : i32
          %dma_wait3A_214 = arith.constant 0 : i32
          %dma_wait3A_215 = tpu.memref_slice %arg12[%dma_wait3A_213, %dma_wait3A_214] : memref<10112x128xf32, #tpu.memory_space<vmem_shared>> -> memref<10112x128xf32, #tpu.memory_space<vmem_shared>>
          tpu.wait_indirect_dma semaphore(%run_scoped3A : memref<!tpu.dma_semaphore, #tpu.memory_space<semaphore_mem>>) src(%arg10 : memref<112x128xf32, #tpu.memory_space<vmem>>) dst(%dma_wait3A_215 : memref<10112x128xf32, #tpu.memory_space<vmem_shared>>)
          tpu.yield
        }) : () -> ()
      }
      %scan3A_50 = arith.constant 24 : i32
    } else {
    }
    %barrier3A_41 = arith.constant 0 : index
    tpu.barrier barrier_id(%barrier3A_41)
    %mul3A_42 = arith.constant 632 : i32
    %mul3A_43 = arith.muli %arg1, %mul3A_42 : i32
    %mul3A_44 = arith.constant 632 : i32
    %mul3A_45 = arith.muli %arg1, %mul3A_44 : i32
    "tpu.region"() ({
      %run_scoped3A = tpu.sem_alloc : memref<!tpu.dma_semaphore, #tpu.memory_space<semaphore_mem>>
      %dma_start3A = arith.constant 0 : i32
      %dma_start3A_46 = arith.constant 0 : i32
      %dma_start3A_47 = tpu.memref_slice %arg4[%arg0, %dma_start3A, %dma_start3A_46] : memref<2x10112x128xf32, #tpu.memory_space<hbm>> -> memref<1x10112x128xf32, #tpu.memory_space<hbm>>
      %dma_start3A_48 = tpu.memref_squeeze %dma_start3A_47 : memref<1x10112x128xf32, #tpu.memory_space<hbm>> -> memref<10112x128xf32, #tpu.memory_space<hbm>>
      %dma_start3A_49 = arith.constant 0 : i32
      %dma_start3A_50 = tpu.memref_slice %dma_start3A_48[%mul3A_45, %dma_start3A_49] : memref<10112x128xf32, #tpu.memory_space<hbm>> -> memref<632x128xf32, #tpu.memory_space<hbm>>
      %dma_start3A_51 = arith.constant 0 : i32
      %dma_start3A_52 = tpu.memref_slice %arg12[%mul3A_43, %dma_start3A_51] : memref<10112x128xf32, #tpu.memory_space<vmem_shared>> -> memref<632x128xf32, #tpu.memory_space<vmem_shared>>
      tpu.enqueue_dma source(%dma_start3A_52 : memref<632x128xf32, #tpu.memory_space<vmem_shared>>) target(%dma_start3A_50 : memref<632x128xf32, #tpu.memory_space<hbm>>) target_semaphore(%run_scoped3A : memref<!tpu.dma_semaphore, #tpu.memory_space<semaphore_mem>>)
      %dma_wait3A = arith.constant 0 : i32
      %dma_wait3A_53 = arith.constant 0 : i32
      %dma_wait3A_54 = tpu.memref_slice %arg4[%arg0, %dma_wait3A, %dma_wait3A_53] : memref<2x10112x128xf32, #tpu.memory_space<hbm>> -> memref<1x10112x128xf32, #tpu.memory_space<hbm>>
      %dma_wait3A_55 = tpu.memref_squeeze %dma_wait3A_54 : memref<1x10112x128xf32, #tpu.memory_space<hbm>> -> memref<10112x128xf32, #tpu.memory_space<hbm>>
      %dma_wait3A_56 = arith.constant 0 : i32
      %dma_wait3A_57 = tpu.memref_slice %dma_wait3A_55[%mul3A_45, %dma_wait3A_56] : memref<10112x128xf32, #tpu.memory_space<hbm>> -> memref<632x128xf32, #tpu.memory_space<hbm>>
      %dma_wait3A_58 = arith.constant 0 : i32
      %dma_wait3A_59 = tpu.memref_slice %arg12[%mul3A_43, %dma_wait3A_58] : memref<10112x128xf32, #tpu.memory_space<vmem_shared>> -> memref<632x128xf32, #tpu.memory_space<vmem_shared>>
      tpu.wait_dma2 semaphore(%run_scoped3A : memref<!tpu.dma_semaphore, #tpu.memory_space<semaphore_mem>>) src(%dma_wait3A_59 : memref<632x128xf32, #tpu.memory_space<vmem_shared>>) dst(%dma_wait3A_57 : memref<632x128xf32, #tpu.memory_space<hbm>>)
      tpu.yield
    }) : () -> ()
    return
  }
}

module attributes {stable_mosaic.version = 14 : i64} {
  func.func @body(%arg0: i32, %arg1: memref<1000x128xf32, #tpu.memory_space<vmem>>, %arg2: memref<128x128xf32, #tpu.memory_space<vmem>>, %arg3: memref<2x1000x128xf32, #tpu.memory_space<vmem>>, %arg4: memref<1000x128xf32, #tpu.memory_space<vmem>>) attributes {dimension_semantics = [#tpu.dimension_semantics<arbitrary>], iteration_bounds = array<i64: 10>, scalar_prefetch = 0 : i64, scratch_operands = 0 : i64, tpu.core_type = #tpu.core_type<tc>, window_params = [{transform_indices = @transform_0, window_bounds = array<i64: 1000, 128>}, {pipeline_mode = #tpu.pipeline_mode<synchronous>, transform_indices = @transform_1, window_bounds = array<i64: 128, 128>}, {transform_indices = @transform_2, window_bounds = array<i64: 2, 1000, 128>}, {transform_indices = @transform_3, window_bounds = array<i64: 1000, 128>}]} {
    %get3A = arith.constant 0 : index
    %get3A_0 = arith.constant 0 : index
    %get3A_1 = arith.constant 0 : index
    %get3A_2 = vector.load %arg3[%get3A, %get3A_0, %get3A_1] : memref<2x1000x128xf32, #tpu.memory_space<vmem>>, vector<2x1000x128xf32>
    %slice3A = vector.extract_strided_slice %get3A_2 {offsets = [0, 0, 0], sizes = [1, 1000, 1], strides = [1, 1, 1]} : vector<2x1000x128xf32> to vector<1x1000x1xf32>
    %squeeze3A = vector.shape_cast %slice3A : vector<1x1000x1xf32> to vector<1000xf32>
    %slice3A_3 = vector.extract_strided_slice %get3A_2 {offsets = [1, 0, 0], sizes = [1, 1000, 1], strides = [1, 1, 1]} : vector<2x1000x128xf32> to vector<1x1000x1xf32>
    %squeeze3A_4 = vector.shape_cast %slice3A_3 : vector<1x1000x1xf32> to vector<1000xf32>
    %add3A = arith.addf %squeeze3A, %squeeze3A_4 : vector<1000xf32>
    %sub3A = arith.constant 1.000000e+00 : f32
    %sub3A_5 = vector.broadcast %sub3A : f32 to vector<1000xf32>
    %sub3A_6 = arith.subf %add3A, %sub3A_5 : vector<1000xf32>
    %rsqrt3A = math.rsqrt %sub3A_6 : vector<1000xf32>
    %get3A_7 = arith.constant 0 : index
    %get3A_8 = arith.constant 0 : index
    %get3A_9 = vector.load %arg1[%get3A_7, %get3A_8] : memref<1000x128xf32, #tpu.memory_space<vmem>>, vector<1000x128xf32>
    %get3A_10 = arith.constant 0 : index
    %get3A_11 = arith.constant 0 : index
    %get3A_12 = vector.load %arg2[%get3A_10, %get3A_11] : memref<128x128xf32, #tpu.memory_space<vmem>>, vector<128x128xf32>
    %dot_general3A = arith.constant dense<0.000000e+00> : vector<1000x128xf32>
    %dot_general3A_13 = tpu.matmul %get3A_9, %get3A_12, %dot_general3A {dimension_numbers = #tpu.dot_dimension_numbers<[1], [0], [0], [1], [0, 0, 1, 1], [], []>, transpose_lhs_hint = false} : vector<1000x128xf32>, vector<128x128xf32>, vector<1000x128xf32> -> vector<1000x128xf32>
    %broadcast_in_dim3A = vector.shape_cast %rsqrt3A : vector<1000xf32> to vector<1000x1xf32>
    %mul3A = vector.broadcast %broadcast_in_dim3A : vector<1000x1xf32> to vector<1000x128xf32>
    %mul3A_14 = arith.mulf %dot_general3A_13, %mul3A : vector<1000x128xf32>
    %swap3A = arith.constant 0 : index
    %swap3A_15 = arith.constant 0 : index
    %swap3A_16 = vector.load %arg4[%swap3A, %swap3A_15] : memref<1000x128xf32, #tpu.memory_space<vmem>>, vector<1000x128xf32>
    tpu.vector_store %arg4[%swap3A, %swap3A_15], %mul3A_14 {strides = array<i32>} : memref<1000x128xf32, #tpu.memory_space<vmem>>, vector<1000x128xf32>,
    return
  }
  func.func @transform_0(%arg0: i32) -> (i32, i32) {
    %c0_i32 = arith.constant 0 : i32
    %c0_i32_0 = arith.constant 0 : i32
    return %arg0, %c0_i32 : i32, i32
  }
  func.func @transform_1(%arg0: i32) -> (i32, i32) {
    %c0_i32 = arith.constant 0 : i32
    %c0_i32_0 = arith.constant 0 : i32
    %c0_i32_1 = arith.constant 0 : i32
    return %c0_i32, %c0_i32_0 : i32, i32
  }
  func.func @transform_2(%arg0: i32) -> (i32, i32, i32) {
    %c0_i32 = arith.constant 0 : i32
    %c0_i32_0 = arith.constant 0 : i32
    %c0_i32_1 = arith.constant 0 : i32
    return %c0_i32, %arg0, %c0_i32_0 : i32, i32, i32
  }
  func.func @transform_3(%arg0: i32) -> (i32, i32) {
    %c0_i32 = arith.constant 0 : i32
    %c0_i32_0 = arith.constant 0 : i32
    return %arg0, %c0_i32 : i32, i32
  }
}

module attributes {stable_mosaic.version = 14 : i64} {
  func.func @body(%arg0: i32, %arg1: memref<2x1000x128xf32, #tpu.memory_space<vmem>>, %arg2: memref<1000x128xf32, #tpu.memory_space<vmem>>, %arg3: memref<2x1000x128xf32, #tpu.memory_space<vmem>>, %arg4: memref<1x128xf32, #tpu.memory_space<vmem>>, %arg5: memref<128x128xf32, #tpu.memory_space<vmem>>, %arg6: memref<1000x128xf32, #tpu.memory_space<vmem>>) attributes {dimension_semantics = [#tpu.dimension_semantics<arbitrary>], iteration_bounds = array<i64: 10>, scalar_prefetch = 0 : i64, scratch_operands = 0 : i64, tpu.core_type = #tpu.core_type<tc>, window_params = [{transform_indices = @transform_0, window_bounds = array<i64: 2, 1000, 128>}, {transform_indices = @transform_1, window_bounds = array<i64: 1000, 128>}, {transform_indices = @transform_2, window_bounds = array<i64: 2, 1000, 128>}, {pipeline_mode = #tpu.pipeline_mode<synchronous>, transform_indices = @transform_3, window_bounds = array<i64: 1, 128>}, {pipeline_mode = #tpu.pipeline_mode<synchronous>, transform_indices = @transform_4, window_bounds = array<i64: 128, 128>}, {transform_indices = @transform_5, window_bounds = array<i64: 1000, 128>}]} {
    %get3A = arith.constant 0 : index
    %get3A_0 = arith.constant 0 : index
    %get3A_1 = arith.constant 0 : index
    %get3A_2 = vector.load %arg3[%get3A, %get3A_0, %get3A_1] : memref<2x1000x128xf32, #tpu.memory_space<vmem>>, vector<2x1000x128xf32>
    %slice3A = vector.extract_strided_slice %get3A_2 {offsets = [0, 0, 0], sizes = [1, 1000, 1], strides = [1, 1, 1]} : vector<2x1000x128xf32> to vector<1x1000x1xf32>
    %squeeze3A = vector.shape_cast %slice3A : vector<1x1000x1xf32> to vector<1000xf32>
    %slice3A_3 = vector.extract_strided_slice %get3A_2 {offsets = [1, 0, 0], sizes = [1, 1000, 1], strides = [1, 1, 1]} : vector<2x1000x128xf32> to vector<1x1000x1xf32>
    %squeeze3A_4 = vector.shape_cast %slice3A_3 : vector<1x1000x1xf32> to vector<1000xf32>
    %add3A = arith.addf %squeeze3A, %squeeze3A_4 : vector<1000xf32>
    %sub3A = arith.constant 1.000000e+00 : f32
    %sub3A_5 = vector.broadcast %sub3A : f32 to vector<1000xf32>
    %sub3A_6 = arith.subf %add3A, %sub3A_5 : vector<1000xf32>
    %rsqrt3A = math.rsqrt %sub3A_6 : vector<1000xf32>
    %get3A_7 = arith.constant 0 : index
    %get3A_8 = arith.constant 0 : index
    %get3A_9 = arith.constant 0 : index
    %get3A_10 = vector.load %arg1[%get3A_7, %get3A_8, %get3A_9] : memref<2x1000x128xf32, #tpu.memory_space<vmem>>, vector<2x1000x128xf32>
    %reduce_sum3A = arith.constant dense<0.000000e+00> : vector<1000x128xf32>
    %reduce_sum3A_11 = vector.multi_reduction <add>, %get3A_10, %reduce_sum3A [0] : vector<2x1000x128xf32> to vector<1000x128xf32>
    %broadcast_in_dim3A = vector.shape_cast %rsqrt3A : vector<1000xf32> to vector<1000x1xf32>
    %get3A_12 = arith.constant 0 : index
    %get3A_13 = arith.constant 0 : index
    %get3A_14 = vector.load %arg2[%get3A_12, %get3A_13] : memref<1000x128xf32, #tpu.memory_space<vmem>>, vector<1000x128xf32>
    %add3A_15 = arith.addf %reduce_sum3A_11, %get3A_14 : vector<1000x128xf32>
    %mul3A = vector.broadcast %broadcast_in_dim3A : vector<1000x1xf32> to vector<1000x128xf32>
    %mul3A_16 = arith.mulf %mul3A, %add3A_15 : vector<1000x128xf32>
    %get3A_17 = arith.constant 0 : index
    %get3A_18 = arith.constant 0 : index
    %get3A_19 = vector.load %arg4[%get3A_17, %get3A_18] : memref<1x128xf32, #tpu.memory_space<vmem>>, vector<1x128xf32>
    %add3A_20 = vector.broadcast %get3A_19 : vector<1x128xf32> to vector<1000x128xf32>
    %add3A_21 = arith.addf %mul3A_16, %add3A_20 : vector<1000x128xf32>
    %max3A = arith.constant 0.000000e+00 : f32
    %max3A_22 = vector.broadcast %max3A : f32 to vector<1000x128xf32>
    %max3A_23 = arith.maximumf %add3A_21, %max3A_22 : vector<1000x128xf32>
    %get3A_24 = arith.constant 0 : index
    %get3A_25 = arith.constant 0 : index
    %get3A_26 = vector.load %arg5[%get3A_24, %get3A_25] : memref<128x128xf32, #tpu.memory_space<vmem>>, vector<128x128xf32>
    %dot_general3A = arith.constant dense<0.000000e+00> : vector<1000x128xf32>
    %dot_general3A_27 = tpu.matmul %max3A_23, %get3A_26, %dot_general3A {dimension_numbers = #tpu.dot_dimension_numbers<[1], [0], [0], [1], [0, 0, 1, 1], [], []>, transpose_lhs_hint = false} : vector<1000x128xf32>, vector<128x128xf32>, vector<1000x128xf32> -> vector<1000x128xf32>
    %broadcast_in_dim3A_28 = vector.shape_cast %rsqrt3A : vector<1000xf32> to vector<1000x1xf32>
    %mul3A_29 = vector.broadcast %broadcast_in_dim3A_28 : vector<1000x1xf32> to vector<1000x128xf32>
    %mul3A_30 = arith.mulf %dot_general3A_27, %mul3A_29 : vector<1000x128xf32>
    %swap3A = arith.constant 0 : index
    %swap3A_31 = arith.constant 0 : index
    %swap3A_32 = vector.load %arg6[%swap3A, %swap3A_31] : memref<1000x128xf32, #tpu.memory_space<vmem>>, vector<1000x128xf32>
    tpu.vector_store %arg6[%swap3A, %swap3A_31], %mul3A_30 {strides = array<i32>} : memref<1000x128xf32, #tpu.memory_space<vmem>>, vector<1000x128xf32>,
    return
  }
  func.func @transform_0(%arg0: i32) -> (i32, i32, i32) {
    %c0_i32 = arith.constant 0 : i32
    %c0_i32_0 = arith.constant 0 : i32
    %c0_i32_1 = arith.constant 0 : i32
    return %c0_i32, %arg0, %c0_i32_0 : i32, i32, i32
  }
  func.func @transform_1(%arg0: i32) -> (i32, i32) {
    %c0_i32 = arith.constant 0 : i32
    %c0_i32_0 = arith.constant 0 : i32
    return %arg0, %c0_i32 : i32, i32
  }
  func.func @transform_2(%arg0: i32) -> (i32, i32, i32) {
    %c0_i32 = arith.constant 0 : i32
    %c0_i32_0 = arith.constant 0 : i32
    %c0_i32_1 = arith.constant 0 : i32
    return %c0_i32, %arg0, %c0_i32_0 : i32, i32, i32
  }
  func.func @transform_3(%arg0: i32) -> (i32, i32) {
    %c0_i32 = arith.constant 0 : i32
    %c0_i32_0 = arith.constant 0 : i32
    %c0_i32_1 = arith.constant 0 : i32
    return %c0_i32, %c0_i32_0 : i32, i32
  }
  func.func @transform_4(%arg0: i32) -> (i32, i32) {
    %c0_i32 = arith.constant 0 : i32
    %c0_i32_0 = arith.constant 0 : i32
    %c0_i32_1 = arith.constant 0 : i32
    return %c0_i32, %c0_i32_0 : i32, i32
  }
  func.func @transform_5(%arg0: i32) -> (i32, i32) {
    %c0_i32 = arith.constant 0 : i32
    %c0_i32_0 = arith.constant 0 : i32
    return %arg0, %c0_i32 : i32, i32
  }
}

module attributes {stable_mosaic.version = 14 : i64} {
  func.func @body(%arg0: i32, %arg1: memref<2x1000x128xf32, #tpu.memory_space<vmem>>, %arg2: memref<1000x128xf32, #tpu.memory_space<vmem>>, %arg3: memref<2x1000x128xf32, #tpu.memory_space<vmem>>, %arg4: memref<1x128xf32, #tpu.memory_space<vmem>>, %arg5: memref<1000x128xf32, #tpu.memory_space<vmem>>) attributes {dimension_semantics = [#tpu.dimension_semantics<arbitrary>], iteration_bounds = array<i64: 10>, scalar_prefetch = 0 : i64, scratch_operands = 0 : i64, tpu.core_type = #tpu.core_type<tc>, window_params = [{transform_indices = @transform_0, window_bounds = array<i64: 2, 1000, 128>}, {transform_indices = @transform_1, window_bounds = array<i64: 1000, 128>}, {transform_indices = @transform_2, window_bounds = array<i64: 2, 1000, 128>}, {pipeline_mode = #tpu.pipeline_mode<synchronous>, transform_indices = @transform_3, window_bounds = array<i64: 1, 128>}, {transform_indices = @transform_4, window_bounds = array<i64: 1000, 128>}]} {
    %get3A = arith.constant 0 : index
    %get3A_0 = arith.constant 0 : index
    %get3A_1 = arith.constant 0 : index
    %get3A_2 = vector.load %arg3[%get3A, %get3A_0, %get3A_1] : memref<2x1000x128xf32, #tpu.memory_space<vmem>>, vector<2x1000x128xf32>
    %slice3A = vector.extract_strided_slice %get3A_2 {offsets = [0, 0, 0], sizes = [1, 1000, 1], strides = [1, 1, 1]} : vector<2x1000x128xf32> to vector<1x1000x1xf32>
    %squeeze3A = vector.shape_cast %slice3A : vector<1x1000x1xf32> to vector<1000xf32>
    %slice3A_3 = vector.extract_strided_slice %get3A_2 {offsets = [1, 0, 0], sizes = [1, 1000, 1], strides = [1, 1, 1]} : vector<2x1000x128xf32> to vector<1x1000x1xf32>
    %squeeze3A_4 = vector.shape_cast %slice3A_3 : vector<1x1000x1xf32> to vector<1000xf32>
    %add3A = arith.addf %squeeze3A, %squeeze3A_4 : vector<1000xf32>
    %sub3A = arith.constant 1.000000e+00 : f32
    %sub3A_5 = vector.broadcast %sub3A : f32 to vector<1000xf32>
    %sub3A_6 = arith.subf %add3A, %sub3A_5 : vector<1000xf32>
    %rsqrt3A = math.rsqrt %sub3A_6 : vector<1000xf32>
    %get3A_7 = arith.constant 0 : index
    %get3A_8 = arith.constant 0 : index
    %get3A_9 = arith.constant 0 : index
    %get3A_10 = vector.load %arg1[%get3A_7, %get3A_8, %get3A_9] : memref<2x1000x128xf32, #tpu.memory_space<vmem>>, vector<2x1000x128xf32>
    %reduce_sum3A = arith.constant dense<0.000000e+00> : vector<1000x128xf32>
    %reduce_sum3A_11 = vector.multi_reduction <add>, %get3A_10, %reduce_sum3A [0] : vector<2x1000x128xf32> to vector<1000x128xf32>
    %broadcast_in_dim3A = vector.shape_cast %rsqrt3A : vector<1000xf32> to vector<1000x1xf32>
    %get3A_12 = arith.constant 0 : index
    %get3A_13 = arith.constant 0 : index
    %get3A_14 = vector.load %arg2[%get3A_12, %get3A_13] : memref<1000x128xf32, #tpu.memory_space<vmem>>, vector<1000x128xf32>
    %add3A_15 = arith.addf %reduce_sum3A_11, %get3A_14 : vector<1000x128xf32>
    %mul3A = vector.broadcast %broadcast_in_dim3A : vector<1000x1xf32> to vector<1000x128xf32>
    %mul3A_16 = arith.mulf %mul3A, %add3A_15 : vector<1000x128xf32>
    %get3A_17 = arith.constant 0 : index
    %get3A_18 = arith.constant 0 : index
    %get3A_19 = vector.load %arg4[%get3A_17, %get3A_18] : memref<1x128xf32, #tpu.memory_space<vmem>>, vector<1x128xf32>
    %add3A_20 = vector.broadcast %get3A_19 : vector<1x128xf32> to vector<1000x128xf32>
    %add3A_21 = arith.addf %mul3A_16, %add3A_20 : vector<1000x128xf32>
    %iota3A = tpu.iota {dimensions = array<i32: 1>} : vector<1000x128xi32>
    %lt3A = arith.constant 40 : i32
    %lt3A_22 = vector.broadcast %lt3A : i32 to vector<1000x128xi32>
    %lt3A_23 = arith.cmpi slt, %iota3A, %lt3A_22 : vector<1000x128xi32>
    %jit3A = arith.constant -1.000000e+30 : f32
    %broadcast_in_dim3A_24 = vector.broadcast %jit3A : f32 to vector<1000x128xf32>
    %select_n3A = arith.select %lt3A_23, %add3A_21, %broadcast_in_dim3A_24 : vector<1000x128xi1>, vector<1000x128xf32>
    %reduce_max3A = arith.constant dense<0xFF800000> : vector<1000xf32>
    %reduce_max3A_25 = vector.multi_reduction <maximumf>, %select_n3A, %reduce_max3A [1] : vector<1000x128xf32> to vector<1000xf32>
    %broadcast_in_dim3A_26 = vector.shape_cast %reduce_max3A_25 : vector<1000xf32> to vector<1000x1xf32>
    %sub3A_27 = vector.broadcast %broadcast_in_dim3A_26 : vector<1000x1xf32> to vector<1000x128xf32>
    %sub3A_28 = arith.subf %select_n3A, %sub3A_27 : vector<1000x128xf32>
    %exp3A = math.exp %sub3A_28 : vector<1000x128xf32>
    %jit3A_29 = arith.constant 0.000000e+00 : f32
    %broadcast_in_dim3A_30 = vector.broadcast %jit3A_29 : f32 to vector<1000x128xf32>
    %select_n3A_31 = arith.select %lt3A_23, %exp3A, %broadcast_in_dim3A_30 : vector<1000x128xi1>, vector<1000x128xf32>
    %reduce_sum3A_32 = arith.constant dense<0.000000e+00> : vector<1000xf32>
    %reduce_sum3A_33 = vector.multi_reduction <add>, %select_n3A_31, %reduce_sum3A_32 [1] : vector<1000x128xf32> to vector<1000xf32>
    %broadcast_in_dim3A_34 = vector.shape_cast %reduce_sum3A_33 : vector<1000xf32> to vector<1000x1xf32>
    %log3A = math.log %broadcast_in_dim3A_34 : vector<1000x1xf32>
    %add3A_35 = arith.addf %log3A, %broadcast_in_dim3A_26 : vector<1000x1xf32>
    %sub3A_36 = vector.broadcast %add3A_35 : vector<1000x1xf32> to vector<1000x128xf32>
    %sub3A_37 = arith.subf %add3A_21, %sub3A_36 : vector<1000x128xf32>
    %swap3A = arith.constant 0 : index
    %swap3A_38 = arith.constant 0 : index
    %swap3A_39 = vector.load %arg5[%swap3A, %swap3A_38] : memref<1000x128xf32, #tpu.memory_space<vmem>>, vector<1000x128xf32>
    tpu.vector_store %arg5[%swap3A, %swap3A_38], %sub3A_37 {strides = array<i32>} : memref<1000x128xf32, #tpu.memory_space<vmem>>, vector<1000x128xf32>,
    return
  }
  func.func @transform_0(%arg0: i32) -> (i32, i32, i32) {
    %c0_i32 = arith.constant 0 : i32
    %c0_i32_0 = arith.constant 0 : i32
    %c0_i32_1 = arith.constant 0 : i32
    return %c0_i32, %arg0, %c0_i32_0 : i32, i32, i32
  }
  func.func @transform_1(%arg0: i32) -> (i32, i32) {
    %c0_i32 = arith.constant 0 : i32
    %c0_i32_0 = arith.constant 0 : i32
    return %arg0, %c0_i32 : i32, i32
  }
  func.func @transform_2(%arg0: i32) -> (i32, i32, i32) {
    %c0_i32 = arith.constant 0 : i32
    %c0_i32_0 = arith.constant 0 : i32
    %c0_i32_1 = arith.constant 0 : i32
    return %c0_i32, %arg0, %c0_i32_0 : i32, i32, i32
  }
  func.func @transform_3(%arg0: i32) -> (i32, i32) {
    %c0_i32 = arith.constant 0 : i32
    %c0_i32_0 = arith.constant 0 : i32
    %c0_i32_1 = arith.constant 0 : i32
    return %c0_i32, %c0_i32_0 : i32, i32
  }
  func.func @transform_4(%arg0: i32) -> (i32, i32) {
    %c0_i32 = arith.constant 0 : i32
    %c0_i32_0 = arith.constant 0 : i32
    return %arg0, %c0_i32 : i32, i32
  }
}

</mosaic_0001>

<sc_bundles>
// kernel: kernel.11.cloned.1.call-start
scs
__scs_entry_jumppad:
0x0: {  	(pc) =	sbr.rel $0x88, $3  }
0x1: {  	(tag) =	ssettag $0x0;
	lr =	simm.s32 $0x1  }
0x2: {  	[smem:$0x3F9B] =	sst lr;
	_ =	strace $0xD0000000  }
0x3: {  	_ = 	snop  }
0x4: {  	_ = 	snop  }
0x5: {  	_ = 	snop  }
0x6: {  	_ = 	snop  }
0x7: {  	_ = 	snop  }
__scs_overlays_trampoline_lowered:
0x8: {  	[smem:$0x3FAA] =	sst s0  }
0x9: {  	[smem:$0x3FAB] =	sst s1  }
0xa: {  	[smem:$0x3FAC] =	sst s2  }
0xb: {  	[smem:$0x3FAD] =	sst s3  }
0xc: {  	[smem:$0x3FAE] =	sst s4  }
0xd: {  	[smem:$0x3FAF] =	sst s5  }
0xe: {  	[smem:$0x3FB0] =	sst s6  }
0xf: {  	[smem:$0x3FB1] =	sst s7  }
0x10: {  	[smem:$0x3FB2] =	sst s8  }
0x11: {  	[smem:$0x3FB3] =	sst s9;
	s0 =	simm.s32 @!p0 $0x0  }
0x12: {  	s1 =	sld [smem:$0x3F99];
	s0 =	simm.s32 @p0 $0x1  }
0x13: {  	[smem:$0x3FB4] =	sst s0;
	s0 =	simm.s32 @!p1 $0x0  }
0x14: {  	s2 =	sld [smem:$0x3F98];
	s0 =	simm.s32 @p1 $0x1  }
0x15: {  	[smem:$0x3FB5] =	sst s0;
	s0 =	simm.s32 @!p2 $0x0  }
0x16: {  	s3 =	sld [smem:$0x3FDB];
	s0 =	simm.s32 @p2 $0x1  }
0x17: {  	s4 =	simm.s32 $0x1BF5;
	[smem:$0x3FB7] =	sst s0  }
0x18: {  	s0 =	sld [smem:$0x3F9A];
	_ =	swait.ge [sflag:s4], $0x0  }
0x19: {  	s7 =	sld [smem:$0x3F9B]  }
0x1a: {  	s8 =	sadd.s32 $0xFFFFE003, lr  }
0x1b: {  	s9 =	sadd.s32 $0xFFFFFEF7, lr;
	s5 =	simm.s32 $0xFFFFFFFF;
	p2 =	slt.u32 s8, $0xFFFFF086  }
0x1c: {  	p1 =	slt.u32 s9, $0xF7A;
	s5 =	simm.s32 @!p2 $0x0  }
0x1d: {  	s5 =	simm.s32 @p1 $0x1;
	p0 =	seq.s32 s7, s2  }
0x1e: {  	s7 =	smul.u32 @!p0 $0xF7A, s2;
	p2 =	seq.s32 @!p0 s5, $0x0  }
0x1f: {  	s9 =	smul.u32 $0xF7A, s1;
	s8 =	simm.s32 @!p0 $0x1BF5;
	p2 =	por !p2, p0  }
0x20: {  	[sflag:s8] =	ssyncset.s32 @!p0 $0xFFFFF086;
	s6 =	sadd.s32 @!p0 s3, s7;
	s7 =	simm.s32 @!p0 $0x108  }
0x21: {  	s3 =	sadd.s32 s3, s9;
	s6 =	sadd.s32 @!p0 $0x88, s6;
	s7 =	simm.s32 @p2 $0x1082  }
0x22: {  	[simem:s7], [sflag:s8] =	dma.local @!p0 [hbm:s6], $0xF7A  }
0x23: {  	s9 =	sor.u32 $0xD0000000, s2;
	s6 =	simm.s32 $0x108;
	_ =	swait.ge @!p0 [sflag:s8], $0x0  }
0x24: {  	s3 =	sadd.s32 $0x88, s3;
	s6 =	simm.s32 @!p1 $0x1082;
	[sflag:s4] =	ssyncset.s32 $0xFFFFF086  }
0x25: {  	[simem:s6], [sflag:s4] =	dma.local [hbm:s3], $0xF7A  }
0x26: {  	[smem:$0x3F9B] =	sst s1;
	(tag) =	ssettag s2;
	_ =	strace s9  }
0x27: {  	s1 =	sld [smem:$0x3FAB]  }
0x28: {  	s2 =	sld [smem:$0x3FAC]  }
0x29: {  	s4 =	sld [smem:$0x3FAE]  }
0x2a: {  	p0 =	seq.s32 s5, $0x0;
	s5 =	sld [smem:$0x3FAF]  }
0x2b: {  	s6 =	sld [smem:$0x3FB0]  }
0x2c: {  	s7 =	sld [smem:$0x3FB1]  }
0x2d: {  	s3 =	simm.s32 $0x108;
	s8 =	sld [smem:$0x3FB2]  }
0x2e: {  	s3 =	simm.s32 @!p0 $0x1082;
	s9 =	sld [smem:$0x3FB3]  }
0x2f: {  	lr =	sadd.s32 s0, s3;
	s0 =	sld [smem:$0x3FAA]  }
0x30: {  	s3 =	sld [smem:$0x3FAD]  }
0x31: {  	[smem:$0x3FB6] =	sst s10  }
0x32: {  	s10 =	sld [smem:$0x3FB4];
	_ =	sdelay $0x3  }
0x33: {  	p0 =	seq.s32 s10, $0x1;
	s10 =	sld [smem:$0x3FB6];
	_ =	sdelay $0x3  }
0x34: {  	[smem:$0x3FB6] =	sst s10  }
0x35: {  	s10 =	sld [smem:$0x3FB5];
	_ =	sdelay $0x3  }
0x36: {  	p1 =	seq.s32 s10, $0x1;
	s10 =	sld [smem:$0x3FB6];
	_ =	sdelay $0x3  }
0x37: {  	[smem:$0x3FB6] =	sst s10  }
0x38: {  	s10 =	sld [smem:$0x3FB7]  }
0x39: {  	_ = 	snop;
	(pc) =	sbr.ind lr, $3  }
0x3a: {  	_ = 	snop  }
0x3b: {  	_ = 	snop  }
0x3c: {  	p2 =	seq.s32 s10, $0x1;
	s10 =	sld [smem:$0x3FB6]  }
0x3d: {  	_ =	shalt  }
0x3e: {  	_ =	shalt  }
0x3f: {  	_ =	shalt  }
0x40: {  	_ =	shalt  }
0x41: {  	_ =	shalt  }
0x42: {  	_ =	shalt  }
0x43: {  	_ =	shalt  }
0x44: {  	_ =	shalt  }
0x45: {  	_ =	shalt  }
0x46: {  	_ =	shalt  }
0x47: {  	_ =	shalt  }
0x48: {  	_ =	shalt  }
0x49: {  	_ =	shalt  }
0x4a: {  	_ =	shalt  }
0x4b: {  	_ =	shalt  }
0x4c: {  	_ =	shalt  }
0x4d: {  	_ =	shalt  }
0x4e: {  	_ =	shalt  }
0x4f: {  	_ =	shalt  }
0x50: {  	_ =	shalt  }
0x51: {  	_ =	shalt  }
0x52: {  	_ =	shalt  }
0x53: {  	_ =	shalt  }
0x54: {  	_ =	shalt  }
0x55: {  	_ =	shalt  }
0x56: {  	_ =	shalt  }
0x57: {  	_ =	shalt  }
0x58: {  	_ =	shalt  }
0x59: {  	_ =	shalt  }
0x5a: {  	_ =	shalt  }
0x5b: {  	_ =	shalt  }
0x5c: {  	_ =	shalt  }
0x5d: {  	_ =	shalt  }
0x5e: {  	_ =	shalt  }
0x5f: {  	_ =	shalt  }
0x60: {  	_ =	shalt  }
0x61: {  	_ =	shalt  }
0x62: {  	_ =	shalt  }
0x63: {  	_ =	shalt  }
0x64: {  	_ =	shalt  }
0x65: {  	_ =	shalt  }
0x66: {  	_ =	shalt  }
0x67: {  	_ =	shalt  }
0x68: {  	_ =	shalt  }
0x69: {  	_ =	shalt  }
0x6a: {  	_ =	shalt  }
0x6b: {  	_ =	shalt  }
0x6c: {  	_ =	shalt  }
0x6d: {  	_ =	shalt  }
0x6e: {  	_ =	shalt  }
0x6f: {  	_ =	shalt  }
0x70: {  	_ =	shalt  }
0x71: {  	_ =	shalt  }
0x72: {  	_ =	shalt  }
0x73: {  	_ =	shalt  }
0x74: {  	_ =	shalt  }
0x75: {  	_ =	shalt  }
0x76: {  	_ =	shalt  }
0x77: {  	_ =	shalt  }
0x78: {  	_ =	shalt  }
0x79: {  	_ =	shalt  }
0x7a: {  	_ =	shalt  }
0x7b: {  	_ =	shalt  }
0x7c: {  	_ =	shalt  }
0x7d: {  	_ =	shalt  }
0x7e: {  	_ =	shalt  }
0x7f: {  	_ =	shalt  }
0x80: {  	_ =	shalt  }
0x81: {  	_ =	shalt  }
0x82: {  	_ =	shalt  }
0x83: {  	_ =	shalt  }
0x84: {  	_ =	shalt  }
0x85: {  	_ =	shalt  }
0x86: {  	_ =	shalt  }
0x87: {  	_ =	shalt  }
.Lfunc_end0:
.L_simem_size_0:
called_computation.1_lowered:
.L_overlay_start_0:
0x88: {  	s2 =	sld [smem:$0x3FD9]  }
0x89: {  	s3 =	sld [smem:$0x3FFE];
	_ =	sdelay $0x1  }
0x8a: {  	s1 =	srdreg.scid  }
0x8b: {  	s0 =	sand.u32 $0x1, s1  }
0x8c: {  	s17 =	sshll.u32 s0, $0xA;
	s2 =	sadd.s32 s3, s2  }
0x8d: {  	s2 =	sadd.s32 s2, s17  }
0x8e: {  	[smem:$0x3FC2] =	sst s2  }
0x8f: {  	_ = 	snop  }
0x90: {  	s2 =	sld [smem:$0x3FD0];
	(tm) =	ssettm $0x1  }
0x91: {  	s18 =	sld [smem:$0x3FFB];
	_ =	sdelay $0x3  }
0x92: {  	_ =	strace s18  }
0x93: {  	s3 =	sld [smem:$0x3FFC];
	_ =	sdelay $0x3  }
0x94: {  	_ =	strace s3  }
0x95: {  	s3 =	sld [smem:$0x3FFD];
	_ =	sdelay $0x3  }
0x96: {  	_ =	strace s3  }
0x97: {  	_ =	strace $0x8FFFFFFF  }
0x98: {  	s19 =	sld [smem:$0x3FDB];
	_ =	sdelay $0x1  }
0x99: {  	s4 =	simm.s32 $_scs_section_size  }
0x9a: {  	s5 =	simm.s32 $_size__tile_overlayer_lowered;
	s6 =	simm.s32 $_tile_overlayer_lowered  }
0x9b: {  	s22 =	simm.s32 $0x1BFF;
	s21 =	sshll.u32 s6, $0x1;
	s3 =	sadd.s32 s4, s19  }
0x9c: {  	s7 =	simm.s32 $0x0;
	s20 =	sshll.u32 s5, $0x1;
	s5 =	sadd.s32 s21, s3  }
0x9d: {  	[timem:s7], [sflag:s22] =	dma.local [hbm:s5], s20  }
0x9e: {  	_ =	swait.ge [sflag:s22], s20  }
0x9f: {  	s4 =	ssub.s32 $0x0, s20;
	[sflag:s22] =	ssyncset.done $0x0  }
0xa0: {  	[sflag:s22] =	ssyncadd.s32 s4;
	_ =	sdelay $0x1  }
0xa1: {  	s23 =	simm.s32 $0x1B8B  }
0xa2: {  	_ =	swait.ge [sflag:s23], $0x1  }
0xa3: {  	[sflag:s23] =	ssyncset.done $0x0  }
0xa4: {  	s25 =	simm.s32 $0x1B8E;
	s24 =	sld [smem:$0x3FFE];
	[sflag:s23] =	ssyncadd.s32 $0xFFFFFFFF  }
0xa5: {  	s26 =	simm.s32 $execute0_lowered;
	[smem:$0x3FD2] =	sst s25  }
0xa6: {  	s5 =	sshll.u32 s26, $0x1;
	_ =	strace $0x80000049;
	[dreg:$0x1] =	wrdreg $0xFFFFFFFF  }
0xa7: {  	s28 =	simm.s32 $_size_execute0_lowered;
	s3 =	sadd.s32 s3, s5;
	[dreg:$0x0] =	wrdreg $0x0  }
0xa8: {  	s5 =	sshll.u32 s28, $0x1;
	[dreg:$0x2] =	wrdreg s3  }
0xa9: {  	[dreg:$0x3] =	wrdreg s5  }
0xaa: {  	[dreg:$0x4] =	wrdreg $0xC0  }
0xab: {  	_ =	task [dreg:s7], $0x5FFFF  }
0xac: {  	[dreg:$0x1] =	wrdreg $0xFFFFFFFF  }
0xad: {  	[dreg:$0x0] =	wrdreg $0x60  }
0xae: {  	[dreg:$0x2] =	wrdreg s24  }
0xaf: {  	[dreg:$0x3] =	wrdreg s2  }
0xb0: {  	[dreg:$0x4] =	wrdreg $0xC2000  }
0xb1: {  	[dreg:$0x5] =	wrdreg $0x9  }
0xb2: {  	_ =	task.clear_ibuf [dreg:s7], $0x6FFFF;
	_ =	strace $0x90000049  }
0xb3: {  	s29 =	simm.s32 $0x9;
	_ =	strace $0x8000004B  }
0xb4: {  	_ =	swait.ge [sflag:s29], $0x1  }
0xb5: {  	[sflag:s29] =	ssyncadd.s32 $0xFFFFFFFF  }
0xb6: {  	_ =	strace $0x9000004B  }
0xb7: {  	_ =	sfence  }
0xb8: {  	s30 =	sld [smem:$0x0];
	_ =	sdelay $0x2  }
0xb9: {  	s31 =	sshll.u32 s1, $0xD;
	s1 =	sshrl.u32 s1, $0x2  }
0xba: {  	s3 =	sand.u32 $0x4000, s31;
	s1 =	sadd.s32 s1, s30  }
0xbb: {  	s0 =	sor.u32 s3, s0;
	s1 =	sshll.u32 s1, $0x11  }
0xbc: {  	s0 =	sor.u32 s1, s0  }
0xbd: {  	s0 =	sadd.s32 $0x8F2B, s0  }
0xbe: {  	[sflag:s0] =	ssyncadd.remote.s32 $0x1  }
0xbf: {  	_ =	sfence.sel $0xFFFF  }
0xc0: {  	[dreg:$0x0] =	wrdreg $0xFFFFFFFF;
	(pc) =	sbr.abs _section_cstart, $3  }
0xc1: {  	[dreg:$0x1] =	wrdreg $0xFFFFFFFF  }
0xc2: {  	_ =	task.clear_ibuf [dreg:s7], $0x2FFFF;
	_ =	strace $0x9FFFFFFF  }
0xc3: {  	(tm) =	ssettm $0x7FFFFFFF  }
tec
execute0_lowered:
.L_overlay_start_1:
0x0: {  	(tag) =	ssettag $0x1  }
0x1: {  	s5 =	rddreg [dreg:$0x0]  }
0x2: {  	s11 =	rddreg [dreg:$0x1]  }
0x3: {  	s1 =	rddreg [dreg:$0x2]  }
0x4: {  	s0 =	rddreg [dreg:$0x3];
	s2 =	simm.s32 $0x0  }
0x5: {  	s3 =	srdreg.scid;
	s16 =	simm.s32 $0x5000;
	s17 =	simm.s32 $0x5080  }
0x6: {  	s18 =	simm.s32 $0x8A00;
	s19 =	simm.s32 $0x1;
	s20 =	simm.s32 $0x5100  }
0x7: {  	s21 =	simm.s32 $0x2;
	[smem:$0x7FF] =	sst s2;
	s13 =	sand.u32 $0x1, s3  }
0x8: {  	s22 =	simm.s32 $0x5180;
	s3 =	stileid.u32;
	s6 =	smul.u32 $0x27800, s13  }
0x9: {  	s4 =	sadd.s32 $0x5CC00, s5;
	_ =	strace $0x8000004A;
	s7 =	smul.u32 $0x4F000, s3  }
0xa: {  	s30 =	ssub.s32 $0x2, s13;
	s8 =	smul.u32 $0x18, s3;
	p0 =	seq.s32 s13, $0x0  }
0xb: {  	s24 =	smul.u32 $0x2780, s3;
	s9 =	sshrl.u32 s30, $0x1;
	s12 =	sadd.s32 s6, s5  }
0xc: {  	s31 =	sshrl.u32 s7, $0x2;
	s7 =	smul.u32 $0xA0, s3;
	s10 =	sor.u32 $0xA00, s8  }
0xd: {  	s14 =	ssub.s32 s30, s9;
	s5 =	sadd.s32 s31, s1;
	s23 =	sadd.s32 $0x83E00, s12  }
.Ltmp0:
0xe: {  	s12 =	smax.u32 s14, $0x1;
	s14 =	simm.s32 $0x3;
	(pc) =	sbr.rel .LBB2_1-.Ltmp0, $4  }
0xf: {  	s6 =	sadd.s32 $0x3800, s5;
	s10 =	smov.u32 @p0 s7;
	s7 =	sadd.s32 $0x7000, s5  }
0x10: {  	s8 =	sadd.s32 $0xA800, s5;
	s9 =	sadd.s32 $0xE000, s5;
	p0 =	sne.s32 s13, $0x0  }
0x11: {  	s13 =	simm.s32 $0x5200;
	s23 =	sadd.s32 s24, s23;
	s15 =	sshll.u32 s10, $0x4  }
0x12: {  	v0 =	vimm.f32 $0.0e+00;
	s10 =	sadd.s32 $0x11800, s5;
	s11 =	sadd.s32 s11, s15;
	s15 =	simm.s32 $0x70  }
.LBB2_9:
0x13: {  	s24 =	sshra.s32 s24, $0x2;
	[sflag:s14] =	ssyncadd.s32 $0xFFFFC800  }
0x14: {  	v1 =	vld [tilespmem:s24+$0x0];
	_ =	sdelay $0x4  }
0x15: {  	v1 =	vand.u32 $0xFFFF, v1  }
0x16: {  	[tilespmem:$0x5000] =	vst v1  }
0x17: {  	v1 =	vld [tilespmem:s24+$0x10];
	_ =	sdelay $0x4  }
0x18: {  	v1 =	vand.u32 $0xFFFF, v1  }
0x19: {  	[tilespmem:$0x5010] =	vst v1  }
0x1a: {  	v1 =	vld [tilespmem:s24+$0x20];
	_ =	sdelay $0x4  }
0x1b: {  	v1 =	vand.u32 $0xFFFF, v1  }
0x1c: {  	[tilespmem:$0x5020] =	vst v1  }
0x1d: {  	v1 =	vld [tilespmem:s24+$0x30];
	_ =	sdelay $0x4  }
0x1e: {  	v1 =	vand.u32 $0xFFFF, v1  }
0x1f: {  	[tilespmem:$0x5030] =	vst v1  }
0x20: {  	v1 =	vld [tilespmem:s24+$0x40];
	_ =	sdelay $0x4  }
0x21: {  	v1 =	vand.u32 $0xFFFF, v1  }
0x22: {  	[tilespmem:$0x5040] =	vst v1  }
0x23: {  	v1 =	vld [tilespmem:s24+$0x50];
	_ =	sdelay $0x4  }
0x24: {  	v1 =	vand.u32 $0xFFFF, v1  }
0x25: {  	[tilespmem:$0x5050] =	vst v1  }
0x26: {  	v1 =	vld [tilespmem:s24+$0x60];
	_ =	sdelay $0x4  }
0x27: {  	v1 =	vand.u32 $0xFFFF, v1  }
0x28: {  	[tilespmem:$0x5060] =	vst v1  }
0x29: {  	v1 =	vld [tilespmem:s24+$0x0];
	_ =	sdelay $0x4  }
0x2a: {  	v1 =	vshrl.u32 v1, $0x10  }
0x2b: {  	[tilespmem:$0x5100] =	vst v1  }
0x2c: {  	v1 =	vld [tilespmem:s24+$0x10];
	_ =	sdelay $0x4  }
0x2d: {  	v1 =	vshrl.u32 v1, $0x10  }
0x2e: {  	[tilespmem:$0x5110] =	vst v1  }
0x2f: {  	v1 =	vld [tilespmem:s24+$0x20];
	_ =	sdelay $0x4  }
0x30: {  	v1 =	vshrl.u32 v1, $0x10  }
0x31: {  	[tilespmem:$0x5120] =	vst v1  }
0x32: {  	v1 =	vld [tilespmem:s24+$0x30];
	_ =	sdelay $0x4  }
0x33: {  	v1 =	vshrl.u32 v1, $0x10  }
0x34: {  	[tilespmem:$0x5130] =	vst v1  }
0x35: {  	v1 =	vld [tilespmem:s24+$0x40];
	_ =	sdelay $0x4  }
0x36: {  	v1 =	vshrl.u32 v1, $0x10  }
0x37: {  	[tilespmem:$0x5140] =	vst v1  }
0x38: {  	v1 =	vld [tilespmem:s24+$0x50];
	_ =	sdelay $0x4  }
0x39: {  	v1 =	vshrl.u32 v1, $0x10  }
0x3a: {  	[tilespmem:$0x5150] =	vst v1  }
0x3b: {  	v1 =	vld [tilespmem:s24+$0x60];
	_ =	sdelay $0x4  }
0x3c: {  	v1 =	vshrl.u32 v1, $0x10  }
0x3d: {  	[tilespmem:$0x5160] =	vst v1  }
0x3e: {  	[tilespmem:s13], [sflag:$0x1] =	stream.indirect.gather [hbm4b:s4+s15], $0x80, s16, s15, $0xb8;
	[tilespmem:$0x1FE00] =	vst v63  }
0x3f: {  	_ =	swait.ge [sflag:s19], $0x3800  }
0x40: {  	[sflag:s19] =	ssyncset.done $0x0  }
0x41: {  	[sflag:s19] =	ssyncadd.s32 $0xFFFFC800  }
0x42: {  	[spmem:s1] =	stream.indirect.scatter.add.f32 [tilespmem:s13], [sflag:$0x3], $0x80, s20, s15, $0xb8;
	[tilespmem:$0x1FE00] =	vst v63  }
0x43: {  	_ =	swait.ge [sflag:s14], $0x3800  }
0x44: {  	[sflag:s14] =	ssyncset.done $0x0  }
0x45: {  	[sflag:s14] =	ssyncadd.s32 $0xFFFFC800  }
.LBB2_10:
0x46: {  	s2 =	sadd.s32 $0x1, s2  }
0x47: {  	s24 =	sshll.u32 s3, $0x6;
	[bflag:$0x0] =	sbarrier.arrive $0xFFFF;
	p1 =	sne.s32 s2, s12  }
.Ltmp1:
0x48: {  	s25 =	sshrl.u32 s5, $0x3;
	s24 =	sor.u32 $0x1C03, s24;
	(pc) =	sbr.rel @!p1 .LBB2_11-.Ltmp1, $4  }
0x49: {  	[hbm:s23], [sflag:s24] =	dma.local [spmem:s25], $0x2780  }
0x4a: {  	_ =	swait.ge [sflag:s14], $0x2780  }
0x4b: {  	[sflag:s14] =	ssyncset.done $0x0  }
0x4c: {  	[sflag:s14] =	ssyncadd.s32 $0xFFFFD880  }
.LBB2_1:
0x4d: {  	s24 =	simm.s32 $0x0;
	s25 =	simm.s32 $0x200  }
.LBB2_2:
0x4e: {  	p1 =	sne.s32 s25, $0xDE00;
	[tilespmem:s24+$0x5270] =	vst v0  }
0x4f: {  	[tilespmem:s24+$0x5200] =	vst v0  }
0x50: {  	[tilespmem:s24+$0x5210] =	vst v0  }
.Ltmp2:
0x51: {  	[tilespmem:s24+$0x5220] =	vst v0;
	(pc) =	sbr.rel @p1 .LBB2_2-.Ltmp2, $4  }
0x52: {  	[tilespmem:s24+$0x5230] =	vst v0  }
0x53: {  	[tilespmem:s24+$0x5240] =	vst v0  }
0x54: {  	[tilespmem:s24+$0x5250] =	vst v0  }
0x55: {  	[tilespmem:s24+$0x5260] =	vst v0;
	s24 =	sshra.s32 s25, $0x2;
	s25 =	sadd.s32 $0x200, s25  }
0x56: {  	[tilespmem:s24+$0x5270] =	vst v0  }
0x57: {  	[tilespmem:s24+$0x5200] =	vst v0  }
0x58: {  	[tilespmem:s24+$0x5210] =	vst v0  }
0x59: {  	[tilespmem:s24+$0x5220] =	vst v0  }
0x5a: {  	[tilespmem:s24+$0x5230] =	vst v0  }
0x5b: {  	[tilespmem:s24+$0x5240] =	vst v0  }
0x5c: {  	[tilespmem:s24+$0x5250] =	vst v0  }
0x5d: {  	[tilespmem:s24+$0x5260] =	vst v0  }
0x5e: {  	[spmem:s5] =	stream.linear.scatter [tilespmem:s13], [sflag:$0x3], $0x3800, $0x38;
	[tilespmem:$0x1FE00] =	vst v63  }
0x5f: {  	_ =	swait.ge [sflag:s14], $0x3800  }
0x60: {  	[sflag:s14] =	ssyncset.done $0x0  }
0x61: {  	[sflag:s14] =	ssyncadd.s32 $0xFFFFC800  }
0x62: {  	[spmem:s6] =	stream.linear.scatter [tilespmem:s13], [sflag:$0x3], $0x3800, $0x38;
	[tilespmem:$0x1FE00] =	vst v63  }
0x63: {  	_ =	swait.ge [sflag:s14], $0x3800  }
0x64: {  	[sflag:s14] =	ssyncset.done $0x0  }
0x65: {  	[sflag:s14] =	ssyncadd.s32 $0xFFFFC800  }
0x66: {  	[spmem:s7] =	stream.linear.scatter [tilespmem:s13], [sflag:$0x3], $0x3800, $0x38;
	[tilespmem:$0x1FE00] =	vst v63  }
0x67: {  	_ =	swait.ge [sflag:s14], $0x3800  }
0x68: {  	[sflag:s14] =	ssyncset.done $0x0  }
0x69: {  	[sflag:s14] =	ssyncadd.s32 $0xFFFFC800  }
0x6a: {  	[spmem:s8] =	stream.linear.scatter [tilespmem:s13], [sflag:$0x3], $0x3800, $0x38;
	[tilespmem:$0x1FE00] =	vst v63  }
0x6b: {  	_ =	swait.ge [sflag:s14], $0x3800  }
0x6c: {  	[sflag:s14] =	ssyncset.done $0x0  }
0x6d: {  	[sflag:s14] =	ssyncadd.s32 $0xFFFFC800  }
0x6e: {  	[spmem:s9] =	stream.linear.scatter [tilespmem:s13], [sflag:$0x3], $0x3800, $0x38;
	[tilespmem:$0x1FE00] =	vst v63  }
0x6f: {  	_ =	swait.ge [sflag:s14], $0x3800  }
0x70: {  	[sflag:s14] =	ssyncset.done $0x0  }
0x71: {  	[sflag:s14] =	ssyncadd.s32 $0xFFFFC800  }
0x72: {  	[spmem:s10] =	stream.linear.scatter [tilespmem:s13], [sflag:$0x3], $0x2400, $0x38;
	[tilespmem:$0x1FE00] =	vst v63  }
0x73: {  	_ =	swait.ge [sflag:s14], $0x2400  }
0x74: {  	[sflag:s14] =	ssyncset.done $0x0  }
0x75: {  	s31 =	simm.s32 $0x0;
	[sflag:s14] =	ssyncadd.s32 $0xFFFFDC00  }
0x76: {  	[tilespmem:s31], [sflag:$0x3] =	stream.linear.gather [hbm4b:s11+s31], $0x5000, $0x38;
	[tilespmem:$0x1FE00] =	vst v63  }
.Ltmp3:
0x77: {  	_ =	swait.ge [sflag:s14], $0x5000;
	(pc) =	sbr.rel @p0 .LBB2_7-.Ltmp3, $3  }
0x78: {  	[sflag:s14] =	ssyncset.done $0x0  }
0x79: {  	[sflag:s14] =	ssyncadd.s32 $0xFFFFB000  }
0x7a: {  	[bflag:$0x0] =	sbarrier.arrive $0xFFFF;
	_ =	sdelay $0x1  }
0x7b: {  	v1 =	vld [tilespmem:$0x0]  }
0x7c: {  	v2 =	vld [tilespmem:$0x10]  }
0x7d: {  	v3 =	vld [tilespmem:$0x20]  }
0x7e: {  	v4 =	vld [tilespmem:$0x30]  }
0x7f: {  	v5 =	vld [tilespmem:$0x40]  }
0x80: {  	v6 =	vld [tilespmem:$0x50];
	v1 =	vand.u32 $0xFFFF, v1  }
0x81: {  	[tilespmem:$0x5000] =	vst v1;
	v1 =	vand.u32 $0xFFFF, v2;
	v2 =	vld [tilespmem:$0x60]  }
0x82: {  	[tilespmem:$0x5010] =	vst v1;
	v1 =	vand.u32 $0xFFFF, v3;
	v3 =	vld [tilespmem:$0x0]  }
0x83: {  	v53 =	vld [tilespmem:$0x10];
	[tilespmem:$0x5020] =	vst v1;
	v1 =	vand.u32 $0xFFFF, v4  }
0x84: {  	v54 =	vld [tilespmem:$0x20];
	[tilespmem:$0x5030] =	vst v1;
	v1 =	vand.u32 $0xFFFF, v5  }
0x85: {  	v55 =	vld [tilespmem:$0x30];
	[tilespmem:$0x5040] =	vst v1;
	v1 =	vand.u32 $0xFFFF, v6  }
0x86: {  	[tilespmem:$0x5050] =	vst v1;
	v1 =	vand.u32 $0xFFFF, v2;
	v2 =	vld [tilespmem:$0x40]  }
0x87: {  	[tilespmem:$0x5060] =	vst v1;
	v1 =	vshrl.u32 v3, $0x10;
	v3 =	vld [tilespmem:$0x50]  }
0x88: {  	v56 =	vld [tilespmem:$0x60];
	[tilespmem:$0x5100] =	vst v1;
	v1 =	vshrl.u32 v53, $0x10  }
0x89: {  	[tilespmem:$0x5110] =	vst v1;
	v1 =	vshrl.u32 v54, $0x10  }
0x8a: {  	[tilespmem:$0x5120] =	vst v1;
	v1 =	vshrl.u32 v55, $0x10  }
0x8b: {  	[tilespmem:$0x5130] =	vst v1;
	v1 =	vshrl.u32 v2, $0x10  }
0x8c: {  	[tilespmem:$0x5140] =	vst v1;
	v1 =	vshrl.u32 v3, $0x10  }
0x8d: {  	[tilespmem:$0x5150] =	vst v1;
	v1 =	vshrl.u32 v56, $0x10  }
0x8e: {  	[tilespmem:$0x5160] =	vst v1  }
0x8f: {  	[tilespmem:s13], [sflag:$0x1] =	stream.indirect.gather [hbm4b:s4+s15], $0x80, s16, s15, $0xb8;
	[tilespmem:$0x1FE00] =	vst v63  }
0x90: {  	v1 =	vld [tilespmem:$0x80]  }
0x91: {  	v2 =	vld [tilespmem:$0x90]  }
0x92: {  	v3 =	vld [tilespmem:$0xA0]  }
0x93: {  	v57 =	vld [tilespmem:$0xB0]  }
0x94: {  	v58 =	vld [tilespmem:$0xC0]  }
0x95: {  	v59 =	vld [tilespmem:$0xD0];
	v1 =	vand.u32 $0xFFFF, v1  }
0x96: {  	[tilespmem:$0x5080] =	vst v1;
	v1 =	vand.u32 $0xFFFF, v2;
	v2 =	vld [tilespmem:$0xE0]  }
0x97: {  	[tilespmem:$0x5090] =	vst v1;
	v1 =	vand.u32 $0xFFFF, v3;
	v3 =	vld [tilespmem:$0x80]  }
0x98: {  	v60 =	vld [tilespmem:$0x90];
	[tilespmem:$0x50A0] =	vst v1;
	v1 =	vand.u32 $0xFFFF, v57  }
0x99: {  	v61 =	vld [tilespmem:$0xA0];
	[tilespmem:$0x50B0] =	vst v1;
	v1 =	vand.u32 $0xFFFF, v58  }
0x9a: {  	v62 =	vld [tilespmem:$0xB0];
	[tilespmem:$0x50C0] =	vst v1;
	v1 =	vand.u32 $0xFFFF, v59  }
0x9b: {  	[tilespmem:$0x50D0] =	vst v1;
	v1 =	vand.u32 $0xFFFF, v2;
	v2 =	vld [tilespmem:$0xC0]  }
0x9c: {  	[tilespmem:$0x50E0] =	vst v1;
	v1 =	vshrl.u32 v3, $0x10;
	v3 =	vld [tilespmem:$0xD0]  }
0x9d: {  	v63 =	vld [tilespmem:$0xE0];
	[tilespmem:$0x5180] =	vst v1;
	v1 =	vshrl.u32 v60, $0x10  }
0x9e: {  	[tilespmem:$0x5190] =	vst v1;
	v1 =	vshrl.u32 v61, $0x10  }
0x9f: {  	[tilespmem:$0x51A0] =	vst v1;
	v1 =	vshrl.u32 v62, $0x10  }
0xa0: {  	[tilespmem:$0x51B0] =	vst v1;
	v1 =	vshrl.u32 v2, $0x10  }
0xa1: {  	[tilespmem:$0x51C0] =	vst v1;
	v1 =	vshrl.u32 v3, $0x10  }
0xa2: {  	[tilespmem:$0x51D0] =	vst v1;
	v1 =	vshrl.u32 v63, $0x10  }
0xa3: {  	[tilespmem:$0x51E0] =	vst v1  }
0xa4: {  	[tilespmem:s18], [sflag:$0x2] =	stream.indirect.gather [hbm4b:s4+s15], $0x80, s17, s15, $0xb8;
	[tilespmem:$0x1FE00] =	vst v63  }
0xa5: {  	_ =	swait.ge [sflag:s19], $0x3800  }
0xa6: {  	[sflag:s19] =	ssyncset.done $0x0  }
0xa7: {  	[sflag:s19] =	ssyncadd.s32 $0xFFFFC800  }
0xa8: {  	[spmem:s1] =	stream.indirect.scatter.add.f32 [tilespmem:s13], [sflag:$0x3], $0x80, s20, s15, $0xb8;
	[tilespmem:$0x1FE00] =	vst v63  }
0xa9: {  	_ =	swait.ge [sflag:s14], $0x3800  }
0xaa: {  	[sflag:s14] =	ssyncset.done $0x0  }
0xab: {  	s24 =	simm.s32 $0x1E0;
	[sflag:s14] =	ssyncadd.s32 $0xFFFFC800  }
0xac: {  	v1 =	vld [tilespmem:s24+$0xFFFFFF20];
	_ =	sdelay $0x4  }
0xad: {  	v1 =	vand.u32 $0xFFFF, v1  }
0xae: {  	[tilespmem:$0x5000] =	vst v1  }
0xaf: {  	v1 =	vld [tilespmem:s24+$0xFFFFFF30];
	_ =	sdelay $0x4  }
0xb0: {  	v1 =	vand.u32 $0xFFFF, v1  }
0xb1: {  	[tilespmem:$0x5010] =	vst v1  }
0xb2: {  	v1 =	vld [tilespmem:s24+$0xFFFFFF40];
	_ =	sdelay $0x4  }
0xb3: {  	v1 =	vand.u32 $0xFFFF, v1  }
0xb4: {  	[tilespmem:$0x5020] =	vst v1  }
0xb5: {  	v1 =	vld [tilespmem:s24+$0xFFFFFF50];
	_ =	sdelay $0x4  }
0xb6: {  	v1 =	vand.u32 $0xFFFF, v1  }
0xb7: {  	[tilespmem:$0x5030] =	vst v1  }
0xb8: {  	v1 =	vld [tilespmem:s24+$0xFFFFFF60];
	_ =	sdelay $0x4  }
0xb9: {  	v1 =	vand.u32 $0xFFFF, v1  }
0xba: {  	[tilespmem:$0x5040] =	vst v1  }
0xbb: {  	v1 =	vld [tilespmem:s24+$0xFFFFFF70];
	_ =	sdelay $0x4  }
0xbc: {  	v1 =	vand.u32 $0xFFFF, v1  }
0xbd: {  	[tilespmem:$0x5050] =	vst v1  }
0xbe: {  	v1 =	vld [tilespmem:s24+$0xFFFFFF80];
	_ =	sdelay $0x4  }
0xbf: {  	v1 =	vand.u32 $0xFFFF, v1  }
0xc0: {  	[tilespmem:$0x5060] =	vst v1  }
0xc1: {  	v1 =	vld [tilespmem:s24+$0xFFFFFF20];
	_ =	sdelay $0x4  }
0xc2: {  	v1 =	vshrl.u32 v1, $0x10  }
0xc3: {  	[tilespmem:$0x5100] =	vst v1  }
0xc4: {  	v1 =	vld [tilespmem:s24+$0xFFFFFF30];
	_ =	sdelay $0x4  }
0xc5: {  	v1 =	vshrl.u32 v1, $0x10  }
0xc6: {  	[tilespmem:$0x5110] =	vst v1  }
0xc7: {  	v1 =	vld [tilespmem:s24+$0xFFFFFF40];
	_ =	sdelay $0x4  }
0xc8: {  	v1 =	vshrl.u32 v1, $0x10  }
0xc9: {  	[tilespmem:$0x5120] =	vst v1  }
0xca: {  	v1 =	vld [tilespmem:s24+$0xFFFFFF50];
	_ =	sdelay $0x4  }
0xcb: {  	v1 =	vshrl.u32 v1, $0x10  }
0xcc: {  	[tilespmem:$0x5130] =	vst v1  }
0xcd: {  	v1 =	vld [tilespmem:s24+$0xFFFFFF60];
	_ =	sdelay $0x4  }
0xce: {  	v1 =	vshrl.u32 v1, $0x10  }
0xcf: {  	[tilespmem:$0x5140] =	vst v1  }
0xd0: {  	v1 =	vld [tilespmem:s24+$0xFFFFFF70];
	_ =	sdelay $0x4  }
0xd1: {  	v1 =	vshrl.u32 v1, $0x10  }
0xd2: {  	[tilespmem:$0x5150] =	vst v1  }
0xd3: {  	v1 =	vld [tilespmem:s24+$0xFFFFFF80];
	_ =	sdelay $0x4  }
0xd4: {  	v1 =	vshrl.u32 v1, $0x10  }
0xd5: {  	[tilespmem:$0x5160] =	vst v1  }
0xd6: {  	[tilespmem:s13], [sflag:$0x1] =	stream.indirect.gather [hbm4b:s4+s15], $0x80, s16, s15, $0xb8;
	[tilespmem:$0x1FE00] =	vst v63  }
0xd7: {  	_ =	swait.ge [sflag:s21], $0x3800  }
0xd8: {  	[sflag:s21] =	ssyncset.done $0x0  }
0xd9: {  	[sflag:s21] =	ssyncadd.s32 $0xFFFFC800  }
0xda: {  	[spmem:s1] =	stream.indirect.scatter.add.f32 [tilespmem:s18], [sflag:$0x3], $0x80, s22, s15, $0xb8;
	[tilespmem:$0x1FE00] =	vst v63  }
0xdb: {  	_ =	swait.ge [sflag:s14], $0x3800  }
0xdc: {  	[sflag:s14] =	ssyncset.done $0x0  }
0xdd: {  	[sflag:s14] =	ssyncadd.s32 $0xFFFFC800  }
0xde: {  	v1 =	vld [tilespmem:s24+$0xFFFFFFA0];
	_ =	sdelay $0x4  }
0xdf: {  	v1 =	vand.u32 $0xFFFF, v1  }
0xe0: {  	[tilespmem:$0x5080] =	vst v1  }
0xe1: {  	v1 =	vld [tilespmem:s24+$0xFFFFFFB0];
	_ =	sdelay $0x4  }
0xe2: {  	v1 =	vand.u32 $0xFFFF, v1  }
0xe3: {  	[tilespmem:$0x5090] =	vst v1  }
0xe4: {  	v1 =	vld [tilespmem:s24+$0xFFFFFFC0];
	_ =	sdelay $0x4  }
0xe5: {  	v1 =	vand.u32 $0xFFFF, v1  }
0xe6: {  	[tilespmem:$0x50A0] =	vst v1  }
0xe7: {  	v1 =	vld [tilespmem:s24+$0xFFFFFFD0];
	_ =	sdelay $0x4  }
0xe8: {  	v1 =	vand.u32 $0xFFFF, v1  }
0xe9: {  	[tilespmem:$0x50B0] =	vst v1  }
0xea: {  	v1 =	vld [tilespmem:s24+$0xFFFFFFE0];
	_ =	sdelay $0x4  }
0xeb: {  	v1 =	vand.u32 $0xFFFF, v1  }
0xec: {  	[tilespmem:$0x50C0] =	vst v1  }
0xed: {  	v1 =	vld [tilespmem:s24+$0xFFFFFFF0];
	_ =	sdelay $0x4  }
0xee: {  	v1 =	vand.u32 $0xFFFF, v1  }
0xef: {  	[tilespmem:$0x50D0] =	vst v1  }
0xf0: {  	v1 =	vld [tilespmem:s24+$0x0];
	_ =	sdelay $0x4  }
0xf1: {  	v1 =	vand.u32 $0xFFFF, v1  }
0xf2: {  	[tilespmem:$0x50E0] =	vst v1  }
0xf3: {  	v1 =	vld [tilespmem:s24+$0xFFFFFFA0];
	_ =	sdelay $0x4  }
0xf4: {  	v1 =	vshrl.u32 v1, $0x10  }
0xf5: {  	[tilespmem:$0x5180] =	vst v1  }
0xf6: {  	v1 =	vld [tilespmem:s24+$0xFFFFFFB0];
	_ =	sdelay $0x4  }
0xf7: {  	v1 =	vshrl.u32 v1, $0x10  }
0xf8: {  	[tilespmem:$0x5190] =	vst v1  }
0xf9: {  	v1 =	vld [tilespmem:s24+$0xFFFFFFC0];
	_ =	sdelay $0x4  }
0xfa: {  	v1 =	vshrl.u32 v1, $0x10  }
0xfb: {  	[tilespmem:$0x51A0] =	vst v1  }
0xfc: {  	v1 =	vld [tilespmem:s24+$0xFFFFFFD0];
	_ =	sdelay $0x4  }
0xfd: {  	v1 =	vshrl.u32 v1, $0x10  }
0xfe: {  	[tilespmem:$0x51B0] =	vst v1  }
0xff: {  	v1 =	vld [tilespmem:s24+$0xFFFFFFE0];
	_ =	sdelay $0x4  }
0x100: {  	v1 =	vshrl.u32 v1, $0x10  }
0x101: {  	[tilespmem:$0x51C0] =	vst v1  }
0x102: {  	v1 =	vld [tilespmem:s24+$0xFFFFFFF0];
	_ =	sdelay $0x4  }
0x103: {  	v1 =	vshrl.u32 v1, $0x10  }
0x104: {  	[tilespmem:$0x51D0] =	vst v1  }
0x105: {  	v1 =	vld [tilespmem:s24+$0x0];
	_ =	sdelay $0x4  }
0x106: {  	v1 =	vshrl.u32 v1, $0x10  }
0x107: {  	[tilespmem:$0x51E0] =	vst v1  }
0x108: {  	[tilespmem:s18], [sflag:$0x2] =	stream.indirect.gather [hbm4b:s4+s15], $0x80, s17, s15, $0xb8;
	[tilespmem:$0x1FE00] =	vst v63  }
0x109: {  	_ =	swait.ge [sflag:s19], $0x3800  }
0x10a: {  	[sflag:s19] =	ssyncset.done $0x0  }
0x10b: {  	[sflag:s19] =	ssyncadd.s32 $0xFFFFC800  }
0x10c: {  	[spmem:s1] =	stream.indirect.scatter.add.f32 [tilespmem:s13], [sflag:$0x3], $0x80, s20, s15, $0xb8;
	[tilespmem:$0x1FE00] =	vst v63  }
0x10d: {  	_ =	swait.ge [sflag:s14], $0x3800  }
0x10e: {  	s28 =	simm.s32 $0xF80;
	s24 =	simm.s32 $0xB80;
	[sflag:s14] =	ssyncset.done $0x0  }
.LBB2_5:
0x10f: {  	s26 =	sshra.s32 s24, $0x2  }
0x110: {  	[sflag:s14] =	ssyncadd.s32 $0xFFFFC800;
	s24 =	smov.u32 s28;
	s25 =	sadd.s32 $0x400, s28  }
0x111: {  	p1 =	seq.s32 s28, $0x13F80;
	v1 =	vld [tilespmem:s26+$0xFFFFFF20];
	_ =	sdelay $0x4  }
0x112: {  	v1 =	vand.u32 $0xFFFF, v1  }
0x113: {  	[tilespmem:$0x5000] =	vst v1  }
0x114: {  	v1 =	vld [tilespmem:s26+$0xFFFFFF30];
	_ =	sdelay $0x4  }
0x115: {  	v1 =	vand.u32 $0xFFFF, v1  }
0x116: {  	[tilespmem:$0x5010] =	vst v1  }
0x117: {  	v1 =	vld [tilespmem:s26+$0xFFFFFF40];
	_ =	sdelay $0x4  }
0x118: {  	v1 =	vand.u32 $0xFFFF, v1  }
0x119: {  	[tilespmem:$0x5020] =	vst v1  }
0x11a: {  	v1 =	vld [tilespmem:s26+$0xFFFFFF50];
	_ =	sdelay $0x4  }
0x11b: {  	v1 =	vand.u32 $0xFFFF, v1  }
0x11c: {  	[tilespmem:$0x5030] =	vst v1  }
0x11d: {  	v1 =	vld [tilespmem:s26+$0xFFFFFF60];
	_ =	sdelay $0x4  }
0x11e: {  	v1 =	vand.u32 $0xFFFF, v1  }
0x11f: {  	[tilespmem:$0x5040] =	vst v1  }
0x120: {  	v1 =	vld [tilespmem:s26+$0xFFFFFF70];
	_ =	sdelay $0x4  }
0x121: {  	v1 =	vand.u32 $0xFFFF, v1  }
0x122: {  	[tilespmem:$0x5050] =	vst v1  }
0x123: {  	v1 =	vld [tilespmem:s26+$0xFFFFFF80];
	_ =	sdelay $0x4  }
0x124: {  	v1 =	vand.u32 $0xFFFF, v1  }
0x125: {  	[tilespmem:$0x5060] =	vst v1  }
0x126: {  	v1 =	vld [tilespmem:s26+$0xFFFFFF20];
	_ =	sdelay $0x4  }
0x127: {  	v1 =	vshrl.u32 v1, $0x10  }
0x128: {  	[tilespmem:$0x5100] =	vst v1  }
0x129: {  	v1 =	vld [tilespmem:s26+$0xFFFFFF30];
	_ =	sdelay $0x4  }
0x12a: {  	v1 =	vshrl.u32 v1, $0x10  }
0x12b: {  	[tilespmem:$0x5110] =	vst v1  }
0x12c: {  	v1 =	vld [tilespmem:s26+$0xFFFFFF40];
	_ =	sdelay $0x4  }
0x12d: {  	v1 =	vshrl.u32 v1, $0x10  }
0x12e: {  	[tilespmem:$0x5120] =	vst v1  }
0x12f: {  	v1 =	vld [tilespmem:s26+$0xFFFFFF50];
	_ =	sdelay $0x4  }
0x130: {  	v1 =	vshrl.u32 v1, $0x10  }
0x131: {  	[tilespmem:$0x5130] =	vst v1  }
0x132: {  	v1 =	vld [tilespmem:s26+$0xFFFFFF60];
	_ =	sdelay $0x4  }
0x133: {  	v1 =	vshrl.u32 v1, $0x10  }
0x134: {  	[tilespmem:$0x5140] =	vst v1  }
0x135: {  	v1 =	vld [tilespmem:s26+$0xFFFFFF70];
	_ =	sdelay $0x4  }
0x136: {  	v1 =	vshrl.u32 v1, $0x10  }
0x137: {  	[tilespmem:$0x5150] =	vst v1  }
0x138: {  	v1 =	vld [tilespmem:s26+$0xFFFFFF80];
	_ =	sdelay $0x4  }
0x139: {  	v1 =	vshrl.u32 v1, $0x10  }
0x13a: {  	[tilespmem:$0x5160] =	vst v1  }
0x13b: {  	[tilespmem:s13], [sflag:$0x1] =	stream.indirect.gather [hbm4b:s4+s15], $0x80, s16, s15, $0xb8;
	[tilespmem:$0x1FE00] =	vst v63  }
0x13c: {  	_ =	swait.ge [sflag:s21], $0x3800  }
0x13d: {  	[sflag:s21] =	ssyncset.done $0x0  }
0x13e: {  	[sflag:s21] =	ssyncadd.s32 $0xFFFFC800  }
0x13f: {  	[spmem:s1] =	stream.indirect.scatter.add.f32 [tilespmem:s18], [sflag:$0x3], $0x80, s22, s15, $0xb8;
	[tilespmem:$0x1FE00] =	vst v63  }
0x140: {  	_ =	swait.ge [sflag:s14], $0x3800  }
0x141: {  	[sflag:s14] =	ssyncset.done $0x0  }
0x142: {  	[sflag:s14] =	ssyncadd.s32 $0xFFFFC800  }
0x143: {  	v1 =	vld [tilespmem:s26+$0xFFFFFFA0];
	_ =	sdelay $0x4  }
0x144: {  	v1 =	vand.u32 $0xFFFF, v1  }
0x145: {  	[tilespmem:$0x5080] =	vst v1  }
0x146: {  	v1 =	vld [tilespmem:s26+$0xFFFFFFB0];
	_ =	sdelay $0x4  }
0x147: {  	v1 =	vand.u32 $0xFFFF, v1  }
0x148: {  	[tilespmem:$0x5090] =	vst v1  }
0x149: {  	v1 =	vld [tilespmem:s26+$0xFFFFFFC0];
	_ =	sdelay $0x4  }
0x14a: {  	v1 =	vand.u32 $0xFFFF, v1  }
0x14b: {  	[tilespmem:$0x50A0] =	vst v1  }
0x14c: {  	v1 =	vld [tilespmem:s26+$0xFFFFFFD0];
	_ =	sdelay $0x4  }
0x14d: {  	v1 =	vand.u32 $0xFFFF, v1  }
0x14e: {  	[tilespmem:$0x50B0] =	vst v1  }
0x14f: {  	v1 =	vld [tilespmem:s26+$0xFFFFFFE0];
	_ =	sdelay $0x4  }
0x150: {  	v1 =	vand.u32 $0xFFFF, v1  }
0x151: {  	[tilespmem:$0x50C0] =	vst v1  }
0x152: {  	v1 =	vld [tilespmem:s26+$0xFFFFFFF0];
	_ =	sdelay $0x4  }
0x153: {  	v1 =	vand.u32 $0xFFFF, v1  }
0x154: {  	[tilespmem:$0x50D0] =	vst v1  }
0x155: {  	v1 =	vld [tilespmem:s26+$0x0];
	_ =	sdelay $0x4  }
0x156: {  	v1 =	vand.u32 $0xFFFF, v1  }
0x157: {  	[tilespmem:$0x50E0] =	vst v1  }
0x158: {  	v1 =	vld [tilespmem:s26+$0xFFFFFFA0];
	_ =	sdelay $0x4  }
0x159: {  	v1 =	vshrl.u32 v1, $0x10  }
0x15a: {  	[tilespmem:$0x5180] =	vst v1  }
0x15b: {  	v1 =	vld [tilespmem:s26+$0xFFFFFFB0];
	_ =	sdelay $0x4  }
0x15c: {  	v1 =	vshrl.u32 v1, $0x10  }
0x15d: {  	[tilespmem:$0x5190] =	vst v1  }
0x15e: {  	v1 =	vld [tilespmem:s26+$0xFFFFFFC0];
	_ =	sdelay $0x4  }
0x15f: {  	v1 =	vshrl.u32 v1, $0x10  }
0x160: {  	[tilespmem:$0x51A0] =	vst v1  }
0x161: {  	v1 =	vld [tilespmem:s26+$0xFFFFFFD0];
	_ =	sdelay $0x4  }
0x162: {  	v1 =	vshrl.u32 v1, $0x10  }
0x163: {  	[tilespmem:$0x51B0] =	vst v1  }
0x164: {  	v1 =	vld [tilespmem:s26+$0xFFFFFFE0];
	_ =	sdelay $0x4  }
0x165: {  	v1 =	vshrl.u32 v1, $0x10  }
0x166: {  	[tilespmem:$0x51C0] =	vst v1  }
0x167: {  	v1 =	vld [tilespmem:s26+$0xFFFFFFF0];
	_ =	sdelay $0x4  }
0x168: {  	v1 =	vshrl.u32 v1, $0x10  }
0x169: {  	[tilespmem:$0x51D0] =	vst v1  }
0x16a: {  	v1 =	vld [tilespmem:s26+$0x0];
	_ =	sdelay $0x4  }
0x16b: {  	v1 =	vshrl.u32 v1, $0x10  }
0x16c: {  	[tilespmem:$0x51E0] =	vst v1  }
0x16d: {  	[tilespmem:s18], [sflag:$0x2] =	stream.indirect.gather [hbm4b:s4+s15], $0x80, s17, s15, $0xb8;
	[tilespmem:$0x1FE00] =	vst v63  }
0x16e: {  	_ =	swait.ge [sflag:s19], $0x3800  }
.Ltmp4:
0x16f: {  	[sflag:s19] =	ssyncset.done $0x0;
	(pc) =	sbr.rel @!p1 .LBB2_5-.Ltmp4, $4  }
0x170: {  	[sflag:s19] =	ssyncadd.s32 $0xFFFFC800  }
0x171: {  	[spmem:s1] =	stream.indirect.scatter.add.f32 [tilespmem:s13], [sflag:$0x3], $0x80, s20, s15, $0xb8;
	[tilespmem:$0x1FE00] =	vst v63  }
0x172: {  	_ =	swait.ge [sflag:s14], $0x3800  }
0x173: {  	s28 =	smov.u32 s25;
	[sflag:s14] =	ssyncset.done $0x0  }
0x174: {  	s24 =	sshra.s32 s24, $0x2;
	[sflag:s14] =	ssyncadd.s32 $0xFFFFC800  }
0x175: {  	v1 =	vld [tilespmem:s24+$0xFFFFFF20];
	_ =	sdelay $0x4  }
0x176: {  	v1 =	vand.u32 $0xFFFF, v1  }
0x177: {  	[tilespmem:$0x5000] =	vst v1  }
0x178: {  	v1 =	vld [tilespmem:s24+$0xFFFFFF30];
	_ =	sdelay $0x4  }
0x179: {  	v1 =	vand.u32 $0xFFFF, v1  }
0x17a: {  	[tilespmem:$0x5010] =	vst v1  }
0x17b: {  	v1 =	vld [tilespmem:s24+$0xFFFFFF40];
	_ =	sdelay $0x4  }
0x17c: {  	v1 =	vand.u32 $0xFFFF, v1  }
0x17d: {  	[tilespmem:$0x5020] =	vst v1  }
0x17e: {  	v1 =	vld [tilespmem:s24+$0xFFFFFF50];
	_ =	sdelay $0x4  }
0x17f: {  	v1 =	vand.u32 $0xFFFF, v1  }
0x180: {  	[tilespmem:$0x5030] =	vst v1  }
0x181: {  	v1 =	vld [tilespmem:s24+$0xFFFFFF60];
	_ =	sdelay $0x4  }
0x182: {  	v1 =	vand.u32 $0xFFFF, v1  }
0x183: {  	[tilespmem:$0x5040] =	vst v1  }
0x184: {  	v1 =	vld [tilespmem:s24+$0xFFFFFF70];
	_ =	sdelay $0x4  }
0x185: {  	v1 =	vand.u32 $0xFFFF, v1  }
0x186: {  	[tilespmem:$0x5050] =	vst v1  }
0x187: {  	v1 =	vld [tilespmem:s24+$0xFFFFFF80];
	_ =	sdelay $0x4  }
0x188: {  	v1 =	vand.u32 $0xFFFF, v1  }
0x189: {  	[tilespmem:$0x5060] =	vst v1  }
0x18a: {  	v1 =	vld [tilespmem:s24+$0xFFFFFF20];
	_ =	sdelay $0x4  }
0x18b: {  	v1 =	vshrl.u32 v1, $0x10  }
0x18c: {  	[tilespmem:$0x5100] =	vst v1  }
0x18d: {  	v1 =	vld [tilespmem:s24+$0xFFFFFF30];
	_ =	sdelay $0x4  }
0x18e: {  	v1 =	vshrl.u32 v1, $0x10  }
0x18f: {  	[tilespmem:$0x5110] =	vst v1  }
0x190: {  	v1 =	vld [tilespmem:s24+$0xFFFFFF40];
	_ =	sdelay $0x4  }
0x191: {  	v1 =	vshrl.u32 v1, $0x10  }
0x192: {  	[tilespmem:$0x5120] =	vst v1  }
0x193: {  	v1 =	vld [tilespmem:s24+$0xFFFFFF50];
	_ =	sdelay $0x4  }
0x194: {  	v1 =	vshrl.u32 v1, $0x10  }
0x195: {  	[tilespmem:$0x5130] =	vst v1  }
0x196: {  	v1 =	vld [tilespmem:s24+$0xFFFFFF60];
	_ =	sdelay $0x4  }
0x197: {  	v1 =	vshrl.u32 v1, $0x10  }
0x198: {  	[tilespmem:$0x5140] =	vst v1  }
0x199: {  	v1 =	vld [tilespmem:s24+$0xFFFFFF70];
	_ =	sdelay $0x4  }
0x19a: {  	v1 =	vshrl.u32 v1, $0x10  }
0x19b: {  	[tilespmem:$0x5150] =	vst v1  }
0x19c: {  	v1 =	vld [tilespmem:s24+$0xFFFFFF80];
	_ =	sdelay $0x4  }
0x19d: {  	v1 =	vshrl.u32 v1, $0x10  }
0x19e: {  	[tilespmem:$0x5160] =	vst v1  }
0x19f: {  	[tilespmem:s13], [sflag:$0x1] =	stream.indirect.gather [hbm4b:s4+s15], $0x80, s16, s15, $0xb8;
	[tilespmem:$0x1FE00] =	vst v63  }
0x1a0: {  	_ =	swait.ge [sflag:s21], $0x3800  }
0x1a1: {  	[sflag:s21] =	ssyncset.done $0x0  }
0x1a2: {  	[sflag:s21] =	ssyncadd.s32 $0xFFFFC800  }
0x1a3: {  	[spmem:s1] =	stream.indirect.scatter.add.f32 [tilespmem:s18], [sflag:$0x3], $0x80, s22, s15, $0xb8;
	[tilespmem:$0x1FE00] =	vst v63  }
0x1a4: {  	_ =	swait.ge [sflag:s14], $0x3800  }
0x1a5: {  	[sflag:s14] =	ssyncset.done $0x0  }
0x1a6: {  	[sflag:s14] =	ssyncadd.s32 $0xFFFFC800  }
0x1a7: {  	v1 =	vld [tilespmem:s24+$0xFFFFFFA0];
	_ =	sdelay $0x4  }
0x1a8: {  	v1 =	vand.u32 $0xFFFF, v1  }
0x1a9: {  	[tilespmem:$0x5080] =	vst v1  }
0x1aa: {  	v1 =	vld [tilespmem:s24+$0xFFFFFFB0];
	_ =	sdelay $0x4  }
0x1ab: {  	v1 =	vand.u32 $0xFFFF, v1  }
0x1ac: {  	[tilespmem:$0x5090] =	vst v1  }
0x1ad: {  	v1 =	vld [tilespmem:s24+$0xFFFFFFC0];
	_ =	sdelay $0x4  }
0x1ae: {  	v1 =	vand.u32 $0xFFFF, v1  }
0x1af: {  	[tilespmem:$0x50A0] =	vst v1  }
0x1b0: {  	v1 =	vld [tilespmem:s24+$0xFFFFFFD0];
	_ =	sdelay $0x4  }
0x1b1: {  	v1 =	vand.u32 $0xFFFF, v1  }
0x1b2: {  	[tilespmem:$0x50B0] =	vst v1  }
0x1b3: {  	v1 =	vld [tilespmem:s24+$0xFFFFFFE0];
	_ =	sdelay $0x4  }
0x1b4: {  	v1 =	vand.u32 $0xFFFF, v1  }
0x1b5: {  	[tilespmem:$0x50C0] =	vst v1  }
0x1b6: {  	v1 =	vld [tilespmem:s24+$0xFFFFFFF0];
	_ =	sdelay $0x4  }
0x1b7: {  	v1 =	vand.u32 $0xFFFF, v1  }
0x1b8: {  	[tilespmem:$0x50D0] =	vst v1  }
0x1b9: {  	v1 =	vld [tilespmem:s24+$0x0];
	_ =	sdelay $0x4  }
0x1ba: {  	v1 =	vand.u32 $0xFFFF, v1  }
0x1bb: {  	[tilespmem:$0x50E0] =	vst v1  }
0x1bc: {  	v1 =	vld [tilespmem:s24+$0xFFFFFFA0];
	_ =	sdelay $0x4  }
0x1bd: {  	v1 =	vshrl.u32 v1, $0x10  }
0x1be: {  	[tilespmem:$0x5180] =	vst v1  }
0x1bf: {  	v1 =	vld [tilespmem:s24+$0xFFFFFFB0];
	_ =	sdelay $0x4  }
0x1c0: {  	v1 =	vshrl.u32 v1, $0x10  }
0x1c1: {  	[tilespmem:$0x5190] =	vst v1  }
0x1c2: {  	v1 =	vld [tilespmem:s24+$0xFFFFFFC0];
	_ =	sdelay $0x4  }
0x1c3: {  	v1 =	vshrl.u32 v1, $0x10  }
0x1c4: {  	[tilespmem:$0x51A0] =	vst v1  }
0x1c5: {  	v1 =	vld [tilespmem:s24+$0xFFFFFFD0];
	_ =	sdelay $0x4  }
0x1c6: {  	v1 =	vshrl.u32 v1, $0x10  }
0x1c7: {  	[tilespmem:$0x51B0] =	vst v1  }
0x1c8: {  	v1 =	vld [tilespmem:s24+$0xFFFFFFE0];
	_ =	sdelay $0x4  }
0x1c9: {  	v1 =	vshrl.u32 v1, $0x10  }
0x1ca: {  	[tilespmem:$0x51C0] =	vst v1  }
0x1cb: {  	v1 =	vld [tilespmem:s24+$0xFFFFFFF0];
	_ =	sdelay $0x4  }
0x1cc: {  	v1 =	vshrl.u32 v1, $0x10  }
0x1cd: {  	[tilespmem:$0x51D0] =	vst v1  }
0x1ce: {  	v1 =	vld [tilespmem:s24+$0x0];
	_ =	sdelay $0x4  }
0x1cf: {  	v1 =	vshrl.u32 v1, $0x10  }
0x1d0: {  	[tilespmem:$0x51E0] =	vst v1  }
0x1d1: {  	[tilespmem:s18], [sflag:$0x2] =	stream.indirect.gather [hbm4b:s4+s15], $0x80, s17, s15, $0xb8;
	[tilespmem:$0x1FE00] =	vst v63  }
0x1d2: {  	_ =	swait.ge [sflag:s19], $0x3800  }
0x1d3: {  	[sflag:s19] =	ssyncset.done $0x0  }
0x1d4: {  	[sflag:s19] =	ssyncadd.s32 $0xFFFFC800  }
0x1d5: {  	[spmem:s1] =	stream.indirect.scatter.add.f32 [tilespmem:s13], [sflag:$0x3], $0x80, s20, s15, $0xb8;
	[tilespmem:$0x1FE00] =	vst v63  }
0x1d6: {  	_ =	swait.ge [sflag:s14], $0x3800  }
0x1d7: {  	[sflag:s14] =	ssyncset.done $0x0  }
0x1d8: {  	[sflag:s14] =	ssyncadd.s32 $0xFFFFC800  }
0x1d9: {  	_ =	swait.ge [sflag:s21], $0x3800  }
0x1da: {  	[sflag:s21] =	ssyncset.done $0x0  }
.Ltmp5:
0x1db: {  	[sflag:s21] =	ssyncadd.s32 $0xFFFFC800;
	(pc) =	sbr.rel .LBB2_10-.Ltmp5, $4  }
0x1dc: {  	[spmem:s1] =	stream.indirect.scatter.add.f32 [tilespmem:s18], [sflag:$0x3], $0x80, s22, s15, $0xb8;
	[tilespmem:$0x1FE00] =	vst v63  }
0x1dd: {  	_ =	swait.ge [sflag:s14], $0x3800  }
0x1de: {  	[sflag:s14] =	ssyncset.done $0x0  }
0x1df: {  	[sflag:s14] =	ssyncadd.s32 $0xFFFFC800  }
.LBB2_7:
0x1e0: {  	s24 =	simm.s32 $0x0  }
0x1e1: {  	v1 =	vld [tilespmem:s24+$0x0];
	_ =	sdelay $0x4  }
0x1e2: {  	v1 =	vand.u32 $0xFFFF, v1  }
0x1e3: {  	[tilespmem:$0x5000] =	vst v1  }
0x1e4: {  	v1 =	vld [tilespmem:s24+$0x10];
	_ =	sdelay $0x4  }
0x1e5: {  	v1 =	vand.u32 $0xFFFF, v1  }
0x1e6: {  	[tilespmem:$0x5010] =	vst v1  }
0x1e7: {  	v1 =	vld [tilespmem:s24+$0x20];
	_ =	sdelay $0x4  }
0x1e8: {  	v1 =	vand.u32 $0xFFFF, v1  }
0x1e9: {  	[tilespmem:$0x5020] =	vst v1  }
0x1ea: {  	v1 =	vld [tilespmem:s24+$0x30];
	_ =	sdelay $0x4  }
0x1eb: {  	v1 =	vand.u32 $0xFFFF, v1  }
0x1ec: {  	[tilespmem:$0x5030] =	vst v1  }
0x1ed: {  	v1 =	vld [tilespmem:s24+$0x40];
	_ =	sdelay $0x4  }
0x1ee: {  	v1 =	vand.u32 $0xFFFF, v1  }
0x1ef: {  	[tilespmem:$0x5040] =	vst v1  }
0x1f0: {  	v1 =	vld [tilespmem:s24+$0x50];
	_ =	sdelay $0x4  }
0x1f1: {  	v1 =	vand.u32 $0xFFFF, v1  }
0x1f2: {  	[tilespmem:$0x5050] =	vst v1  }
0x1f3: {  	v1 =	vld [tilespmem:s24+$0x60];
	_ =	sdelay $0x4  }
0x1f4: {  	v1 =	vand.u32 $0xFFFF, v1  }
0x1f5: {  	[tilespmem:$0x5060] =	vst v1  }
0x1f6: {  	v1 =	vld [tilespmem:s24+$0x0];
	_ =	sdelay $0x4  }
0x1f7: {  	v1 =	vshrl.u32 v1, $0x10  }
0x1f8: {  	[tilespmem:$0x5100] =	vst v1  }
0x1f9: {  	v1 =	vld [tilespmem:s24+$0x10];
	_ =	sdelay $0x4  }
0x1fa: {  	v1 =	vshrl.u32 v1, $0x10  }
0x1fb: {  	[tilespmem:$0x5110] =	vst v1  }
0x1fc: {  	v1 =	vld [tilespmem:s24+$0x20];
	_ =	sdelay $0x4  }
0x1fd: {  	v1 =	vshrl.u32 v1, $0x10  }
0x1fe: {  	[tilespmem:$0x5120] =	vst v1  }
0x1ff: {  	v1 =	vld [tilespmem:s24+$0x30];
	_ =	sdelay $0x4  }
0x200: {  	v1 =	vshrl.u32 v1, $0x10  }
0x201: {  	[tilespmem:$0x5130] =	vst v1  }
0x202: {  	v1 =	vld [tilespmem:s24+$0x40];
	_ =	sdelay $0x4  }
0x203: {  	v1 =	vshrl.u32 v1, $0x10  }
0x204: {  	[tilespmem:$0x5140] =	vst v1  }
0x205: {  	v1 =	vld [tilespmem:s24+$0x50];
	_ =	sdelay $0x4  }
0x206: {  	v1 =	vshrl.u32 v1, $0x10  }
0x207: {  	[tilespmem:$0x5150] =	vst v1  }
0x208: {  	v1 =	vld [tilespmem:s24+$0x60];
	_ =	sdelay $0x4  }
0x209: {  	v1 =	vshrl.u32 v1, $0x10  }
0x20a: {  	[tilespmem:$0x5160] =	vst v1  }
0x20b: {  	[tilespmem:s13], [sflag:$0x1] =	stream.indirect.gather [hbm4b:s4+s15], $0x80, s16, s15, $0xb8;
	[tilespmem:$0x1FE00] =	vst v63  }
0x20c: {  	_ =	swait.ge [sflag:s19], $0x3800  }
0x20d: {  	[sflag:s19] =	ssyncset.done $0x0  }
0x20e: {  	[sflag:s19] =	ssyncadd.s32 $0xFFFFC800  }
0x20f: {  	[spmem:s1] =	stream.indirect.scatter.add.f32 [tilespmem:s13], [sflag:$0x3], $0x80, s20, s15, $0xb8;
	[tilespmem:$0x1FE00] =	vst v63  }
0x210: {  	_ =	swait.ge [sflag:s14], $0x3800  }
0x211: {  	s28 =	simm.s32 $0x400;
	s24 =	simm.s32 $0x200;
	[sflag:s14] =	ssyncset.done $0x0  }
.LBB2_8:
0x212: {  	s26 =	sshra.s32 s24, $0x2  }
0x213: {  	[sflag:s14] =	ssyncadd.s32 $0xFFFFC800;
	s24 =	smov.u32 s28;
	s25 =	sadd.s32 $0x200, s28  }
0x214: {  	p1 =	seq.s32 s28, $0x2E00;
	v1 =	vld [tilespmem:s26+$0x0];
	_ =	sdelay $0x4  }
0x215: {  	v1 =	vand.u32 $0xFFFF, v1  }
0x216: {  	[tilespmem:$0x5000] =	vst v1  }
0x217: {  	v1 =	vld [tilespmem:s26+$0x10];
	_ =	sdelay $0x4  }
0x218: {  	v1 =	vand.u32 $0xFFFF, v1  }
0x219: {  	[tilespmem:$0x5010] =	vst v1  }
0x21a: {  	v1 =	vld [tilespmem:s26+$0x20];
	_ =	sdelay $0x4  }
0x21b: {  	v1 =	vand.u32 $0xFFFF, v1  }
0x21c: {  	[tilespmem:$0x5020] =	vst v1  }
0x21d: {  	v1 =	vld [tilespmem:s26+$0x30];
	_ =	sdelay $0x4  }
0x21e: {  	v1 =	vand.u32 $0xFFFF, v1  }
0x21f: {  	[tilespmem:$0x5030] =	vst v1  }
0x220: {  	v1 =	vld [tilespmem:s26+$0x40];
	_ =	sdelay $0x4  }
0x221: {  	v1 =	vand.u32 $0xFFFF, v1  }
0x222: {  	[tilespmem:$0x5040] =	vst v1  }
0x223: {  	v1 =	vld [tilespmem:s26+$0x50];
	_ =	sdelay $0x4  }
0x224: {  	v1 =	vand.u32 $0xFFFF, v1  }
0x225: {  	[tilespmem:$0x5050] =	vst v1  }
0x226: {  	v1 =	vld [tilespmem:s26+$0x60];
	_ =	sdelay $0x4  }
0x227: {  	v1 =	vand.u32 $0xFFFF, v1  }
0x228: {  	[tilespmem:$0x5060] =	vst v1  }
0x229: {  	v1 =	vld [tilespmem:s26+$0x0];
	_ =	sdelay $0x4  }
0x22a: {  	v1 =	vshrl.u32 v1, $0x10  }
0x22b: {  	[tilespmem:$0x5100] =	vst v1  }
0x22c: {  	v1 =	vld [tilespmem:s26+$0x10];
	_ =	sdelay $0x4  }
0x22d: {  	v1 =	vshrl.u32 v1, $0x10  }
0x22e: {  	[tilespmem:$0x5110] =	vst v1  }
0x22f: {  	v1 =	vld [tilespmem:s26+$0x20];
	_ =	sdelay $0x4  }
0x230: {  	v1 =	vshrl.u32 v1, $0x10  }
0x231: {  	[tilespmem:$0x5120] =	vst v1  }
0x232: {  	v1 =	vld [tilespmem:s26+$0x30];
	_ =	sdelay $0x4  }
0x233: {  	v1 =	vshrl.u32 v1, $0x10  }
0x234: {  	[tilespmem:$0x5130] =	vst v1  }
0x235: {  	v1 =	vld [tilespmem:s26+$0x40];
	_ =	sdelay $0x4  }
0x236: {  	v1 =	vshrl.u32 v1, $0x10  }
0x237: {  	[tilespmem:$0x5140] =	vst v1  }
0x238: {  	v1 =	vld [tilespmem:s26+$0x50];
	_ =	sdelay $0x4  }
0x239: {  	v1 =	vshrl.u32 v1, $0x10  }
0x23a: {  	[tilespmem:$0x5150] =	vst v1  }
0x23b: {  	v1 =	vld [tilespmem:s26+$0x60];
	_ =	sdelay $0x4  }
0x23c: {  	v1 =	vshrl.u32 v1, $0x10  }
0x23d: {  	[tilespmem:$0x5160] =	vst v1  }
0x23e: {  	[tilespmem:s13], [sflag:$0x1] =	stream.indirect.gather [hbm4b:s4+s15], $0x80, s16, s15, $0xb8;
	[tilespmem:$0x1FE00] =	vst v63  }
0x23f: {  	_ =	swait.ge [sflag:s19], $0x3800  }
.Ltmp6:
0x240: {  	[sflag:s19] =	ssyncset.done $0x0;
	(pc) =	sbr.rel @!p1 .LBB2_8-.Ltmp6, $4  }
0x241: {  	[sflag:s19] =	ssyncadd.s32 $0xFFFFC800  }
0x242: {  	[spmem:s1] =	stream.indirect.scatter.add.f32 [tilespmem:s13], [sflag:$0x3], $0x80, s20, s15, $0xb8;
	[tilespmem:$0x1FE00] =	vst v63  }
0x243: {  	_ =	swait.ge [sflag:s14], $0x3800  }
0x244: {  	s28 =	smov.u32 s25;
	[sflag:s14] =	ssyncset.done $0x0  }
.Ltmp7:
0x245: {  	_ = 	snop;
	(pc) =	sbr.rel .LBB2_9-.Ltmp7, $1  }
0x246: {  	_ =	sdelay $0x3  }
.LBB2_11:
0x247: {  	_ =	sfence.sel $0x180000  }
0x248: {  	[bflag:$0x0] =	sbarrier.arrive $0xFFFF  }
0x249: {  	p0 =	sne.s32 s3, $0x0;
	_ =	strace $0x9000004A  }
0x24a: {  	s0 =	sadd.s32 @!p0 $0x100000, s0;
	[bflag:$0x2] =	sbarrier.arrive $0xFFFF  }
0x24b: {  	[sflag:s0] =	ssyncadd.tile.s32 @!p0 $0x1;
	_ =	shalt  }
.Lfunc_end2:
_tile_overlayer_lowered:
.L_overlay_start_2:
0x24c: {  	(tag) =	ssettag $0x2  }
0x24d: {  	s0 =	rddreg [dreg:$0x0];
	s2 =	stileid.u32  }
0x24e: {  	s1 =	rddreg [dreg:$0x1];
	p0 =	sne.s32 s2, $0x0  }
0x24f: {  	s3 =	rddreg [dreg:$0x2];
	[bflag:$0x3] =	sbarrier.arrive $0xFFFF;
	s2 =	simm.s32 @!p0 $0x1C03  }
0x250: {  	[timem:s3], [sflag:s2] =	dma.local @!p0 [hbm:s0], s1  }
0x251: {  	s0 =	simm.s32 @!p0 $0x3  }
0x252: {  	_ =	swait.ge @!p0 [sflag:s0], s1  }
0x253: {  	s1 =	ssub.s32 @!p0 $0x0, s1;
	[sflag:s0] =	ssyncset.done @!p0 $0x0  }
0x254: {  	[sflag:s0] =	ssyncadd.s32 @!p0 s1  }
0x255: {  	[bflag:$0x3] =	sbarrier.arrive $0xFFFF  }
0x256: {  	_ =	shalt  }

// kernel: kernel.14.cloned.1.call-start
scs
__scs_entry_jumppad:
0x0: {  	(pc) =	sbr.rel $0x88, $3  }
0x1: {  	(tag) =	ssettag $0x0;
	lr =	simm.s32 $0x1  }
0x2: {  	[smem:$0x3F9B] =	sst lr;
	_ =	strace $0xD0000000  }
0x3: {  	_ = 	snop  }
0x4: {  	_ = 	snop  }
0x5: {  	_ = 	snop  }
0x6: {  	_ = 	snop  }
0x7: {  	_ = 	snop  }
__scs_overlays_trampoline_lowered:
0x8: {  	[smem:$0x3FAA] =	sst s0  }
0x9: {  	[smem:$0x3FAB] =	sst s1  }
0xa: {  	[smem:$0x3FAC] =	sst s2  }
0xb: {  	[smem:$0x3FAD] =	sst s3  }
0xc: {  	[smem:$0x3FAE] =	sst s4  }
0xd: {  	[smem:$0x3FAF] =	sst s5  }
0xe: {  	[smem:$0x3FB0] =	sst s6  }
0xf: {  	[smem:$0x3FB1] =	sst s7  }
0x10: {  	[smem:$0x3FB2] =	sst s8  }
0x11: {  	[smem:$0x3FB3] =	sst s9;
	s0 =	simm.s32 @!p0 $0x0  }
0x12: {  	s1 =	sld [smem:$0x3F99];
	s0 =	simm.s32 @p0 $0x1  }
0x13: {  	[smem:$0x3FB4] =	sst s0;
	s0 =	simm.s32 @!p1 $0x0  }
0x14: {  	s2 =	sld [smem:$0x3F98];
	s0 =	simm.s32 @p1 $0x1  }
0x15: {  	[smem:$0x3FB5] =	sst s0;
	s0 =	simm.s32 @!p2 $0x0  }
0x16: {  	s3 =	sld [smem:$0x3FDB];
	s0 =	simm.s32 @p2 $0x1  }
0x17: {  	s4 =	simm.s32 $0x1BF5;
	[smem:$0x3FB7] =	sst s0  }
0x18: {  	s0 =	sld [smem:$0x3F9A];
	_ =	swait.ge [sflag:s4], $0x0  }
0x19: {  	s7 =	sld [smem:$0x3F9B]  }
0x1a: {  	s8 =	sadd.s32 $0xFFFFE003, lr  }
0x1b: {  	s9 =	sadd.s32 $0xFFFFFEF7, lr;
	s5 =	simm.s32 $0xFFFFFFFF;
	p2 =	slt.u32 s8, $0xFFFFF086  }
0x1c: {  	p1 =	slt.u32 s9, $0xF7A;
	s5 =	simm.s32 @!p2 $0x0  }
0x1d: {  	s5 =	simm.s32 @p1 $0x1;
	p0 =	seq.s32 s7, s2  }
0x1e: {  	s7 =	smul.u32 @!p0 $0xF7A, s2;
	p2 =	seq.s32 @!p0 s5, $0x0  }
0x1f: {  	s9 =	smul.u32 $0xF7A, s1;
	s8 =	simm.s32 @!p0 $0x1BF5;
	p2 =	por !p2, p0  }
0x20: {  	[sflag:s8] =	ssyncset.s32 @!p0 $0xFFFFF086;
	s6 =	sadd.s32 @!p0 s3, s7;
	s7 =	simm.s32 @!p0 $0x108  }
0x21: {  	s3 =	sadd.s32 s3, s9;
	s6 =	sadd.s32 @!p0 $0x88, s6;
	s7 =	simm.s32 @p2 $0x1082  }
0x22: {  	[simem:s7], [sflag:s8] =	dma.local @!p0 [hbm:s6], $0xF7A  }
0x23: {  	s9 =	sor.u32 $0xD0000000, s2;
	s6 =	simm.s32 $0x108;
	_ =	swait.ge @!p0 [sflag:s8], $0x0  }
0x24: {  	s3 =	sadd.s32 $0x88, s3;
	s6 =	simm.s32 @!p1 $0x1082;
	[sflag:s4] =	ssyncset.s32 $0xFFFFF086  }
0x25: {  	[simem:s6], [sflag:s4] =	dma.local [hbm:s3], $0xF7A  }
0x26: {  	[smem:$0x3F9B] =	sst s1;
	(tag) =	ssettag s2;
	_ =	strace s9  }
0x27: {  	s1 =	sld [smem:$0x3FAB]  }
0x28: {  	s2 =	sld [smem:$0x3FAC]  }
0x29: {  	s4 =	sld [smem:$0x3FAE]  }
0x2a: {  	p0 =	seq.s32 s5, $0x0;
	s5 =	sld [smem:$0x3FAF]  }
0x2b: {  	s6 =	sld [smem:$0x3FB0]  }
0x2c: {  	s7 =	sld [smem:$0x3FB1]  }
0x2d: {  	s3 =	simm.s32 $0x108;
	s8 =	sld [smem:$0x3FB2]  }
0x2e: {  	s3 =	simm.s32 @!p0 $0x1082;
	s9 =	sld [smem:$0x3FB3]  }
0x2f: {  	lr =	sadd.s32 s0, s3;
	s0 =	sld [smem:$0x3FAA]  }
0x30: {  	s3 =	sld [smem:$0x3FAD]  }
0x31: {  	[smem:$0x3FB6] =	sst s10  }
0x32: {  	s10 =	sld [smem:$0x3FB4];
	_ =	sdelay $0x3  }
0x33: {  	p0 =	seq.s32 s10, $0x1;
	s10 =	sld [smem:$0x3FB6];
	_ =	sdelay $0x3  }
0x34: {  	[smem:$0x3FB6] =	sst s10  }
0x35: {  	s10 =	sld [smem:$0x3FB5];
	_ =	sdelay $0x3  }
0x36: {  	p1 =	seq.s32 s10, $0x1;
	s10 =	sld [smem:$0x3FB6];
	_ =	sdelay $0x3  }
0x37: {  	[smem:$0x3FB6] =	sst s10  }
0x38: {  	s10 =	sld [smem:$0x3FB7]  }
0x39: {  	_ = 	snop;
	(pc) =	sbr.ind lr, $3  }
0x3a: {  	_ = 	snop  }
0x3b: {  	_ = 	snop  }
0x3c: {  	p2 =	seq.s32 s10, $0x1;
	s10 =	sld [smem:$0x3FB6]  }
0x3d: {  	_ =	shalt  }
0x3e: {  	_ =	shalt  }
0x3f: {  	_ =	shalt  }
0x40: {  	_ =	shalt  }
0x41: {  	_ =	shalt  }
0x42: {  	_ =	shalt  }
0x43: {  	_ =	shalt  }
0x44: {  	_ =	shalt  }
0x45: {  	_ =	shalt  }
0x46: {  	_ =	shalt  }
0x47: {  	_ =	shalt  }
0x48: {  	_ =	shalt  }
0x49: {  	_ =	shalt  }
0x4a: {  	_ =	shalt  }
0x4b: {  	_ =	shalt  }
0x4c: {  	_ =	shalt  }
0x4d: {  	_ =	shalt  }
0x4e: {  	_ =	shalt  }
0x4f: {  	_ =	shalt  }
0x50: {  	_ =	shalt  }
0x51: {  	_ =	shalt  }
0x52: {  	_ =	shalt  }
0x53: {  	_ =	shalt  }
0x54: {  	_ =	shalt  }
0x55: {  	_ =	shalt  }
0x56: {  	_ =	shalt  }
0x57: {  	_ =	shalt  }
0x58: {  	_ =	shalt  }
0x59: {  	_ =	shalt  }
0x5a: {  	_ =	shalt  }
0x5b: {  	_ =	shalt  }
0x5c: {  	_ =	shalt  }
0x5d: {  	_ =	shalt  }
0x5e: {  	_ =	shalt  }
0x5f: {  	_ =	shalt  }
0x60: {  	_ =	shalt  }
0x61: {  	_ =	shalt  }
0x62: {  	_ =	shalt  }
0x63: {  	_ =	shalt  }
0x64: {  	_ =	shalt  }
0x65: {  	_ =	shalt  }
0x66: {  	_ =	shalt  }
0x67: {  	_ =	shalt  }
0x68: {  	_ =	shalt  }
0x69: {  	_ =	shalt  }
0x6a: {  	_ =	shalt  }
0x6b: {  	_ =	shalt  }
0x6c: {  	_ =	shalt  }
0x6d: {  	_ =	shalt  }
0x6e: {  	_ =	shalt  }
0x6f: {  	_ =	shalt  }
0x70: {  	_ =	shalt  }
0x71: {  	_ =	shalt  }
0x72: {  	_ =	shalt  }
0x73: {  	_ =	shalt  }
0x74: {  	_ =	shalt  }
0x75: {  	_ =	shalt  }
0x76: {  	_ =	shalt  }
0x77: {  	_ =	shalt  }
0x78: {  	_ =	shalt  }
0x79: {  	_ =	shalt  }
0x7a: {  	_ =	shalt  }
0x7b: {  	_ =	shalt  }
0x7c: {  	_ =	shalt  }
0x7d: {  	_ =	shalt  }
0x7e: {  	_ =	shalt  }
0x7f: {  	_ =	shalt  }
0x80: {  	_ =	shalt  }
0x81: {  	_ =	shalt  }
0x82: {  	_ =	shalt  }
0x83: {  	_ =	shalt  }
0x84: {  	_ =	shalt  }
0x85: {  	_ =	shalt  }
0x86: {  	_ =	shalt  }
0x87: {  	_ =	shalt  }
.Lfunc_end0:
.L_simem_size_0:
called_computation.2_lowered:
.L_overlay_start_0:
0x88: {  	s2 =	sld [smem:$0x3FD9]  }
0x89: {  	s3 =	sld [smem:$0x3FFE];
	_ =	sdelay $0x1  }
0x8a: {  	s1 =	srdreg.scid  }
0x8b: {  	s0 =	sand.u32 $0x1, s1  }
0x8c: {  	s17 =	sshll.u32 s0, $0xA;
	s2 =	sadd.s32 s3, s2  }
0x8d: {  	s2 =	sadd.s32 s2, s17  }
0x8e: {  	[smem:$0x3FC2] =	sst s2  }
0x8f: {  	_ = 	snop  }
0x90: {  	s2 =	sld [smem:$0x3FD0];
	(tm) =	ssettm $0x1  }
0x91: {  	s18 =	sld [smem:$0x3FFB];
	_ =	sdelay $0x3  }
0x92: {  	_ =	strace s18  }
0x93: {  	s3 =	sld [smem:$0x3FFC];
	_ =	sdelay $0x3  }
0x94: {  	_ =	strace s3  }
0x95: {  	s3 =	sld [smem:$0x3FFD];
	_ =	sdelay $0x3  }
0x96: {  	_ =	strace s3  }
0x97: {  	_ =	strace $0x8FFFFFFF  }
0x98: {  	s19 =	sld [smem:$0x3FDB];
	_ =	sdelay $0x1  }
0x99: {  	s4 =	simm.s32 $_scs_section_size  }
0x9a: {  	s5 =	simm.s32 $_size__tile_overlayer_lowered;
	s6 =	simm.s32 $_tile_overlayer_lowered  }
0x9b: {  	s22 =	simm.s32 $0x1BFF;
	s21 =	sshll.u32 s6, $0x1;
	s3 =	sadd.s32 s4, s19  }
0x9c: {  	s7 =	simm.s32 $0x0;
	s20 =	sshll.u32 s5, $0x1;
	s5 =	sadd.s32 s21, s3  }
0x9d: {  	[timem:s7], [sflag:s22] =	dma.local [hbm:s5], s20  }
0x9e: {  	_ =	swait.ge [sflag:s22], s20  }
0x9f: {  	s4 =	ssub.s32 $0x0, s20;
	[sflag:s22] =	ssyncset.done $0x0  }
0xa0: {  	[sflag:s22] =	ssyncadd.s32 s4;
	_ =	sdelay $0x1  }
0xa1: {  	s23 =	simm.s32 $0x1B8B  }
0xa2: {  	_ =	swait.ge [sflag:s23], $0x1  }
0xa3: {  	[sflag:s23] =	ssyncset.done $0x0  }
0xa4: {  	s25 =	simm.s32 $0x1B8E;
	s24 =	sld [smem:$0x3FFE];
	[sflag:s23] =	ssyncadd.s32 $0xFFFFFFFF  }
0xa5: {  	s26 =	simm.s32 $execute0_lowered;
	[smem:$0x3FD2] =	sst s25  }
0xa6: {  	s5 =	sshll.u32 s26, $0x1;
	_ =	strace $0x8000004C;
	[dreg:$0x1] =	wrdreg $0xFFFFFFFF  }
0xa7: {  	s28 =	simm.s32 $_size_execute0_lowered;
	s3 =	sadd.s32 s3, s5;
	[dreg:$0x0] =	wrdreg $0x0  }
0xa8: {  	s5 =	sshll.u32 s28, $0x1;
	[dreg:$0x2] =	wrdreg s3  }
0xa9: {  	[dreg:$0x3] =	wrdreg s5  }
0xaa: {  	[dreg:$0x4] =	wrdreg $0xC0  }
0xab: {  	_ =	task [dreg:s7], $0x5FFFF  }
0xac: {  	[dreg:$0x1] =	wrdreg $0xFFFFFFFF  }
0xad: {  	[dreg:$0x0] =	wrdreg $0x60  }
0xae: {  	[dreg:$0x2] =	wrdreg s24  }
0xaf: {  	[dreg:$0x3] =	wrdreg s2  }
0xb0: {  	[dreg:$0x4] =	wrdreg $0xC2000  }
0xb1: {  	[dreg:$0x5] =	wrdreg $0x9  }
0xb2: {  	_ =	task.clear_ibuf [dreg:s7], $0x6FFFF;
	_ =	strace $0x9000004C  }
0xb3: {  	s29 =	simm.s32 $0x9;
	_ =	strace $0x8000004E  }
0xb4: {  	_ =	swait.ge [sflag:s29], $0x1  }
0xb5: {  	[sflag:s29] =	ssyncadd.s32 $0xFFFFFFFF  }
0xb6: {  	_ =	strace $0x9000004E  }
0xb7: {  	_ =	sfence  }
0xb8: {  	s30 =	sld [smem:$0x0];
	_ =	sdelay $0x2  }
0xb9: {  	s31 =	sshll.u32 s1, $0xD;
	s1 =	sshrl.u32 s1, $0x2  }
0xba: {  	s3 =	sand.u32 $0x4000, s31;
	s1 =	sadd.s32 s1, s30  }
0xbb: {  	s0 =	sor.u32 s3, s0;
	s1 =	sshll.u32 s1, $0x11  }
0xbc: {  	s0 =	sor.u32 s1, s0  }
0xbd: {  	s0 =	sadd.s32 $0x8F2B, s0  }
0xbe: {  	[sflag:s0] =	ssyncadd.remote.s32 $0x1  }
0xbf: {  	_ =	sfence.sel $0xFFFF  }
0xc0: {  	[dreg:$0x0] =	wrdreg $0xFFFFFFFF;
	(pc) =	sbr.abs _section_cstart, $3  }
0xc1: {  	[dreg:$0x1] =	wrdreg $0xFFFFFFFF  }
0xc2: {  	_ =	task.clear_ibuf [dreg:s7], $0x2FFFF;
	_ =	strace $0x9FFFFFFF  }
0xc3: {  	(tm) =	ssettm $0x7FFFFFFF  }
tec
execute0_lowered:
.L_overlay_start_1:
0x0: {  	(tag) =	ssettag $0x1  }
0x1: {  	s5 =	rddreg [dreg:$0x0]  }
0x2: {  	s11 =	rddreg [dreg:$0x1]  }
0x3: {  	s1 =	rddreg [dreg:$0x2]  }
0x4: {  	s0 =	rddreg [dreg:$0x3];
	s2 =	simm.s32 $0x0  }
0x5: {  	s3 =	srdreg.scid;
	s16 =	simm.s32 $0x5000;
	s17 =	simm.s32 $0x5080  }
0x6: {  	s18 =	simm.s32 $0x8A00;
	s19 =	simm.s32 $0x1;
	s20 =	simm.s32 $0x5100  }
0x7: {  	s21 =	simm.s32 $0x2;
	[smem:$0x7FF] =	sst s2;
	s13 =	sand.u32 $0x1, s3  }
0x8: {  	s22 =	simm.s32 $0x5180;
	s3 =	stileid.u32;
	s6 =	smul.u32 $0x27800, s13  }
0x9: {  	s4 =	sadd.s32 $0x5CC00, s5;
	_ =	strace $0x8000004D;
	s7 =	smul.u32 $0x4F000, s3  }
0xa: {  	s30 =	ssub.s32 $0x2, s13;
	s8 =	smul.u32 $0x18, s3;
	p0 =	seq.s32 s13, $0x0  }
0xb: {  	s24 =	smul.u32 $0x2780, s3;
	s9 =	sshrl.u32 s30, $0x1;
	s12 =	sadd.s32 s6, s5  }
0xc: {  	s31 =	sshrl.u32 s7, $0x2;
	s7 =	smul.u32 $0xA0, s3;
	s10 =	sor.u32 $0xA00, s8  }
0xd: {  	s14 =	ssub.s32 s30, s9;
	s5 =	sadd.s32 s31, s1;
	s23 =	sadd.s32 $0x83E00, s12  }
.Ltmp0:
0xe: {  	s12 =	smax.u32 s14, $0x1;
	s14 =	simm.s32 $0x3;
	(pc) =	sbr.rel .LBB2_1-.Ltmp0, $4  }
0xf: {  	s6 =	sadd.s32 $0x3800, s5;
	s10 =	smov.u32 @p0 s7;
	s7 =	sadd.s32 $0x7000, s5  }
0x10: {  	s8 =	sadd.s32 $0xA800, s5;
	s9 =	sadd.s32 $0xE000, s5;
	p0 =	sne.s32 s13, $0x0  }
0x11: {  	s13 =	simm.s32 $0x5200;
	s23 =	sadd.s32 s24, s23;
	s15 =	sshll.u32 s10, $0x4  }
0x12: {  	v0 =	vimm.f32 $0.0e+00;
	s10 =	sadd.s32 $0x11800, s5;
	s11 =	sadd.s32 s11, s15;
	s15 =	simm.s32 $0x70  }
.LBB2_9:
0x13: {  	s24 =	sshra.s32 s24, $0x2;
	[sflag:s14] =	ssyncadd.s32 $0xFFFFC800  }
0x14: {  	v1 =	vld [tilespmem:s24+$0x0];
	_ =	sdelay $0x4  }
0x15: {  	v1 =	vand.u32 $0xFFFF, v1  }
0x16: {  	[tilespmem:$0x5000] =	vst v1  }
0x17: {  	v1 =	vld [tilespmem:s24+$0x10];
	_ =	sdelay $0x4  }
0x18: {  	v1 =	vand.u32 $0xFFFF, v1  }
0x19: {  	[tilespmem:$0x5010] =	vst v1  }
0x1a: {  	v1 =	vld [tilespmem:s24+$0x20];
	_ =	sdelay $0x4  }
0x1b: {  	v1 =	vand.u32 $0xFFFF, v1  }
0x1c: {  	[tilespmem:$0x5020] =	vst v1  }
0x1d: {  	v1 =	vld [tilespmem:s24+$0x30];
	_ =	sdelay $0x4  }
0x1e: {  	v1 =	vand.u32 $0xFFFF, v1  }
0x1f: {  	[tilespmem:$0x5030] =	vst v1  }
0x20: {  	v1 =	vld [tilespmem:s24+$0x40];
	_ =	sdelay $0x4  }
0x21: {  	v1 =	vand.u32 $0xFFFF, v1  }
0x22: {  	[tilespmem:$0x5040] =	vst v1  }
0x23: {  	v1 =	vld [tilespmem:s24+$0x50];
	_ =	sdelay $0x4  }
0x24: {  	v1 =	vand.u32 $0xFFFF, v1  }
0x25: {  	[tilespmem:$0x5050] =	vst v1  }
0x26: {  	v1 =	vld [tilespmem:s24+$0x60];
	_ =	sdelay $0x4  }
0x27: {  	v1 =	vand.u32 $0xFFFF, v1  }
0x28: {  	[tilespmem:$0x5060] =	vst v1  }
0x29: {  	v1 =	vld [tilespmem:s24+$0x0];
	_ =	sdelay $0x4  }
0x2a: {  	v1 =	vshrl.u32 v1, $0x10  }
0x2b: {  	[tilespmem:$0x5100] =	vst v1  }
0x2c: {  	v1 =	vld [tilespmem:s24+$0x10];
	_ =	sdelay $0x4  }
0x2d: {  	v1 =	vshrl.u32 v1, $0x10  }
0x2e: {  	[tilespmem:$0x5110] =	vst v1  }
0x2f: {  	v1 =	vld [tilespmem:s24+$0x20];
	_ =	sdelay $0x4  }
0x30: {  	v1 =	vshrl.u32 v1, $0x10  }
0x31: {  	[tilespmem:$0x5120] =	vst v1  }
0x32: {  	v1 =	vld [tilespmem:s24+$0x30];
	_ =	sdelay $0x4  }
0x33: {  	v1 =	vshrl.u32 v1, $0x10  }
0x34: {  	[tilespmem:$0x5130] =	vst v1  }
0x35: {  	v1 =	vld [tilespmem:s24+$0x40];
	_ =	sdelay $0x4  }
0x36: {  	v1 =	vshrl.u32 v1, $0x10  }
0x37: {  	[tilespmem:$0x5140] =	vst v1  }
0x38: {  	v1 =	vld [tilespmem:s24+$0x50];
	_ =	sdelay $0x4  }
0x39: {  	v1 =	vshrl.u32 v1, $0x10  }
0x3a: {  	[tilespmem:$0x5150] =	vst v1  }
0x3b: {  	v1 =	vld [tilespmem:s24+$0x60];
	_ =	sdelay $0x4  }
0x3c: {  	v1 =	vshrl.u32 v1, $0x10  }
0x3d: {  	[tilespmem:$0x5160] =	vst v1  }
0x3e: {  	[tilespmem:s13], [sflag:$0x1] =	stream.indirect.gather [hbm4b:s4+s15], $0x80, s16, s15, $0xb8;
	[tilespmem:$0x1FE00] =	vst v63  }
0x3f: {  	_ =	swait.ge [sflag:s19], $0x3800  }
0x40: {  	[sflag:s19] =	ssyncset.done $0x0  }
0x41: {  	[sflag:s19] =	ssyncadd.s32 $0xFFFFC800  }
0x42: {  	[spmem:s1] =	stream.indirect.scatter.add.f32 [tilespmem:s13], [sflag:$0x3], $0x80, s20, s15, $0xb8;
	[tilespmem:$0x1FE00] =	vst v63  }
0x43: {  	_ =	swait.ge [sflag:s14], $0x3800  }
0x44: {  	[sflag:s14] =	ssyncset.done $0x0  }
0x45: {  	[sflag:s14] =	ssyncadd.s32 $0xFFFFC800  }
.LBB2_10:
0x46: {  	s2 =	sadd.s32 $0x1, s2  }
0x47: {  	s24 =	sshll.u32 s3, $0x6;
	[bflag:$0x0] =	sbarrier.arrive $0xFFFF;
	p1 =	sne.s32 s2, s12  }
.Ltmp1:
0x48: {  	s25 =	sshrl.u32 s5, $0x3;
	s24 =	sor.u32 $0x1C03, s24;
	(pc) =	sbr.rel @!p1 .LBB2_11-.Ltmp1, $4  }
0x49: {  	[hbm:s23], [sflag:s24] =	dma.local [spmem:s25], $0x2780  }
0x4a: {  	_ =	swait.ge [sflag:s14], $0x2780  }
0x4b: {  	[sflag:s14] =	ssyncset.done $0x0  }
0x4c: {  	[sflag:s14] =	ssyncadd.s32 $0xFFFFD880  }
.LBB2_1:
0x4d: {  	s24 =	simm.s32 $0x0;
	s25 =	simm.s32 $0x200  }
.LBB2_2:
0x4e: {  	p1 =	sne.s32 s25, $0xDE00;
	[tilespmem:s24+$0x5270] =	vst v0  }
0x4f: {  	[tilespmem:s24+$0x5200] =	vst v0  }
0x50: {  	[tilespmem:s24+$0x5210] =	vst v0  }
.Ltmp2:
0x51: {  	[tilespmem:s24+$0x5220] =	vst v0;
	(pc) =	sbr.rel @p1 .LBB2_2-.Ltmp2, $4  }
0x52: {  	[tilespmem:s24+$0x5230] =	vst v0  }
0x53: {  	[tilespmem:s24+$0x5240] =	vst v0  }
0x54: {  	[tilespmem:s24+$0x5250] =	vst v0  }
0x55: {  	[tilespmem:s24+$0x5260] =	vst v0;
	s24 =	sshra.s32 s25, $0x2;
	s25 =	sadd.s32 $0x200, s25  }
0x56: {  	[tilespmem:s24+$0x5270] =	vst v0  }
0x57: {  	[tilespmem:s24+$0x5200] =	vst v0  }
0x58: {  	[tilespmem:s24+$0x5210] =	vst v0  }
0x59: {  	[tilespmem:s24+$0x5220] =	vst v0  }
0x5a: {  	[tilespmem:s24+$0x5230] =	vst v0  }
0x5b: {  	[tilespmem:s24+$0x5240] =	vst v0  }
0x5c: {  	[tilespmem:s24+$0x5250] =	vst v0  }
0x5d: {  	[tilespmem:s24+$0x5260] =	vst v0  }
0x5e: {  	[spmem:s5] =	stream.linear.scatter [tilespmem:s13], [sflag:$0x3], $0x3800, $0x38;
	[tilespmem:$0x1FE00] =	vst v63  }
0x5f: {  	_ =	swait.ge [sflag:s14], $0x3800  }
0x60: {  	[sflag:s14] =	ssyncset.done $0x0  }
0x61: {  	[sflag:s14] =	ssyncadd.s32 $0xFFFFC800  }
0x62: {  	[spmem:s6] =	stream.linear.scatter [tilespmem:s13], [sflag:$0x3], $0x3800, $0x38;
	[tilespmem:$0x1FE00] =	vst v63  }
0x63: {  	_ =	swait.ge [sflag:s14], $0x3800  }
0x64: {  	[sflag:s14] =	ssyncset.done $0x0  }
0x65: {  	[sflag:s14] =	ssyncadd.s32 $0xFFFFC800  }
0x66: {  	[spmem:s7] =	stream.linear.scatter [tilespmem:s13], [sflag:$0x3], $0x3800, $0x38;
	[tilespmem:$0x1FE00] =	vst v63  }
0x67: {  	_ =	swait.ge [sflag:s14], $0x3800  }
0x68: {  	[sflag:s14] =	ssyncset.done $0x0  }
0x69: {  	[sflag:s14] =	ssyncadd.s32 $0xFFFFC800  }
0x6a: {  	[spmem:s8] =	stream.linear.scatter [tilespmem:s13], [sflag:$0x3], $0x3800, $0x38;
	[tilespmem:$0x1FE00] =	vst v63  }
0x6b: {  	_ =	swait.ge [sflag:s14], $0x3800  }
0x6c: {  	[sflag:s14] =	ssyncset.done $0x0  }
0x6d: {  	[sflag:s14] =	ssyncadd.s32 $0xFFFFC800  }
0x6e: {  	[spmem:s9] =	stream.linear.scatter [tilespmem:s13], [sflag:$0x3], $0x3800, $0x38;
	[tilespmem:$0x1FE00] =	vst v63  }
0x6f: {  	_ =	swait.ge [sflag:s14], $0x3800  }
0x70: {  	[sflag:s14] =	ssyncset.done $0x0  }
0x71: {  	[sflag:s14] =	ssyncadd.s32 $0xFFFFC800  }
0x72: {  	[spmem:s10] =	stream.linear.scatter [tilespmem:s13], [sflag:$0x3], $0x2400, $0x38;
	[tilespmem:$0x1FE00] =	vst v63  }
0x73: {  	_ =	swait.ge [sflag:s14], $0x2400  }
0x74: {  	[sflag:s14] =	ssyncset.done $0x0  }
0x75: {  	s31 =	simm.s32 $0x0;
	[sflag:s14] =	ssyncadd.s32 $0xFFFFDC00  }
0x76: {  	[tilespmem:s31], [sflag:$0x3] =	stream.linear.gather [hbm4b:s11+s31], $0x5000, $0x38;
	[tilespmem:$0x1FE00] =	vst v63  }
.Ltmp3:
0x77: {  	_ =	swait.ge [sflag:s14], $0x5000;
	(pc) =	sbr.rel @p0 .LBB2_7-.Ltmp3, $3  }
0x78: {  	[sflag:s14] =	ssyncset.done $0x0  }
0x79: {  	[sflag:s14] =	ssyncadd.s32 $0xFFFFB000  }
0x7a: {  	[bflag:$0x0] =	sbarrier.arrive $0xFFFF;
	_ =	sdelay $0x1  }
0x7b: {  	v1 =	vld [tilespmem:$0x0]  }
0x7c: {  	v2 =	vld [tilespmem:$0x10]  }
0x7d: {  	v3 =	vld [tilespmem:$0x20]  }
0x7e: {  	v4 =	vld [tilespmem:$0x30]  }
0x7f: {  	v5 =	vld [tilespmem:$0x40]  }
0x80: {  	v6 =	vld [tilespmem:$0x50];
	v1 =	vand.u32 $0xFFFF, v1  }
0x81: {  	[tilespmem:$0x5000] =	vst v1;
	v1 =	vand.u32 $0xFFFF, v2;
	v2 =	vld [tilespmem:$0x60]  }
0x82: {  	[tilespmem:$0x5010] =	vst v1;
	v1 =	vand.u32 $0xFFFF, v3;
	v3 =	vld [tilespmem:$0x0]  }
0x83: {  	v53 =	vld [tilespmem:$0x10];
	[tilespmem:$0x5020] =	vst v1;
	v1 =	vand.u32 $0xFFFF, v4  }
0x84: {  	v54 =	vld [tilespmem:$0x20];
	[tilespmem:$0x5030] =	vst v1;
	v1 =	vand.u32 $0xFFFF, v5  }
0x85: {  	v55 =	vld [tilespmem:$0x30];
	[tilespmem:$0x5040] =	vst v1;
	v1 =	vand.u32 $0xFFFF, v6  }
0x86: {  	[tilespmem:$0x5050] =	vst v1;
	v1 =	vand.u32 $0xFFFF, v2;
	v2 =	vld [tilespmem:$0x40]  }
0x87: {  	[tilespmem:$0x5060] =	vst v1;
	v1 =	vshrl.u32 v3, $0x10;
	v3 =	vld [tilespmem:$0x50]  }
0x88: {  	v56 =	vld [tilespmem:$0x60];
	[tilespmem:$0x5100] =	vst v1;
	v1 =	vshrl.u32 v53, $0x10  }
0x89: {  	[tilespmem:$0x5110] =	vst v1;
	v1 =	vshrl.u32 v54, $0x10  }
0x8a: {  	[tilespmem:$0x5120] =	vst v1;
	v1 =	vshrl.u32 v55, $0x10  }
0x8b: {  	[tilespmem:$0x5130] =	vst v1;
	v1 =	vshrl.u32 v2, $0x10  }
0x8c: {  	[tilespmem:$0x5140] =	vst v1;
	v1 =	vshrl.u32 v3, $0x10  }
0x8d: {  	[tilespmem:$0x5150] =	vst v1;
	v1 =	vshrl.u32 v56, $0x10  }
0x8e: {  	[tilespmem:$0x5160] =	vst v1  }
0x8f: {  	[tilespmem:s13], [sflag:$0x1] =	stream.indirect.gather [hbm4b:s4+s15], $0x80, s16, s15, $0xb8;
	[tilespmem:$0x1FE00] =	vst v63  }
0x90: {  	v1 =	vld [tilespmem:$0x80]  }
0x91: {  	v2 =	vld [tilespmem:$0x90]  }
0x92: {  	v3 =	vld [tilespmem:$0xA0]  }
0x93: {  	v57 =	vld [tilespmem:$0xB0]  }
0x94: {  	v58 =	vld [tilespmem:$0xC0]  }
0x95: {  	v59 =	vld [tilespmem:$0xD0];
	v1 =	vand.u32 $0xFFFF, v1  }
0x96: {  	[tilespmem:$0x5080] =	vst v1;
	v1 =	vand.u32 $0xFFFF, v2;
	v2 =	vld [tilespmem:$0xE0]  }
0x97: {  	[tilespmem:$0x5090] =	vst v1;
	v1 =	vand.u32 $0xFFFF, v3;
	v3 =	vld [tilespmem:$0x80]  }
0x98: {  	v60 =	vld [tilespmem:$0x90];
	[tilespmem:$0x50A0] =	vst v1;
	v1 =	vand.u32 $0xFFFF, v57  }
0x99: {  	v61 =	vld [tilespmem:$0xA0];
	[tilespmem:$0x50B0] =	vst v1;
	v1 =	vand.u32 $0xFFFF, v58  }
0x9a: {  	v62 =	vld [tilespmem:$0xB0];
	[tilespmem:$0x50C0] =	vst v1;
	v1 =	vand.u32 $0xFFFF, v59  }
0x9b: {  	[tilespmem:$0x50D0] =	vst v1;
	v1 =	vand.u32 $0xFFFF, v2;
	v2 =	vld [tilespmem:$0xC0]  }
0x9c: {  	[tilespmem:$0x50E0] =	vst v1;
	v1 =	vshrl.u32 v3, $0x10;
	v3 =	vld [tilespmem:$0xD0]  }
0x9d: {  	v63 =	vld [tilespmem:$0xE0];
	[tilespmem:$0x5180] =	vst v1;
	v1 =	vshrl.u32 v60, $0x10  }
0x9e: {  	[tilespmem:$0x5190] =	vst v1;
	v1 =	vshrl.u32 v61, $0x10  }
0x9f: {  	[tilespmem:$0x51A0] =	vst v1;
	v1 =	vshrl.u32 v62, $0x10  }
0xa0: {  	[tilespmem:$0x51B0] =	vst v1;
	v1 =	vshrl.u32 v2, $0x10  }
0xa1: {  	[tilespmem:$0x51C0] =	vst v1;
	v1 =	vshrl.u32 v3, $0x10  }
0xa2: {  	[tilespmem:$0x51D0] =	vst v1;
	v1 =	vshrl.u32 v63, $0x10  }
0xa3: {  	[tilespmem:$0x51E0] =	vst v1  }
0xa4: {  	[tilespmem:s18], [sflag:$0x2] =	stream.indirect.gather [hbm4b:s4+s15], $0x80, s17, s15, $0xb8;
	[tilespmem:$0x1FE00] =	vst v63  }
0xa5: {  	_ =	swait.ge [sflag:s19], $0x3800  }
0xa6: {  	[sflag:s19] =	ssyncset.done $0x0  }
0xa7: {  	[sflag:s19] =	ssyncadd.s32 $0xFFFFC800  }
0xa8: {  	[spmem:s1] =	stream.indirect.scatter.add.f32 [tilespmem:s13], [sflag:$0x3], $0x80, s20, s15, $0xb8;
	[tilespmem:$0x1FE00] =	vst v63  }
0xa9: {  	_ =	swait.ge [sflag:s14], $0x3800  }
0xaa: {  	[sflag:s14] =	ssyncset.done $0x0  }
0xab: {  	s24 =	simm.s32 $0x1E0;
	[sflag:s14] =	ssyncadd.s32 $0xFFFFC800  }
0xac: {  	v1 =	vld [tilespmem:s24+$0xFFFFFF20];
	_ =	sdelay $0x4  }
0xad: {  	v1 =	vand.u32 $0xFFFF, v1  }
0xae: {  	[tilespmem:$0x5000] =	vst v1  }
0xaf: {  	v1 =	vld [tilespmem:s24+$0xFFFFFF30];
	_ =	sdelay $0x4  }
0xb0: {  	v1 =	vand.u32 $0xFFFF, v1  }
0xb1: {  	[tilespmem:$0x5010] =	vst v1  }
0xb2: {  	v1 =	vld [tilespmem:s24+$0xFFFFFF40];
	_ =	sdelay $0x4  }
0xb3: {  	v1 =	vand.u32 $0xFFFF, v1  }
0xb4: {  	[tilespmem:$0x5020] =	vst v1  }
0xb5: {  	v1 =	vld [tilespmem:s24+$0xFFFFFF50];
	_ =	sdelay $0x4  }
0xb6: {  	v1 =	vand.u32 $0xFFFF, v1  }
0xb7: {  	[tilespmem:$0x5030] =	vst v1  }
0xb8: {  	v1 =	vld [tilespmem:s24+$0xFFFFFF60];
	_ =	sdelay $0x4  }
0xb9: {  	v1 =	vand.u32 $0xFFFF, v1  }
0xba: {  	[tilespmem:$0x5040] =	vst v1  }
0xbb: {  	v1 =	vld [tilespmem:s24+$0xFFFFFF70];
	_ =	sdelay $0x4  }
0xbc: {  	v1 =	vand.u32 $0xFFFF, v1  }
0xbd: {  	[tilespmem:$0x5050] =	vst v1  }
0xbe: {  	v1 =	vld [tilespmem:s24+$0xFFFFFF80];
	_ =	sdelay $0x4  }
0xbf: {  	v1 =	vand.u32 $0xFFFF, v1  }
0xc0: {  	[tilespmem:$0x5060] =	vst v1  }
0xc1: {  	v1 =	vld [tilespmem:s24+$0xFFFFFF20];
	_ =	sdelay $0x4  }
0xc2: {  	v1 =	vshrl.u32 v1, $0x10  }
0xc3: {  	[tilespmem:$0x5100] =	vst v1  }
0xc4: {  	v1 =	vld [tilespmem:s24+$0xFFFFFF30];
	_ =	sdelay $0x4  }
0xc5: {  	v1 =	vshrl.u32 v1, $0x10  }
0xc6: {  	[tilespmem:$0x5110] =	vst v1  }
0xc7: {  	v1 =	vld [tilespmem:s24+$0xFFFFFF40];
	_ =	sdelay $0x4  }
0xc8: {  	v1 =	vshrl.u32 v1, $0x10  }
0xc9: {  	[tilespmem:$0x5120] =	vst v1  }
0xca: {  	v1 =	vld [tilespmem:s24+$0xFFFFFF50];
	_ =	sdelay $0x4  }
0xcb: {  	v1 =	vshrl.u32 v1, $0x10  }
0xcc: {  	[tilespmem:$0x5130] =	vst v1  }
0xcd: {  	v1 =	vld [tilespmem:s24+$0xFFFFFF60];
	_ =	sdelay $0x4  }
0xce: {  	v1 =	vshrl.u32 v1, $0x10  }
0xcf: {  	[tilespmem:$0x5140] =	vst v1  }
0xd0: {  	v1 =	vld [tilespmem:s24+$0xFFFFFF70];
	_ =	sdelay $0x4  }
0xd1: {  	v1 =	vshrl.u32 v1, $0x10  }
0xd2: {  	[tilespmem:$0x5150] =	vst v1  }
0xd3: {  	v1 =	vld [tilespmem:s24+$0xFFFFFF80];
	_ =	sdelay $0x4  }
0xd4: {  	v1 =	vshrl.u32 v1, $0x10  }
0xd5: {  	[tilespmem:$0x5160] =	vst v1  }
0xd6: {  	[tilespmem:s13], [sflag:$0x1] =	stream.indirect.gather [hbm4b:s4+s15], $0x80, s16, s15, $0xb8;
	[tilespmem:$0x1FE00] =	vst v63  }
0xd7: {  	_ =	swait.ge [sflag:s21], $0x3800  }
0xd8: {  	[sflag:s21] =	ssyncset.done $0x0  }
0xd9: {  	[sflag:s21] =	ssyncadd.s32 $0xFFFFC800  }
0xda: {  	[spmem:s1] =	stream.indirect.scatter.add.f32 [tilespmem:s18], [sflag:$0x3], $0x80, s22, s15, $0xb8;
	[tilespmem:$0x1FE00] =	vst v63  }
0xdb: {  	_ =	swait.ge [sflag:s14], $0x3800  }
0xdc: {  	[sflag:s14] =	ssyncset.done $0x0  }
0xdd: {  	[sflag:s14] =	ssyncadd.s32 $0xFFFFC800  }
0xde: {  	v1 =	vld [tilespmem:s24+$0xFFFFFFA0];
	_ =	sdelay $0x4  }
0xdf: {  	v1 =	vand.u32 $0xFFFF, v1  }
0xe0: {  	[tilespmem:$0x5080] =	vst v1  }
0xe1: {  	v1 =	vld [tilespmem:s24+$0xFFFFFFB0];
	_ =	sdelay $0x4  }
0xe2: {  	v1 =	vand.u32 $0xFFFF, v1  }
0xe3: {  	[tilespmem:$0x5090] =	vst v1  }
0xe4: {  	v1 =	vld [tilespmem:s24+$0xFFFFFFC0];
	_ =	sdelay $0x4  }
0xe5: {  	v1 =	vand.u32 $0xFFFF, v1  }
0xe6: {  	[tilespmem:$0x50A0] =	vst v1  }
0xe7: {  	v1 =	vld [tilespmem:s24+$0xFFFFFFD0];
	_ =	sdelay $0x4  }
0xe8: {  	v1 =	vand.u32 $0xFFFF, v1  }
0xe9: {  	[tilespmem:$0x50B0] =	vst v1  }
0xea: {  	v1 =	vld [tilespmem:s24+$0xFFFFFFE0];
	_ =	sdelay $0x4  }
0xeb: {  	v1 =	vand.u32 $0xFFFF, v1  }
0xec: {  	[tilespmem:$0x50C0] =	vst v1  }
0xed: {  	v1 =	vld [tilespmem:s24+$0xFFFFFFF0];
	_ =	sdelay $0x4  }
0xee: {  	v1 =	vand.u32 $0xFFFF, v1  }
0xef: {  	[tilespmem:$0x50D0] =	vst v1  }
0xf0: {  	v1 =	vld [tilespmem:s24+$0x0];
	_ =	sdelay $0x4  }
0xf1: {  	v1 =	vand.u32 $0xFFFF, v1  }
0xf2: {  	[tilespmem:$0x50E0] =	vst v1  }
0xf3: {  	v1 =	vld [tilespmem:s24+$0xFFFFFFA0];
	_ =	sdelay $0x4  }
0xf4: {  	v1 =	vshrl.u32 v1, $0x10  }
0xf5: {  	[tilespmem:$0x5180] =	vst v1  }
0xf6: {  	v1 =	vld [tilespmem:s24+$0xFFFFFFB0];
	_ =	sdelay $0x4  }
0xf7: {  	v1 =	vshrl.u32 v1, $0x10  }
0xf8: {  	[tilespmem:$0x5190] =	vst v1  }
0xf9: {  	v1 =	vld [tilespmem:s24+$0xFFFFFFC0];
	_ =	sdelay $0x4  }
0xfa: {  	v1 =	vshrl.u32 v1, $0x10  }
0xfb: {  	[tilespmem:$0x51A0] =	vst v1  }
0xfc: {  	v1 =	vld [tilespmem:s24+$0xFFFFFFD0];
	_ =	sdelay $0x4  }
0xfd: {  	v1 =	vshrl.u32 v1, $0x10  }
0xfe: {  	[tilespmem:$0x51B0] =	vst v1  }
0xff: {  	v1 =	vld [tilespmem:s24+$0xFFFFFFE0];
	_ =	sdelay $0x4  }
0x100: {  	v1 =	vshrl.u32 v1, $0x10  }
0x101: {  	[tilespmem:$0x51C0] =	vst v1  }
0x102: {  	v1 =	vld [tilespmem:s24+$0xFFFFFFF0];
	_ =	sdelay $0x4  }
0x103: {  	v1 =	vshrl.u32 v1, $0x10  }
0x104: {  	[tilespmem:$0x51D0] =	vst v1  }
0x105: {  	v1 =	vld [tilespmem:s24+$0x0];
	_ =	sdelay $0x4  }
0x106: {  	v1 =	vshrl.u32 v1, $0x10  }
0x107: {  	[tilespmem:$0x51E0] =	vst v1  }
0x108: {  	[tilespmem:s18], [sflag:$0x2] =	stream.indirect.gather [hbm4b:s4+s15], $0x80, s17, s15, $0xb8;
	[tilespmem:$0x1FE00] =	vst v63  }
0x109: {  	_ =	swait.ge [sflag:s19], $0x3800  }
0x10a: {  	[sflag:s19] =	ssyncset.done $0x0  }
0x10b: {  	[sflag:s19] =	ssyncadd.s32 $0xFFFFC800  }
0x10c: {  	[spmem:s1] =	stream.indirect.scatter.add.f32 [tilespmem:s13], [sflag:$0x3], $0x80, s20, s15, $0xb8;
	[tilespmem:$0x1FE00] =	vst v63  }
0x10d: {  	_ =	swait.ge [sflag:s14], $0x3800  }
0x10e: {  	s28 =	simm.s32 $0xF80;
	s24 =	simm.s32 $0xB80;
	[sflag:s14] =	ssyncset.done $0x0  }
.LBB2_5:
0x10f: {  	s26 =	sshra.s32 s24, $0x2  }
0x110: {  	[sflag:s14] =	ssyncadd.s32 $0xFFFFC800;
	s24 =	smov.u32 s28;
	s25 =	sadd.s32 $0x400, s28  }
0x111: {  	p1 =	seq.s32 s28, $0x13F80;
	v1 =	vld [tilespmem:s26+$0xFFFFFF20];
	_ =	sdelay $0x4  }
0x112: {  	v1 =	vand.u32 $0xFFFF, v1  }
0x113: {  	[tilespmem:$0x5000] =	vst v1  }
0x114: {  	v1 =	vld [tilespmem:s26+$0xFFFFFF30];
	_ =	sdelay $0x4  }
0x115: {  	v1 =	vand.u32 $0xFFFF, v1  }
0x116: {  	[tilespmem:$0x5010] =	vst v1  }
0x117: {  	v1 =	vld [tilespmem:s26+$0xFFFFFF40];
	_ =	sdelay $0x4  }
0x118: {  	v1 =	vand.u32 $0xFFFF, v1  }
0x119: {  	[tilespmem:$0x5020] =	vst v1  }
0x11a: {  	v1 =	vld [tilespmem:s26+$0xFFFFFF50];
	_ =	sdelay $0x4  }
0x11b: {  	v1 =	vand.u32 $0xFFFF, v1  }
0x11c: {  	[tilespmem:$0x5030] =	vst v1  }
0x11d: {  	v1 =	vld [tilespmem:s26+$0xFFFFFF60];
	_ =	sdelay $0x4  }
0x11e: {  	v1 =	vand.u32 $0xFFFF, v1  }
0x11f: {  	[tilespmem:$0x5040] =	vst v1  }
0x120: {  	v1 =	vld [tilespmem:s26+$0xFFFFFF70];
	_ =	sdelay $0x4  }
0x121: {  	v1 =	vand.u32 $0xFFFF, v1  }
0x122: {  	[tilespmem:$0x5050] =	vst v1  }
0x123: {  	v1 =	vld [tilespmem:s26+$0xFFFFFF80];
	_ =	sdelay $0x4  }
0x124: {  	v1 =	vand.u32 $0xFFFF, v1  }
0x125: {  	[tilespmem:$0x5060] =	vst v1  }
0x126: {  	v1 =	vld [tilespmem:s26+$0xFFFFFF20];
	_ =	sdelay $0x4  }
0x127: {  	v1 =	vshrl.u32 v1, $0x10  }
0x128: {  	[tilespmem:$0x5100] =	vst v1  }
0x129: {  	v1 =	vld [tilespmem:s26+$0xFFFFFF30];
	_ =	sdelay $0x4  }
0x12a: {  	v1 =	vshrl.u32 v1, $0x10  }
0x12b: {  	[tilespmem:$0x5110] =	vst v1  }
0x12c: {  	v1 =	vld [tilespmem:s26+$0xFFFFFF40];
	_ =	sdelay $0x4  }
0x12d: {  	v1 =	vshrl.u32 v1, $0x10  }
0x12e: {  	[tilespmem:$0x5120] =	vst v1  }
0x12f: {  	v1 =	vld [tilespmem:s26+$0xFFFFFF50];
	_ =	sdelay $0x4  }
0x130: {  	v1 =	vshrl.u32 v1, $0x10  }
0x131: {  	[tilespmem:$0x5130] =	vst v1  }
0x132: {  	v1 =	vld [tilespmem:s26+$0xFFFFFF60];
	_ =	sdelay $0x4  }
0x133: {  	v1 =	vshrl.u32 v1, $0x10  }
0x134: {  	[tilespmem:$0x5140] =	vst v1  }
0x135: {  	v1 =	vld [tilespmem:s26+$0xFFFFFF70];
	_ =	sdelay $0x4  }
0x136: {  	v1 =	vshrl.u32 v1, $0x10  }
0x137: {  	[tilespmem:$0x5150] =	vst v1  }
0x138: {  	v1 =	vld [tilespmem:s26+$0xFFFFFF80];
	_ =	sdelay $0x4  }
0x139: {  	v1 =	vshrl.u32 v1, $0x10  }
0x13a: {  	[tilespmem:$0x5160] =	vst v1  }
0x13b: {  	[tilespmem:s13], [sflag:$0x1] =	stream.indirect.gather [hbm4b:s4+s15], $0x80, s16, s15, $0xb8;
	[tilespmem:$0x1FE00] =	vst v63  }
0x13c: {  	_ =	swait.ge [sflag:s21], $0x3800  }
0x13d: {  	[sflag:s21] =	ssyncset.done $0x0  }
0x13e: {  	[sflag:s21] =	ssyncadd.s32 $0xFFFFC800  }
0x13f: {  	[spmem:s1] =	stream.indirect.scatter.add.f32 [tilespmem:s18], [sflag:$0x3], $0x80, s22, s15, $0xb8;
	[tilespmem:$0x1FE00] =	vst v63  }
0x140: {  	_ =	swait.ge [sflag:s14], $0x3800  }
0x141: {  	[sflag:s14] =	ssyncset.done $0x0  }
0x142: {  	[sflag:s14] =	ssyncadd.s32 $0xFFFFC800  }
0x143: {  	v1 =	vld [tilespmem:s26+$0xFFFFFFA0];
	_ =	sdelay $0x4  }
0x144: {  	v1 =	vand.u32 $0xFFFF, v1  }
0x145: {  	[tilespmem:$0x5080] =	vst v1  }
0x146: {  	v1 =	vld [tilespmem:s26+$0xFFFFFFB0];
	_ =	sdelay $0x4  }
0x147: {  	v1 =	vand.u32 $0xFFFF, v1  }
0x148: {  	[tilespmem:$0x5090] =	vst v1  }
0x149: {  	v1 =	vld [tilespmem:s26+$0xFFFFFFC0];
	_ =	sdelay $0x4  }
0x14a: {  	v1 =	vand.u32 $0xFFFF, v1  }
0x14b: {  	[tilespmem:$0x50A0] =	vst v1  }
0x14c: {  	v1 =	vld [tilespmem:s26+$0xFFFFFFD0];
	_ =	sdelay $0x4  }
0x14d: {  	v1 =	vand.u32 $0xFFFF, v1  }
0x14e: {  	[tilespmem:$0x50B0] =	vst v1  }
0x14f: {  	v1 =	vld [tilespmem:s26+$0xFFFFFFE0];
	_ =	sdelay $0x4  }
0x150: {  	v1 =	vand.u32 $0xFFFF, v1  }
0x151: {  	[tilespmem:$0x50C0] =	vst v1  }
0x152: {  	v1 =	vld [tilespmem:s26+$0xFFFFFFF0];
	_ =	sdelay $0x4  }
0x153: {  	v1 =	vand.u32 $0xFFFF, v1  }
0x154: {  	[tilespmem:$0x50D0] =	vst v1  }
0x155: {  	v1 =	vld [tilespmem:s26+$0x0];
	_ =	sdelay $0x4  }
0x156: {  	v1 =	vand.u32 $0xFFFF, v1  }
0x157: {  	[tilespmem:$0x50E0] =	vst v1  }
0x158: {  	v1 =	vld [tilespmem:s26+$0xFFFFFFA0];
	_ =	sdelay $0x4  }
0x159: {  	v1 =	vshrl.u32 v1, $0x10  }
0x15a: {  	[tilespmem:$0x5180] =	vst v1  }
0x15b: {  	v1 =	vld [tilespmem:s26+$0xFFFFFFB0];
	_ =	sdelay $0x4  }
0x15c: {  	v1 =	vshrl.u32 v1, $0x10  }
0x15d: {  	[tilespmem:$0x5190] =	vst v1  }
0x15e: {  	v1 =	vld [tilespmem:s26+$0xFFFFFFC0];
	_ =	sdelay $0x4  }
0x15f: {  	v1 =	vshrl.u32 v1, $0x10  }
0x160: {  	[tilespmem:$0x51A0] =	vst v1  }
0x161: {  	v1 =	vld [tilespmem:s26+$0xFFFFFFD0];
	_ =	sdelay $0x4  }
0x162: {  	v1 =	vshrl.u32 v1, $0x10  }
0x163: {  	[tilespmem:$0x51B0] =	vst v1  }
0x164: {  	v1 =	vld [tilespmem:s26+$0xFFFFFFE0];
	_ =	sdelay $0x4  }
0x165: {  	v1 =	vshrl.u32 v1, $0x10  }
0x166: {  	[tilespmem:$0x51C0] =	vst v1  }
0x167: {  	v1 =	vld [tilespmem:s26+$0xFFFFFFF0];
	_ =	sdelay $0x4  }
0x168: {  	v1 =	vshrl.u32 v1, $0x10  }
0x169: {  	[tilespmem:$0x51D0] =	vst v1  }
0x16a: {  	v1 =	vld [tilespmem:s26+$0x0];
	_ =	sdelay $0x4  }
0x16b: {  	v1 =	vshrl.u32 v1, $0x10  }
0x16c: {  	[tilespmem:$0x51E0] =	vst v1  }
0x16d: {  	[tilespmem:s18], [sflag:$0x2] =	stream.indirect.gather [hbm4b:s4+s15], $0x80, s17, s15, $0xb8;
	[tilespmem:$0x1FE00] =	vst v63  }
0x16e: {  	_ =	swait.ge [sflag:s19], $0x3800  }
.Ltmp4:
0x16f: {  	[sflag:s19] =	ssyncset.done $0x0;
	(pc) =	sbr.rel @!p1 .LBB2_5-.Ltmp4, $4  }
0x170: {  	[sflag:s19] =	ssyncadd.s32 $0xFFFFC800  }
0x171: {  	[spmem:s1] =	stream.indirect.scatter.add.f32 [tilespmem:s13], [sflag:$0x3], $0x80, s20, s15, $0xb8;
	[tilespmem:$0x1FE00] =	vst v63  }
0x172: {  	_ =	swait.ge [sflag:s14], $0x3800  }
0x173: {  	s28 =	smov.u32 s25;
	[sflag:s14] =	ssyncset.done $0x0  }
0x174: {  	s24 =	sshra.s32 s24, $0x2;
	[sflag:s14] =	ssyncadd.s32 $0xFFFFC800  }
0x175: {  	v1 =	vld [tilespmem:s24+$0xFFFFFF20];
	_ =	sdelay $0x4  }
0x176: {  	v1 =	vand.u32 $0xFFFF, v1  }
0x177: {  	[tilespmem:$0x5000] =	vst v1  }
0x178: {  	v1 =	vld [tilespmem:s24+$0xFFFFFF30];
	_ =	sdelay $0x4  }
0x179: {  	v1 =	vand.u32 $0xFFFF, v1  }
0x17a: {  	[tilespmem:$0x5010] =	vst v1  }
0x17b: {  	v1 =	vld [tilespmem:s24+$0xFFFFFF40];
	_ =	sdelay $0x4  }
0x17c: {  	v1 =	vand.u32 $0xFFFF, v1  }
0x17d: {  	[tilespmem:$0x5020] =	vst v1  }
0x17e: {  	v1 =	vld [tilespmem:s24+$0xFFFFFF50];
	_ =	sdelay $0x4  }
0x17f: {  	v1 =	vand.u32 $0xFFFF, v1  }
0x180: {  	[tilespmem:$0x5030] =	vst v1  }
0x181: {  	v1 =	vld [tilespmem:s24+$0xFFFFFF60];
	_ =	sdelay $0x4  }
0x182: {  	v1 =	vand.u32 $0xFFFF, v1  }
0x183: {  	[tilespmem:$0x5040] =	vst v1  }
0x184: {  	v1 =	vld [tilespmem:s24+$0xFFFFFF70];
	_ =	sdelay $0x4  }
0x185: {  	v1 =	vand.u32 $0xFFFF, v1  }
0x186: {  	[tilespmem:$0x5050] =	vst v1  }
0x187: {  	v1 =	vld [tilespmem:s24+$0xFFFFFF80];
	_ =	sdelay $0x4  }
0x188: {  	v1 =	vand.u32 $0xFFFF, v1  }
0x189: {  	[tilespmem:$0x5060] =	vst v1  }
0x18a: {  	v1 =	vld [tilespmem:s24+$0xFFFFFF20];
	_ =	sdelay $0x4  }
0x18b: {  	v1 =	vshrl.u32 v1, $0x10  }
0x18c: {  	[tilespmem:$0x5100] =	vst v1  }
0x18d: {  	v1 =	vld [tilespmem:s24+$0xFFFFFF30];
	_ =	sdelay $0x4  }
0x18e: {  	v1 =	vshrl.u32 v1, $0x10  }
0x18f: {  	[tilespmem:$0x5110] =	vst v1  }
0x190: {  	v1 =	vld [tilespmem:s24+$0xFFFFFF40];
	_ =	sdelay $0x4  }
0x191: {  	v1 =	vshrl.u32 v1, $0x10  }
0x192: {  	[tilespmem:$0x5120] =	vst v1  }
0x193: {  	v1 =	vld [tilespmem:s24+$0xFFFFFF50];
	_ =	sdelay $0x4  }
0x194: {  	v1 =	vshrl.u32 v1, $0x10  }
0x195: {  	[tilespmem:$0x5130] =	vst v1  }
0x196: {  	v1 =	vld [tilespmem:s24+$0xFFFFFF60];
	_ =	sdelay $0x4  }
0x197: {  	v1 =	vshrl.u32 v1, $0x10  }
0x198: {  	[tilespmem:$0x5140] =	vst v1  }
0x199: {  	v1 =	vld [tilespmem:s24+$0xFFFFFF70];
	_ =	sdelay $0x4  }
0x19a: {  	v1 =	vshrl.u32 v1, $0x10  }
0x19b: {  	[tilespmem:$0x5150] =	vst v1  }
0x19c: {  	v1 =	vld [tilespmem:s24+$0xFFFFFF80];
	_ =	sdelay $0x4  }
0x19d: {  	v1 =	vshrl.u32 v1, $0x10  }
0x19e: {  	[tilespmem:$0x5160] =	vst v1  }
0x19f: {  	[tilespmem:s13], [sflag:$0x1] =	stream.indirect.gather [hbm4b:s4+s15], $0x80, s16, s15, $0xb8;
	[tilespmem:$0x1FE00] =	vst v63  }
0x1a0: {  	_ =	swait.ge [sflag:s21], $0x3800  }
0x1a1: {  	[sflag:s21] =	ssyncset.done $0x0  }
0x1a2: {  	[sflag:s21] =	ssyncadd.s32 $0xFFFFC800  }
0x1a3: {  	[spmem:s1] =	stream.indirect.scatter.add.f32 [tilespmem:s18], [sflag:$0x3], $0x80, s22, s15, $0xb8;
	[tilespmem:$0x1FE00] =	vst v63  }
0x1a4: {  	_ =	swait.ge [sflag:s14], $0x3800  }
0x1a5: {  	[sflag:s14] =	ssyncset.done $0x0  }
0x1a6: {  	[sflag:s14] =	ssyncadd.s32 $0xFFFFC800  }
0x1a7: {  	v1 =	vld [tilespmem:s24+$0xFFFFFFA0];
	_ =	sdelay $0x4  }
0x1a8: {  	v1 =	vand.u32 $0xFFFF, v1  }
0x1a9: {  	[tilespmem:$0x5080] =	vst v1  }
0x1aa: {  	v1 =	vld [tilespmem:s24+$0xFFFFFFB0];
	_ =	sdelay $0x4  }
0x1ab: {  	v1 =	vand.u32 $0xFFFF, v1  }
0x1ac: {  	[tilespmem:$0x5090] =	vst v1  }
0x1ad: {  	v1 =	vld [tilespmem:s24+$0xFFFFFFC0];
	_ =	sdelay $0x4  }
0x1ae: {  	v1 =	vand.u32 $0xFFFF, v1  }
0x1af: {  	[tilespmem:$0x50A0] =	vst v1  }
0x1b0: {  	v1 =	vld [tilespmem:s24+$0xFFFFFFD0];
	_ =	sdelay $0x4  }
0x1b1: {  	v1 =	vand.u32 $0xFFFF, v1  }
0x1b2: {  	[tilespmem:$0x50B0] =	vst v1  }
0x1b3: {  	v1 =	vld [tilespmem:s24+$0xFFFFFFE0];
	_ =	sdelay $0x4  }
0x1b4: {  	v1 =	vand.u32 $0xFFFF, v1  }
0x1b5: {  	[tilespmem:$0x50C0] =	vst v1  }
0x1b6: {  	v1 =	vld [tilespmem:s24+$0xFFFFFFF0];
	_ =	sdelay $0x4  }
0x1b7: {  	v1 =	vand.u32 $0xFFFF, v1  }
0x1b8: {  	[tilespmem:$0x50D0] =	vst v1  }
0x1b9: {  	v1 =	vld [tilespmem:s24+$0x0];
	_ =	sdelay $0x4  }
0x1ba: {  	v1 =	vand.u32 $0xFFFF, v1  }
0x1bb: {  	[tilespmem:$0x50E0] =	vst v1  }
0x1bc: {  	v1 =	vld [tilespmem:s24+$0xFFFFFFA0];
	_ =	sdelay $0x4  }
0x1bd: {  	v1 =	vshrl.u32 v1, $0x10  }
0x1be: {  	[tilespmem:$0x5180] =	vst v1  }
0x1bf: {  	v1 =	vld [tilespmem:s24+$0xFFFFFFB0];
	_ =	sdelay $0x4  }
0x1c0: {  	v1 =	vshrl.u32 v1, $0x10  }
0x1c1: {  	[tilespmem:$0x5190] =	vst v1  }
0x1c2: {  	v1 =	vld [tilespmem:s24+$0xFFFFFFC0];
	_ =	sdelay $0x4  }
0x1c3: {  	v1 =	vshrl.u32 v1, $0x10  }
0x1c4: {  	[tilespmem:$0x51A0] =	vst v1  }
0x1c5: {  	v1 =	vld [tilespmem:s24+$0xFFFFFFD0];
	_ =	sdelay $0x4  }
0x1c6: {  	v1 =	vshrl.u32 v1, $0x10  }
0x1c7: {  	[tilespmem:$0x51B0] =	vst v1  }
0x1c8: {  	v1 =	vld [tilespmem:s24+$0xFFFFFFE0];
	_ =	sdelay $0x4  }
0x1c9: {  	v1 =	vshrl.u32 v1, $0x10  }
0x1ca: {  	[tilespmem:$0x51C0] =	vst v1  }
0x1cb: {  	v1 =	vld [tilespmem:s24+$0xFFFFFFF0];
	_ =	sdelay $0x4  }
0x1cc: {  	v1 =	vshrl.u32 v1, $0x10  }
0x1cd: {  	[tilespmem:$0x51D0] =	vst v1  }
0x1ce: {  	v1 =	vld [tilespmem:s24+$0x0];
	_ =	sdelay $0x4  }
0x1cf: {  	v1 =	vshrl.u32 v1, $0x10  }
0x1d0: {  	[tilespmem:$0x51E0] =	vst v1  }
0x1d1: {  	[tilespmem:s18], [sflag:$0x2] =	stream.indirect.gather [hbm4b:s4+s15], $0x80, s17, s15, $0xb8;
	[tilespmem:$0x1FE00] =	vst v63  }
0x1d2: {  	_ =	swait.ge [sflag:s19], $0x3800  }
0x1d3: {  	[sflag:s19] =	ssyncset.done $0x0  }
0x1d4: {  	[sflag:s19] =	ssyncadd.s32 $0xFFFFC800  }
0x1d5: {  	[spmem:s1] =	stream.indirect.scatter.add.f32 [tilespmem:s13], [sflag:$0x3], $0x80, s20, s15, $0xb8;
	[tilespmem:$0x1FE00] =	vst v63  }
0x1d6: {  	_ =	swait.ge [sflag:s14], $0x3800  }
0x1d7: {  	[sflag:s14] =	ssyncset.done $0x0  }
0x1d8: {  	[sflag:s14] =	ssyncadd.s32 $0xFFFFC800  }
0x1d9: {  	_ =	swait.ge [sflag:s21], $0x3800  }
0x1da: {  	[sflag:s21] =	ssyncset.done $0x0  }
.Ltmp5:
0x1db: {  	[sflag:s21] =	ssyncadd.s32 $0xFFFFC800;
	(pc) =	sbr.rel .LBB2_10-.Ltmp5, $4  }
0x1dc: {  	[spmem:s1] =	stream.indirect.scatter.add.f32 [tilespmem:s18], [sflag:$0x3], $0x80, s22, s15, $0xb8;
	[tilespmem:$0x1FE00] =	vst v63  }
0x1dd: {  	_ =	swait.ge [sflag:s14], $0x3800  }
0x1de: {  	[sflag:s14] =	ssyncset.done $0x0  }
0x1df: {  	[sflag:s14] =	ssyncadd.s32 $0xFFFFC800  }
.LBB2_7:
0x1e0: {  	s24 =	simm.s32 $0x0  }
0x1e1: {  	v1 =	vld [tilespmem:s24+$0x0];
	_ =	sdelay $0x4  }
0x1e2: {  	v1 =	vand.u32 $0xFFFF, v1  }
0x1e3: {  	[tilespmem:$0x5000] =	vst v1  }
0x1e4: {  	v1 =	vld [tilespmem:s24+$0x10];
	_ =	sdelay $0x4  }
0x1e5: {  	v1 =	vand.u32 $0xFFFF, v1  }
0x1e6: {  	[tilespmem:$0x5010] =	vst v1  }
0x1e7: {  	v1 =	vld [tilespmem:s24+$0x20];
	_ =	sdelay $0x4  }
0x1e8: {  	v1 =	vand.u32 $0xFFFF, v1  }
0x1e9: {  	[tilespmem:$0x5020] =	vst v1  }
0x1ea: {  	v1 =	vld [tilespmem:s24+$0x30];
	_ =	sdelay $0x4  }
0x1eb: {  	v1 =	vand.u32 $0xFFFF, v1  }
0x1ec: {  	[tilespmem:$0x5030] =	vst v1  }
0x1ed: {  	v1 =	vld [tilespmem:s24+$0x40];
	_ =	sdelay $0x4  }
0x1ee: {  	v1 =	vand.u32 $0xFFFF, v1  }
0x1ef: {  	[tilespmem:$0x5040] =	vst v1  }
0x1f0: {  	v1 =	vld [tilespmem:s24+$0x50];
	_ =	sdelay $0x4  }
0x1f1: {  	v1 =	vand.u32 $0xFFFF, v1  }
0x1f2: {  	[tilespmem:$0x5050] =	vst v1  }
0x1f3: {  	v1 =	vld [tilespmem:s24+$0x60];
	_ =	sdelay $0x4  }
0x1f4: {  	v1 =	vand.u32 $0xFFFF, v1  }
0x1f5: {  	[tilespmem:$0x5060] =	vst v1  }
0x1f6: {  	v1 =	vld [tilespmem:s24+$0x0];
	_ =	sdelay $0x4  }
0x1f7: {  	v1 =	vshrl.u32 v1, $0x10  }
0x1f8: {  	[tilespmem:$0x5100] =	vst v1  }
0x1f9: {  	v1 =	vld [tilespmem:s24+$0x10];
	_ =	sdelay $0x4  }
0x1fa: {  	v1 =	vshrl.u32 v1, $0x10  }
0x1fb: {  	[tilespmem:$0x5110] =	vst v1  }
0x1fc: {  	v1 =	vld [tilespmem:s24+$0x20];
	_ =	sdelay $0x4  }
0x1fd: {  	v1 =	vshrl.u32 v1, $0x10  }
0x1fe: {  	[tilespmem:$0x5120] =	vst v1  }
0x1ff: {  	v1 =	vld [tilespmem:s24+$0x30];
	_ =	sdelay $0x4  }
0x200: {  	v1 =	vshrl.u32 v1, $0x10  }
0x201: {  	[tilespmem:$0x5130] =	vst v1  }
0x202: {  	v1 =	vld [tilespmem:s24+$0x40];
	_ =	sdelay $0x4  }
0x203: {  	v1 =	vshrl.u32 v1, $0x10  }
0x204: {  	[tilespmem:$0x5140] =	vst v1  }
0x205: {  	v1 =	vld [tilespmem:s24+$0x50];
	_ =	sdelay $0x4  }
0x206: {  	v1 =	vshrl.u32 v1, $0x10  }
0x207: {  	[tilespmem:$0x5150] =	vst v1  }
0x208: {  	v1 =	vld [tilespmem:s24+$0x60];
	_ =	sdelay $0x4  }
0x209: {  	v1 =	vshrl.u32 v1, $0x10  }
0x20a: {  	[tilespmem:$0x5160] =	vst v1  }
0x20b: {  	[tilespmem:s13], [sflag:$0x1] =	stream.indirect.gather [hbm4b:s4+s15], $0x80, s16, s15, $0xb8;
	[tilespmem:$0x1FE00] =	vst v63  }
0x20c: {  	_ =	swait.ge [sflag:s19], $0x3800  }
0x20d: {  	[sflag:s19] =	ssyncset.done $0x0  }
0x20e: {  	[sflag:s19] =	ssyncadd.s32 $0xFFFFC800  }
0x20f: {  	[spmem:s1] =	stream.indirect.scatter.add.f32 [tilespmem:s13], [sflag:$0x3], $0x80, s20, s15, $0xb8;
	[tilespmem:$0x1FE00] =	vst v63  }
0x210: {  	_ =	swait.ge [sflag:s14], $0x3800  }
0x211: {  	s28 =	simm.s32 $0x400;
	s24 =	simm.s32 $0x200;
	[sflag:s14] =	ssyncset.done $0x0  }
.LBB2_8:
0x212: {  	s26 =	sshra.s32 s24, $0x2  }
0x213: {  	[sflag:s14] =	ssyncadd.s32 $0xFFFFC800;
	s24 =	smov.u32 s28;
	s25 =	sadd.s32 $0x200, s28  }
0x214: {  	p1 =	seq.s32 s28, $0x2E00;
	v1 =	vld [tilespmem:s26+$0x0];
	_ =	sdelay $0x4  }
0x215: {  	v1 =	vand.u32 $0xFFFF, v1  }
0x216: {  	[tilespmem:$0x5000] =	vst v1  }
0x217: {  	v1 =	vld [tilespmem:s26+$0x10];
	_ =	sdelay $0x4  }
0x218: {  	v1 =	vand.u32 $0xFFFF, v1  }
0x219: {  	[tilespmem:$0x5010] =	vst v1  }
0x21a: {  	v1 =	vld [tilespmem:s26+$0x20];
	_ =	sdelay $0x4  }
0x21b: {  	v1 =	vand.u32 $0xFFFF, v1  }
0x21c: {  	[tilespmem:$0x5020] =	vst v1  }
0x21d: {  	v1 =	vld [tilespmem:s26+$0x30];
	_ =	sdelay $0x4  }
0x21e: {  	v1 =	vand.u32 $0xFFFF, v1  }
0x21f: {  	[tilespmem:$0x5030] =	vst v1  }
0x220: {  	v1 =	vld [tilespmem:s26+$0x40];
	_ =	sdelay $0x4  }
0x221: {  	v1 =	vand.u32 $0xFFFF, v1  }
0x222: {  	[tilespmem:$0x5040] =	vst v1  }
0x223: {  	v1 =	vld [tilespmem:s26+$0x50];
	_ =	sdelay $0x4  }
0x224: {  	v1 =	vand.u32 $0xFFFF, v1  }
0x225: {  	[tilespmem:$0x5050] =	vst v1  }
0x226: {  	v1 =	vld [tilespmem:s26+$0x60];
	_ =	sdelay $0x4  }
0x227: {  	v1 =	vand.u32 $0xFFFF, v1  }
0x228: {  	[tilespmem:$0x5060] =	vst v1  }
0x229: {  	v1 =	vld [tilespmem:s26+$0x0];
	_ =	sdelay $0x4  }
0x22a: {  	v1 =	vshrl.u32 v1, $0x10  }
0x22b: {  	[tilespmem:$0x5100] =	vst v1  }
0x22c: {  	v1 =	vld [tilespmem:s26+$0x10];
	_ =	sdelay $0x4  }
0x22d: {  	v1 =	vshrl.u32 v1, $0x10  }
0x22e: {  	[tilespmem:$0x5110] =	vst v1  }
0x22f: {  	v1 =	vld [tilespmem:s26+$0x20];
	_ =	sdelay $0x4  }
0x230: {  	v1 =	vshrl.u32 v1, $0x10  }
0x231: {  	[tilespmem:$0x5120] =	vst v1  }
0x232: {  	v1 =	vld [tilespmem:s26+$0x30];
	_ =	sdelay $0x4  }
0x233: {  	v1 =	vshrl.u32 v1, $0x10  }
0x234: {  	[tilespmem:$0x5130] =	vst v1  }
0x235: {  	v1 =	vld [tilespmem:s26+$0x40];
	_ =	sdelay $0x4  }
0x236: {  	v1 =	vshrl.u32 v1, $0x10  }
0x237: {  	[tilespmem:$0x5140] =	vst v1  }
0x238: {  	v1 =	vld [tilespmem:s26+$0x50];
	_ =	sdelay $0x4  }
0x239: {  	v1 =	vshrl.u32 v1, $0x10  }
0x23a: {  	[tilespmem:$0x5150] =	vst v1  }
0x23b: {  	v1 =	vld [tilespmem:s26+$0x60];
	_ =	sdelay $0x4  }
0x23c: {  	v1 =	vshrl.u32 v1, $0x10  }
0x23d: {  	[tilespmem:$0x5160] =	vst v1  }
0x23e: {  	[tilespmem:s13], [sflag:$0x1] =	stream.indirect.gather [hbm4b:s4+s15], $0x80, s16, s15, $0xb8;
	[tilespmem:$0x1FE00] =	vst v63  }
0x23f: {  	_ =	swait.ge [sflag:s19], $0x3800  }
.Ltmp6:
0x240: {  	[sflag:s19] =	ssyncset.done $0x0;
	(pc) =	sbr.rel @!p1 .LBB2_8-.Ltmp6, $4  }
0x241: {  	[sflag:s19] =	ssyncadd.s32 $0xFFFFC800  }
0x242: {  	[spmem:s1] =	stream.indirect.scatter.add.f32 [tilespmem:s13], [sflag:$0x3], $0x80, s20, s15, $0xb8;
	[tilespmem:$0x1FE00] =	vst v63  }
0x243: {  	_ =	swait.ge [sflag:s14], $0x3800  }
0x244: {  	s28 =	smov.u32 s25;
	[sflag:s14] =	ssyncset.done $0x0  }
.Ltmp7:
0x245: {  	_ = 	snop;
	(pc) =	sbr.rel .LBB2_9-.Ltmp7, $1  }
0x246: {  	_ =	sdelay $0x3  }
.LBB2_11:
0x247: {  	_ =	sfence.sel $0x180000  }
0x248: {  	[bflag:$0x0] =	sbarrier.arrive $0xFFFF  }
0x249: {  	p0 =	sne.s32 s3, $0x0;
	_ =	strace $0x9000004D  }
0x24a: {  	s0 =	sadd.s32 @!p0 $0x100000, s0;
	[bflag:$0x2] =	sbarrier.arrive $0xFFFF  }
0x24b: {  	[sflag:s0] =	ssyncadd.tile.s32 @!p0 $0x1;
	_ =	shalt  }
.Lfunc_end2:
_tile_overlayer_lowered:
.L_overlay_start_2:
0x24c: {  	(tag) =	ssettag $0x2  }
0x24d: {  	s0 =	rddreg [dreg:$0x0];
	s2 =	stileid.u32  }
0x24e: {  	s1 =	rddreg [dreg:$0x1];
	p0 =	sne.s32 s2, $0x0  }
0x24f: {  	s3 =	rddreg [dreg:$0x2];
	[bflag:$0x3] =	sbarrier.arrive $0xFFFF;
	s2 =	simm.s32 @!p0 $0x1C03  }
0x250: {  	[timem:s3], [sflag:s2] =	dma.local @!p0 [hbm:s0], s1  }
0x251: {  	s0 =	simm.s32 @!p0 $0x3  }
0x252: {  	_ =	swait.ge @!p0 [sflag:s0], s1  }
0x253: {  	s1 =	ssub.s32 @!p0 $0x0, s1;
	[sflag:s0] =	ssyncset.done @!p0 $0x0  }
0x254: {  	[sflag:s0] =	ssyncadd.s32 @!p0 s1  }
0x255: {  	[bflag:$0x3] =	sbarrier.arrive $0xFFFF  }
0x256: {  	_ =	shalt  }

// kernel: kernel.8.cloned.1.call-start
scs
__scs_entry_jumppad:
0x0: {  	(pc) =	sbr.rel $0x88, $3  }
0x1: {  	(tag) =	ssettag $0x0;
	lr =	simm.s32 $0x1  }
0x2: {  	[smem:$0x3F9B] =	sst lr;
	_ =	strace $0xD0000000  }
0x3: {  	_ = 	snop  }
0x4: {  	_ = 	snop  }
0x5: {  	_ = 	snop  }
0x6: {  	_ = 	snop  }
0x7: {  	_ = 	snop  }
__scs_overlays_trampoline_lowered:
0x8: {  	[smem:$0x3FAA] =	sst s0  }
0x9: {  	[smem:$0x3FAB] =	sst s1  }
0xa: {  	[smem:$0x3FAC] =	sst s2  }
0xb: {  	[smem:$0x3FAD] =	sst s3  }
0xc: {  	[smem:$0x3FAE] =	sst s4  }
0xd: {  	[smem:$0x3FAF] =	sst s5  }
0xe: {  	[smem:$0x3FB0] =	sst s6  }
0xf: {  	[smem:$0x3FB1] =	sst s7  }
0x10: {  	[smem:$0x3FB2] =	sst s8  }
0x11: {  	[smem:$0x3FB3] =	sst s9;
	s0 =	simm.s32 @!p0 $0x0  }
0x12: {  	s1 =	sld [smem:$0x3F99];
	s0 =	simm.s32 @p0 $0x1  }
0x13: {  	[smem:$0x3FB4] =	sst s0;
	s0 =	simm.s32 @!p1 $0x0  }
0x14: {  	s2 =	sld [smem:$0x3F98];
	s0 =	simm.s32 @p1 $0x1  }
0x15: {  	[smem:$0x3FB5] =	sst s0;
	s0 =	simm.s32 @!p2 $0x0  }
0x16: {  	s3 =	sld [smem:$0x3FDB];
	s0 =	simm.s32 @p2 $0x1  }
0x17: {  	s4 =	simm.s32 $0x1BF5;
	[smem:$0x3FB7] =	sst s0  }
0x18: {  	s0 =	sld [smem:$0x3F9A];
	_ =	swait.ge [sflag:s4], $0x0  }
0x19: {  	s7 =	sld [smem:$0x3F9B]  }
0x1a: {  	s8 =	sadd.s32 $0xFFFFE003, lr  }
0x1b: {  	s9 =	sadd.s32 $0xFFFFFEF7, lr;
	s5 =	simm.s32 $0xFFFFFFFF;
	p2 =	slt.u32 s8, $0xFFFFF086  }
0x1c: {  	p1 =	slt.u32 s9, $0xF7A;
	s5 =	simm.s32 @!p2 $0x0  }
0x1d: {  	s5 =	simm.s32 @p1 $0x1;
	p0 =	seq.s32 s7, s2  }
0x1e: {  	s7 =	smul.u32 @!p0 $0xF7A, s2;
	p2 =	seq.s32 @!p0 s5, $0x0  }
0x1f: {  	s9 =	smul.u32 $0xF7A, s1;
	s8 =	simm.s32 @!p0 $0x1BF5;
	p2 =	por !p2, p0  }
0x20: {  	[sflag:s8] =	ssyncset.s32 @!p0 $0xFFFFF086;
	s6 =	sadd.s32 @!p0 s3, s7;
	s7 =	simm.s32 @!p0 $0x108  }
0x21: {  	s3 =	sadd.s32 s3, s9;
	s6 =	sadd.s32 @!p0 $0x88, s6;
	s7 =	simm.s32 @p2 $0x1082  }
0x22: {  	[simem:s7], [sflag:s8] =	dma.local @!p0 [hbm:s6], $0xF7A  }
0x23: {  	s9 =	sor.u32 $0xD0000000, s2;
	s6 =	simm.s32 $0x108;
	_ =	swait.ge @!p0 [sflag:s8], $0x0  }
0x24: {  	s3 =	sadd.s32 $0x88, s3;
	s6 =	simm.s32 @!p1 $0x1082;
	[sflag:s4] =	ssyncset.s32 $0xFFFFF086  }
0x25: {  	[simem:s6], [sflag:s4] =	dma.local [hbm:s3], $0xF7A  }
0x26: {  	[smem:$0x3F9B] =	sst s1;
	(tag) =	ssettag s2;
	_ =	strace s9  }
0x27: {  	s1 =	sld [smem:$0x3FAB]  }
0x28: {  	s2 =	sld [smem:$0x3FAC]  }
0x29: {  	s4 =	sld [smem:$0x3FAE]  }
0x2a: {  	p0 =	seq.s32 s5, $0x0;
	s5 =	sld [smem:$0x3FAF]  }
0x2b: {  	s6 =	sld [smem:$0x3FB0]  }
0x2c: {  	s7 =	sld [smem:$0x3FB1]  }
0x2d: {  	s3 =	simm.s32 $0x108;
	s8 =	sld [smem:$0x3FB2]  }
0x2e: {  	s3 =	simm.s32 @!p0 $0x1082;
	s9 =	sld [smem:$0x3FB3]  }
0x2f: {  	lr =	sadd.s32 s0, s3;
	s0 =	sld [smem:$0x3FAA]  }
0x30: {  	s3 =	sld [smem:$0x3FAD]  }
0x31: {  	[smem:$0x3FB6] =	sst s10  }
0x32: {  	s10 =	sld [smem:$0x3FB4];
	_ =	sdelay $0x3  }
0x33: {  	p0 =	seq.s32 s10, $0x1;
	s10 =	sld [smem:$0x3FB6];
	_ =	sdelay $0x3  }
0x34: {  	[smem:$0x3FB6] =	sst s10  }
0x35: {  	s10 =	sld [smem:$0x3FB5];
	_ =	sdelay $0x3  }
0x36: {  	p1 =	seq.s32 s10, $0x1;
	s10 =	sld [smem:$0x3FB6];
	_ =	sdelay $0x3  }
0x37: {  	[smem:$0x3FB6] =	sst s10  }
0x38: {  	s10 =	sld [smem:$0x3FB7]  }
0x39: {  	_ = 	snop;
	(pc) =	sbr.ind lr, $3  }
0x3a: {  	_ = 	snop  }
0x3b: {  	_ = 	snop  }
0x3c: {  	p2 =	seq.s32 s10, $0x1;
	s10 =	sld [smem:$0x3FB6]  }
0x3d: {  	_ =	shalt  }
0x3e: {  	_ =	shalt  }
0x3f: {  	_ =	shalt  }
0x40: {  	_ =	shalt  }
0x41: {  	_ =	shalt  }
0x42: {  	_ =	shalt  }
0x43: {  	_ =	shalt  }
0x44: {  	_ =	shalt  }
0x45: {  	_ =	shalt  }
0x46: {  	_ =	shalt  }
0x47: {  	_ =	shalt  }
0x48: {  	_ =	shalt  }
0x49: {  	_ =	shalt  }
0x4a: {  	_ =	shalt  }
0x4b: {  	_ =	shalt  }
0x4c: {  	_ =	shalt  }
0x4d: {  	_ =	shalt  }
0x4e: {  	_ =	shalt  }
0x4f: {  	_ =	shalt  }
0x50: {  	_ =	shalt  }
0x51: {  	_ =	shalt  }
0x52: {  	_ =	shalt  }
0x53: {  	_ =	shalt  }
0x54: {  	_ =	shalt  }
0x55: {  	_ =	shalt  }
0x56: {  	_ =	shalt  }
0x57: {  	_ =	shalt  }
0x58: {  	_ =	shalt  }
0x59: {  	_ =	shalt  }
0x5a: {  	_ =	shalt  }
0x5b: {  	_ =	shalt  }
0x5c: {  	_ =	shalt  }
0x5d: {  	_ =	shalt  }
0x5e: {  	_ =	shalt  }
0x5f: {  	_ =	shalt  }
0x60: {  	_ =	shalt  }
0x61: {  	_ =	shalt  }
0x62: {  	_ =	shalt  }
0x63: {  	_ =	shalt  }
0x64: {  	_ =	shalt  }
0x65: {  	_ =	shalt  }
0x66: {  	_ =	shalt  }
0x67: {  	_ =	shalt  }
0x68: {  	_ =	shalt  }
0x69: {  	_ =	shalt  }
0x6a: {  	_ =	shalt  }
0x6b: {  	_ =	shalt  }
0x6c: {  	_ =	shalt  }
0x6d: {  	_ =	shalt  }
0x6e: {  	_ =	shalt  }
0x6f: {  	_ =	shalt  }
0x70: {  	_ =	shalt  }
0x71: {  	_ =	shalt  }
0x72: {  	_ =	shalt  }
0x73: {  	_ =	shalt  }
0x74: {  	_ =	shalt  }
0x75: {  	_ =	shalt  }
0x76: {  	_ =	shalt  }
0x77: {  	_ =	shalt  }
0x78: {  	_ =	shalt  }
0x79: {  	_ =	shalt  }
0x7a: {  	_ =	shalt  }
0x7b: {  	_ =	shalt  }
0x7c: {  	_ =	shalt  }
0x7d: {  	_ =	shalt  }
0x7e: {  	_ =	shalt  }
0x7f: {  	_ =	shalt  }
0x80: {  	_ =	shalt  }
0x81: {  	_ =	shalt  }
0x82: {  	_ =	shalt  }
0x83: {  	_ =	shalt  }
0x84: {  	_ =	shalt  }
0x85: {  	_ =	shalt  }
0x86: {  	_ =	shalt  }
0x87: {  	_ =	shalt  }
.Lfunc_end0:
.L_simem_size_0:
called_computation_lowered:
.L_overlay_start_0:
0x88: {  	s2 =	sld [smem:$0x3FD9]  }
0x89: {  	s3 =	sld [smem:$0x3FFE];
	_ =	sdelay $0x1  }
0x8a: {  	s1 =	srdreg.scid  }
0x8b: {  	s0 =	sand.u32 $0x1, s1  }
0x8c: {  	s16 =	sshll.u32 s0, $0xA;
	s2 =	sadd.s32 s3, s2  }
0x8d: {  	s2 =	sadd.s32 s2, s16  }
0x8e: {  	[smem:$0x3FC2] =	sst s2  }
0x8f: {  	_ = 	snop  }
0x90: {  	(tm) =	ssettm $0x1  }
0x91: {  	s17 =	sld [smem:$0x3FFB];
	_ =	sdelay $0x3  }
0x92: {  	_ =	strace s17  }
0x93: {  	s2 =	sld [smem:$0x3FFC];
	_ =	sdelay $0x3  }
0x94: {  	_ =	strace s2  }
0x95: {  	s2 =	sld [smem:$0x3FFD];
	_ =	sdelay $0x3  }
0x96: {  	_ =	strace s2  }
0x97: {  	_ =	strace $0x8FFFFFFF  }
0x98: {  	s18 =	sld [smem:$0x3FDB];
	_ =	sdelay $0x1  }
0x99: {  	s19 =	simm.s32 $_scs_section_size  }
0x9a: {  	s4 =	simm.s32 $_size__tile_overlayer_lowered;
	s5 =	simm.s32 $_tile_overlayer_lowered  }
0x9b: {  	s22 =	simm.s32 $0x1BFF;
	s21 =	sshll.u32 s5, $0x1;
	s2 =	sadd.s32 s19, s18  }
0x9c: {  	s6 =	simm.s32 $0x0;
	s20 =	sshll.u32 s4, $0x1;
	s4 =	sadd.s32 s21, s2  }
0x9d: {  	[timem:s6], [sflag:s22] =	dma.local [hbm:s4], s20  }
0x9e: {  	_ =	swait.ge [sflag:s22], s20  }
0x9f: {  	s3 =	ssub.s32 $0x0, s20;
	[sflag:s22] =	ssyncset.done $0x0  }
0xa0: {  	[sflag:s22] =	ssyncadd.s32 s3;
	_ =	sdelay $0x1  }
0xa1: {  	s23 =	simm.s32 $0x1B8B  }
0xa2: {  	_ =	swait.ge [sflag:s23], $0x1  }
0xa3: {  	[sflag:s23] =	ssyncset.done $0x0  }
0xa4: {  	s25 =	simm.s32 $0x1B8E;
	s24 =	sld [smem:$0x3FFE];
	[sflag:s23] =	ssyncadd.s32 $0xFFFFFFFF  }
0xa5: {  	s26 =	simm.s32 $execute0_lowered;
	[smem:$0x3FD2] =	sst s25  }
0xa6: {  	s4 =	sshll.u32 s26, $0x1;
	_ =	strace $0x80000046;
	[dreg:$0x1] =	wrdreg $0xFFFFFFFF  }
0xa7: {  	s28 =	simm.s32 $_size_execute0_lowered;
	s2 =	sadd.s32 s2, s4;
	[dreg:$0x0] =	wrdreg $0x0  }
0xa8: {  	s4 =	sshll.u32 s28, $0x1;
	[dreg:$0x2] =	wrdreg s2  }
0xa9: {  	[dreg:$0x3] =	wrdreg s4  }
0xaa: {  	[dreg:$0x4] =	wrdreg $0xC0  }
0xab: {  	_ =	task [dreg:s6], $0x5FFFF  }
0xac: {  	[dreg:$0x1] =	wrdreg $0xFFFFFFFF  }
0xad: {  	[dreg:$0x0] =	wrdreg $0x60  }
0xae: {  	[dreg:$0x2] =	wrdreg s24  }
0xaf: {  	[dreg:$0x3] =	wrdreg $0x68800  }
0xb0: {  	[dreg:$0x4] =	wrdreg $0x9  }
0xb1: {  	_ =	task.clear_ibuf [dreg:s6], $0x5FFFF;
	_ =	strace $0x90000046  }
0xb2: {  	s29 =	simm.s32 $0x9;
	_ =	strace $0x80000048  }
0xb3: {  	_ =	swait.ge [sflag:s29], $0x1  }
0xb4: {  	[sflag:s29] =	ssyncadd.s32 $0xFFFFFFFF  }
0xb5: {  	_ =	strace $0x90000048  }
0xb6: {  	_ =	sfence  }
0xb7: {  	s30 =	sld [smem:$0x0];
	_ =	sdelay $0x2  }
0xb8: {  	s31 =	sshll.u32 s1, $0xD;
	s1 =	sshrl.u32 s1, $0x2  }
0xb9: {  	s3 =	sand.u32 $0x4000, s31;
	s1 =	sadd.s32 s1, s30  }
0xba: {  	s0 =	sor.u32 s3, s0;
	s1 =	sshll.u32 s1, $0x11  }
0xbb: {  	s0 =	sor.u32 s1, s0  }
0xbc: {  	s0 =	sadd.s32 $0x8F2B, s0  }
0xbd: {  	[sflag:s0] =	ssyncadd.remote.s32 $0x1  }
0xbe: {  	_ =	sfence.sel $0xFFFF  }
0xbf: {  	[dreg:$0x0] =	wrdreg $0xFFFFFFFF;
	(pc) =	sbr.abs _section_cstart, $3  }
0xc0: {  	[dreg:$0x1] =	wrdreg $0xFFFFFFFF  }
0xc1: {  	_ =	task.clear_ibuf [dreg:s6], $0x2FFFF;
	_ =	strace $0x9FFFFFFF  }
0xc2: {  	(tm) =	ssettm $0x7FFFFFFF  }
0xc3: {  	_ =	shalt  }
tec
execute0_lowered:
.L_overlay_start_1:
0x0: {  	(tag) =	ssettag $0x1  }
0x1: {  	s1 =	srdreg.scid;
	s4 =	rddreg [dreg:$0x0]  }
0x2: {  	s0 =	stileid.u32;
	s2 =	rddreg [dreg:$0x1];
	s3 =	simm.s32 $0x0  }
0x3: {  	s13 =	simm.s32 $0x1;
	s14 =	simm.s32 $0x70;
	s15 =	simm.s32 $0x3000  }
0x4: {  	s5 =	sand.u32 $0x1, s1;
	s1 =	rddreg [dreg:$0x2];
	s7 =	smul.u32 $0x4F000, s0  }
0x5: {  	s29 =	sshll.u32 s0, $0x1;
	[smem:$0x7FF] =	sst s3;
	s17 =	smul.u32 $0x2780, s0  }
0x6: {  	s18 =	sshll.u32 s0, $0x6;
	s6 =	sor.u32 s5, s29;
	s8 =	smul.u32 $0x27800, s5  }
0x7: {  	_ =	strace $0x80000047;
	s5 =	ssub.s32 $0x2, s5;
	s6 =	smul.u32 $0x600, s6  }
0x8: {  	s30 =	sshrl.u32 s7, $0x2;
	s31 =	sshrl.u32 s5, $0x1;
	s11 =	sadd.s32 s8, s4  }
0x9: {  	s12 =	ssub.s32 s5, s31;
	s10 =	sadd.s32 s6, s4;
	s4 =	sadd.s32 s30, s2  }
0xa: {  	s16 =	sadd.s32 $0xDC00, s11;
	s11 =	smax.u32 s12, $0x1;
	s12 =	simm.s32 $0x3080  }
0xb: {  	s5 =	sadd.s32 $0x3800, s4;
	s6 =	sadd.s32 $0x7000, s4;
	s7 =	sadd.s32 $0xA800, s4  }
0xc: {  	s8 =	sadd.s32 $0xE000, s4;
	s9 =	sadd.s32 $0x11800, s4;
	s10 =	sadd.s32 $0x1C00, s10  }
0xd: {  	v0 =	vimm.f32 $1.000000000e+00;
	s16 =	sadd.s32 s17, s16;
	s17 =	sor.u32 $0x1C01, s18;
	s18 =	sshrl.u32 s4, $0x3  }
.LBB2_1:
0xe: {  	s19 =	simm.s32 $0x0;
	s20 =	simm.s32 $0x200  }
.LBB2_2:
0xf: {  	p0 =	sne.s32 s20, $0xDE00;
	[tilespmem:s19+$0x30F0] =	vst v0  }
0x10: {  	[tilespmem:s19+$0x3080] =	vst v0  }
0x11: {  	[tilespmem:s19+$0x3090] =	vst v0  }
.Ltmp0:
0x12: {  	[tilespmem:s19+$0x30A0] =	vst v0;
	(pc) =	sbr.rel @p0 .LBB2_2-.Ltmp0, $4  }
0x13: {  	[tilespmem:s19+$0x30B0] =	vst v0  }
0x14: {  	[tilespmem:s19+$0x30C0] =	vst v0  }
0x15: {  	[tilespmem:s19+$0x30D0] =	vst v0  }
0x16: {  	[tilespmem:s19+$0x30E0] =	vst v0;
	s19 =	sshra.s32 s20, $0x2;
	s20 =	sadd.s32 $0x200, s20  }
0x17: {  	[tilespmem:s19+$0x30F0] =	vst v0  }
0x18: {  	[tilespmem:s19+$0x3080] =	vst v0  }
0x19: {  	[tilespmem:s19+$0x3090] =	vst v0  }
0x1a: {  	[tilespmem:s19+$0x30A0] =	vst v0  }
0x1b: {  	[tilespmem:s19+$0x30B0] =	vst v0  }
0x1c: {  	[tilespmem:s19+$0x30C0] =	vst v0  }
0x1d: {  	[tilespmem:s19+$0x30D0] =	vst v0  }
0x1e: {  	[tilespmem:s19+$0x30E0] =	vst v0  }
0x1f: {  	[spmem:s4] =	stream.linear.scatter [tilespmem:s12], [sflag:$0x1], $0x3800, $0x38;
	[tilespmem:$0x1A480] =	vst v63  }
0x20: {  	_ =	swait.ge [sflag:s13], $0x3800  }
0x21: {  	[sflag:s13] =	ssyncset.done $0x0  }
0x22: {  	[sflag:s13] =	ssyncadd.s32 $0xFFFFC800  }
0x23: {  	[spmem:s5] =	stream.linear.scatter [tilespmem:s12], [sflag:$0x1], $0x3800, $0x38;
	[tilespmem:$0x1A480] =	vst v63  }
0x24: {  	_ =	swait.ge [sflag:s13], $0x3800  }
0x25: {  	[sflag:s13] =	ssyncset.done $0x0  }
0x26: {  	[sflag:s13] =	ssyncadd.s32 $0xFFFFC800  }
0x27: {  	[spmem:s6] =	stream.linear.scatter [tilespmem:s12], [sflag:$0x1], $0x3800, $0x38;
	[tilespmem:$0x1A480] =	vst v63  }
0x28: {  	_ =	swait.ge [sflag:s13], $0x3800  }
0x29: {  	[sflag:s13] =	ssyncset.done $0x0  }
0x2a: {  	[sflag:s13] =	ssyncadd.s32 $0xFFFFC800  }
0x2b: {  	[spmem:s7] =	stream.linear.scatter [tilespmem:s12], [sflag:$0x1], $0x3800, $0x38;
	[tilespmem:$0x1A480] =	vst v63  }
0x2c: {  	_ =	swait.ge [sflag:s13], $0x3800  }
0x2d: {  	[sflag:s13] =	ssyncset.done $0x0  }
0x2e: {  	[sflag:s13] =	ssyncadd.s32 $0xFFFFC800  }
0x2f: {  	[spmem:s8] =	stream.linear.scatter [tilespmem:s12], [sflag:$0x1], $0x3800, $0x38;
	[tilespmem:$0x1A480] =	vst v63  }
0x30: {  	_ =	swait.ge [sflag:s13], $0x3800  }
0x31: {  	[sflag:s13] =	ssyncset.done $0x0  }
0x32: {  	[sflag:s13] =	ssyncadd.s32 $0xFFFFC800  }
0x33: {  	[spmem:s9] =	stream.linear.scatter [tilespmem:s12], [sflag:$0x1], $0x2400, $0x38;
	[tilespmem:$0x1A480] =	vst v63  }
0x34: {  	_ =	swait.ge [sflag:s13], $0x2400  }
0x35: {  	[sflag:s13] =	ssyncset.done $0x0  }
0x36: {  	s30 =	simm.s32 $0x0;
	[sflag:s13] =	ssyncadd.s32 $0xFFFFDC00  }
0x37: {  	[tilespmem:s30], [sflag:$0x1] =	stream.linear.gather [hbm4b:s10+s30], $0x2E00, $0x38;
	[tilespmem:$0x1A480] =	vst v63  }
0x38: {  	_ =	swait.ge [sflag:s13], $0x2E00  }
0x39: {  	[sflag:s13] =	ssyncset.done $0x0  }
0x3a: {  	[sflag:s13] =	ssyncadd.s32 $0xFFFFD200  }
0x3b: {  	s31 =	simm.s32 $0x0;
	[bflag:$0x0] =	sbarrier.arrive $0xFFFF  }
0x3c: {  	v1 =	vld [tilespmem:s31+$0x0];
	_ =	sdelay $0x4  }
0x3d: {  	v1 =	vshrl.u32 v1, $0x10  }
0x3e: {  	[tilespmem:$0x3000] =	vst v1  }
0x3f: {  	v1 =	vld [tilespmem:s31+$0x10];
	_ =	sdelay $0x4  }
0x40: {  	v1 =	vshrl.u32 v1, $0x10  }
0x41: {  	[tilespmem:$0x3010] =	vst v1  }
0x42: {  	v1 =	vld [tilespmem:s31+$0x20];
	_ =	sdelay $0x4  }
0x43: {  	v1 =	vshrl.u32 v1, $0x10  }
0x44: {  	[tilespmem:$0x3020] =	vst v1  }
0x45: {  	v1 =	vld [tilespmem:s31+$0x30];
	_ =	sdelay $0x4  }
0x46: {  	v1 =	vshrl.u32 v1, $0x10  }
0x47: {  	[tilespmem:$0x3030] =	vst v1  }
0x48: {  	v1 =	vld [tilespmem:s31+$0x40];
	_ =	sdelay $0x4  }
0x49: {  	v1 =	vshrl.u32 v1, $0x10  }
0x4a: {  	[tilespmem:$0x3040] =	vst v1  }
0x4b: {  	v1 =	vld [tilespmem:s31+$0x50];
	_ =	sdelay $0x4  }
0x4c: {  	v1 =	vshrl.u32 v1, $0x10  }
0x4d: {  	[tilespmem:$0x3050] =	vst v1  }
0x4e: {  	v1 =	vld [tilespmem:s31+$0x60];
	_ =	sdelay $0x4  }
0x4f: {  	v1 =	vshrl.u32 v1, $0x10  }
0x50: {  	[tilespmem:$0x3060] =	vst v1  }
0x51: {  	[spmem:s2] =	stream.indirect.scatter.add.f32 [tilespmem:s12], [sflag:$0x1], $0x80, s15, s14, $0xb8;
	[tilespmem:$0x1A480] =	vst v63  }
0x52: {  	_ =	swait.ge [sflag:s13], $0x3800  }
0x53: {  	s19 =	simm.s32 $0x200;
	s22 =	simm.s32 $0x400;
	[sflag:s13] =	ssyncset.done $0x0  }
.LBB2_4:
0x54: {  	s21 =	sshra.s32 s19, $0x2  }
0x55: {  	[sflag:s13] =	ssyncadd.s32 $0xFFFFC800;
	s19 =	smov.u32 s22;
	s20 =	sadd.s32 $0x200, s22  }
0x56: {  	p0 =	sne.s32 s22, $0xB600;
	v1 =	vld [tilespmem:s21+$0x0];
	_ =	sdelay $0x4  }
0x57: {  	v1 =	vshrl.u32 v1, $0x10  }
0x58: {  	[tilespmem:$0x3000] =	vst v1  }
0x59: {  	v1 =	vld [tilespmem:s21+$0x10];
	_ =	sdelay $0x4  }
0x5a: {  	v1 =	vshrl.u32 v1, $0x10  }
0x5b: {  	[tilespmem:$0x3010] =	vst v1  }
0x5c: {  	v1 =	vld [tilespmem:s21+$0x20];
	_ =	sdelay $0x4  }
0x5d: {  	v1 =	vshrl.u32 v1, $0x10  }
0x5e: {  	[tilespmem:$0x3020] =	vst v1  }
0x5f: {  	v1 =	vld [tilespmem:s21+$0x30];
	_ =	sdelay $0x4  }
0x60: {  	v1 =	vshrl.u32 v1, $0x10  }
0x61: {  	[tilespmem:$0x3030] =	vst v1  }
0x62: {  	v1 =	vld [tilespmem:s21+$0x40];
	_ =	sdelay $0x4  }
0x63: {  	v1 =	vshrl.u32 v1, $0x10  }
0x64: {  	[tilespmem:$0x3040] =	vst v1  }
0x65: {  	v1 =	vld [tilespmem:s21+$0x50];
	_ =	sdelay $0x4  }
0x66: {  	v1 =	vshrl.u32 v1, $0x10  }
0x67: {  	[tilespmem:$0x3050] =	vst v1  }
0x68: {  	v1 =	vld [tilespmem:s21+$0x60];
	_ =	sdelay $0x4  }
.Ltmp1:
0x69: {  	v1 =	vshrl.u32 v1, $0x10;
	(pc) =	sbr.rel @p0 .LBB2_4-.Ltmp1, $4  }
0x6a: {  	[tilespmem:$0x3060] =	vst v1  }
0x6b: {  	[spmem:s2] =	stream.indirect.scatter.add.f32 [tilespmem:s12], [sflag:$0x1], $0x80, s15, s14, $0xb8;
	[tilespmem:$0x1A480] =	vst v63  }
0x6c: {  	_ =	swait.ge [sflag:s13], $0x3800  }
0x6d: {  	s22 =	smov.u32 s20;
	[sflag:s13] =	ssyncset.done $0x0  }
0x6e: {  	s19 =	sshra.s32 s19, $0x2;
	[sflag:s13] =	ssyncadd.s32 $0xFFFFC800  }
0x6f: {  	v1 =	vld [tilespmem:s19+$0x0];
	_ =	sdelay $0x4  }
0x70: {  	v1 =	vshrl.u32 v1, $0x10  }
0x71: {  	[tilespmem:$0x3000] =	vst v1  }
0x72: {  	v1 =	vld [tilespmem:s19+$0x10];
	_ =	sdelay $0x4  }
0x73: {  	v1 =	vshrl.u32 v1, $0x10  }
0x74: {  	[tilespmem:$0x3010] =	vst v1  }
0x75: {  	v1 =	vld [tilespmem:s19+$0x20];
	_ =	sdelay $0x4  }
0x76: {  	v1 =	vshrl.u32 v1, $0x10  }
0x77: {  	[tilespmem:$0x3020] =	vst v1  }
0x78: {  	v1 =	vld [tilespmem:s19+$0x30];
	_ =	sdelay $0x4  }
0x79: {  	v1 =	vshrl.u32 v1, $0x10  }
0x7a: {  	[tilespmem:$0x3030] =	vst v1  }
0x7b: {  	v1 =	vld [tilespmem:s19+$0x40];
	_ =	sdelay $0x4  }
0x7c: {  	v1 =	vshrl.u32 v1, $0x10  }
0x7d: {  	[tilespmem:$0x3040] =	vst v1  }
0x7e: {  	v1 =	vld [tilespmem:s19+$0x50];
	_ =	sdelay $0x4  }
0x7f: {  	v1 =	vshrl.u32 v1, $0x10  }
0x80: {  	[tilespmem:$0x3050] =	vst v1  }
0x81: {  	v1 =	vld [tilespmem:s19+$0x60];
	_ =	sdelay $0x4  }
0x82: {  	v1 =	vshrl.u32 v1, $0x10  }
0x83: {  	[tilespmem:$0x3060] =	vst v1  }
0x84: {  	[spmem:s2] =	stream.indirect.scatter.add.f32 [tilespmem:s12], [sflag:$0x1], $0x80, s15, s14, $0xb8;
	[tilespmem:$0x1A480] =	vst v63  }
0x85: {  	_ =	swait.ge [sflag:s13], $0x3800  }
0x86: {  	s3 =	sadd.s32 $0x1, s3;
	[sflag:s13] =	ssyncset.done $0x0  }
0x87: {  	p0 =	sne.s32 s3, s11;
	[sflag:s13] =	ssyncadd.s32 $0xFFFFC800  }
.Ltmp2:
0x88: {  	[bflag:$0x0] =	sbarrier.arrive $0xFFFF;
	(pc) =	sbr.rel @p0 .LBB2_1-.Ltmp2, $4  }
0x89: {  	[hbm:s16], [sflag:s17] =	dma.local [spmem:s18], $0x2780  }
0x8a: {  	_ =	swait.ge [sflag:s13], $0x2780  }
0x8b: {  	[sflag:s13] =	ssyncset.done $0x0  }
0x8c: {  	[sflag:s13] =	ssyncadd.s32 $0xFFFFD880  }
0x8d: {  	_ =	sfence.sel $0x180000  }
0x8e: {  	[bflag:$0x0] =	sbarrier.arrive $0xFFFF  }
0x8f: {  	p0 =	sne.s32 s0, $0x0;
	_ =	strace $0x90000047  }
0x90: {  	s0 =	sadd.s32 @!p0 $0x100000, s1;
	[bflag:$0x2] =	sbarrier.arrive $0xFFFF  }
0x91: {  	[sflag:s0] =	ssyncadd.tile.s32 @!p0 $0x1;
	_ =	shalt  }
.Lfunc_end2:
_tile_overlayer_lowered:
.L_overlay_start_2:
0x92: {  	(tag) =	ssettag $0x2  }
0x93: {  	s0 =	rddreg [dreg:$0x0];
	s2 =	stileid.u32  }
0x94: {  	s1 =	rddreg [dreg:$0x1];
	p0 =	sne.s32 s2, $0x0  }
0x95: {  	s3 =	rddreg [dreg:$0x2];
	[bflag:$0x3] =	sbarrier.arrive $0xFFFF;
	s2 =	simm.s32 @!p0 $0x1C01  }
0x96: {  	[timem:s3], [sflag:s2] =	dma.local @!p0 [hbm:s0], s1  }
0x97: {  	s0 =	simm.s32 @!p0 $0x1  }
0x98: {  	_ =	swait.ge @!p0 [sflag:s0], s1  }
0x99: {  	s1 =	ssub.s32 @!p0 $0x0, s1;
	[sflag:s0] =	ssyncset.done @!p0 $0x0  }
0x9a: {  	[sflag:s0] =	ssyncadd.s32 @!p0 s1  }
0x9b: {  	[bflag:$0x3] =	sbarrier.arrive $0xFFFF  }
0x9c: {  	_ =	shalt  }

</sc_bundles>
